<compile_context>
chip_gen: v7x
topology: tpu7x:2x2x1
jax: 0.10.2.dev20260603
libtpu: 0.0.44.dev20260713+nightly
codegen_flags: <defaults>
</compile_context>

<pallas_src>
import functools

import jax
import jax.numpy as jnp
from jax import lax
from jax.experimental import pallas as pl
from jax.experimental.pallas import tpu as pltpu
from jax.experimental.pallas import tpu_sc as plsc

BATCH = 16384
EMB = 32
HID = 64

_NC = 2
_NS = 16
_NW = _NC * _NS
_BPW = BATCH // _NW
_LAG = 64


def _gather_one_table(idx_h, tab_h, out_h, wid, idx_v, rows_v, sem):
    base = wid * _BPW
    pltpu.sync_copy(idx_h.at[pl.ds(base, _BPW)], idx_v)

    def wait_one():
        pltpu.make_async_copy(
            tab_h.at[pl.ds(0, 1)], rows_v.at[pl.ds(0, 1)], sem).wait()

    def body(g, _):
        vec = idx_v[pl.ds(g * 16, 16)]
        for l in range(16):
            pltpu.async_copy(tab_h.at[pl.ds(vec[l], 1)],
                             rows_v.at[pl.ds(g * 16 + l, 1)], sem)

        @pl.when(g >= _LAG // 16)
        def _():
            for _i in range(16):
                wait_one()
        return 0

    lax.fori_loop(0, _BPW // 16, body, 0)
    for _ in range(_LAG):
        wait_one()
    pltpu.sync_copy(rows_v, out_h.at[pl.ds(base, _BPW)])


def _gather_body(sidx_h, ridx_h, stab_h, rtab_h, sout_h, rout_h,
                 idx_v, rows_v, sem):
    wid = lax.axis_index("s") * _NC + lax.axis_index("c")
    _gather_one_table(sidx_h, stab_h, sout_h, wid, idx_v, rows_v, sem)
    _gather_one_table(ridx_h, rtab_h, rout_h, wid, idx_v, rows_v, sem)


_gather_call = functools.partial(
    pl.kernel,
    out_type=[jax.ShapeDtypeStruct((BATCH, EMB), jnp.float32),
              jax.ShapeDtypeStruct((BATCH, EMB), jnp.float32)],
    mesh=plsc.VectorSubcoreMesh(core_axis_name="c", subcore_axis_name="s"),
    scratch_types=[pltpu.VMEM((_BPW,), jnp.int32),
                   pltpu.VMEM((_BPW, EMB), jnp.float32),
                   pltpu.SemaphoreType.DMA],
    compiler_params=pltpu.CompilerParams(needs_layout_passes=False),
)(_gather_body)


_BLK = 2048


def _mlp_body(s_ref, r_ref, w1s_ref, w1r_ref, b1_ref, w2_ref, b2_ref, out_ref):
    h = jnp.tanh(
        jnp.dot(s_ref[...], w1s_ref[...], preferred_element_type=jnp.float32)
        + jnp.dot(r_ref[...], w1r_ref[...], preferred_element_type=jnp.float32)
        + b1_ref[...])
    logit = jnp.sum(h * w2_ref[...], axis=1) + b2_ref[0, 0]
    out_ref[...] = jax.nn.sigmoid(logit)


def _mlp_call(s_emb, r_emb, w1s, w1r, b1, w2, b2):
    grid = BATCH // _BLK
    return pl.pallas_call(
        _mlp_body,
        grid=(grid,),
        in_specs=[
            pl.BlockSpec((_BLK, EMB), lambda i: (i, 0)),
            pl.BlockSpec((_BLK, EMB), lambda i: (i, 0)),
            pl.BlockSpec((EMB, HID), lambda i: (0, 0)),
            pl.BlockSpec((EMB, HID), lambda i: (0, 0)),
            pl.BlockSpec((1, HID), lambda i: (0, 0)),
            pl.BlockSpec((1, HID), lambda i: (0, 0)),
            pl.BlockSpec((1, 1), lambda i: (0, 0)),
        ],
        out_specs=pl.BlockSpec((_BLK,), lambda i: (i,)),
        out_shape=jax.ShapeDtypeStruct((BATCH,), jnp.float32),
    )(s_emb, r_emb, w1s, w1r, b1, w2, b2)


def kernel(sender_idx_batch, receiver_idx_batch, sender_table, receiver_table,
           W1, b1, W2, b2):
    sidx = sender_idx_batch.astype(jnp.int32)
    ridx = receiver_idx_batch.astype(jnp.int32)
    s_emb, r_emb = _gather_call(sidx, ridx, sender_table, receiver_table)
    w1s = W1[:, :EMB].T
    w1r = W1[:, EMB:].T
    b1r = b1.reshape(1, HID)
    w2r = W2.reshape(1, HID)
    b2r = b2.reshape(1, 1)
    return _mlp_call(s_emb, r_emb, w1s, w1r, b1r, w2r, b2r)

# --- scband reference (transcript-rebuilt; emitter-appended) ---
"""Pipeline reference for scband-idx-commentary-network-50070728737532 (READ-ONLY COPY).

The authoritative reference and input builder live on the scoring server;
editing this copy changes nothing except your own understanding.
"""

import jax, jax.numpy as jnp
import numpy as np

NUM_SENDERS = 1000000
NUM_RECEIVERS = 1000000
EMB = 32
HID = 64
BATCH = 16384

def setup_inputs(seed: int = 0) -> dict:
    key = jax.random.key(seed)
    ks = jax.random.split(key, 8)
    sender_idx = jax.random.randint(ks[0], (BATCH,), 0, NUM_SENDERS, dtype=jnp.int64 if jax.config.jax_enable_x64 else jnp.int32)
    receiver_idx = jax.random.randint(ks[1], (BATCH,), 0, NUM_RECEIVERS, dtype=jnp.int64 if jax.config.jax_enable_x64 else jnp.int32)
    sender_table = jax.random.normal(ks[2], (NUM_SENDERS, EMB), dtype=jnp.float32)
    receiver_table = jax.random.normal(ks[3], (NUM_RECEIVERS, EMB), dtype=jnp.float32)
    # torch Linear: weight [out_features, in_features]
    W1 = jax.random.normal(ks[4], (HID, 2 * EMB), dtype=jnp.float32) * (1.0 / np.sqrt(2 * EMB))
    b1 = jnp.zeros((HID,), dtype=jnp.float32)
    W2 = jax.random.normal(ks[5], (1, HID), dtype=jnp.float32) * (1.0 / np.sqrt(HID))
    b2 = jnp.zeros((1,), dtype=jnp.float32)
    return {"sender_idx_batch": sender_idx, "receiver_idx_batch": receiver_idx,
            "sender_table": sender_table, "receiver_table": receiver_table,
            "W1": W1, "b1": b1, "W2": W2, "b2": b2}

def reference(sender_idx_batch, receiver_idx_batch, sender_table, receiver_table, W1, b1, W2, b2):
    sender_emb = jnp.take(sender_table, sender_idx_batch, axis=0)
    receiver_emb = jnp.take(receiver_table, receiver_idx_batch, axis=0)
    total_emb = jnp.concatenate([sender_emb, receiver_emb], axis=-1)
    hid = jnp.tanh(total_emb @ W1.T + b1)
    commentaries = jax.nn.sigmoid(hid @ W2.T + b2)
    commentaries = jnp.squeeze(commentaries)
    return commentaries

if __name__ == "__main__":
    import jax
    _d = setup_inputs()
    print(jax.jit(kernel)(*tuple(_d.values())))

</pallas_src>

<mosaic_0001>
#map = affine_map<(d0, d1) -> (0)>
#map1 = affine_map<(d0, d1) -> (0, 0)>
module attributes {stable_mosaic.version = 14 : i64} {
  func.func @_gather_body(%arg0: i32, %arg1: i32, %arg2: memref<16384xi32, #tpu.memory_space<hbm>>, %arg3: memref<16384xi32, #tpu.memory_space<hbm>>, %arg4: memref<1000000x32xf32, #tpu.memory_space<hbm>>, %arg5: memref<1000000x32xf32, #tpu.memory_space<hbm>>, %arg6: memref<16384x32xf32, #tpu.memory_space<hbm>>, %arg7: memref<16384x32xf32, #tpu.memory_space<hbm>>, %arg8: memref<512xi32, #tpu.memory_space<vmem>>, %arg9: memref<512x32xf32, #tpu.memory_space<vmem>>, %arg10: memref<!tpu.dma_semaphore, #tpu.memory_space<semaphore_mem>>) attributes {dimension_semantics = [#tpu.dimension_semantics<core_parallel>, #tpu.dimension_semantics<subcore_parallel>], iteration_bounds = array<i64: 2, 16>, scalar_prefetch = 0 : i64, scratch_operands = 3 : i64, tpu.core_type = #tpu.core_type<sc_vector_subcore>, window_params = [{transform_indices = #map}, {transform_indices = #map}, {transform_indices = #map1}, {transform_indices = #map1}, {transform_indices = #map1}, {transform_indices = #map1}]} {
    %mul3A = arith.constant 2 : i32
    %mul3A_0 = arith.muli %arg1, %mul3A : i32
    %add3A = arith.addi %mul3A_0, %arg0 : i32
    %mul3A_1 = arith.constant 512 : i32
    %mul3A_2 = arith.muli %add3A, %mul3A_1 : i32
    "tpu.region"() ({
      %run_scoped3A = tpu.sem_alloc : memref<!tpu.dma_semaphore, #tpu.memory_space<semaphore_mem>>
      %dma_start3A = tpu.memref_slice %arg2[%mul3A_2] : memref<16384xi32, #tpu.memory_space<hbm>> -> memref<512xi32, #tpu.memory_space<hbm>>
      %dma_start3A_1553 = tpu.memref_slice %arg2[%mul3A_2] : memref<16384xi32, #tpu.memory_space<hbm>> -> memref<512xi32, #tpu.memory_space<hbm>>
      tpu.enqueue_dma source(%dma_start3A_1553 : memref<512xi32, #tpu.memory_space<hbm>>) target(%arg8 : memref<512xi32, #tpu.memory_space<vmem>>) target_semaphore(%run_scoped3A : memref<!tpu.dma_semaphore, #tpu.memory_space<semaphore_mem>>)
      %dma_wait3A_1554 = tpu.memref_slice %arg2[%mul3A_2] : memref<16384xi32, #tpu.memory_space<hbm>> -> memref<512xi32, #tpu.memory_space<hbm>>
      %dma_wait3A_1555 = tpu.memref_slice %arg2[%mul3A_2] : memref<16384xi32, #tpu.memory_space<hbm>> -> memref<512xi32, #tpu.memory_space<hbm>>
      tpu.wait_dma2 semaphore(%run_scoped3A : memref<!tpu.dma_semaphore, #tpu.memory_space<semaphore_mem>>) src(%dma_wait3A_1555 : memref<512xi32, #tpu.memory_space<hbm>>) dst(%arg8 : memref<512xi32, #tpu.memory_space<vmem>>)
      tpu.yield
    }) : () -> ()
    %scan3A = arith.constant 0 : i32
    %scan3A_3 = arith.constant 0 : i32
    %scan3A_4 = arith.constant 32 : i32
    %scan3A_5 = arith.addi %scan3A_3, %scan3A_4 : i32
    %scan3A_6 = arith.constant 1 : i32
    %scan3A_7 = scf.for %scan3A_1553 = %scan3A_3 to %scan3A_5 step %scan3A_6 iter_args(%scan3A_1554 = %scan3A) -> (i32)  : i32 {
      %mul3A_1555 = arith.constant 16 : i32
      %mul3A_1556 = arith.muli %scan3A_1553, %mul3A_1555 : i32
      %get3A = arith.index_cast %mul3A_1556 : i32 to index
      %get3A_1557 = tpu.vector_load %arg8[%get3A] {strides = array<i32>} : memref<512xi32, #tpu.memory_space<vmem>>, vector<16xi32>,
      %slice3A = vector.extract_strided_slice %get3A_1557 {offsets = [0], sizes = [1], strides = [1]} : vector<16xi32> to vector<1xi32>
      %squeeze3A = vector.extract %slice3A[0] : i32 from vector<1xi32>
      %mul3A_1558 = arith.constant 16 : i32
      %mul3A_1559 = arith.muli %scan3A_1553, %mul3A_1558 : i32
      %add3A_1560 = arith.constant 0 : i32
      %add3A_1561 = arith.addi %mul3A_1559, %add3A_1560 : i32
      %dma_start3A = arith.constant 0 : i32
      %dma_start3A_1562 = tpu.memref_slice %arg9[%add3A_1561, %dma_start3A] : memref<512x32xf32, #tpu.memory_space<vmem>> -> memref<1x32xf32, #tpu.memory_space<vmem>>
      %dma_start3A_1563 = arith.constant 0 : i32
      %dma_start3A_1564 = tpu.memref_slice %arg4[%squeeze3A, %dma_start3A_1563] : memref<1000000x32xf32, #tpu.memory_space<hbm>> -> memref<1x32xf32, #tpu.memory_space<hbm>>
      %dma_start3A_1565 = arith.constant 0 : i32
      %dma_start3A_1566 = tpu.memref_slice %arg9[%add3A_1561, %dma_start3A_1565] : memref<512x32xf32, #tpu.memory_space<vmem>> -> memref<1x32xf32, #tpu.memory_space<vmem>>
      %dma_start3A_1567 = arith.constant 0 : i32
      %dma_start3A_1568 = tpu.memref_slice %arg4[%squeeze3A, %dma_start3A_1567] : memref<1000000x32xf32, #tpu.memory_space<hbm>> -> memref<1x32xf32, #tpu.memory_space<hbm>>
      tpu.enqueue_dma source(%dma_start3A_1568 : memref<1x32xf32, #tpu.memory_space<hbm>>) target(%dma_start3A_1566 : memref<1x32xf32, #tpu.memory_space<vmem>>) target_semaphore(%arg10 : memref<!tpu.dma_semaphore, #tpu.memory_space<semaphore_mem>>)
      %slice3A_1569 = vector.extract_strided_slice %get3A_1557 {offsets = [1], sizes = [1], strides = [1]} : vector<16xi32> to vector<1xi32>
      %squeeze3A_1570 = vector.extract %slice3A_1569[0] : i32 from vector<1xi32>
      %mul3A_1571 = arith.constant 16 : i32
      %mul3A_1572 = arith.muli %scan3A_1553, %mul3A_1571 : i32
      %add3A_1573 = arith.constant 1 : i32
      %add3A_1574 = arith.addi %mul3A_1572, %add3A_1573 : i32
      %dma_start3A_1575 = arith.constant 0 : i32
      %dma_start3A_1576 = tpu.memref_slice %arg9[%add3A_1574, %dma_start3A_1575] : memref<512x32xf32, #tpu.memory_space<vmem>> -> memref<1x32xf32, #tpu.memory_space<vmem>>
      %dma_start3A_1577 = arith.constant 0 : i32
      %dma_start3A_1578 = tpu.memref_slice %arg4[%squeeze3A_1570, %dma_start3A_1577] : memref<1000000x32xf32, #tpu.memory_space<hbm>> -> memref<1x32xf32, #tpu.memory_space<hbm>>
      %dma_start3A_1579 = arith.constant 0 : i32
      %dma_start3A_1580 = tpu.memref_slice %arg9[%add3A_1574, %dma_start3A_1579] : memref<512x32xf32, #tpu.memory_space<vmem>> -> memref<1x32xf32, #tpu.memory_space<vmem>>
      %dma_start3A_1581 = arith.constant 0 : i32
      %dma_start3A_1582 = tpu.memref_slice %arg4[%squeeze3A_1570, %dma_start3A_1581] : memref<1000000x32xf32, #tpu.memory_space<hbm>> -> memref<1x32xf32, #tpu.memory_space<hbm>>
      tpu.enqueue_dma source(%dma_start3A_1582 : memref<1x32xf32, #tpu.memory_space<hbm>>) target(%dma_start3A_1580 : memref<1x32xf32, #tpu.memory_space<vmem>>) target_semaphore(%arg10 : memref<!tpu.dma_semaphore, #tpu.memory_space<semaphore_mem>>)
      %slice3A_1583 = vector.extract_strided_slice %get3A_1557 {offsets = [2], sizes = [1], strides = [1]} : vector<16xi32> to vector<1xi32>
      %squeeze3A_1584 = vector.extract %slice3A_1583[0] : i32 from vector<1xi32>
      %mul3A_1585 = arith.constant 16 : i32
      %mul3A_1586 = arith.muli %scan3A_1553, %mul3A_1585 : i32
      %add3A_1587 = arith.constant 2 : i32
      %add3A_1588 = arith.addi %mul3A_1586, %add3A_1587 : i32
      %dma_start3A_1589 = arith.constant 0 : i32
      %dma_start3A_1590 = tpu.memref_slice %arg9[%add3A_1588, %dma_start3A_1589] : memref<512x32xf32, #tpu.memory_space<vmem>> -> memref<1x32xf32, #tpu.memory_space<vmem>>
      %dma_start3A_1591 = arith.constant 0 : i32
      %dma_start3A_1592 = tpu.memref_slice %arg4[%squeeze3A_1584, %dma_start3A_1591] : memref<1000000x32xf32, #tpu.memory_space<hbm>> -> memref<1x32xf32, #tpu.memory_space<hbm>>
      %dma_start3A_1593 = arith.constant 0 : i32
      %dma_start3A_1594 = tpu.memref_slice %arg9[%add3A_1588, %dma_start3A_1593] : memref<512x32xf32, #tpu.memory_space<vmem>> -> memref<1x32xf32, #tpu.memory_space<vmem>>
      %dma_start3A_1595 = arith.constant 0 : i32
      %dma_start3A_1596 = tpu.memref_slice %arg4[%squeeze3A_1584, %dma_start3A_1595] : memref<1000000x32xf32, #tpu.memory_space<hbm>> -> memref<1x32xf32, #tpu.memory_space<hbm>>
      tpu.enqueue_dma source(%dma_start3A_1596 : memref<1x32xf32, #tpu.memory_space<hbm>>) target(%dma_start3A_1594 : memref<1x32xf32, #tpu.memory_space<vmem>>) target_semaphore(%arg10 : memref<!tpu.dma_semaphore, #tpu.memory_space<semaphore_mem>>)
      %slice3A_1597 = vector.extract_strided_slice %get3A_1557 {offsets = [3], sizes = [1], strides = [1]} : vector<16xi32> to vector<1xi32>
      %squeeze3A_1598 = vector.extract %slice3A_1597[0] : i32 from vector<1xi32>
      %mul3A_1599 = arith.constant 16 : i32
      %mul3A_1600 = arith.muli %scan3A_1553, %mul3A_1599 : i32
      %add3A_1601 = arith.constant 3 : i32
      %add3A_1602 = arith.addi %mul3A_1600, %add3A_1601 : i32
      %dma_start3A_1603 = arith.constant 0 : i32
      %dma_start3A_1604 = tpu.memref_slice %arg9[%add3A_1602, %dma_start3A_1603] : memref<512x32xf32, #tpu.memory_space<vmem>> -> memref<1x32xf32, #tpu.memory_space<vmem>>
      %dma_start3A_1605 = arith.constant 0 : i32
      %dma_start3A_1606 = tpu.memref_slice %arg4[%squeeze3A_1598, %dma_start3A_1605] : memref<1000000x32xf32, #tpu.memory_space<hbm>> -> memref<1x32xf32, #tpu.memory_space<hbm>>
      %dma_start3A_1607 = arith.constant 0 : i32
      %dma_start3A_1608 = tpu.memref_slice %arg9[%add3A_1602, %dma_start3A_1607] : memref<512x32xf32, #tpu.memory_space<vmem>> -> memref<1x32xf32, #tpu.memory_space<vmem>>
      %dma_start3A_1609 = arith.constant 0 : i32
      %dma_start3A_1610 = tpu.memref_slice %arg4[%squeeze3A_1598, %dma_start3A_1609] : memref<1000000x32xf32, #tpu.memory_space<hbm>> -> memref<1x32xf32, #tpu.memory_space<hbm>>
      tpu.enqueue_dma source(%dma_start3A_1610 : memref<1x32xf32, #tpu.memory_space<hbm>>) target(%dma_start3A_1608 : memref<1x32xf32, #tpu.memory_space<vmem>>) target_semaphore(%arg10 : memref<!tpu.dma_semaphore, #tpu.memory_space<semaphore_mem>>)
      %slice3A_1611 = vector.extract_strided_slice %get3A_1557 {offsets = [4], sizes = [1], strides = [1]} : vector<16xi32> to vector<1xi32>
      %squeeze3A_1612 = vector.extract %slice3A_1611[0] : i32 from vector<1xi32>
      %mul3A_1613 = arith.constant 16 : i32
      %mul3A_1614 = arith.muli %scan3A_1553, %mul3A_1613 : i32
      %add3A_1615 = arith.constant 4 : i32
      %add3A_1616 = arith.addi %mul3A_1614, %add3A_1615 : i32
      %dma_start3A_1617 = arith.constant 0 : i32
      %dma_start3A_1618 = tpu.memref_slice %arg9[%add3A_1616, %dma_start3A_1617] : memref<512x32xf32, #tpu.memory_space<vmem>> -> memref<1x32xf32, #tpu.memory_space<vmem>>
      %dma_start3A_1619 = arith.constant 0 : i32
      %dma_start3A_1620 = tpu.memref_slice %arg4[%squeeze3A_1612, %dma_start3A_1619] : memref<1000000x32xf32, #tpu.memory_space<hbm>> -> memref<1x32xf32, #tpu.memory_space<hbm>>
      %dma_start3A_1621 = arith.constant 0 : i32
      %dma_start3A_1622 = tpu.memref_slice %arg9[%add3A_1616, %dma_start3A_1621] : memref<512x32xf32, #tpu.memory_space<vmem>> -> memref<1x32xf32, #tpu.memory_space<vmem>>
      %dma_start3A_1623 = arith.constant 0 : i32
      %dma_start3A_1624 = tpu.memref_slice %arg4[%squeeze3A_1612, %dma_start3A_1623] : memref<1000000x32xf32, #tpu.memory_space<hbm>> -> memref<1x32xf32, #tpu.memory_space<hbm>>
      tpu.enqueue_dma source(%dma_start3A_1624 : memref<1x32xf32, #tpu.memory_space<hbm>>) target(%dma_start3A_1622 : memref<1x32xf32, #tpu.memory_space<vmem>>) target_semaphore(%arg10 : memref<!tpu.dma_semaphore, #tpu.memory_space<semaphore_mem>>)
      %slice3A_1625 = vector.extract_strided_slice %get3A_1557 {offsets = [5], sizes = [1], strides = [1]} : vector<16xi32> to vector<1xi32>
      %squeeze3A_1626 = vector.extract %slice3A_1625[0] : i32 from vector<1xi32>
      %mul3A_1627 = arith.constant 16 : i32
      %mul3A_1628 = arith.muli %scan3A_1553, %mul3A_1627 : i32
      %add3A_1629 = arith.constant 5 : i32
      %add3A_1630 = arith.addi %mul3A_1628, %add3A_1629 : i32
      %dma_start3A_1631 = arith.constant 0 : i32
      %dma_start3A_1632 = tpu.memref_slice %arg9[%add3A_1630, %dma_start3A_1631] : memref<512x32xf32, #tpu.memory_space<vmem>> -> memref<1x32xf32, #tpu.memory_space<vmem>>
      %dma_start3A_1633 = arith.constant 0 : i32
      %dma_start3A_1634 = tpu.memref_slice %arg4[%squeeze3A_1626, %dma_start3A_1633] : memref<1000000x32xf32, #tpu.memory_space<hbm>> -> memref<1x32xf32, #tpu.memory_space<hbm>>
      %dma_start3A_1635 = arith.constant 0 : i32
      %dma_start3A_1636 = tpu.memref_slice %arg9[%add3A_1630, %dma_start3A_1635] : memref<512x32xf32, #tpu.memory_space<vmem>> -> memref<1x32xf32, #tpu.memory_space<vmem>>
      %dma_start3A_1637 = arith.constant 0 : i32
      %dma_start3A_1638 = tpu.memref_slice %arg4[%squeeze3A_1626, %dma_start3A_1637] : memref<1000000x32xf32, #tpu.memory_space<hbm>> -> memref<1x32xf32, #tpu.memory_space<hbm>>
      tpu.enqueue_dma source(%dma_start3A_1638 : memref<1x32xf32, #tpu.memory_space<hbm>>) target(%dma_start3A_1636 : memref<1x32xf32, #tpu.memory_space<vmem>>) target_semaphore(%arg10 : memref<!tpu.dma_semaphore, #tpu.memory_space<semaphore_mem>>)
      %slice3A_1639 = vector.extract_strided_slice %get3A_1557 {offsets = [6], sizes = [1], strides = [1]} : vector<16xi32> to vector<1xi32>
      %squeeze3A_1640 = vector.extract %slice3A_1639[0] : i32 from vector<1xi32>
      %mul3A_1641 = arith.constant 16 : i32
      %mul3A_1642 = arith.muli %scan3A_1553, %mul3A_1641 : i32
      %add3A_1643 = arith.constant 6 : i32
      %add3A_1644 = arith.addi %mul3A_1642, %add3A_1643 : i32
      %dma_start3A_1645 = arith.constant 0 : i32
      %dma_start3A_1646 = tpu.memref_slice %arg9[%add3A_1644, %dma_start3A_1645] : memref<512x32xf32, #tpu.memory_space<vmem>> -> memref<1x32xf32, #tpu.memory_space<vmem>>
      %dma_start3A_1647 = arith.constant 0 : i32
      %dma_start3A_1648 = tpu.memref_slice %arg4[%squeeze3A_1640, %dma_start3A_1647] : memref<1000000x32xf32, #tpu.memory_space<hbm>> -> memref<1x32xf32, #tpu.memory_space<hbm>>
      %dma_start3A_1649 = arith.constant 0 : i32
      %dma_start3A_1650 = tpu.memref_slice %arg9[%add3A_1644, %dma_start3A_1649] : memref<512x32xf32, #tpu.memory_space<vmem>> -> memref<1x32xf32, #tpu.memory_space<vmem>>
      %dma_start3A_1651 = arith.constant 0 : i32
      %dma_start3A_1652 = tpu.memref_slice %arg4[%squeeze3A_1640, %dma_start3A_1651] : memref<1000000x32xf32, #tpu.memory_space<hbm>> -> memref<1x32xf32, #tpu.memory_space<hbm>>
      tpu.enqueue_dma source(%dma_start3A_1652 : memref<1x32xf32, #tpu.memory_space<hbm>>) target(%dma_start3A_1650 : memref<1x32xf32, #tpu.memory_space<vmem>>) target_semaphore(%arg10 : memref<!tpu.dma_semaphore, #tpu.memory_space<semaphore_mem>>)
      %slice3A_1653 = vector.extract_strided_slice %get3A_1557 {offsets = [7], sizes = [1], strides = [1]} : vector<16xi32> to vector<1xi32>
      %squeeze3A_1654 = vector.extract %slice3A_1653[0] : i32 from vector<1xi32>
      %mul3A_1655 = arith.constant 16 : i32
      %mul3A_1656 = arith.muli %scan3A_1553, %mul3A_1655 : i32
      %add3A_1657 = arith.constant 7 : i32
      %add3A_1658 = arith.addi %mul3A_1656, %add3A_1657 : i32
      %dma_start3A_1659 = arith.constant 0 : i32
      %dma_start3A_1660 = tpu.memref_slice %arg9[%add3A_1658, %dma_start3A_1659] : memref<512x32xf32, #tpu.memory_space<vmem>> -> memref<1x32xf32, #tpu.memory_space<vmem>>
      %dma_start3A_1661 = arith.constant 0 : i32
      %dma_start3A_1662 = tpu.memref_slice %arg4[%squeeze3A_1654, %dma_start3A_1661] : memref<1000000x32xf32, #tpu.memory_space<hbm>> -> memref<1x32xf32, #tpu.memory_space<hbm>>
      %dma_start3A_1663 = arith.constant 0 : i32
      %dma_start3A_1664 = tpu.memref_slice %arg9[%add3A_1658, %dma_start3A_1663] : memref<512x32xf32, #tpu.memory_space<vmem>> -> memref<1x32xf32, #tpu.memory_space<vmem>>
      %dma_start3A_1665 = arith.constant 0 : i32
      %dma_start3A_1666 = tpu.memref_slice %arg4[%squeeze3A_1654, %dma_start3A_1665] : memref<1000000x32xf32, #tpu.memory_space<hbm>> -> memref<1x32xf32, #tpu.memory_space<hbm>>
      tpu.enqueue_dma source(%dma_start3A_1666 : memref<1x32xf32, #tpu.memory_space<hbm>>) target(%dma_start3A_1664 : memref<1x32xf32, #tpu.memory_space<vmem>>) target_semaphore(%arg10 : memref<!tpu.dma_semaphore, #tpu.memory_space<semaphore_mem>>)
      %slice3A_1667 = vector.extract_strided_slice %get3A_1557 {offsets = [8], sizes = [1], strides = [1]} : vector<16xi32> to vector<1xi32>
      %squeeze3A_1668 = vector.extract %slice3A_1667[0] : i32 from vector<1xi32>
      %mul3A_1669 = arith.constant 16 : i32
      %mul3A_1670 = arith.muli %scan3A_1553, %mul3A_1669 : i32
      %add3A_1671 = arith.constant 8 : i32
      %add3A_1672 = arith.addi %mul3A_1670, %add3A_1671 : i32
      %dma_start3A_1673 = arith.constant 0 : i32
      %dma_start3A_1674 = tpu.memref_slice %arg9[%add3A_1672, %dma_start3A_1673] : memref<512x32xf32, #tpu.memory_space<vmem>> -> memref<1x32xf32, #tpu.memory_space<vmem>>
      %dma_start3A_1675 = arith.constant 0 : i32
      %dma_start3A_1676 = tpu.memref_slice %arg4[%squeeze3A_1668, %dma_start3A_1675] : memref<1000000x32xf32, #tpu.memory_space<hbm>> -> memref<1x32xf32, #tpu.memory_space<hbm>>
      %dma_start3A_1677 = arith.constant 0 : i32
      %dma_start3A_1678 = tpu.memref_slice %arg9[%add3A_1672, %dma_start3A_1677] : memref<512x32xf32, #tpu.memory_space<vmem>> -> memref<1x32xf32, #tpu.memory_space<vmem>>
      %dma_start3A_1679 = arith.constant 0 : i32
      %dma_start3A_1680 = tpu.memref_slice %arg4[%squeeze3A_1668, %dma_start3A_1679] : memref<1000000x32xf32, #tpu.memory_space<hbm>> -> memref<1x32xf32, #tpu.memory_space<hbm>>
      tpu.enqueue_dma source(%dma_start3A_1680 : memref<1x32xf32, #tpu.memory_space<hbm>>) target(%dma_start3A_1678 : memref<1x32xf32, #tpu.memory_space<vmem>>) target_semaphore(%arg10 : memref<!tpu.dma_semaphore, #tpu.memory_space<semaphore_mem>>)
      %slice3A_1681 = vector.extract_strided_slice %get3A_1557 {offsets = [9], sizes = [1], strides = [1]} : vector<16xi32> to vector<1xi32>
      %squeeze3A_1682 = vector.extract %slice3A_1681[0] : i32 from vector<1xi32>
      %mul3A_1683 = arith.constant 16 : i32
      %mul3A_1684 = arith.muli %scan3A_1553, %mul3A_1683 : i32
      %add3A_1685 = arith.constant 9 : i32
      %add3A_1686 = arith.addi %mul3A_1684, %add3A_1685 : i32
      %dma_start3A_1687 = arith.constant 0 : i32
      %dma_start3A_1688 = tpu.memref_slice %arg9[%add3A_1686, %dma_start3A_1687] : memref<512x32xf32, #tpu.memory_space<vmem>> -> memref<1x32xf32, #tpu.memory_space<vmem>>
      %dma_start3A_1689 = arith.constant 0 : i32
      %dma_start3A_1690 = tpu.memref_slice %arg4[%squeeze3A_1682, %dma_start3A_1689] : memref<1000000x32xf32, #tpu.memory_space<hbm>> -> memref<1x32xf32, #tpu.memory_space<hbm>>
      %dma_start3A_1691 = arith.constant 0 : i32
      %dma_start3A_1692 = tpu.memref_slice %arg9[%add3A_1686, %dma_start3A_1691] : memref<512x32xf32, #tpu.memory_space<vmem>> -> memref<1x32xf32, #tpu.memory_space<vmem>>
      %dma_start3A_1693 = arith.constant 0 : i32
      %dma_start3A_1694 = tpu.memref_slice %arg4[%squeeze3A_1682, %dma_start3A_1693] : memref<1000000x32xf32, #tpu.memory_space<hbm>> -> memref<1x32xf32, #tpu.memory_space<hbm>>
      tpu.enqueue_dma source(%dma_start3A_1694 : memref<1x32xf32, #tpu.memory_space<hbm>>) target(%dma_start3A_1692 : memref<1x32xf32, #tpu.memory_space<vmem>>) target_semaphore(%arg10 : memref<!tpu.dma_semaphore, #tpu.memory_space<semaphore_mem>>)
      %slice3A_1695 = vector.extract_strided_slice %get3A_1557 {offsets = [10], sizes = [1], strides = [1]} : vector<16xi32> to vector<1xi32>
      %squeeze3A_1696 = vector.extract %slice3A_1695[0] : i32 from vector<1xi32>
      %mul3A_1697 = arith.constant 16 : i32
      %mul3A_1698 = arith.muli %scan3A_1553, %mul3A_1697 : i32
      %add3A_1699 = arith.constant 10 : i32
      %add3A_1700 = arith.addi %mul3A_1698, %add3A_1699 : i32
      %dma_start3A_1701 = arith.constant 0 : i32
      %dma_start3A_1702 = tpu.memref_slice %arg9[%add3A_1700, %dma_start3A_1701] : memref<512x32xf32, #tpu.memory_space<vmem>> -> memref<1x32xf32, #tpu.memory_space<vmem>>
      %dma_start3A_1703 = arith.constant 0 : i32
      %dma_start3A_1704 = tpu.memref_slice %arg4[%squeeze3A_1696, %dma_start3A_1703] : memref<1000000x32xf32, #tpu.memory_space<hbm>> -> memref<1x32xf32, #tpu.memory_space<hbm>>
      %dma_start3A_1705 = arith.constant 0 : i32
      %dma_start3A_1706 = tpu.memref_slice %arg9[%add3A_1700, %dma_start3A_1705] : memref<512x32xf32, #tpu.memory_space<vmem>> -> memref<1x32xf32, #tpu.memory_space<vmem>>
      %dma_start3A_1707 = arith.constant 0 : i32
      %dma_start3A_1708 = tpu.memref_slice %arg4[%squeeze3A_1696, %dma_start3A_1707] : memref<1000000x32xf32, #tpu.memory_space<hbm>> -> memref<1x32xf32, #tpu.memory_space<hbm>>
      tpu.enqueue_dma source(%dma_start3A_1708 : memref<1x32xf32, #tpu.memory_space<hbm>>) target(%dma_start3A_1706 : memref<1x32xf32, #tpu.memory_space<vmem>>) target_semaphore(%arg10 : memref<!tpu.dma_semaphore, #tpu.memory_space<semaphore_mem>>)
      %slice3A_1709 = vector.extract_strided_slice %get3A_1557 {offsets = [11], sizes = [1], strides = [1]} : vector<16xi32> to vector<1xi32>
      %squeeze3A_1710 = vector.extract %slice3A_1709[0] : i32 from vector<1xi32>
      %mul3A_1711 = arith.constant 16 : i32
      %mul3A_1712 = arith.muli %scan3A_1553, %mul3A_1711 : i32
      %add3A_1713 = arith.constant 11 : i32
      %add3A_1714 = arith.addi %mul3A_1712, %add3A_1713 : i32
      %dma_start3A_1715 = arith.constant 0 : i32
      %dma_start3A_1716 = tpu.memref_slice %arg9[%add3A_1714, %dma_start3A_1715] : memref<512x32xf32, #tpu.memory_space<vmem>> -> memref<1x32xf32, #tpu.memory_space<vmem>>
      %dma_start3A_1717 = arith.constant 0 : i32
      %dma_start3A_1718 = tpu.memref_slice %arg4[%squeeze3A_1710, %dma_start3A_1717] : memref<1000000x32xf32, #tpu.memory_space<hbm>> -> memref<1x32xf32, #tpu.memory_space<hbm>>
      %dma_start3A_1719 = arith.constant 0 : i32
      %dma_start3A_1720 = tpu.memref_slice %arg9[%add3A_1714, %dma_start3A_1719] : memref<512x32xf32, #tpu.memory_space<vmem>> -> memref<1x32xf32, #tpu.memory_space<vmem>>
      %dma_start3A_1721 = arith.constant 0 : i32
      %dma_start3A_1722 = tpu.memref_slice %arg4[%squeeze3A_1710, %dma_start3A_1721] : memref<1000000x32xf32, #tpu.memory_space<hbm>> -> memref<1x32xf32, #tpu.memory_space<hbm>>
      tpu.enqueue_dma source(%dma_start3A_1722 : memref<1x32xf32, #tpu.memory_space<hbm>>) target(%dma_start3A_1720 : memref<1x32xf32, #tpu.memory_space<vmem>>) target_semaphore(%arg10 : memref<!tpu.dma_semaphore, #tpu.memory_space<semaphore_mem>>)
      %slice3A_1723 = vector.extract_strided_slice %get3A_1557 {offsets = [12], sizes = [1], strides = [1]} : vector<16xi32> to vector<1xi32>
      %squeeze3A_1724 = vector.extract %slice3A_1723[0] : i32 from vector<1xi32>
      %mul3A_1725 = arith.constant 16 : i32
      %mul3A_1726 = arith.muli %scan3A_1553, %mul3A_1725 : i32
      %add3A_1727 = arith.constant 12 : i32
      %add3A_1728 = arith.addi %mul3A_1726, %add3A_1727 : i32
      %dma_start3A_1729 = arith.constant 0 : i32
      %dma_start3A_1730 = tpu.memref_slice %arg9[%add3A_1728, %dma_start3A_1729] : memref<512x32xf32, #tpu.memory_space<vmem>> -> memref<1x32xf32, #tpu.memory_space<vmem>>
      %dma_start3A_1731 = arith.constant 0 : i32
      %dma_start3A_1732 = tpu.memref_slice %arg4[%squeeze3A_1724, %dma_start3A_1731] : memref<1000000x32xf32, #tpu.memory_space<hbm>> -> memref<1x32xf32, #tpu.memory_space<hbm>>
      %dma_start3A_1733 = arith.constant 0 : i32
      %dma_start3A_1734 = tpu.memref_slice %arg9[%add3A_1728, %dma_start3A_1733] : memref<512x32xf32, #tpu.memory_space<vmem>> -> memref<1x32xf32, #tpu.memory_space<vmem>>
      %dma_start3A_1735 = arith.constant 0 : i32
      %dma_start3A_1736 = tpu.memref_slice %arg4[%squeeze3A_1724, %dma_start3A_1735] : memref<1000000x32xf32, #tpu.memory_space<hbm>> -> memref<1x32xf32, #tpu.memory_space<hbm>>
      tpu.enqueue_dma source(%dma_start3A_1736 : memref<1x32xf32, #tpu.memory_space<hbm>>) target(%dma_start3A_1734 : memref<1x32xf32, #tpu.memory_space<vmem>>) target_semaphore(%arg10 : memref<!tpu.dma_semaphore, #tpu.memory_space<semaphore_mem>>)
      %slice3A_1737 = vector.extract_strided_slice %get3A_1557 {offsets = [13], sizes = [1], strides = [1]} : vector<16xi32> to vector<1xi32>
      %squeeze3A_1738 = vector.extract %slice3A_1737[0] : i32 from vector<1xi32>
      %mul3A_1739 = arith.constant 16 : i32
      %mul3A_1740 = arith.muli %scan3A_1553, %mul3A_1739 : i32
      %add3A_1741 = arith.constant 13 : i32
      %add3A_1742 = arith.addi %mul3A_1740, %add3A_1741 : i32
      %dma_start3A_1743 = arith.constant 0 : i32
      %dma_start3A_1744 = tpu.memref_slice %arg9[%add3A_1742, %dma_start3A_1743] : memref<512x32xf32, #tpu.memory_space<vmem>> -> memref<1x32xf32, #tpu.memory_space<vmem>>
      %dma_start3A_1745 = arith.constant 0 : i32
      %dma_start3A_1746 = tpu.memref_slice %arg4[%squeeze3A_1738, %dma_start3A_1745] : memref<1000000x32xf32, #tpu.memory_space<hbm>> -> memref<1x32xf32, #tpu.memory_space<hbm>>
      %dma_start3A_1747 = arith.constant 0 : i32
      %dma_start3A_1748 = tpu.memref_slice %arg9[%add3A_1742, %dma_start3A_1747] : memref<512x32xf32, #tpu.memory_space<vmem>> -> memref<1x32xf32, #tpu.memory_space<vmem>>
      %dma_start3A_1749 = arith.constant 0 : i32
      %dma_start3A_1750 = tpu.memref_slice %arg4[%squeeze3A_1738, %dma_start3A_1749] : memref<1000000x32xf32, #tpu.memory_space<hbm>> -> memref<1x32xf32, #tpu.memory_space<hbm>>
      tpu.enqueue_dma source(%dma_start3A_1750 : memref<1x32xf32, #tpu.memory_space<hbm>>) target(%dma_start3A_1748 : memref<1x32xf32, #tpu.memory_space<vmem>>) target_semaphore(%arg10 : memref<!tpu.dma_semaphore, #tpu.memory_space<semaphore_mem>>)
      %slice3A_1751 = vector.extract_strided_slice %get3A_1557 {offsets = [14], sizes = [1], strides = [1]} : vector<16xi32> to vector<1xi32>
      %squeeze3A_1752 = vector.extract %slice3A_1751[0] : i32 from vector<1xi32>
      %mul3A_1753 = arith.constant 16 : i32
      %mul3A_1754 = arith.muli %scan3A_1553, %mul3A_1753 : i32
      %add3A_1755 = arith.constant 14 : i32
      %add3A_1756 = arith.addi %mul3A_1754, %add3A_1755 : i32
      %dma_start3A_1757 = arith.constant 0 : i32
      %dma_start3A_1758 = tpu.memref_slice %arg9[%add3A_1756, %dma_start3A_1757] : memref<512x32xf32, #tpu.memory_space<vmem>> -> memref<1x32xf32, #tpu.memory_space<vmem>>
      %dma_start3A_1759 = arith.constant 0 : i32
      %dma_start3A_1760 = tpu.memref_slice %arg4[%squeeze3A_1752, %dma_start3A_1759] : memref<1000000x32xf32, #tpu.memory_space<hbm>> -> memref<1x32xf32, #tpu.memory_space<hbm>>
      %dma_start3A_1761 = arith.constant 0 : i32
      %dma_start3A_1762 = tpu.memref_slice %arg9[%add3A_1756, %dma_start3A_1761] : memref<512x32xf32, #tpu.memory_space<vmem>> -> memref<1x32xf32, #tpu.memory_space<vmem>>
      %dma_start3A_1763 = arith.constant 0 : i32
      %dma_start3A_1764 = tpu.memref_slice %arg4[%squeeze3A_1752, %dma_start3A_1763] : memref<1000000x32xf32, #tpu.memory_space<hbm>> -> memref<1x32xf32, #tpu.memory_space<hbm>>
      tpu.enqueue_dma source(%dma_start3A_1764 : memref<1x32xf32, #tpu.memory_space<hbm>>) target(%dma_start3A_1762 : memref<1x32xf32, #tpu.memory_space<vmem>>) target_semaphore(%arg10 : memref<!tpu.dma_semaphore, #tpu.memory_space<semaphore_mem>>)
      %slice3A_1765 = vector.extract_strided_slice %get3A_1557 {offsets = [15], sizes = [1], strides = [1]} : vector<16xi32> to vector<1xi32>
      %squeeze3A_1766 = vector.extract %slice3A_1765[0] : i32 from vector<1xi32>
      %mul3A_1767 = arith.constant 16 : i32
      %mul3A_1768 = arith.muli %scan3A_1553, %mul3A_1767 : i32
      %add3A_1769 = arith.constant 15 : i32
      %add3A_1770 = arith.addi %mul3A_1768, %add3A_1769 : i32
      %dma_start3A_1771 = arith.constant 0 : i32
      %dma_start3A_1772 = tpu.memref_slice %arg9[%add3A_1770, %dma_start3A_1771] : memref<512x32xf32, #tpu.memory_space<vmem>> -> memref<1x32xf32, #tpu.memory_space<vmem>>
      %dma_start3A_1773 = arith.constant 0 : i32
      %dma_start3A_1774 = tpu.memref_slice %arg4[%squeeze3A_1766, %dma_start3A_1773] : memref<1000000x32xf32, #tpu.memory_space<hbm>> -> memref<1x32xf32, #tpu.memory_space<hbm>>
      %dma_start3A_1775 = arith.constant 0 : i32
      %dma_start3A_1776 = tpu.memref_slice %arg9[%add3A_1770, %dma_start3A_1775] : memref<512x32xf32, #tpu.memory_space<vmem>> -> memref<1x32xf32, #tpu.memory_space<vmem>>
      %dma_start3A_1777 = arith.constant 0 : i32
      %dma_start3A_1778 = tpu.memref_slice %arg4[%squeeze3A_1766, %dma_start3A_1777] : memref<1000000x32xf32, #tpu.memory_space<hbm>> -> memref<1x32xf32, #tpu.memory_space<hbm>>
      tpu.enqueue_dma source(%dma_start3A_1778 : memref<1x32xf32, #tpu.memory_space<hbm>>) target(%dma_start3A_1776 : memref<1x32xf32, #tpu.memory_space<vmem>>) target_semaphore(%arg10 : memref<!tpu.dma_semaphore, #tpu.memory_space<semaphore_mem>>)
      %ge3A = arith.constant 4 : i32
      %ge3A_1779 = arith.cmpi sge, %scan3A_1553, %ge3A : i32
      %convert_element_type3A = arith.extui %ge3A_1779 : i1 to i32
      %cond3A = arith.constant 0 : i32
      %cond3A_1780 = arith.cmpi ne, %convert_element_type3A, %cond3A : i32
      scf.if %cond3A_1780 {
        %dma_wait3A_1782 = arith.constant 0 : i32
        %dma_wait3A_1783 = arith.constant 0 : i32
        %dma_wait3A_1784 = tpu.memref_slice %arg9[%dma_wait3A_1782, %dma_wait3A_1783] : memref<512x32xf32, #tpu.memory_space<vmem>> -> memref<1x32xf32, #tpu.memory_space<vmem>>
        %dma_wait3A_1785 = arith.constant 0 : i32
        %dma_wait3A_1786 = arith.constant 0 : i32
        %dma_wait3A_1787 = tpu.memref_slice %arg4[%dma_wait3A_1785, %dma_wait3A_1786] : memref<1000000x32xf32, #tpu.memory_space<hbm>> -> memref<1x32xf32, #tpu.memory_space<hbm>>
        %dma_wait3A_1788 = arith.constant 0 : i32
        %dma_wait3A_1789 = arith.constant 0 : i32
        %dma_wait3A_1790 = tpu.memref_slice %arg9[%dma_wait3A_1788, %dma_wait3A_1789] : memref<512x32xf32, #tpu.memory_space<vmem>> -> memref<1x32xf32, #tpu.memory_space<vmem>>
        %dma_wait3A_1791 = arith.constant 0 : i32
        %dma_wait3A_1792 = arith.constant 0 : i32
        %dma_wait3A_1793 = tpu.memref_slice %arg4[%dma_wait3A_1791, %dma_wait3A_1792] : memref<1000000x32xf32, #tpu.memory_space<hbm>> -> memref<1x32xf32, #tpu.memory_space<hbm>>
        tpu.wait_dma2 semaphore(%arg10 : memref<!tpu.dma_semaphore, #tpu.memory_space<semaphore_mem>>) src(%dma_wait3A_1793 : memref<1x32xf32, #tpu.memory_space<hbm>>) dst(%dma_wait3A_1790 : memref<1x32xf32, #tpu.memory_space<vmem>>)
        %dma_wait3A_1794 = arith.constant 0 : i32
        %dma_wait3A_1795 = arith.constant 0 : i32
        %dma_wait3A_1796 = tpu.memref_slice %arg9[%dma_wait3A_1794, %dma_wait3A_1795] : memref<512x32xf32, #tpu.memory_space<vmem>> -> memref<1x32xf32, #tpu.memory_space<vmem>>
        %dma_wait3A_1797 = arith.constant 0 : i32
        %dma_wait3A_1798 = arith.constant 0 : i32
        %dma_wait3A_1799 = tpu.memref_slice %arg4[%dma_wait3A_1797, %dma_wait3A_1798] : memref<1000000x32xf32, #tpu.memory_space<hbm>> -> memref<1x32xf32, #tpu.memory_space<hbm>>
        %dma_wait3A_1800 = arith.constant 0 : i32
        %dma_wait3A_1801 = arith.constant 0 : i32
        %dma_wait3A_1802 = tpu.memref_slice %arg9[%dma_wait3A_1800, %dma_wait3A_1801] : memref<512x32xf32, #tpu.memory_space<vmem>> -> memref<1x32xf32, #tpu.memory_space<vmem>>
        %dma_wait3A_1803 = arith.constant 0 : i32
        %dma_wait3A_1804 = arith.constant 0 : i32
        %dma_wait3A_1805 = tpu.memref_slice %arg4[%dma_wait3A_1803, %dma_wait3A_1804] : memref<1000000x32xf32, #tpu.memory_space<hbm>> -> memref<1x32xf32, #tpu.memory_space<hbm>>
        tpu.wait_dma2 semaphore(%arg10 : memref<!tpu.dma_semaphore, #tpu.memory_space<semaphore_mem>>) src(%dma_wait3A_1805 : memref<1x32xf32, #tpu.memory_space<hbm>>) dst(%dma_wait3A_1802 : memref<1x32xf32, #tpu.memory_space<vmem>>)
        %dma_wait3A_1806 = arith.constant 0 : i32
        %dma_wait3A_1807 = arith.constant 0 : i32
        %dma_wait3A_1808 = tpu.memref_slice %arg9[%dma_wait3A_1806, %dma_wait3A_1807] : memref<512x32xf32, #tpu.memory_space<vmem>> -> memref<1x32xf32, #tpu.memory_space<vmem>>
        %dma_wait3A_1809 = arith.constant 0 : i32
        %dma_wait3A_1810 = arith.constant 0 : i32
        %dma_wait3A_1811 = tpu.memref_slice %arg4[%dma_wait3A_1809, %dma_wait3A_1810] : memref<1000000x32xf32, #tpu.memory_space<hbm>> -> memref<1x32xf32, #tpu.memory_space<hbm>>
        %dma_wait3A_1812 = arith.constant 0 : i32
        %dma_wait3A_1813 = arith.constant 0 : i32
        %dma_wait3A_1814 = tpu.memref_slice %arg9[%dma_wait3A_1812, %dma_wait3A_1813] : memref<512x32xf32, #tpu.memory_space<vmem>> -> memref<1x32xf32, #tpu.memory_space<vmem>>
        %dma_wait3A_1815 = arith.constant 0 : i32
        %dma_wait3A_1816 = arith.constant 0 : i32
        %dma_wait3A_1817 = tpu.memref_slice %arg4[%dma_wait3A_1815, %dma_wait3A_1816] : memref<1000000x32xf32, #tpu.memory_space<hbm>> -> memref<1x32xf32, #tpu.memory_space<hbm>>
        tpu.wait_dma2 semaphore(%arg10 : memref<!tpu.dma_semaphore, #tpu.memory_space<semaphore_mem>>) src(%dma_wait3A_1817 : memref<1x32xf32, #tpu.memory_space<hbm>>) dst(%dma_wait3A_1814 : memref<1x32xf32, #tpu.memory_space<vmem>>)
        %dma_wait3A_1818 = arith.constant 0 : i32
        %dma_wait3A_1819 = arith.constant 0 : i32
        %dma_wait3A_1820 = tpu.memref_slice %arg9[%dma_wait3A_1818, %dma_wait3A_1819] : memref<512x32xf32, #tpu.memory_space<vmem>> -> memref<1x32xf32, #tpu.memory_space<vmem>>
        %dma_wait3A_1821 = arith.constant 0 : i32
        %dma_wait3A_1822 = arith.constant 0 : i32
        %dma_wait3A_1823 = tpu.memref_slice %arg4[%dma_wait3A_1821, %dma_wait3A_1822] : memref<1000000x32xf32, #tpu.memory_space<hbm>> -> memref<1x32xf32, #tpu.memory_space<hbm>>
        %dma_wait3A_1824 = arith.constant 0 : i32
        %dma_wait3A_1825 = arith.constant 0 : i32
        %dma_wait3A_1826 = tpu.memref_slice %arg9[%dma_wait3A_1824, %dma_wait3A_1825] : memref<512x32xf32, #tpu.memory_space<vmem>> -> memref<1x32xf32, #tpu.memory_space<vmem>>
        %dma_wait3A_1827 = arith.constant 0 : i32
        %dma_wait3A_1828 = arith.constant 0 : i32
        %dma_wait3A_1829 = tpu.memref_slice %arg4[%dma_wait3A_1827, %dma_wait3A_1828] : memref<1000000x32xf32, #tpu.memory_space<hbm>> -> memref<1x32xf32, #tpu.memory_space<hbm>>
        tpu.wait_dma2 semaphore(%arg10 : memref<!tpu.dma_semaphore, #tpu.memory_space<semaphore_mem>>) src(%dma_wait3A_1829 : memref<1x32xf32, #tpu.memory_space<hbm>>) dst(%dma_wait3A_1826 : memref<1x32xf32, #tpu.memory_space<vmem>>)
        %dma_wait3A_1830 = arith.constant 0 : i32
        %dma_wait3A_1831 = arith.constant 0 : i32
        %dma_wait3A_1832 = tpu.memref_slice %arg9[%dma_wait3A_1830, %dma_wait3A_1831] : memref<512x32xf32, #tpu.memory_space<vmem>> -> memref<1x32xf32, #tpu.memory_space<vmem>>
        %dma_wait3A_1833 = arith.constant 0 : i32
        %dma_wait3A_1834 = arith.constant 0 : i32
        %dma_wait3A_1835 = tpu.memref_slice %arg4[%dma_wait3A_1833, %dma_wait3A_1834] : memref<1000000x32xf32, #tpu.memory_space<hbm>> -> memref<1x32xf32, #tpu.memory_space<hbm>>
        %dma_wait3A_1836 = arith.constant 0 : i32
        %dma_wait3A_1837 = arith.constant 0 : i32
        %dma_wait3A_1838 = tpu.memref_slice %arg9[%dma_wait3A_1836, %dma_wait3A_1837] : memref<512x32xf32, #tpu.memory_space<vmem>> -> memref<1x32xf32, #tpu.memory_space<vmem>>
        %dma_wait3A_1839 = arith.constant 0 : i32
        %dma_wait3A_1840 = arith.constant 0 : i32
        %dma_wait3A_1841 = tpu.memref_slice %arg4[%dma_wait3A_1839, %dma_wait3A_1840] : memref<1000000x32xf32, #tpu.memory_space<hbm>> -> memref<1x32xf32, #tpu.memory_space<hbm>>
        tpu.wait_dma2 semaphore(%arg10 : memref<!tpu.dma_semaphore, #tpu.memory_space<semaphore_mem>>) src(%dma_wait3A_1841 : memref<1x32xf32, #tpu.memory_space<hbm>>) dst(%dma_wait3A_1838 : memref<1x32xf32, #tpu.memory_space<vmem>>)
        %dma_wait3A_1842 = arith.constant 0 : i32
        %dma_wait3A_1843 = arith.constant 0 : i32
        %dma_wait3A_1844 = tpu.memref_slice %arg9[%dma_wait3A_1842, %dma_wait3A_1843] : memref<512x32xf32, #tpu.memory_space<vmem>> -> memref<1x32xf32, #tpu.memory_space<vmem>>
        %dma_wait3A_1845 = arith.constant 0 : i32
        %dma_wait3A_1846 = arith.constant 0 : i32
        %dma_wait3A_1847 = tpu.memref_slice %arg4[%dma_wait3A_1845, %dma_wait3A_1846] : memref<1000000x32xf32, #tpu.memory_space<hbm>> -> memref<1x32xf32, #tpu.memory_space<hbm>>
        %dma_wait3A_1848 = arith.constant 0 : i32
        %dma_wait3A_1849 = arith.constant 0 : i32
        %dma_wait3A_1850 = tpu.memref_slice %arg9[%dma_wait3A_1848, %dma_wait3A_1849] : memref<512x32xf32, #tpu.memory_space<vmem>> -> memref<1x32xf32, #tpu.memory_space<vmem>>
        %dma_wait3A_1851 = arith.constant 0 : i32
        %dma_wait3A_1852 = arith.constant 0 : i32
        %dma_wait3A_1853 = tpu.memref_slice %arg4[%dma_wait3A_1851, %dma_wait3A_1852] : memref<1000000x32xf32, #tpu.memory_space<hbm>> -> memref<1x32xf32, #tpu.memory_space<hbm>>
        tpu.wait_dma2 semaphore(%arg10 : memref<!tpu.dma_semaphore, #tpu.memory_space<semaphore_mem>>) src(%dma_wait3A_1853 : memref<1x32xf32, #tpu.memory_space<hbm>>) dst(%dma_wait3A_1850 : memref<1x32xf32, #tpu.memory_space<vmem>>)
        %dma_wait3A_1854 = arith.constant 0 : i32
        %dma_wait3A_1855 = arith.constant 0 : i32
        %dma_wait3A_1856 = tpu.memref_slice %arg9[%dma_wait3A_1854, %dma_wait3A_1855] : memref<512x32xf32, #tpu.memory_space<vmem>> -> memref<1x32xf32, #tpu.memory_space<vmem>>
        %dma_wait3A_1857 = arith.constant 0 : i32
        %dma_wait3A_1858 = arith.constant 0 : i32
        %dma_wait3A_1859 = tpu.memref_slice %arg4[%dma_wait3A_1857, %dma_wait3A_1858] : memref<1000000x32xf32, #tpu.memory_space<hbm>> -> memref<1x32xf32, #tpu.memory_space<hbm>>
        %dma_wait3A_1860 = arith.constant 0 : i32
        %dma_wait3A_1861 = arith.constant 0 : i32
        %dma_wait3A_1862 = tpu.memref_slice %arg9[%dma_wait3A_1860, %dma_wait3A_1861] : memref<512x32xf32, #tpu.memory_space<vmem>> -> memref<1x32xf32, #tpu.memory_space<vmem>>
        %dma_wait3A_1863 = arith.constant 0 : i32
        %dma_wait3A_1864 = arith.constant 0 : i32
        %dma_wait3A_1865 = tpu.memref_slice %arg4[%dma_wait3A_1863, %dma_wait3A_1864] : memref<1000000x32xf32, #tpu.memory_space<hbm>> -> memref<1x32xf32, #tpu.memory_space<hbm>>
        tpu.wait_dma2 semaphore(%arg10 : memref<!tpu.dma_semaphore, #tpu.memory_space<semaphore_mem>>) src(%dma_wait3A_1865 : memref<1x32xf32, #tpu.memory_space<hbm>>) dst(%dma_wait3A_1862 : memref<1x32xf32, #tpu.memory_space<vmem>>)
        %dma_wait3A_1866 = arith.constant 0 : i32
        %dma_wait3A_1867 = arith.constant 0 : i32
        %dma_wait3A_1868 = tpu.memref_slice %arg9[%dma_wait3A_1866, %dma_wait3A_1867] : memref<512x32xf32, #tpu.memory_space<vmem>> -> memref<1x32xf32, #tpu.memory_space<vmem>>
        %dma_wait3A_1869 = arith.constant 0 : i32
        %dma_wait3A_1870 = arith.constant 0 : i32
        %dma_wait3A_1871 = tpu.memref_slice %arg4[%dma_wait3A_1869, %dma_wait3A_1870] : memref<1000000x32xf32, #tpu.memory_space<hbm>> -> memref<1x32xf32, #tpu.memory_space<hbm>>
        %dma_wait3A_1872 = arith.constant 0 : i32
        %dma_wait3A_1873 = arith.constant 0 : i32
        %dma_wait3A_1874 = tpu.memref_slice %arg9[%dma_wait3A_1872, %dma_wait3A_1873] : memref<512x32xf32, #tpu.memory_space<vmem>> -> memref<1x32xf32, #tpu.memory_space<vmem>>
        %dma_wait3A_1875 = arith.constant 0 : i32
        %dma_wait3A_1876 = arith.constant 0 : i32
        %dma_wait3A_1877 = tpu.memref_slice %arg4[%dma_wait3A_1875, %dma_wait3A_1876] : memref<1000000x32xf32, #tpu.memory_space<hbm>> -> memref<1x32xf32, #tpu.memory_space<hbm>>
        tpu.wait_dma2 semaphore(%arg10 : memref<!tpu.dma_semaphore, #tpu.memory_space<semaphore_mem>>) src(%dma_wait3A_1877 : memref<1x32xf32, #tpu.memory_space<hbm>>) dst(%dma_wait3A_1874 : memref<1x32xf32, #tpu.memory_space<vmem>>)
        %dma_wait3A_1878 = arith.constant 0 : i32
        %dma_wait3A_1879 = arith.constant 0 : i32
        %dma_wait3A_1880 = tpu.memref_slice %arg9[%dma_wait3A_1878, %dma_wait3A_1879] : memref<512x32xf32, #tpu.memory_space<vmem>> -> memref<1x32xf32, #tpu.memory_space<vmem>>
        %dma_wait3A_1881 = arith.constant 0 : i32
        %dma_wait3A_1882 = arith.constant 0 : i32
        %dma_wait3A_1883 = tpu.memref_slice %arg4[%dma_wait3A_1881, %dma_wait3A_1882] : memref<1000000x32xf32, #tpu.memory_space<hbm>> -> memref<1x32xf32, #tpu.memory_space<hbm>>
        %dma_wait3A_1884 = arith.constant 0 : i32
        %dma_wait3A_1885 = arith.constant 0 : i32
        %dma_wait3A_1886 = tpu.memref_slice %arg9[%dma_wait3A_1884, %dma_wait3A_1885] : memref<512x32xf32, #tpu.memory_space<vmem>> -> memref<1x32xf32, #tpu.memory_space<vmem>>
        %dma_wait3A_1887 = arith.constant 0 : i32
        %dma_wait3A_1888 = arith.constant 0 : i32
        %dma_wait3A_1889 = tpu.memref_slice %arg4[%dma_wait3A_1887, %dma_wait3A_1888] : memref<1000000x32xf32, #tpu.memory_space<hbm>> -> memref<1x32xf32, #tpu.memory_space<hbm>>
        tpu.wait_dma2 semaphore(%arg10 : memref<!tpu.dma_semaphore, #tpu.memory_space<semaphore_mem>>) src(%dma_wait3A_1889 : memref<1x32xf32, #tpu.memory_space<hbm>>) dst(%dma_wait3A_1886 : memref<1x32xf32, #tpu.memory_space<vmem>>)
        %dma_wait3A_1890 = arith.constant 0 : i32
        %dma_wait3A_1891 = arith.constant 0 : i32
        %dma_wait3A_1892 = tpu.memref_slice %arg9[%dma_wait3A_1890, %dma_wait3A_1891] : memref<512x32xf32, #tpu.memory_space<vmem>> -> memref<1x32xf32, #tpu.memory_space<vmem>>
        %dma_wait3A_1893 = arith.constant 0 : i32
        %dma_wait3A_1894 = arith.constant 0 : i32
        %dma_wait3A_1895 = tpu.memref_slice %arg4[%dma_wait3A_1893, %dma_wait3A_1894] : memref<1000000x32xf32, #tpu.memory_space<hbm>> -> memref<1x32xf32, #tpu.memory_space<hbm>>
        %dma_wait3A_1896 = arith.constant 0 : i32
        %dma_wait3A_1897 = arith.constant 0 : i32
        %dma_wait3A_1898 = tpu.memref_slice %arg9[%dma_wait3A_1896, %dma_wait3A_1897] : memref<512x32xf32, #tpu.memory_space<vmem>> -> memref<1x32xf32, #tpu.memory_space<vmem>>
        %dma_wait3A_1899 = arith.constant 0 : i32
        %dma_wait3A_1900 = arith.constant 0 : i32
        %dma_wait3A_1901 = tpu.memref_slice %arg4[%dma_wait3A_1899, %dma_wait3A_1900] : memref<1000000x32xf32, #tpu.memory_space<hbm>> -> memref<1x32xf32, #tpu.memory_space<hbm>>
        tpu.wait_dma2 semaphore(%arg10 : memref<!tpu.dma_semaphore, #tpu.memory_space<semaphore_mem>>) src(%dma_wait3A_1901 : memref<1x32xf32, #tpu.memory_space<hbm>>) dst(%dma_wait3A_1898 : memref<1x32xf32, #tpu.memory_space<vmem>>)
        %dma_wait3A_1902 = arith.constant 0 : i32
        %dma_wait3A_1903 = arith.constant 0 : i32
        %dma_wait3A_1904 = tpu.memref_slice %arg9[%dma_wait3A_1902, %dma_wait3A_1903] : memref<512x32xf32, #tpu.memory_space<vmem>> -> memref<1x32xf32, #tpu.memory_space<vmem>>
        %dma_wait3A_1905 = arith.constant 0 : i32
        %dma_wait3A_1906 = arith.constant 0 : i32
        %dma_wait3A_1907 = tpu.memref_slice %arg4[%dma_wait3A_1905, %dma_wait3A_1906] : memref<1000000x32xf32, #tpu.memory_space<hbm>> -> memref<1x32xf32, #tpu.memory_space<hbm>>
        %dma_wait3A_1908 = arith.constant 0 : i32
        %dma_wait3A_1909 = arith.constant 0 : i32
        %dma_wait3A_1910 = tpu.memref_slice %arg9[%dma_wait3A_1908, %dma_wait3A_1909] : memref<512x32xf32, #tpu.memory_space<vmem>> -> memref<1x32xf32, #tpu.memory_space<vmem>>
        %dma_wait3A_1911 = arith.constant 0 : i32
        %dma_wait3A_1912 = arith.constant 0 : i32
        %dma_wait3A_1913 = tpu.memref_slice %arg4[%dma_wait3A_1911, %dma_wait3A_1912] : memref<1000000x32xf32, #tpu.memory_space<hbm>> -> memref<1x32xf32, #tpu.memory_space<hbm>>
        tpu.wait_dma2 semaphore(%arg10 : memref<!tpu.dma_semaphore, #tpu.memory_space<semaphore_mem>>) src(%dma_wait3A_1913 : memref<1x32xf32, #tpu.memory_space<hbm>>) dst(%dma_wait3A_1910 : memref<1x32xf32, #tpu.memory_space<vmem>>)
        %dma_wait3A_1914 = arith.constant 0 : i32
        %dma_wait3A_1915 = arith.constant 0 : i32
        %dma_wait3A_1916 = tpu.memref_slice %arg9[%dma_wait3A_1914, %dma_wait3A_1915] : memref<512x32xf32, #tpu.memory_space<vmem>> -> memref<1x32xf32, #tpu.memory_space<vmem>>
        %dma_wait3A_1917 = arith.constant 0 : i32
        %dma_wait3A_1918 = arith.constant 0 : i32
        %dma_wait3A_1919 = tpu.memref_slice %arg4[%dma_wait3A_1917, %dma_wait3A_1918] : memref<1000000x32xf32, #tpu.memory_space<hbm>> -> memref<1x32xf32, #tpu.memory_space<hbm>>
        %dma_wait3A_1920 = arith.constant 0 : i32
        %dma_wait3A_1921 = arith.constant 0 : i32
        %dma_wait3A_1922 = tpu.memref_slice %arg9[%dma_wait3A_1920, %dma_wait3A_1921] : memref<512x32xf32, #tpu.memory_space<vmem>> -> memref<1x32xf32, #tpu.memory_space<vmem>>
        %dma_wait3A_1923 = arith.constant 0 : i32
        %dma_wait3A_1924 = arith.constant 0 : i32
        %dma_wait3A_1925 = tpu.memref_slice %arg4[%dma_wait3A_1923, %dma_wait3A_1924] : memref<1000000x32xf32, #tpu.memory_space<hbm>> -> memref<1x32xf32, #tpu.memory_space<hbm>>
        tpu.wait_dma2 semaphore(%arg10 : memref<!tpu.dma_semaphore, #tpu.memory_space<semaphore_mem>>) src(%dma_wait3A_1925 : memref<1x32xf32, #tpu.memory_space<hbm>>) dst(%dma_wait3A_1922 : memref<1x32xf32, #tpu.memory_space<vmem>>)
        %dma_wait3A_1926 = arith.constant 0 : i32
        %dma_wait3A_1927 = arith.constant 0 : i32
        %dma_wait3A_1928 = tpu.memref_slice %arg9[%dma_wait3A_1926, %dma_wait3A_1927] : memref<512x32xf32, #tpu.memory_space<vmem>> -> memref<1x32xf32, #tpu.memory_space<vmem>>
        %dma_wait3A_1929 = arith.constant 0 : i32
        %dma_wait3A_1930 = arith.constant 0 : i32
        %dma_wait3A_1931 = tpu.memref_slice %arg4[%dma_wait3A_1929, %dma_wait3A_1930] : memref<1000000x32xf32, #tpu.memory_space<hbm>> -> memref<1x32xf32, #tpu.memory_space<hbm>>
        %dma_wait3A_1932 = arith.constant 0 : i32
        %dma_wait3A_1933 = arith.constant 0 : i32
        %dma_wait3A_1934 = tpu.memref_slice %arg9[%dma_wait3A_1932, %dma_wait3A_1933] : memref<512x32xf32, #tpu.memory_space<vmem>> -> memref<1x32xf32, #tpu.memory_space<vmem>>
        %dma_wait3A_1935 = arith.constant 0 : i32
        %dma_wait3A_1936 = arith.constant 0 : i32
        %dma_wait3A_1937 = tpu.memref_slice %arg4[%dma_wait3A_1935, %dma_wait3A_1936] : memref<1000000x32xf32, #tpu.memory_space<hbm>> -> memref<1x32xf32, #tpu.memory_space<hbm>>
        tpu.wait_dma2 semaphore(%arg10 : memref<!tpu.dma_semaphore, #tpu.memory_space<semaphore_mem>>) src(%dma_wait3A_1937 : memref<1x32xf32, #tpu.memory_space<hbm>>) dst(%dma_wait3A_1934 : memref<1x32xf32, #tpu.memory_space<vmem>>)
        %dma_wait3A_1938 = arith.constant 0 : i32
        %dma_wait3A_1939 = arith.constant 0 : i32
        %dma_wait3A_1940 = tpu.memref_slice %arg9[%dma_wait3A_1938, %dma_wait3A_1939] : memref<512x32xf32, #tpu.memory_space<vmem>> -> memref<1x32xf32, #tpu.memory_space<vmem>>
        %dma_wait3A_1941 = arith.constant 0 : i32
        %dma_wait3A_1942 = arith.constant 0 : i32
        %dma_wait3A_1943 = tpu.memref_slice %arg4[%dma_wait3A_1941, %dma_wait3A_1942] : memref<1000000x32xf32, #tpu.memory_space<hbm>> -> memref<1x32xf32, #tpu.memory_space<hbm>>
        %dma_wait3A_1944 = arith.constant 0 : i32
        %dma_wait3A_1945 = arith.constant 0 : i32
        %dma_wait3A_1946 = tpu.memref_slice %arg9[%dma_wait3A_1944, %dma_wait3A_1945] : memref<512x32xf32, #tpu.memory_space<vmem>> -> memref<1x32xf32, #tpu.memory_space<vmem>>
        %dma_wait3A_1947 = arith.constant 0 : i32
        %dma_wait3A_1948 = arith.constant 0 : i32
        %dma_wait3A_1949 = tpu.memref_slice %arg4[%dma_wait3A_1947, %dma_wait3A_1948] : memref<1000000x32xf32, #tpu.memory_space<hbm>> -> memref<1x32xf32, #tpu.memory_space<hbm>>
        tpu.wait_dma2 semaphore(%arg10 : memref<!tpu.dma_semaphore, #tpu.memory_space<semaphore_mem>>) src(%dma_wait3A_1949 : memref<1x32xf32, #tpu.memory_space<hbm>>) dst(%dma_wait3A_1946 : memref<1x32xf32, #tpu.memory_space<vmem>>)
        %dma_wait3A_1950 = arith.constant 0 : i32
        %dma_wait3A_1951 = arith.constant 0 : i32
        %dma_wait3A_1952 = tpu.memref_slice %arg9[%dma_wait3A_1950, %dma_wait3A_1951] : memref<512x32xf32, #tpu.memory_space<vmem>> -> memref<1x32xf32, #tpu.memory_space<vmem>>
        %dma_wait3A_1953 = arith.constant 0 : i32
        %dma_wait3A_1954 = arith.constant 0 : i32
        %dma_wait3A_1955 = tpu.memref_slice %arg4[%dma_wait3A_1953, %dma_wait3A_1954] : memref<1000000x32xf32, #tpu.memory_space<hbm>> -> memref<1x32xf32, #tpu.memory_space<hbm>>
        %dma_wait3A_1956 = arith.constant 0 : i32
        %dma_wait3A_1957 = arith.constant 0 : i32
        %dma_wait3A_1958 = tpu.memref_slice %arg9[%dma_wait3A_1956, %dma_wait3A_1957] : memref<512x32xf32, #tpu.memory_space<vmem>> -> memref<1x32xf32, #tpu.memory_space<vmem>>
        %dma_wait3A_1959 = arith.constant 0 : i32
        %dma_wait3A_1960 = arith.constant 0 : i32
        %dma_wait3A_1961 = tpu.memref_slice %arg4[%dma_wait3A_1959, %dma_wait3A_1960] : memref<1000000x32xf32, #tpu.memory_space<hbm>> -> memref<1x32xf32, #tpu.memory_space<hbm>>
        tpu.wait_dma2 semaphore(%arg10 : memref<!tpu.dma_semaphore, #tpu.memory_space<semaphore_mem>>) src(%dma_wait3A_1961 : memref<1x32xf32, #tpu.memory_space<hbm>>) dst(%dma_wait3A_1958 : memref<1x32xf32, #tpu.memory_space<vmem>>)
        %dma_wait3A_1962 = arith.constant 0 : i32
        %dma_wait3A_1963 = arith.constant 0 : i32
        %dma_wait3A_1964 = tpu.memref_slice %arg9[%dma_wait3A_1962, %dma_wait3A_1963] : memref<512x32xf32, #tpu.memory_space<vmem>> -> memref<1x32xf32, #tpu.memory_space<vmem>>
        %dma_wait3A_1965 = arith.constant 0 : i32
        %dma_wait3A_1966 = arith.constant 0 : i32
        %dma_wait3A_1967 = tpu.memref_slice %arg4[%dma_wait3A_1965, %dma_wait3A_1966] : memref<1000000x32xf32, #tpu.memory_space<hbm>> -> memref<1x32xf32, #tpu.memory_space<hbm>>
        %dma_wait3A_1968 = arith.constant 0 : i32
        %dma_wait3A_1969 = arith.constant 0 : i32
        %dma_wait3A_1970 = tpu.memref_slice %arg9[%dma_wait3A_1968, %dma_wait3A_1969] : memref<512x32xf32, #tpu.memory_space<vmem>> -> memref<1x32xf32, #tpu.memory_space<vmem>>
        %dma_wait3A_1971 = arith.constant 0 : i32
        %dma_wait3A_1972 = arith.constant 0 : i32
        %dma_wait3A_1973 = tpu.memref_slice %arg4[%dma_wait3A_1971, %dma_wait3A_1972] : memref<1000000x32xf32, #tpu.memory_space<hbm>> -> memref<1x32xf32, #tpu.memory_space<hbm>>
        tpu.wait_dma2 semaphore(%arg10 : memref<!tpu.dma_semaphore, #tpu.memory_space<semaphore_mem>>) src(%dma_wait3A_1973 : memref<1x32xf32, #tpu.memory_space<hbm>>) dst(%dma_wait3A_1970 : memref<1x32xf32, #tpu.memory_space<vmem>>)
      } else {
      }
      %scan3A_1781 = arith.constant 0 : i32
      scf.yield %scan3A_1781 : i32
    }
    %scan3A_8 = arith.constant 32 : i32
    %dma_wait3A = arith.constant 0 : i32
    %dma_wait3A_9 = arith.constant 0 : i32
    %dma_wait3A_10 = tpu.memref_slice %arg9[%dma_wait3A, %dma_wait3A_9] : memref<512x32xf32, #tpu.memory_space<vmem>> -> memref<1x32xf32, #tpu.memory_space<vmem>>
    %dma_wait3A_11 = arith.constant 0 : i32
    %dma_wait3A_12 = arith.constant 0 : i32
    %dma_wait3A_13 = tpu.memref_slice %arg4[%dma_wait3A_11, %dma_wait3A_12] : memref<1000000x32xf32, #tpu.memory_space<hbm>> -> memref<1x32xf32, #tpu.memory_space<hbm>>
    %dma_wait3A_14 = arith.constant 0 : i32
    %dma_wait3A_15 = arith.constant 0 : i32
    %dma_wait3A_16 = tpu.memref_slice %arg9[%dma_wait3A_14, %dma_wait3A_15] : memref<512x32xf32, #tpu.memory_space<vmem>> -> memref<1x32xf32, #tpu.memory_space<vmem>>
    %dma_wait3A_17 = arith.constant 0 : i32
    %dma_wait3A_18 = arith.constant 0 : i32
    %dma_wait3A_19 = tpu.memref_slice %arg4[%dma_wait3A_17, %dma_wait3A_18] : memref<1000000x32xf32, #tpu.memory_space<hbm>> -> memref<1x32xf32, #tpu.memory_space<hbm>>
    tpu.wait_dma2 semaphore(%arg10 : memref<!tpu.dma_semaphore, #tpu.memory_space<semaphore_mem>>) src(%dma_wait3A_19 : memref<1x32xf32, #tpu.memory_space<hbm>>) dst(%dma_wait3A_16 : memref<1x32xf32, #tpu.memory_space<vmem>>)
    %dma_wait3A_20 = arith.constant 0 : i32
    %dma_wait3A_21 = arith.constant 0 : i32
    %dma_wait3A_22 = tpu.memref_slice %arg9[%dma_wait3A_20, %dma_wait3A_21] : memref<512x32xf32, #tpu.memory_space<vmem>> -> memref<1x32xf32, #tpu.memory_space<vmem>>
    %dma_wait3A_23 = arith.constant 0 : i32
    %dma_wait3A_24 = arith.constant 0 : i32
    %dma_wait3A_25 = tpu.memref_slice %arg4[%dma_wait3A_23, %dma_wait3A_24] : memref<1000000x32xf32, #tpu.memory_space<hbm>> -> memref<1x32xf32, #tpu.memory_space<hbm>>
    %dma_wait3A_26 = arith.constant 0 : i32
    %dma_wait3A_27 = arith.constant 0 : i32
    %dma_wait3A_28 = tpu.memref_slice %arg9[%dma_wait3A_26, %dma_wait3A_27] : memref<512x32xf32, #tpu.memory_space<vmem>> -> memref<1x32xf32, #tpu.memory_space<vmem>>
    %dma_wait3A_29 = arith.constant 0 : i32
    %dma_wait3A_30 = arith.constant 0 : i32
    %dma_wait3A_31 = tpu.memref_slice %arg4[%dma_wait3A_29, %dma_wait3A_30] : memref<1000000x32xf32, #tpu.memory_space<hbm>> -> memref<1x32xf32, #tpu.memory_space<hbm>>
    tpu.wait_dma2 semaphore(%arg10 : memref<!tpu.dma_semaphore, #tpu.memory_space<semaphore_mem>>) src(%dma_wait3A_31 : memref<1x32xf32, #tpu.memory_space<hbm>>) dst(%dma_wait3A_28 : memref<1x32xf32, #tpu.memory_space<vmem>>)
    %dma_wait3A_32 = arith.constant 0 : i32
    %dma_wait3A_33 = arith.constant 0 : i32
    %dma_wait3A_34 = tpu.memref_slice %arg9[%dma_wait3A_32, %dma_wait3A_33] : memref<512x32xf32, #tpu.memory_space<vmem>> -> memref<1x32xf32, #tpu.memory_space<vmem>>
    %dma_wait3A_35 = arith.constant 0 : i32
    %dma_wait3A_36 = arith.constant 0 : i32
    %dma_wait3A_37 = tpu.memref_slice %arg4[%dma_wait3A_35, %dma_wait3A_36] : memref<1000000x32xf32, #tpu.memory_space<hbm>> -> memref<1x32xf32, #tpu.memory_space<hbm>>
    %dma_wait3A_38 = arith.constant 0 : i32
    %dma_wait3A_39 = arith.constant 0 : i32
    %dma_wait3A_40 = tpu.memref_slice %arg9[%dma_wait3A_38, %dma_wait3A_39] : memref<512x32xf32, #tpu.memory_space<vmem>> -> memref<1x32xf32, #tpu.memory_space<vmem>>
    %dma_wait3A_41 = arith.constant 0 : i32
    %dma_wait3A_42 = arith.constant 0 : i32
    %dma_wait3A_43 = tpu.memref_slice %arg4[%dma_wait3A_41, %dma_wait3A_42] : memref<1000000x32xf32, #tpu.memory_space<hbm>> -> memref<1x32xf32, #tpu.memory_space<hbm>>
    tpu.wait_dma2 semaphore(%arg10 : memref<!tpu.dma_semaphore, #tpu.memory_space<semaphore_mem>>) src(%dma_wait3A_43 : memref<1x32xf32, #tpu.memory_space<hbm>>) dst(%dma_wait3A_40 : memref<1x32xf32, #tpu.memory_space<vmem>>)
    %dma_wait3A_44 = arith.constant 0 : i32
    %dma_wait3A_45 = arith.constant 0 : i32
    %dma_wait3A_46 = tpu.memref_slice %arg9[%dma_wait3A_44, %dma_wait3A_45] : memref<512x32xf32, #tpu.memory_space<vmem>> -> memref<1x32xf32, #tpu.memory_space<vmem>>
    %dma_wait3A_47 = arith.constant 0 : i32
    %dma_wait3A_48 = arith.constant 0 : i32
    %dma_wait3A_49 = tpu.memref_slice %arg4[%dma_wait3A_47, %dma_wait3A_48] : memref<1000000x32xf32, #tpu.memory_space<hbm>> -> memref<1x32xf32, #tpu.memory_space<hbm>>
    %dma_wait3A_50 = arith.constant 0 : i32
    %dma_wait3A_51 = arith.constant 0 : i32
    %dma_wait3A_52 = tpu.memref_slice %arg9[%dma_wait3A_50, %dma_wait3A_51] : memref<512x32xf32, #tpu.memory_space<vmem>> -> memref<1x32xf32, #tpu.memory_space<vmem>>
    %dma_wait3A_53 = arith.constant 0 : i32
    %dma_wait3A_54 = arith.constant 0 : i32
    %dma_wait3A_55 = tpu.memref_slice %arg4[%dma_wait3A_53, %dma_wait3A_54] : memref<1000000x32xf32, #tpu.memory_space<hbm>> -> memref<1x32xf32, #tpu.memory_space<hbm>>
    tpu.wait_dma2 semaphore(%arg10 : memref<!tpu.dma_semaphore, #tpu.memory_space<semaphore_mem>>) src(%dma_wait3A_55 : memref<1x32xf32, #tpu.memory_space<hbm>>) dst(%dma_wait3A_52 : memref<1x32xf32, #tpu.memory_space<vmem>>)
    %dma_wait3A_56 = arith.constant 0 : i32
    %dma_wait3A_57 = arith.constant 0 : i32
    %dma_wait3A_58 = tpu.memref_slice %arg9[%dma_wait3A_56, %dma_wait3A_57] : memref<512x32xf32, #tpu.memory_space<vmem>> -> memref<1x32xf32, #tpu.memory_space<vmem>>
    %dma_wait3A_59 = arith.constant 0 : i32
    %dma_wait3A_60 = arith.constant 0 : i32
    %dma_wait3A_61 = tpu.memref_slice %arg4[%dma_wait3A_59, %dma_wait3A_60] : memref<1000000x32xf32, #tpu.memory_space<hbm>> -> memref<1x32xf32, #tpu.memory_space<hbm>>
    %dma_wait3A_62 = arith.constant 0 : i32
    %dma_wait3A_63 = arith.constant 0 : i32
    %dma_wait3A_64 = tpu.memref_slice %arg9[%dma_wait3A_62, %dma_wait3A_63] : memref<512x32xf32, #tpu.memory_space<vmem>> -> memref<1x32xf32, #tpu.memory_space<vmem>>
    %dma_wait3A_65 = arith.constant 0 : i32
    %dma_wait3A_66 = arith.constant 0 : i32
    %dma_wait3A_67 = tpu.memref_slice %arg4[%dma_wait3A_65, %dma_wait3A_66] : memref<1000000x32xf32, #tpu.memory_space<hbm>> -> memref<1x32xf32, #tpu.memory_space<hbm>>
    tpu.wait_dma2 semaphore(%arg10 : memref<!tpu.dma_semaphore, #tpu.memory_space<semaphore_mem>>) src(%dma_wait3A_67 : memref<1x32xf32, #tpu.memory_space<hbm>>) dst(%dma_wait3A_64 : memref<1x32xf32, #tpu.memory_space<vmem>>)
    %dma_wait3A_68 = arith.constant 0 : i32
    %dma_wait3A_69 = arith.constant 0 : i32
    %dma_wait3A_70 = tpu.memref_slice %arg9[%dma_wait3A_68, %dma_wait3A_69] : memref<512x32xf32, #tpu.memory_space<vmem>> -> memref<1x32xf32, #tpu.memory_space<vmem>>
    %dma_wait3A_71 = arith.constant 0 : i32
    %dma_wait3A_72 = arith.constant 0 : i32
    %dma_wait3A_73 = tpu.memref_slice %arg4[%dma_wait3A_71, %dma_wait3A_72] : memref<1000000x32xf32, #tpu.memory_space<hbm>> -> memref<1x32xf32, #tpu.memory_space<hbm>>
    %dma_wait3A_74 = arith.constant 0 : i32
    %dma_wait3A_75 = arith.constant 0 : i32
    %dma_wait3A_76 = tpu.memref_slice %arg9[%dma_wait3A_74, %dma_wait3A_75] : memref<512x32xf32, #tpu.memory_space<vmem>> -> memref<1x32xf32, #tpu.memory_space<vmem>>
    %dma_wait3A_77 = arith.constant 0 : i32
    %dma_wait3A_78 = arith.constant 0 : i32
    %dma_wait3A_79 = tpu.memref_slice %arg4[%dma_wait3A_77, %dma_wait3A_78] : memref<1000000x32xf32, #tpu.memory_space<hbm>> -> memref<1x32xf32, #tpu.memory_space<hbm>>
    tpu.wait_dma2 semaphore(%arg10 : memref<!tpu.dma_semaphore, #tpu.memory_space<semaphore_mem>>) src(%dma_wait3A_79 : memref<1x32xf32, #tpu.memory_space<hbm>>) dst(%dma_wait3A_76 : memref<1x32xf32, #tpu.memory_space<vmem>>)
    %dma_wait3A_80 = arith.constant 0 : i32
    %dma_wait3A_81 = arith.constant 0 : i32
    %dma_wait3A_82 = tpu.memref_slice %arg9[%dma_wait3A_80, %dma_wait3A_81] : memref<512x32xf32, #tpu.memory_space<vmem>> -> memref<1x32xf32, #tpu.memory_space<vmem>>
    %dma_wait3A_83 = arith.constant 0 : i32
    %dma_wait3A_84 = arith.constant 0 : i32
    %dma_wait3A_85 = tpu.memref_slice %arg4[%dma_wait3A_83, %dma_wait3A_84] : memref<1000000x32xf32, #tpu.memory_space<hbm>> -> memref<1x32xf32, #tpu.memory_space<hbm>>
    %dma_wait3A_86 = arith.constant 0 : i32
    %dma_wait3A_87 = arith.constant 0 : i32
    %dma_wait3A_88 = tpu.memref_slice %arg9[%dma_wait3A_86, %dma_wait3A_87] : memref<512x32xf32, #tpu.memory_space<vmem>> -> memref<1x32xf32, #tpu.memory_space<vmem>>
    %dma_wait3A_89 = arith.constant 0 : i32
    %dma_wait3A_90 = arith.constant 0 : i32
    %dma_wait3A_91 = tpu.memref_slice %arg4[%dma_wait3A_89, %dma_wait3A_90] : memref<1000000x32xf32, #tpu.memory_space<hbm>> -> memref<1x32xf32, #tpu.memory_space<hbm>>
    tpu.wait_dma2 semaphore(%arg10 : memref<!tpu.dma_semaphore, #tpu.memory_space<semaphore_mem>>) src(%dma_wait3A_91 : memref<1x32xf32, #tpu.memory_space<hbm>>) dst(%dma_wait3A_88 : memref<1x32xf32, #tpu.memory_space<vmem>>)
    %dma_wait3A_92 = arith.constant 0 : i32
    %dma_wait3A_93 = arith.constant 0 : i32
    %dma_wait3A_94 = tpu.memref_slice %arg9[%dma_wait3A_92, %dma_wait3A_93] : memref<512x32xf32, #tpu.memory_space<vmem>> -> memref<1x32xf32, #tpu.memory_space<vmem>>
    %dma_wait3A_95 = arith.constant 0 : i32
    %dma_wait3A_96 = arith.constant 0 : i32
    %dma_wait3A_97 = tpu.memref_slice %arg4[%dma_wait3A_95, %dma_wait3A_96] : memref<1000000x32xf32, #tpu.memory_space<hbm>> -> memref<1x32xf32, #tpu.memory_space<hbm>>
    %dma_wait3A_98 = arith.constant 0 : i32
    %dma_wait3A_99 = arith.constant 0 : i32
    %dma_wait3A_100 = tpu.memref_slice %arg9[%dma_wait3A_98, %dma_wait3A_99] : memref<512x32xf32, #tpu.memory_space<vmem>> -> memref<1x32xf32, #tpu.memory_space<vmem>>
    %dma_wait3A_101 = arith.constant 0 : i32
    %dma_wait3A_102 = arith.constant 0 : i32
    %dma_wait3A_103 = tpu.memref_slice %arg4[%dma_wait3A_101, %dma_wait3A_102] : memref<1000000x32xf32, #tpu.memory_space<hbm>> -> memref<1x32xf32, #tpu.memory_space<hbm>>
    tpu.wait_dma2 semaphore(%arg10 : memref<!tpu.dma_semaphore, #tpu.memory_space<semaphore_mem>>) src(%dma_wait3A_103 : memref<1x32xf32, #tpu.memory_space<hbm>>) dst(%dma_wait3A_100 : memref<1x32xf32, #tpu.memory_space<vmem>>)
    %dma_wait3A_104 = arith.constant 0 : i32
    %dma_wait3A_105 = arith.constant 0 : i32
    %dma_wait3A_106 = tpu.memref_slice %arg9[%dma_wait3A_104, %dma_wait3A_105] : memref<512x32xf32, #tpu.memory_space<vmem>> -> memref<1x32xf32, #tpu.memory_space<vmem>>
    %dma_wait3A_107 = arith.constant 0 : i32
    %dma_wait3A_108 = arith.constant 0 : i32
    %dma_wait3A_109 = tpu.memref_slice %arg4[%dma_wait3A_107, %dma_wait3A_108] : memref<1000000x32xf32, #tpu.memory_space<hbm>> -> memref<1x32xf32, #tpu.memory_space<hbm>>
    %dma_wait3A_110 = arith.constant 0 : i32
    %dma_wait3A_111 = arith.constant 0 : i32
    %dma_wait3A_112 = tpu.memref_slice %arg9[%dma_wait3A_110, %dma_wait3A_111] : memref<512x32xf32, #tpu.memory_space<vmem>> -> memref<1x32xf32, #tpu.memory_space<vmem>>
    %dma_wait3A_113 = arith.constant 0 : i32
    %dma_wait3A_114 = arith.constant 0 : i32
    %dma_wait3A_115 = tpu.memref_slice %arg4[%dma_wait3A_113, %dma_wait3A_114] : memref<1000000x32xf32, #tpu.memory_space<hbm>> -> memref<1x32xf32, #tpu.memory_space<hbm>>
    tpu.wait_dma2 semaphore(%arg10 : memref<!tpu.dma_semaphore, #tpu.memory_space<semaphore_mem>>) src(%dma_wait3A_115 : memref<1x32xf32, #tpu.memory_space<hbm>>) dst(%dma_wait3A_112 : memref<1x32xf32, #tpu.memory_space<vmem>>)
    %dma_wait3A_116 = arith.constant 0 : i32
    %dma_wait3A_117 = arith.constant 0 : i32
    %dma_wait3A_118 = tpu.memref_slice %arg9[%dma_wait3A_116, %dma_wait3A_117] : memref<512x32xf32, #tpu.memory_space<vmem>> -> memref<1x32xf32, #tpu.memory_space<vmem>>
    %dma_wait3A_119 = arith.constant 0 : i32
    %dma_wait3A_120 = arith.constant 0 : i32
    %dma_wait3A_121 = tpu.memref_slice %arg4[%dma_wait3A_119, %dma_wait3A_120] : memref<1000000x32xf32, #tpu.memory_space<hbm>> -> memref<1x32xf32, #tpu.memory_space<hbm>>
    %dma_wait3A_122 = arith.constant 0 : i32
    %dma_wait3A_123 = arith.constant 0 : i32
    %dma_wait3A_124 = tpu.memref_slice %arg9[%dma_wait3A_122, %dma_wait3A_123] : memref<512x32xf32, #tpu.memory_space<vmem>> -> memref<1x32xf32, #tpu.memory_space<vmem>>
    %dma_wait3A_125 = arith.constant 0 : i32
    %dma_wait3A_126 = arith.constant 0 : i32
    %dma_wait3A_127 = tpu.memref_slice %arg4[%dma_wait3A_125, %dma_wait3A_126] : memref<1000000x32xf32, #tpu.memory_space<hbm>> -> memref<1x32xf32, #tpu.memory_space<hbm>>
    tpu.wait_dma2 semaphore(%arg10 : memref<!tpu.dma_semaphore, #tpu.memory_space<semaphore_mem>>) src(%dma_wait3A_127 : memref<1x32xf32, #tpu.memory_space<hbm>>) dst(%dma_wait3A_124 : memref<1x32xf32, #tpu.memory_space<vmem>>)
    %dma_wait3A_128 = arith.constant 0 : i32
    %dma_wait3A_129 = arith.constant 0 : i32
    %dma_wait3A_130 = tpu.memref_slice %arg9[%dma_wait3A_128, %dma_wait3A_129] : memref<512x32xf32, #tpu.memory_space<vmem>> -> memref<1x32xf32, #tpu.memory_space<vmem>>
    %dma_wait3A_131 = arith.constant 0 : i32
    %dma_wait3A_132 = arith.constant 0 : i32
    %dma_wait3A_133 = tpu.memref_slice %arg4[%dma_wait3A_131, %dma_wait3A_132] : memref<1000000x32xf32, #tpu.memory_space<hbm>> -> memref<1x32xf32, #tpu.memory_space<hbm>>
    %dma_wait3A_134 = arith.constant 0 : i32
    %dma_wait3A_135 = arith.constant 0 : i32
    %dma_wait3A_136 = tpu.memref_slice %arg9[%dma_wait3A_134, %dma_wait3A_135] : memref<512x32xf32, #tpu.memory_space<vmem>> -> memref<1x32xf32, #tpu.memory_space<vmem>>
    %dma_wait3A_137 = arith.constant 0 : i32
    %dma_wait3A_138 = arith.constant 0 : i32
    %dma_wait3A_139 = tpu.memref_slice %arg4[%dma_wait3A_137, %dma_wait3A_138] : memref<1000000x32xf32, #tpu.memory_space<hbm>> -> memref<1x32xf32, #tpu.memory_space<hbm>>
    tpu.wait_dma2 semaphore(%arg10 : memref<!tpu.dma_semaphore, #tpu.memory_space<semaphore_mem>>) src(%dma_wait3A_139 : memref<1x32xf32, #tpu.memory_space<hbm>>) dst(%dma_wait3A_136 : memref<1x32xf32, #tpu.memory_space<vmem>>)
    %dma_wait3A_140 = arith.constant 0 : i32
    %dma_wait3A_141 = arith.constant 0 : i32
    %dma_wait3A_142 = tpu.memref_slice %arg9[%dma_wait3A_140, %dma_wait3A_141] : memref<512x32xf32, #tpu.memory_space<vmem>> -> memref<1x32xf32, #tpu.memory_space<vmem>>
    %dma_wait3A_143 = arith.constant 0 : i32
    %dma_wait3A_144 = arith.constant 0 : i32
    %dma_wait3A_145 = tpu.memref_slice %arg4[%dma_wait3A_143, %dma_wait3A_144] : memref<1000000x32xf32, #tpu.memory_space<hbm>> -> memref<1x32xf32, #tpu.memory_space<hbm>>
    %dma_wait3A_146 = arith.constant 0 : i32
    %dma_wait3A_147 = arith.constant 0 : i32
    %dma_wait3A_148 = tpu.memref_slice %arg9[%dma_wait3A_146, %dma_wait3A_147] : memref<512x32xf32, #tpu.memory_space<vmem>> -> memref<1x32xf32, #tpu.memory_space<vmem>>
    %dma_wait3A_149 = arith.constant 0 : i32
    %dma_wait3A_150 = arith.constant 0 : i32
    %dma_wait3A_151 = tpu.memref_slice %arg4[%dma_wait3A_149, %dma_wait3A_150] : memref<1000000x32xf32, #tpu.memory_space<hbm>> -> memref<1x32xf32, #tpu.memory_space<hbm>>
    tpu.wait_dma2 semaphore(%arg10 : memref<!tpu.dma_semaphore, #tpu.memory_space<semaphore_mem>>) src(%dma_wait3A_151 : memref<1x32xf32, #tpu.memory_space<hbm>>) dst(%dma_wait3A_148 : memref<1x32xf32, #tpu.memory_space<vmem>>)
    %dma_wait3A_152 = arith.constant 0 : i32
    %dma_wait3A_153 = arith.constant 0 : i32
    %dma_wait3A_154 = tpu.memref_slice %arg9[%dma_wait3A_152, %dma_wait3A_153] : memref<512x32xf32, #tpu.memory_space<vmem>> -> memref<1x32xf32, #tpu.memory_space<vmem>>
    %dma_wait3A_155 = arith.constant 0 : i32
    %dma_wait3A_156 = arith.constant 0 : i32
    %dma_wait3A_157 = tpu.memref_slice %arg4[%dma_wait3A_155, %dma_wait3A_156] : memref<1000000x32xf32, #tpu.memory_space<hbm>> -> memref<1x32xf32, #tpu.memory_space<hbm>>
    %dma_wait3A_158 = arith.constant 0 : i32
    %dma_wait3A_159 = arith.constant 0 : i32
    %dma_wait3A_160 = tpu.memref_slice %arg9[%dma_wait3A_158, %dma_wait3A_159] : memref<512x32xf32, #tpu.memory_space<vmem>> -> memref<1x32xf32, #tpu.memory_space<vmem>>
    %dma_wait3A_161 = arith.constant 0 : i32
    %dma_wait3A_162 = arith.constant 0 : i32
    %dma_wait3A_163 = tpu.memref_slice %arg4[%dma_wait3A_161, %dma_wait3A_162] : memref<1000000x32xf32, #tpu.memory_space<hbm>> -> memref<1x32xf32, #tpu.memory_space<hbm>>
    tpu.wait_dma2 semaphore(%arg10 : memref<!tpu.dma_semaphore, #tpu.memory_space<semaphore_mem>>) src(%dma_wait3A_163 : memref<1x32xf32, #tpu.memory_space<hbm>>) dst(%dma_wait3A_160 : memref<1x32xf32, #tpu.memory_space<vmem>>)
    %dma_wait3A_164 = arith.constant 0 : i32
    %dma_wait3A_165 = arith.constant 0 : i32
    %dma_wait3A_166 = tpu.memref_slice %arg9[%dma_wait3A_164, %dma_wait3A_165] : memref<512x32xf32, #tpu.memory_space<vmem>> -> memref<1x32xf32, #tpu.memory_space<vmem>>
    %dma_wait3A_167 = arith.constant 0 : i32
    %dma_wait3A_168 = arith.constant 0 : i32
    %dma_wait3A_169 = tpu.memref_slice %arg4[%dma_wait3A_167, %dma_wait3A_168] : memref<1000000x32xf32, #tpu.memory_space<hbm>> -> memref<1x32xf32, #tpu.memory_space<hbm>>
    %dma_wait3A_170 = arith.constant 0 : i32
    %dma_wait3A_171 = arith.constant 0 : i32
    %dma_wait3A_172 = tpu.memref_slice %arg9[%dma_wait3A_170, %dma_wait3A_171] : memref<512x32xf32, #tpu.memory_space<vmem>> -> memref<1x32xf32, #tpu.memory_space<vmem>>
    %dma_wait3A_173 = arith.constant 0 : i32
    %dma_wait3A_174 = arith.constant 0 : i32
    %dma_wait3A_175 = tpu.memref_slice %arg4[%dma_wait3A_173, %dma_wait3A_174] : memref<1000000x32xf32, #tpu.memory_space<hbm>> -> memref<1x32xf32, #tpu.memory_space<hbm>>
    tpu.wait_dma2 semaphore(%arg10 : memref<!tpu.dma_semaphore, #tpu.memory_space<semaphore_mem>>) src(%dma_wait3A_175 : memref<1x32xf32, #tpu.memory_space<hbm>>) dst(%dma_wait3A_172 : memref<1x32xf32, #tpu.memory_space<vmem>>)
    %dma_wait3A_176 = arith.constant 0 : i32
    %dma_wait3A_177 = arith.constant 0 : i32
    %dma_wait3A_178 = tpu.memref_slice %arg9[%dma_wait3A_176, %dma_wait3A_177] : memref<512x32xf32, #tpu.memory_space<vmem>> -> memref<1x32xf32, #tpu.memory_space<vmem>>
    %dma_wait3A_179 = arith.constant 0 : i32
    %dma_wait3A_180 = arith.constant 0 : i32
    %dma_wait3A_181 = tpu.memref_slice %arg4[%dma_wait3A_179, %dma_wait3A_180] : memref<1000000x32xf32, #tpu.memory_space<hbm>> -> memref<1x32xf32, #tpu.memory_space<hbm>>
    %dma_wait3A_182 = arith.constant 0 : i32
    %dma_wait3A_183 = arith.constant 0 : i32
    %dma_wait3A_184 = tpu.memref_slice %arg9[%dma_wait3A_182, %dma_wait3A_183] : memref<512x32xf32, #tpu.memory_space<vmem>> -> memref<1x32xf32, #tpu.memory_space<vmem>>
    %dma_wait3A_185 = arith.constant 0 : i32
    %dma_wait3A_186 = arith.constant 0 : i32
    %dma_wait3A_187 = tpu.memref_slice %arg4[%dma_wait3A_185, %dma_wait3A_186] : memref<1000000x32xf32, #tpu.memory_space<hbm>> -> memref<1x32xf32, #tpu.memory_space<hbm>>
    tpu.wait_dma2 semaphore(%arg10 : memref<!tpu.dma_semaphore, #tpu.memory_space<semaphore_mem>>) src(%dma_wait3A_187 : memref<1x32xf32, #tpu.memory_space<hbm>>) dst(%dma_wait3A_184 : memref<1x32xf32, #tpu.memory_space<vmem>>)
    %dma_wait3A_188 = arith.constant 0 : i32
    %dma_wait3A_189 = arith.constant 0 : i32
    %dma_wait3A_190 = tpu.memref_slice %arg9[%dma_wait3A_188, %dma_wait3A_189] : memref<512x32xf32, #tpu.memory_space<vmem>> -> memref<1x32xf32, #tpu.memory_space<vmem>>
    %dma_wait3A_191 = arith.constant 0 : i32
    %dma_wait3A_192 = arith.constant 0 : i32
    %dma_wait3A_193 = tpu.memref_slice %arg4[%dma_wait3A_191, %dma_wait3A_192] : memref<1000000x32xf32, #tpu.memory_space<hbm>> -> memref<1x32xf32, #tpu.memory_space<hbm>>
    %dma_wait3A_194 = arith.constant 0 : i32
    %dma_wait3A_195 = arith.constant 0 : i32
    %dma_wait3A_196 = tpu.memref_slice %arg9[%dma_wait3A_194, %dma_wait3A_195] : memref<512x32xf32, #tpu.memory_space<vmem>> -> memref<1x32xf32, #tpu.memory_space<vmem>>
    %dma_wait3A_197 = arith.constant 0 : i32
    %dma_wait3A_198 = arith.constant 0 : i32
    %dma_wait3A_199 = tpu.memref_slice %arg4[%dma_wait3A_197, %dma_wait3A_198] : memref<1000000x32xf32, #tpu.memory_space<hbm>> -> memref<1x32xf32, #tpu.memory_space<hbm>>
    tpu.wait_dma2 semaphore(%arg10 : memref<!tpu.dma_semaphore, #tpu.memory_space<semaphore_mem>>) src(%dma_wait3A_199 : memref<1x32xf32, #tpu.memory_space<hbm>>) dst(%dma_wait3A_196 : memref<1x32xf32, #tpu.memory_space<vmem>>)
    %dma_wait3A_200 = arith.constant 0 : i32
    %dma_wait3A_201 = arith.constant 0 : i32
    %dma_wait3A_202 = tpu.memref_slice %arg9[%dma_wait3A_200, %dma_wait3A_201] : memref<512x32xf32, #tpu.memory_space<vmem>> -> memref<1x32xf32, #tpu.memory_space<vmem>>
    %dma_wait3A_203 = arith.constant 0 : i32
    %dma_wait3A_204 = arith.constant 0 : i32
    %dma_wait3A_205 = tpu.memref_slice %arg4[%dma_wait3A_203, %dma_wait3A_204] : memref<1000000x32xf32, #tpu.memory_space<hbm>> -> memref<1x32xf32, #tpu.memory_space<hbm>>
    %dma_wait3A_206 = arith.constant 0 : i32
    %dma_wait3A_207 = arith.constant 0 : i32
    %dma_wait3A_208 = tpu.memref_slice %arg9[%dma_wait3A_206, %dma_wait3A_207] : memref<512x32xf32, #tpu.memory_space<vmem>> -> memref<1x32xf32, #tpu.memory_space<vmem>>
    %dma_wait3A_209 = arith.constant 0 : i32
    %dma_wait3A_210 = arith.constant 0 : i32
    %dma_wait3A_211 = tpu.memref_slice %arg4[%dma_wait3A_209, %dma_wait3A_210] : memref<1000000x32xf32, #tpu.memory_space<hbm>> -> memref<1x32xf32, #tpu.memory_space<hbm>>
    tpu.wait_dma2 semaphore(%arg10 : memref<!tpu.dma_semaphore, #tpu.memory_space<semaphore_mem>>) src(%dma_wait3A_211 : memref<1x32xf32, #tpu.memory_space<hbm>>) dst(%dma_wait3A_208 : memref<1x32xf32, #tpu.memory_space<vmem>>)
    %dma_wait3A_212 = arith.constant 0 : i32
    %dma_wait3A_213 = arith.constant 0 : i32
    %dma_wait3A_214 = tpu.memref_slice %arg9[%dma_wait3A_212, %dma_wait3A_213] : memref<512x32xf32, #tpu.memory_space<vmem>> -> memref<1x32xf32, #tpu.memory_space<vmem>>
    %dma_wait3A_215 = arith.constant 0 : i32
    %dma_wait3A_216 = arith.constant 0 : i32
    %dma_wait3A_217 = tpu.memref_slice %arg4[%dma_wait3A_215, %dma_wait3A_216] : memref<1000000x32xf32, #tpu.memory_space<hbm>> -> memref<1x32xf32, #tpu.memory_space<hbm>>
    %dma_wait3A_218 = arith.constant 0 : i32
    %dma_wait3A_219 = arith.constant 0 : i32
    %dma_wait3A_220 = tpu.memref_slice %arg9[%dma_wait3A_218, %dma_wait3A_219] : memref<512x32xf32, #tpu.memory_space<vmem>> -> memref<1x32xf32, #tpu.memory_space<vmem>>
    %dma_wait3A_221 = arith.constant 0 : i32
    %dma_wait3A_222 = arith.constant 0 : i32
    %dma_wait3A_223 = tpu.memref_slice %arg4[%dma_wait3A_221, %dma_wait3A_222] : memref<1000000x32xf32, #tpu.memory_space<hbm>> -> memref<1x32xf32, #tpu.memory_space<hbm>>
    tpu.wait_dma2 semaphore(%arg10 : memref<!tpu.dma_semaphore, #tpu.memory_space<semaphore_mem>>) src(%dma_wait3A_223 : memref<1x32xf32, #tpu.memory_space<hbm>>) dst(%dma_wait3A_220 : memref<1x32xf32, #tpu.memory_space<vmem>>)
    %dma_wait3A_224 = arith.constant 0 : i32
    %dma_wait3A_225 = arith.constant 0 : i32
    %dma_wait3A_226 = tpu.memref_slice %arg9[%dma_wait3A_224, %dma_wait3A_225] : memref<512x32xf32, #tpu.memory_space<vmem>> -> memref<1x32xf32, #tpu.memory_space<vmem>>
    %dma_wait3A_227 = arith.constant 0 : i32
    %dma_wait3A_228 = arith.constant 0 : i32
    %dma_wait3A_229 = tpu.memref_slice %arg4[%dma_wait3A_227, %dma_wait3A_228] : memref<1000000x32xf32, #tpu.memory_space<hbm>> -> memref<1x32xf32, #tpu.memory_space<hbm>>
    %dma_wait3A_230 = arith.constant 0 : i32
    %dma_wait3A_231 = arith.constant 0 : i32
    %dma_wait3A_232 = tpu.memref_slice %arg9[%dma_wait3A_230, %dma_wait3A_231] : memref<512x32xf32, #tpu.memory_space<vmem>> -> memref<1x32xf32, #tpu.memory_space<vmem>>
    %dma_wait3A_233 = arith.constant 0 : i32
    %dma_wait3A_234 = arith.constant 0 : i32
    %dma_wait3A_235 = tpu.memref_slice %arg4[%dma_wait3A_233, %dma_wait3A_234] : memref<1000000x32xf32, #tpu.memory_space<hbm>> -> memref<1x32xf32, #tpu.memory_space<hbm>>
    tpu.wait_dma2 semaphore(%arg10 : memref<!tpu.dma_semaphore, #tpu.memory_space<semaphore_mem>>) src(%dma_wait3A_235 : memref<1x32xf32, #tpu.memory_space<hbm>>) dst(%dma_wait3A_232 : memref<1x32xf32, #tpu.memory_space<vmem>>)
    %dma_wait3A_236 = arith.constant 0 : i32
    %dma_wait3A_237 = arith.constant 0 : i32
    %dma_wait3A_238 = tpu.memref_slice %arg9[%dma_wait3A_236, %dma_wait3A_237] : memref<512x32xf32, #tpu.memory_space<vmem>> -> memref<1x32xf32, #tpu.memory_space<vmem>>
    %dma_wait3A_239 = arith.constant 0 : i32
    %dma_wait3A_240 = arith.constant 0 : i32
    %dma_wait3A_241 = tpu.memref_slice %arg4[%dma_wait3A_239, %dma_wait3A_240] : memref<1000000x32xf32, #tpu.memory_space<hbm>> -> memref<1x32xf32, #tpu.memory_space<hbm>>
    %dma_wait3A_242 = arith.constant 0 : i32
    %dma_wait3A_243 = arith.constant 0 : i32
    %dma_wait3A_244 = tpu.memref_slice %arg9[%dma_wait3A_242, %dma_wait3A_243] : memref<512x32xf32, #tpu.memory_space<vmem>> -> memref<1x32xf32, #tpu.memory_space<vmem>>
    %dma_wait3A_245 = arith.constant 0 : i32
    %dma_wait3A_246 = arith.constant 0 : i32
    %dma_wait3A_247 = tpu.memref_slice %arg4[%dma_wait3A_245, %dma_wait3A_246] : memref<1000000x32xf32, #tpu.memory_space<hbm>> -> memref<1x32xf32, #tpu.memory_space<hbm>>
    tpu.wait_dma2 semaphore(%arg10 : memref<!tpu.dma_semaphore, #tpu.memory_space<semaphore_mem>>) src(%dma_wait3A_247 : memref<1x32xf32, #tpu.memory_space<hbm>>) dst(%dma_wait3A_244 : memref<1x32xf32, #tpu.memory_space<vmem>>)
    %dma_wait3A_248 = arith.constant 0 : i32
    %dma_wait3A_249 = arith.constant 0 : i32
    %dma_wait3A_250 = tpu.memref_slice %arg9[%dma_wait3A_248, %dma_wait3A_249] : memref<512x32xf32, #tpu.memory_space<vmem>> -> memref<1x32xf32, #tpu.memory_space<vmem>>
    %dma_wait3A_251 = arith.constant 0 : i32
    %dma_wait3A_252 = arith.constant 0 : i32
    %dma_wait3A_253 = tpu.memref_slice %arg4[%dma_wait3A_251, %dma_wait3A_252] : memref<1000000x32xf32, #tpu.memory_space<hbm>> -> memref<1x32xf32, #tpu.memory_space<hbm>>
    %dma_wait3A_254 = arith.constant 0 : i32
    %dma_wait3A_255 = arith.constant 0 : i32
    %dma_wait3A_256 = tpu.memref_slice %arg9[%dma_wait3A_254, %dma_wait3A_255] : memref<512x32xf32, #tpu.memory_space<vmem>> -> memref<1x32xf32, #tpu.memory_space<vmem>>
    %dma_wait3A_257 = arith.constant 0 : i32
    %dma_wait3A_258 = arith.constant 0 : i32
    %dma_wait3A_259 = tpu.memref_slice %arg4[%dma_wait3A_257, %dma_wait3A_258] : memref<1000000x32xf32, #tpu.memory_space<hbm>> -> memref<1x32xf32, #tpu.memory_space<hbm>>
    tpu.wait_dma2 semaphore(%arg10 : memref<!tpu.dma_semaphore, #tpu.memory_space<semaphore_mem>>) src(%dma_wait3A_259 : memref<1x32xf32, #tpu.memory_space<hbm>>) dst(%dma_wait3A_256 : memref<1x32xf32, #tpu.memory_space<vmem>>)
    %dma_wait3A_260 = arith.constant 0 : i32
    %dma_wait3A_261 = arith.constant 0 : i32
    %dma_wait3A_262 = tpu.memref_slice %arg9[%dma_wait3A_260, %dma_wait3A_261] : memref<512x32xf32, #tpu.memory_space<vmem>> -> memref<1x32xf32, #tpu.memory_space<vmem>>
    %dma_wait3A_263 = arith.constant 0 : i32
    %dma_wait3A_264 = arith.constant 0 : i32
    %dma_wait3A_265 = tpu.memref_slice %arg4[%dma_wait3A_263, %dma_wait3A_264] : memref<1000000x32xf32, #tpu.memory_space<hbm>> -> memref<1x32xf32, #tpu.memory_space<hbm>>
    %dma_wait3A_266 = arith.constant 0 : i32
    %dma_wait3A_267 = arith.constant 0 : i32
    %dma_wait3A_268 = tpu.memref_slice %arg9[%dma_wait3A_266, %dma_wait3A_267] : memref<512x32xf32, #tpu.memory_space<vmem>> -> memref<1x32xf32, #tpu.memory_space<vmem>>
    %dma_wait3A_269 = arith.constant 0 : i32
    %dma_wait3A_270 = arith.constant 0 : i32
    %dma_wait3A_271 = tpu.memref_slice %arg4[%dma_wait3A_269, %dma_wait3A_270] : memref<1000000x32xf32, #tpu.memory_space<hbm>> -> memref<1x32xf32, #tpu.memory_space<hbm>>
    tpu.wait_dma2 semaphore(%arg10 : memref<!tpu.dma_semaphore, #tpu.memory_space<semaphore_mem>>) src(%dma_wait3A_271 : memref<1x32xf32, #tpu.memory_space<hbm>>) dst(%dma_wait3A_268 : memref<1x32xf32, #tpu.memory_space<vmem>>)
    %dma_wait3A_272 = arith.constant 0 : i32
    %dma_wait3A_273 = arith.constant 0 : i32
    %dma_wait3A_274 = tpu.memref_slice %arg9[%dma_wait3A_272, %dma_wait3A_273] : memref<512x32xf32, #tpu.memory_space<vmem>> -> memref<1x32xf32, #tpu.memory_space<vmem>>
    %dma_wait3A_275 = arith.constant 0 : i32
    %dma_wait3A_276 = arith.constant 0 : i32
    %dma_wait3A_277 = tpu.memref_slice %arg4[%dma_wait3A_275, %dma_wait3A_276] : memref<1000000x32xf32, #tpu.memory_space<hbm>> -> memref<1x32xf32, #tpu.memory_space<hbm>>
    %dma_wait3A_278 = arith.constant 0 : i32
    %dma_wait3A_279 = arith.constant 0 : i32
    %dma_wait3A_280 = tpu.memref_slice %arg9[%dma_wait3A_278, %dma_wait3A_279] : memref<512x32xf32, #tpu.memory_space<vmem>> -> memref<1x32xf32, #tpu.memory_space<vmem>>
    %dma_wait3A_281 = arith.constant 0 : i32
    %dma_wait3A_282 = arith.constant 0 : i32
    %dma_wait3A_283 = tpu.memref_slice %arg4[%dma_wait3A_281, %dma_wait3A_282] : memref<1000000x32xf32, #tpu.memory_space<hbm>> -> memref<1x32xf32, #tpu.memory_space<hbm>>
    tpu.wait_dma2 semaphore(%arg10 : memref<!tpu.dma_semaphore, #tpu.memory_space<semaphore_mem>>) src(%dma_wait3A_283 : memref<1x32xf32, #tpu.memory_space<hbm>>) dst(%dma_wait3A_280 : memref<1x32xf32, #tpu.memory_space<vmem>>)
    %dma_wait3A_284 = arith.constant 0 : i32
    %dma_wait3A_285 = arith.constant 0 : i32
    %dma_wait3A_286 = tpu.memref_slice %arg9[%dma_wait3A_284, %dma_wait3A_285] : memref<512x32xf32, #tpu.memory_space<vmem>> -> memref<1x32xf32, #tpu.memory_space<vmem>>
    %dma_wait3A_287 = arith.constant 0 : i32
    %dma_wait3A_288 = arith.constant 0 : i32
    %dma_wait3A_289 = tpu.memref_slice %arg4[%dma_wait3A_287, %dma_wait3A_288] : memref<1000000x32xf32, #tpu.memory_space<hbm>> -> memref<1x32xf32, #tpu.memory_space<hbm>>
    %dma_wait3A_290 = arith.constant 0 : i32
    %dma_wait3A_291 = arith.constant 0 : i32
    %dma_wait3A_292 = tpu.memref_slice %arg9[%dma_wait3A_290, %dma_wait3A_291] : memref<512x32xf32, #tpu.memory_space<vmem>> -> memref<1x32xf32, #tpu.memory_space<vmem>>
    %dma_wait3A_293 = arith.constant 0 : i32
    %dma_wait3A_294 = arith.constant 0 : i32
    %dma_wait3A_295 = tpu.memref_slice %arg4[%dma_wait3A_293, %dma_wait3A_294] : memref<1000000x32xf32, #tpu.memory_space<hbm>> -> memref<1x32xf32, #tpu.memory_space<hbm>>
    tpu.wait_dma2 semaphore(%arg10 : memref<!tpu.dma_semaphore, #tpu.memory_space<semaphore_mem>>) src(%dma_wait3A_295 : memref<1x32xf32, #tpu.memory_space<hbm>>) dst(%dma_wait3A_292 : memref<1x32xf32, #tpu.memory_space<vmem>>)
    %dma_wait3A_296 = arith.constant 0 : i32
    %dma_wait3A_297 = arith.constant 0 : i32
    %dma_wait3A_298 = tpu.memref_slice %arg9[%dma_wait3A_296, %dma_wait3A_297] : memref<512x32xf32, #tpu.memory_space<vmem>> -> memref<1x32xf32, #tpu.memory_space<vmem>>
    %dma_wait3A_299 = arith.constant 0 : i32
    %dma_wait3A_300 = arith.constant 0 : i32
    %dma_wait3A_301 = tpu.memref_slice %arg4[%dma_wait3A_299, %dma_wait3A_300] : memref<1000000x32xf32, #tpu.memory_space<hbm>> -> memref<1x32xf32, #tpu.memory_space<hbm>>
    %dma_wait3A_302 = arith.constant 0 : i32
    %dma_wait3A_303 = arith.constant 0 : i32
    %dma_wait3A_304 = tpu.memref_slice %arg9[%dma_wait3A_302, %dma_wait3A_303] : memref<512x32xf32, #tpu.memory_space<vmem>> -> memref<1x32xf32, #tpu.memory_space<vmem>>
    %dma_wait3A_305 = arith.constant 0 : i32
    %dma_wait3A_306 = arith.constant 0 : i32
    %dma_wait3A_307 = tpu.memref_slice %arg4[%dma_wait3A_305, %dma_wait3A_306] : memref<1000000x32xf32, #tpu.memory_space<hbm>> -> memref<1x32xf32, #tpu.memory_space<hbm>>
    tpu.wait_dma2 semaphore(%arg10 : memref<!tpu.dma_semaphore, #tpu.memory_space<semaphore_mem>>) src(%dma_wait3A_307 : memref<1x32xf32, #tpu.memory_space<hbm>>) dst(%dma_wait3A_304 : memref<1x32xf32, #tpu.memory_space<vmem>>)
    %dma_wait3A_308 = arith.constant 0 : i32
    %dma_wait3A_309 = arith.constant 0 : i32
    %dma_wait3A_310 = tpu.memref_slice %arg9[%dma_wait3A_308, %dma_wait3A_309] : memref<512x32xf32, #tpu.memory_space<vmem>> -> memref<1x32xf32, #tpu.memory_space<vmem>>
    %dma_wait3A_311 = arith.constant 0 : i32
    %dma_wait3A_312 = arith.constant 0 : i32
    %dma_wait3A_313 = tpu.memref_slice %arg4[%dma_wait3A_311, %dma_wait3A_312] : memref<1000000x32xf32, #tpu.memory_space<hbm>> -> memref<1x32xf32, #tpu.memory_space<hbm>>
    %dma_wait3A_314 = arith.constant 0 : i32
    %dma_wait3A_315 = arith.constant 0 : i32
    %dma_wait3A_316 = tpu.memref_slice %arg9[%dma_wait3A_314, %dma_wait3A_315] : memref<512x32xf32, #tpu.memory_space<vmem>> -> memref<1x32xf32, #tpu.memory_space<vmem>>
    %dma_wait3A_317 = arith.constant 0 : i32
    %dma_wait3A_318 = arith.constant 0 : i32
    %dma_wait3A_319 = tpu.memref_slice %arg4[%dma_wait3A_317, %dma_wait3A_318] : memref<1000000x32xf32, #tpu.memory_space<hbm>> -> memref<1x32xf32, #tpu.memory_space<hbm>>
    tpu.wait_dma2 semaphore(%arg10 : memref<!tpu.dma_semaphore, #tpu.memory_space<semaphore_mem>>) src(%dma_wait3A_319 : memref<1x32xf32, #tpu.memory_space<hbm>>) dst(%dma_wait3A_316 : memref<1x32xf32, #tpu.memory_space<vmem>>)
    %dma_wait3A_320 = arith.constant 0 : i32
    %dma_wait3A_321 = arith.constant 0 : i32
    %dma_wait3A_322 = tpu.memref_slice %arg9[%dma_wait3A_320, %dma_wait3A_321] : memref<512x32xf32, #tpu.memory_space<vmem>> -> memref<1x32xf32, #tpu.memory_space<vmem>>
    %dma_wait3A_323 = arith.constant 0 : i32
    %dma_wait3A_324 = arith.constant 0 : i32
    %dma_wait3A_325 = tpu.memref_slice %arg4[%dma_wait3A_323, %dma_wait3A_324] : memref<1000000x32xf32, #tpu.memory_space<hbm>> -> memref<1x32xf32, #tpu.memory_space<hbm>>
    %dma_wait3A_326 = arith.constant 0 : i32
    %dma_wait3A_327 = arith.constant 0 : i32
    %dma_wait3A_328 = tpu.memref_slice %arg9[%dma_wait3A_326, %dma_wait3A_327] : memref<512x32xf32, #tpu.memory_space<vmem>> -> memref<1x32xf32, #tpu.memory_space<vmem>>
    %dma_wait3A_329 = arith.constant 0 : i32
    %dma_wait3A_330 = arith.constant 0 : i32
    %dma_wait3A_331 = tpu.memref_slice %arg4[%dma_wait3A_329, %dma_wait3A_330] : memref<1000000x32xf32, #tpu.memory_space<hbm>> -> memref<1x32xf32, #tpu.memory_space<hbm>>
    tpu.wait_dma2 semaphore(%arg10 : memref<!tpu.dma_semaphore, #tpu.memory_space<semaphore_mem>>) src(%dma_wait3A_331 : memref<1x32xf32, #tpu.memory_space<hbm>>) dst(%dma_wait3A_328 : memref<1x32xf32, #tpu.memory_space<vmem>>)
    %dma_wait3A_332 = arith.constant 0 : i32
    %dma_wait3A_333 = arith.constant 0 : i32
    %dma_wait3A_334 = tpu.memref_slice %arg9[%dma_wait3A_332, %dma_wait3A_333] : memref<512x32xf32, #tpu.memory_space<vmem>> -> memref<1x32xf32, #tpu.memory_space<vmem>>
    %dma_wait3A_335 = arith.constant 0 : i32
    %dma_wait3A_336 = arith.constant 0 : i32
    %dma_wait3A_337 = tpu.memref_slice %arg4[%dma_wait3A_335, %dma_wait3A_336] : memref<1000000x32xf32, #tpu.memory_space<hbm>> -> memref<1x32xf32, #tpu.memory_space<hbm>>
    %dma_wait3A_338 = arith.constant 0 : i32
    %dma_wait3A_339 = arith.constant 0 : i32
    %dma_wait3A_340 = tpu.memref_slice %arg9[%dma_wait3A_338, %dma_wait3A_339] : memref<512x32xf32, #tpu.memory_space<vmem>> -> memref<1x32xf32, #tpu.memory_space<vmem>>
    %dma_wait3A_341 = arith.constant 0 : i32
    %dma_wait3A_342 = arith.constant 0 : i32
    %dma_wait3A_343 = tpu.memref_slice %arg4[%dma_wait3A_341, %dma_wait3A_342] : memref<1000000x32xf32, #tpu.memory_space<hbm>> -> memref<1x32xf32, #tpu.memory_space<hbm>>
    tpu.wait_dma2 semaphore(%arg10 : memref<!tpu.dma_semaphore, #tpu.memory_space<semaphore_mem>>) src(%dma_wait3A_343 : memref<1x32xf32, #tpu.memory_space<hbm>>) dst(%dma_wait3A_340 : memref<1x32xf32, #tpu.memory_space<vmem>>)
    %dma_wait3A_344 = arith.constant 0 : i32
    %dma_wait3A_345 = arith.constant 0 : i32
    %dma_wait3A_346 = tpu.memref_slice %arg9[%dma_wait3A_344, %dma_wait3A_345] : memref<512x32xf32, #tpu.memory_space<vmem>> -> memref<1x32xf32, #tpu.memory_space<vmem>>
    %dma_wait3A_347 = arith.constant 0 : i32
    %dma_wait3A_348 = arith.constant 0 : i32
    %dma_wait3A_349 = tpu.memref_slice %arg4[%dma_wait3A_347, %dma_wait3A_348] : memref<1000000x32xf32, #tpu.memory_space<hbm>> -> memref<1x32xf32, #tpu.memory_space<hbm>>
    %dma_wait3A_350 = arith.constant 0 : i32
    %dma_wait3A_351 = arith.constant 0 : i32
    %dma_wait3A_352 = tpu.memref_slice %arg9[%dma_wait3A_350, %dma_wait3A_351] : memref<512x32xf32, #tpu.memory_space<vmem>> -> memref<1x32xf32, #tpu.memory_space<vmem>>
    %dma_wait3A_353 = arith.constant 0 : i32
    %dma_wait3A_354 = arith.constant 0 : i32
    %dma_wait3A_355 = tpu.memref_slice %arg4[%dma_wait3A_353, %dma_wait3A_354] : memref<1000000x32xf32, #tpu.memory_space<hbm>> -> memref<1x32xf32, #tpu.memory_space<hbm>>
    tpu.wait_dma2 semaphore(%arg10 : memref<!tpu.dma_semaphore, #tpu.memory_space<semaphore_mem>>) src(%dma_wait3A_355 : memref<1x32xf32, #tpu.memory_space<hbm>>) dst(%dma_wait3A_352 : memref<1x32xf32, #tpu.memory_space<vmem>>)
    %dma_wait3A_356 = arith.constant 0 : i32
    %dma_wait3A_357 = arith.constant 0 : i32
    %dma_wait3A_358 = tpu.memref_slice %arg9[%dma_wait3A_356, %dma_wait3A_357] : memref<512x32xf32, #tpu.memory_space<vmem>> -> memref<1x32xf32, #tpu.memory_space<vmem>>
    %dma_wait3A_359 = arith.constant 0 : i32
    %dma_wait3A_360 = arith.constant 0 : i32
    %dma_wait3A_361 = tpu.memref_slice %arg4[%dma_wait3A_359, %dma_wait3A_360] : memref<1000000x32xf32, #tpu.memory_space<hbm>> -> memref<1x32xf32, #tpu.memory_space<hbm>>
    %dma_wait3A_362 = arith.constant 0 : i32
    %dma_wait3A_363 = arith.constant 0 : i32
    %dma_wait3A_364 = tpu.memref_slice %arg9[%dma_wait3A_362, %dma_wait3A_363] : memref<512x32xf32, #tpu.memory_space<vmem>> -> memref<1x32xf32, #tpu.memory_space<vmem>>
    %dma_wait3A_365 = arith.constant 0 : i32
    %dma_wait3A_366 = arith.constant 0 : i32
    %dma_wait3A_367 = tpu.memref_slice %arg4[%dma_wait3A_365, %dma_wait3A_366] : memref<1000000x32xf32, #tpu.memory_space<hbm>> -> memref<1x32xf32, #tpu.memory_space<hbm>>
    tpu.wait_dma2 semaphore(%arg10 : memref<!tpu.dma_semaphore, #tpu.memory_space<semaphore_mem>>) src(%dma_wait3A_367 : memref<1x32xf32, #tpu.memory_space<hbm>>) dst(%dma_wait3A_364 : memref<1x32xf32, #tpu.memory_space<vmem>>)
    %dma_wait3A_368 = arith.constant 0 : i32
    %dma_wait3A_369 = arith.constant 0 : i32
    %dma_wait3A_370 = tpu.memref_slice %arg9[%dma_wait3A_368, %dma_wait3A_369] : memref<512x32xf32, #tpu.memory_space<vmem>> -> memref<1x32xf32, #tpu.memory_space<vmem>>
    %dma_wait3A_371 = arith.constant 0 : i32
    %dma_wait3A_372 = arith.constant 0 : i32
    %dma_wait3A_373 = tpu.memref_slice %arg4[%dma_wait3A_371, %dma_wait3A_372] : memref<1000000x32xf32, #tpu.memory_space<hbm>> -> memref<1x32xf32, #tpu.memory_space<hbm>>
    %dma_wait3A_374 = arith.constant 0 : i32
    %dma_wait3A_375 = arith.constant 0 : i32
    %dma_wait3A_376 = tpu.memref_slice %arg9[%dma_wait3A_374, %dma_wait3A_375] : memref<512x32xf32, #tpu.memory_space<vmem>> -> memref<1x32xf32, #tpu.memory_space<vmem>>
    %dma_wait3A_377 = arith.constant 0 : i32
    %dma_wait3A_378 = arith.constant 0 : i32
    %dma_wait3A_379 = tpu.memref_slice %arg4[%dma_wait3A_377, %dma_wait3A_378] : memref<1000000x32xf32, #tpu.memory_space<hbm>> -> memref<1x32xf32, #tpu.memory_space<hbm>>
    tpu.wait_dma2 semaphore(%arg10 : memref<!tpu.dma_semaphore, #tpu.memory_space<semaphore_mem>>) src(%dma_wait3A_379 : memref<1x32xf32, #tpu.memory_space<hbm>>) dst(%dma_wait3A_376 : memref<1x32xf32, #tpu.memory_space<vmem>>)
    %dma_wait3A_380 = arith.constant 0 : i32
    %dma_wait3A_381 = arith.constant 0 : i32
    %dma_wait3A_382 = tpu.memref_slice %arg9[%dma_wait3A_380, %dma_wait3A_381] : memref<512x32xf32, #tpu.memory_space<vmem>> -> memref<1x32xf32, #tpu.memory_space<vmem>>
    %dma_wait3A_383 = arith.constant 0 : i32
    %dma_wait3A_384 = arith.constant 0 : i32
    %dma_wait3A_385 = tpu.memref_slice %arg4[%dma_wait3A_383, %dma_wait3A_384] : memref<1000000x32xf32, #tpu.memory_space<hbm>> -> memref<1x32xf32, #tpu.memory_space<hbm>>
    %dma_wait3A_386 = arith.constant 0 : i32
    %dma_wait3A_387 = arith.constant 0 : i32
    %dma_wait3A_388 = tpu.memref_slice %arg9[%dma_wait3A_386, %dma_wait3A_387] : memref<512x32xf32, #tpu.memory_space<vmem>> -> memref<1x32xf32, #tpu.memory_space<vmem>>
    %dma_wait3A_389 = arith.constant 0 : i32
    %dma_wait3A_390 = arith.constant 0 : i32
    %dma_wait3A_391 = tpu.memref_slice %arg4[%dma_wait3A_389, %dma_wait3A_390] : memref<1000000x32xf32, #tpu.memory_space<hbm>> -> memref<1x32xf32, #tpu.memory_space<hbm>>
    tpu.wait_dma2 semaphore(%arg10 : memref<!tpu.dma_semaphore, #tpu.memory_space<semaphore_mem>>) src(%dma_wait3A_391 : memref<1x32xf32, #tpu.memory_space<hbm>>) dst(%dma_wait3A_388 : memref<1x32xf32, #tpu.memory_space<vmem>>)
    %dma_wait3A_392 = arith.constant 0 : i32
    %dma_wait3A_393 = arith.constant 0 : i32
    %dma_wait3A_394 = tpu.memref_slice %arg9[%dma_wait3A_392, %dma_wait3A_393] : memref<512x32xf32, #tpu.memory_space<vmem>> -> memref<1x32xf32, #tpu.memory_space<vmem>>
    %dma_wait3A_395 = arith.constant 0 : i32
    %dma_wait3A_396 = arith.constant 0 : i32
    %dma_wait3A_397 = tpu.memref_slice %arg4[%dma_wait3A_395, %dma_wait3A_396] : memref<1000000x32xf32, #tpu.memory_space<hbm>> -> memref<1x32xf32, #tpu.memory_space<hbm>>
    %dma_wait3A_398 = arith.constant 0 : i32
    %dma_wait3A_399 = arith.constant 0 : i32
    %dma_wait3A_400 = tpu.memref_slice %arg9[%dma_wait3A_398, %dma_wait3A_399] : memref<512x32xf32, #tpu.memory_space<vmem>> -> memref<1x32xf32, #tpu.memory_space<vmem>>
    %dma_wait3A_401 = arith.constant 0 : i32
    %dma_wait3A_402 = arith.constant 0 : i32
    %dma_wait3A_403 = tpu.memref_slice %arg4[%dma_wait3A_401, %dma_wait3A_402] : memref<1000000x32xf32, #tpu.memory_space<hbm>> -> memref<1x32xf32, #tpu.memory_space<hbm>>
    tpu.wait_dma2 semaphore(%arg10 : memref<!tpu.dma_semaphore, #tpu.memory_space<semaphore_mem>>) src(%dma_wait3A_403 : memref<1x32xf32, #tpu.memory_space<hbm>>) dst(%dma_wait3A_400 : memref<1x32xf32, #tpu.memory_space<vmem>>)
    %dma_wait3A_404 = arith.constant 0 : i32
    %dma_wait3A_405 = arith.constant 0 : i32
    %dma_wait3A_406 = tpu.memref_slice %arg9[%dma_wait3A_404, %dma_wait3A_405] : memref<512x32xf32, #tpu.memory_space<vmem>> -> memref<1x32xf32, #tpu.memory_space<vmem>>
    %dma_wait3A_407 = arith.constant 0 : i32
    %dma_wait3A_408 = arith.constant 0 : i32
    %dma_wait3A_409 = tpu.memref_slice %arg4[%dma_wait3A_407, %dma_wait3A_408] : memref<1000000x32xf32, #tpu.memory_space<hbm>> -> memref<1x32xf32, #tpu.memory_space<hbm>>
    %dma_wait3A_410 = arith.constant 0 : i32
    %dma_wait3A_411 = arith.constant 0 : i32
    %dma_wait3A_412 = tpu.memref_slice %arg9[%dma_wait3A_410, %dma_wait3A_411] : memref<512x32xf32, #tpu.memory_space<vmem>> -> memref<1x32xf32, #tpu.memory_space<vmem>>
    %dma_wait3A_413 = arith.constant 0 : i32
    %dma_wait3A_414 = arith.constant 0 : i32
    %dma_wait3A_415 = tpu.memref_slice %arg4[%dma_wait3A_413, %dma_wait3A_414] : memref<1000000x32xf32, #tpu.memory_space<hbm>> -> memref<1x32xf32, #tpu.memory_space<hbm>>
    tpu.wait_dma2 semaphore(%arg10 : memref<!tpu.dma_semaphore, #tpu.memory_space<semaphore_mem>>) src(%dma_wait3A_415 : memref<1x32xf32, #tpu.memory_space<hbm>>) dst(%dma_wait3A_412 : memref<1x32xf32, #tpu.memory_space<vmem>>)
    %dma_wait3A_416 = arith.constant 0 : i32
    %dma_wait3A_417 = arith.constant 0 : i32
    %dma_wait3A_418 = tpu.memref_slice %arg9[%dma_wait3A_416, %dma_wait3A_417] : memref<512x32xf32, #tpu.memory_space<vmem>> -> memref<1x32xf32, #tpu.memory_space<vmem>>
    %dma_wait3A_419 = arith.constant 0 : i32
    %dma_wait3A_420 = arith.constant 0 : i32
    %dma_wait3A_421 = tpu.memref_slice %arg4[%dma_wait3A_419, %dma_wait3A_420] : memref<1000000x32xf32, #tpu.memory_space<hbm>> -> memref<1x32xf32, #tpu.memory_space<hbm>>
    %dma_wait3A_422 = arith.constant 0 : i32
    %dma_wait3A_423 = arith.constant 0 : i32
    %dma_wait3A_424 = tpu.memref_slice %arg9[%dma_wait3A_422, %dma_wait3A_423] : memref<512x32xf32, #tpu.memory_space<vmem>> -> memref<1x32xf32, #tpu.memory_space<vmem>>
    %dma_wait3A_425 = arith.constant 0 : i32
    %dma_wait3A_426 = arith.constant 0 : i32
    %dma_wait3A_427 = tpu.memref_slice %arg4[%dma_wait3A_425, %dma_wait3A_426] : memref<1000000x32xf32, #tpu.memory_space<hbm>> -> memref<1x32xf32, #tpu.memory_space<hbm>>
    tpu.wait_dma2 semaphore(%arg10 : memref<!tpu.dma_semaphore, #tpu.memory_space<semaphore_mem>>) src(%dma_wait3A_427 : memref<1x32xf32, #tpu.memory_space<hbm>>) dst(%dma_wait3A_424 : memref<1x32xf32, #tpu.memory_space<vmem>>)
    %dma_wait3A_428 = arith.constant 0 : i32
    %dma_wait3A_429 = arith.constant 0 : i32
    %dma_wait3A_430 = tpu.memref_slice %arg9[%dma_wait3A_428, %dma_wait3A_429] : memref<512x32xf32, #tpu.memory_space<vmem>> -> memref<1x32xf32, #tpu.memory_space<vmem>>
    %dma_wait3A_431 = arith.constant 0 : i32
    %dma_wait3A_432 = arith.constant 0 : i32
    %dma_wait3A_433 = tpu.memref_slice %arg4[%dma_wait3A_431, %dma_wait3A_432] : memref<1000000x32xf32, #tpu.memory_space<hbm>> -> memref<1x32xf32, #tpu.memory_space<hbm>>
    %dma_wait3A_434 = arith.constant 0 : i32
    %dma_wait3A_435 = arith.constant 0 : i32
    %dma_wait3A_436 = tpu.memref_slice %arg9[%dma_wait3A_434, %dma_wait3A_435] : memref<512x32xf32, #tpu.memory_space<vmem>> -> memref<1x32xf32, #tpu.memory_space<vmem>>
    %dma_wait3A_437 = arith.constant 0 : i32
    %dma_wait3A_438 = arith.constant 0 : i32
    %dma_wait3A_439 = tpu.memref_slice %arg4[%dma_wait3A_437, %dma_wait3A_438] : memref<1000000x32xf32, #tpu.memory_space<hbm>> -> memref<1x32xf32, #tpu.memory_space<hbm>>
    tpu.wait_dma2 semaphore(%arg10 : memref<!tpu.dma_semaphore, #tpu.memory_space<semaphore_mem>>) src(%dma_wait3A_439 : memref<1x32xf32, #tpu.memory_space<hbm>>) dst(%dma_wait3A_436 : memref<1x32xf32, #tpu.memory_space<vmem>>)
    %dma_wait3A_440 = arith.constant 0 : i32
    %dma_wait3A_441 = arith.constant 0 : i32
    %dma_wait3A_442 = tpu.memref_slice %arg9[%dma_wait3A_440, %dma_wait3A_441] : memref<512x32xf32, #tpu.memory_space<vmem>> -> memref<1x32xf32, #tpu.memory_space<vmem>>
    %dma_wait3A_443 = arith.constant 0 : i32
    %dma_wait3A_444 = arith.constant 0 : i32
    %dma_wait3A_445 = tpu.memref_slice %arg4[%dma_wait3A_443, %dma_wait3A_444] : memref<1000000x32xf32, #tpu.memory_space<hbm>> -> memref<1x32xf32, #tpu.memory_space<hbm>>
    %dma_wait3A_446 = arith.constant 0 : i32
    %dma_wait3A_447 = arith.constant 0 : i32
    %dma_wait3A_448 = tpu.memref_slice %arg9[%dma_wait3A_446, %dma_wait3A_447] : memref<512x32xf32, #tpu.memory_space<vmem>> -> memref<1x32xf32, #tpu.memory_space<vmem>>
    %dma_wait3A_449 = arith.constant 0 : i32
    %dma_wait3A_450 = arith.constant 0 : i32
    %dma_wait3A_451 = tpu.memref_slice %arg4[%dma_wait3A_449, %dma_wait3A_450] : memref<1000000x32xf32, #tpu.memory_space<hbm>> -> memref<1x32xf32, #tpu.memory_space<hbm>>
    tpu.wait_dma2 semaphore(%arg10 : memref<!tpu.dma_semaphore, #tpu.memory_space<semaphore_mem>>) src(%dma_wait3A_451 : memref<1x32xf32, #tpu.memory_space<hbm>>) dst(%dma_wait3A_448 : memref<1x32xf32, #tpu.memory_space<vmem>>)
    %dma_wait3A_452 = arith.constant 0 : i32
    %dma_wait3A_453 = arith.constant 0 : i32
    %dma_wait3A_454 = tpu.memref_slice %arg9[%dma_wait3A_452, %dma_wait3A_453] : memref<512x32xf32, #tpu.memory_space<vmem>> -> memref<1x32xf32, #tpu.memory_space<vmem>>
    %dma_wait3A_455 = arith.constant 0 : i32
    %dma_wait3A_456 = arith.constant 0 : i32
    %dma_wait3A_457 = tpu.memref_slice %arg4[%dma_wait3A_455, %dma_wait3A_456] : memref<1000000x32xf32, #tpu.memory_space<hbm>> -> memref<1x32xf32, #tpu.memory_space<hbm>>
    %dma_wait3A_458 = arith.constant 0 : i32
    %dma_wait3A_459 = arith.constant 0 : i32
    %dma_wait3A_460 = tpu.memref_slice %arg9[%dma_wait3A_458, %dma_wait3A_459] : memref<512x32xf32, #tpu.memory_space<vmem>> -> memref<1x32xf32, #tpu.memory_space<vmem>>
    %dma_wait3A_461 = arith.constant 0 : i32
    %dma_wait3A_462 = arith.constant 0 : i32
    %dma_wait3A_463 = tpu.memref_slice %arg4[%dma_wait3A_461, %dma_wait3A_462] : memref<1000000x32xf32, #tpu.memory_space<hbm>> -> memref<1x32xf32, #tpu.memory_space<hbm>>
    tpu.wait_dma2 semaphore(%arg10 : memref<!tpu.dma_semaphore, #tpu.memory_space<semaphore_mem>>) src(%dma_wait3A_463 : memref<1x32xf32, #tpu.memory_space<hbm>>) dst(%dma_wait3A_460 : memref<1x32xf32, #tpu.memory_space<vmem>>)
    %dma_wait3A_464 = arith.constant 0 : i32
    %dma_wait3A_465 = arith.constant 0 : i32
    %dma_wait3A_466 = tpu.memref_slice %arg9[%dma_wait3A_464, %dma_wait3A_465] : memref<512x32xf32, #tpu.memory_space<vmem>> -> memref<1x32xf32, #tpu.memory_space<vmem>>
    %dma_wait3A_467 = arith.constant 0 : i32
    %dma_wait3A_468 = arith.constant 0 : i32
    %dma_wait3A_469 = tpu.memref_slice %arg4[%dma_wait3A_467, %dma_wait3A_468] : memref<1000000x32xf32, #tpu.memory_space<hbm>> -> memref<1x32xf32, #tpu.memory_space<hbm>>
    %dma_wait3A_470 = arith.constant 0 : i32
    %dma_wait3A_471 = arith.constant 0 : i32
    %dma_wait3A_472 = tpu.memref_slice %arg9[%dma_wait3A_470, %dma_wait3A_471] : memref<512x32xf32, #tpu.memory_space<vmem>> -> memref<1x32xf32, #tpu.memory_space<vmem>>
    %dma_wait3A_473 = arith.constant 0 : i32
    %dma_wait3A_474 = arith.constant 0 : i32
    %dma_wait3A_475 = tpu.memref_slice %arg4[%dma_wait3A_473, %dma_wait3A_474] : memref<1000000x32xf32, #tpu.memory_space<hbm>> -> memref<1x32xf32, #tpu.memory_space<hbm>>
    tpu.wait_dma2 semaphore(%arg10 : memref<!tpu.dma_semaphore, #tpu.memory_space<semaphore_mem>>) src(%dma_wait3A_475 : memref<1x32xf32, #tpu.memory_space<hbm>>) dst(%dma_wait3A_472 : memref<1x32xf32, #tpu.memory_space<vmem>>)
    %dma_wait3A_476 = arith.constant 0 : i32
    %dma_wait3A_477 = arith.constant 0 : i32
    %dma_wait3A_478 = tpu.memref_slice %arg9[%dma_wait3A_476, %dma_wait3A_477] : memref<512x32xf32, #tpu.memory_space<vmem>> -> memref<1x32xf32, #tpu.memory_space<vmem>>
    %dma_wait3A_479 = arith.constant 0 : i32
    %dma_wait3A_480 = arith.constant 0 : i32
    %dma_wait3A_481 = tpu.memref_slice %arg4[%dma_wait3A_479, %dma_wait3A_480] : memref<1000000x32xf32, #tpu.memory_space<hbm>> -> memref<1x32xf32, #tpu.memory_space<hbm>>
    %dma_wait3A_482 = arith.constant 0 : i32
    %dma_wait3A_483 = arith.constant 0 : i32
    %dma_wait3A_484 = tpu.memref_slice %arg9[%dma_wait3A_482, %dma_wait3A_483] : memref<512x32xf32, #tpu.memory_space<vmem>> -> memref<1x32xf32, #tpu.memory_space<vmem>>
    %dma_wait3A_485 = arith.constant 0 : i32
    %dma_wait3A_486 = arith.constant 0 : i32
    %dma_wait3A_487 = tpu.memref_slice %arg4[%dma_wait3A_485, %dma_wait3A_486] : memref<1000000x32xf32, #tpu.memory_space<hbm>> -> memref<1x32xf32, #tpu.memory_space<hbm>>
    tpu.wait_dma2 semaphore(%arg10 : memref<!tpu.dma_semaphore, #tpu.memory_space<semaphore_mem>>) src(%dma_wait3A_487 : memref<1x32xf32, #tpu.memory_space<hbm>>) dst(%dma_wait3A_484 : memref<1x32xf32, #tpu.memory_space<vmem>>)
    %dma_wait3A_488 = arith.constant 0 : i32
    %dma_wait3A_489 = arith.constant 0 : i32
    %dma_wait3A_490 = tpu.memref_slice %arg9[%dma_wait3A_488, %dma_wait3A_489] : memref<512x32xf32, #tpu.memory_space<vmem>> -> memref<1x32xf32, #tpu.memory_space<vmem>>
    %dma_wait3A_491 = arith.constant 0 : i32
    %dma_wait3A_492 = arith.constant 0 : i32
    %dma_wait3A_493 = tpu.memref_slice %arg4[%dma_wait3A_491, %dma_wait3A_492] : memref<1000000x32xf32, #tpu.memory_space<hbm>> -> memref<1x32xf32, #tpu.memory_space<hbm>>
    %dma_wait3A_494 = arith.constant 0 : i32
    %dma_wait3A_495 = arith.constant 0 : i32
    %dma_wait3A_496 = tpu.memref_slice %arg9[%dma_wait3A_494, %dma_wait3A_495] : memref<512x32xf32, #tpu.memory_space<vmem>> -> memref<1x32xf32, #tpu.memory_space<vmem>>
    %dma_wait3A_497 = arith.constant 0 : i32
    %dma_wait3A_498 = arith.constant 0 : i32
    %dma_wait3A_499 = tpu.memref_slice %arg4[%dma_wait3A_497, %dma_wait3A_498] : memref<1000000x32xf32, #tpu.memory_space<hbm>> -> memref<1x32xf32, #tpu.memory_space<hbm>>
    tpu.wait_dma2 semaphore(%arg10 : memref<!tpu.dma_semaphore, #tpu.memory_space<semaphore_mem>>) src(%dma_wait3A_499 : memref<1x32xf32, #tpu.memory_space<hbm>>) dst(%dma_wait3A_496 : memref<1x32xf32, #tpu.memory_space<vmem>>)
    %dma_wait3A_500 = arith.constant 0 : i32
    %dma_wait3A_501 = arith.constant 0 : i32
    %dma_wait3A_502 = tpu.memref_slice %arg9[%dma_wait3A_500, %dma_wait3A_501] : memref<512x32xf32, #tpu.memory_space<vmem>> -> memref<1x32xf32, #tpu.memory_space<vmem>>
    %dma_wait3A_503 = arith.constant 0 : i32
    %dma_wait3A_504 = arith.constant 0 : i32
    %dma_wait3A_505 = tpu.memref_slice %arg4[%dma_wait3A_503, %dma_wait3A_504] : memref<1000000x32xf32, #tpu.memory_space<hbm>> -> memref<1x32xf32, #tpu.memory_space<hbm>>
    %dma_wait3A_506 = arith.constant 0 : i32
    %dma_wait3A_507 = arith.constant 0 : i32
    %dma_wait3A_508 = tpu.memref_slice %arg9[%dma_wait3A_506, %dma_wait3A_507] : memref<512x32xf32, #tpu.memory_space<vmem>> -> memref<1x32xf32, #tpu.memory_space<vmem>>
    %dma_wait3A_509 = arith.constant 0 : i32
    %dma_wait3A_510 = arith.constant 0 : i32
    %dma_wait3A_511 = tpu.memref_slice %arg4[%dma_wait3A_509, %dma_wait3A_510] : memref<1000000x32xf32, #tpu.memory_space<hbm>> -> memref<1x32xf32, #tpu.memory_space<hbm>>
    tpu.wait_dma2 semaphore(%arg10 : memref<!tpu.dma_semaphore, #tpu.memory_space<semaphore_mem>>) src(%dma_wait3A_511 : memref<1x32xf32, #tpu.memory_space<hbm>>) dst(%dma_wait3A_508 : memref<1x32xf32, #tpu.memory_space<vmem>>)
    %dma_wait3A_512 = arith.constant 0 : i32
    %dma_wait3A_513 = arith.constant 0 : i32
    %dma_wait3A_514 = tpu.memref_slice %arg9[%dma_wait3A_512, %dma_wait3A_513] : memref<512x32xf32, #tpu.memory_space<vmem>> -> memref<1x32xf32, #tpu.memory_space<vmem>>
    %dma_wait3A_515 = arith.constant 0 : i32
    %dma_wait3A_516 = arith.constant 0 : i32
    %dma_wait3A_517 = tpu.memref_slice %arg4[%dma_wait3A_515, %dma_wait3A_516] : memref<1000000x32xf32, #tpu.memory_space<hbm>> -> memref<1x32xf32, #tpu.memory_space<hbm>>
    %dma_wait3A_518 = arith.constant 0 : i32
    %dma_wait3A_519 = arith.constant 0 : i32
    %dma_wait3A_520 = tpu.memref_slice %arg9[%dma_wait3A_518, %dma_wait3A_519] : memref<512x32xf32, #tpu.memory_space<vmem>> -> memref<1x32xf32, #tpu.memory_space<vmem>>
    %dma_wait3A_521 = arith.constant 0 : i32
    %dma_wait3A_522 = arith.constant 0 : i32
    %dma_wait3A_523 = tpu.memref_slice %arg4[%dma_wait3A_521, %dma_wait3A_522] : memref<1000000x32xf32, #tpu.memory_space<hbm>> -> memref<1x32xf32, #tpu.memory_space<hbm>>
    tpu.wait_dma2 semaphore(%arg10 : memref<!tpu.dma_semaphore, #tpu.memory_space<semaphore_mem>>) src(%dma_wait3A_523 : memref<1x32xf32, #tpu.memory_space<hbm>>) dst(%dma_wait3A_520 : memref<1x32xf32, #tpu.memory_space<vmem>>)
    %dma_wait3A_524 = arith.constant 0 : i32
    %dma_wait3A_525 = arith.constant 0 : i32
    %dma_wait3A_526 = tpu.memref_slice %arg9[%dma_wait3A_524, %dma_wait3A_525] : memref<512x32xf32, #tpu.memory_space<vmem>> -> memref<1x32xf32, #tpu.memory_space<vmem>>
    %dma_wait3A_527 = arith.constant 0 : i32
    %dma_wait3A_528 = arith.constant 0 : i32
    %dma_wait3A_529 = tpu.memref_slice %arg4[%dma_wait3A_527, %dma_wait3A_528] : memref<1000000x32xf32, #tpu.memory_space<hbm>> -> memref<1x32xf32, #tpu.memory_space<hbm>>
    %dma_wait3A_530 = arith.constant 0 : i32
    %dma_wait3A_531 = arith.constant 0 : i32
    %dma_wait3A_532 = tpu.memref_slice %arg9[%dma_wait3A_530, %dma_wait3A_531] : memref<512x32xf32, #tpu.memory_space<vmem>> -> memref<1x32xf32, #tpu.memory_space<vmem>>
    %dma_wait3A_533 = arith.constant 0 : i32
    %dma_wait3A_534 = arith.constant 0 : i32
    %dma_wait3A_535 = tpu.memref_slice %arg4[%dma_wait3A_533, %dma_wait3A_534] : memref<1000000x32xf32, #tpu.memory_space<hbm>> -> memref<1x32xf32, #tpu.memory_space<hbm>>
    tpu.wait_dma2 semaphore(%arg10 : memref<!tpu.dma_semaphore, #tpu.memory_space<semaphore_mem>>) src(%dma_wait3A_535 : memref<1x32xf32, #tpu.memory_space<hbm>>) dst(%dma_wait3A_532 : memref<1x32xf32, #tpu.memory_space<vmem>>)
    %dma_wait3A_536 = arith.constant 0 : i32
    %dma_wait3A_537 = arith.constant 0 : i32
    %dma_wait3A_538 = tpu.memref_slice %arg9[%dma_wait3A_536, %dma_wait3A_537] : memref<512x32xf32, #tpu.memory_space<vmem>> -> memref<1x32xf32, #tpu.memory_space<vmem>>
    %dma_wait3A_539 = arith.constant 0 : i32
    %dma_wait3A_540 = arith.constant 0 : i32
    %dma_wait3A_541 = tpu.memref_slice %arg4[%dma_wait3A_539, %dma_wait3A_540] : memref<1000000x32xf32, #tpu.memory_space<hbm>> -> memref<1x32xf32, #tpu.memory_space<hbm>>
    %dma_wait3A_542 = arith.constant 0 : i32
    %dma_wait3A_543 = arith.constant 0 : i32
    %dma_wait3A_544 = tpu.memref_slice %arg9[%dma_wait3A_542, %dma_wait3A_543] : memref<512x32xf32, #tpu.memory_space<vmem>> -> memref<1x32xf32, #tpu.memory_space<vmem>>
    %dma_wait3A_545 = arith.constant 0 : i32
    %dma_wait3A_546 = arith.constant 0 : i32
    %dma_wait3A_547 = tpu.memref_slice %arg4[%dma_wait3A_545, %dma_wait3A_546] : memref<1000000x32xf32, #tpu.memory_space<hbm>> -> memref<1x32xf32, #tpu.memory_space<hbm>>
    tpu.wait_dma2 semaphore(%arg10 : memref<!tpu.dma_semaphore, #tpu.memory_space<semaphore_mem>>) src(%dma_wait3A_547 : memref<1x32xf32, #tpu.memory_space<hbm>>) dst(%dma_wait3A_544 : memref<1x32xf32, #tpu.memory_space<vmem>>)
    %dma_wait3A_548 = arith.constant 0 : i32
    %dma_wait3A_549 = arith.constant 0 : i32
    %dma_wait3A_550 = tpu.memref_slice %arg9[%dma_wait3A_548, %dma_wait3A_549] : memref<512x32xf32, #tpu.memory_space<vmem>> -> memref<1x32xf32, #tpu.memory_space<vmem>>
    %dma_wait3A_551 = arith.constant 0 : i32
    %dma_wait3A_552 = arith.constant 0 : i32
    %dma_wait3A_553 = tpu.memref_slice %arg4[%dma_wait3A_551, %dma_wait3A_552] : memref<1000000x32xf32, #tpu.memory_space<hbm>> -> memref<1x32xf32, #tpu.memory_space<hbm>>
    %dma_wait3A_554 = arith.constant 0 : i32
    %dma_wait3A_555 = arith.constant 0 : i32
    %dma_wait3A_556 = tpu.memref_slice %arg9[%dma_wait3A_554, %dma_wait3A_555] : memref<512x32xf32, #tpu.memory_space<vmem>> -> memref<1x32xf32, #tpu.memory_space<vmem>>
    %dma_wait3A_557 = arith.constant 0 : i32
    %dma_wait3A_558 = arith.constant 0 : i32
    %dma_wait3A_559 = tpu.memref_slice %arg4[%dma_wait3A_557, %dma_wait3A_558] : memref<1000000x32xf32, #tpu.memory_space<hbm>> -> memref<1x32xf32, #tpu.memory_space<hbm>>
    tpu.wait_dma2 semaphore(%arg10 : memref<!tpu.dma_semaphore, #tpu.memory_space<semaphore_mem>>) src(%dma_wait3A_559 : memref<1x32xf32, #tpu.memory_space<hbm>>) dst(%dma_wait3A_556 : memref<1x32xf32, #tpu.memory_space<vmem>>)
    %dma_wait3A_560 = arith.constant 0 : i32
    %dma_wait3A_561 = arith.constant 0 : i32
    %dma_wait3A_562 = tpu.memref_slice %arg9[%dma_wait3A_560, %dma_wait3A_561] : memref<512x32xf32, #tpu.memory_space<vmem>> -> memref<1x32xf32, #tpu.memory_space<vmem>>
    %dma_wait3A_563 = arith.constant 0 : i32
    %dma_wait3A_564 = arith.constant 0 : i32
    %dma_wait3A_565 = tpu.memref_slice %arg4[%dma_wait3A_563, %dma_wait3A_564] : memref<1000000x32xf32, #tpu.memory_space<hbm>> -> memref<1x32xf32, #tpu.memory_space<hbm>>
    %dma_wait3A_566 = arith.constant 0 : i32
    %dma_wait3A_567 = arith.constant 0 : i32
    %dma_wait3A_568 = tpu.memref_slice %arg9[%dma_wait3A_566, %dma_wait3A_567] : memref<512x32xf32, #tpu.memory_space<vmem>> -> memref<1x32xf32, #tpu.memory_space<vmem>>
    %dma_wait3A_569 = arith.constant 0 : i32
    %dma_wait3A_570 = arith.constant 0 : i32
    %dma_wait3A_571 = tpu.memref_slice %arg4[%dma_wait3A_569, %dma_wait3A_570] : memref<1000000x32xf32, #tpu.memory_space<hbm>> -> memref<1x32xf32, #tpu.memory_space<hbm>>
    tpu.wait_dma2 semaphore(%arg10 : memref<!tpu.dma_semaphore, #tpu.memory_space<semaphore_mem>>) src(%dma_wait3A_571 : memref<1x32xf32, #tpu.memory_space<hbm>>) dst(%dma_wait3A_568 : memref<1x32xf32, #tpu.memory_space<vmem>>)
    %dma_wait3A_572 = arith.constant 0 : i32
    %dma_wait3A_573 = arith.constant 0 : i32
    %dma_wait3A_574 = tpu.memref_slice %arg9[%dma_wait3A_572, %dma_wait3A_573] : memref<512x32xf32, #tpu.memory_space<vmem>> -> memref<1x32xf32, #tpu.memory_space<vmem>>
    %dma_wait3A_575 = arith.constant 0 : i32
    %dma_wait3A_576 = arith.constant 0 : i32
    %dma_wait3A_577 = tpu.memref_slice %arg4[%dma_wait3A_575, %dma_wait3A_576] : memref<1000000x32xf32, #tpu.memory_space<hbm>> -> memref<1x32xf32, #tpu.memory_space<hbm>>
    %dma_wait3A_578 = arith.constant 0 : i32
    %dma_wait3A_579 = arith.constant 0 : i32
    %dma_wait3A_580 = tpu.memref_slice %arg9[%dma_wait3A_578, %dma_wait3A_579] : memref<512x32xf32, #tpu.memory_space<vmem>> -> memref<1x32xf32, #tpu.memory_space<vmem>>
    %dma_wait3A_581 = arith.constant 0 : i32
    %dma_wait3A_582 = arith.constant 0 : i32
    %dma_wait3A_583 = tpu.memref_slice %arg4[%dma_wait3A_581, %dma_wait3A_582] : memref<1000000x32xf32, #tpu.memory_space<hbm>> -> memref<1x32xf32, #tpu.memory_space<hbm>>
    tpu.wait_dma2 semaphore(%arg10 : memref<!tpu.dma_semaphore, #tpu.memory_space<semaphore_mem>>) src(%dma_wait3A_583 : memref<1x32xf32, #tpu.memory_space<hbm>>) dst(%dma_wait3A_580 : memref<1x32xf32, #tpu.memory_space<vmem>>)
    %dma_wait3A_584 = arith.constant 0 : i32
    %dma_wait3A_585 = arith.constant 0 : i32
    %dma_wait3A_586 = tpu.memref_slice %arg9[%dma_wait3A_584, %dma_wait3A_585] : memref<512x32xf32, #tpu.memory_space<vmem>> -> memref<1x32xf32, #tpu.memory_space<vmem>>
    %dma_wait3A_587 = arith.constant 0 : i32
    %dma_wait3A_588 = arith.constant 0 : i32
    %dma_wait3A_589 = tpu.memref_slice %arg4[%dma_wait3A_587, %dma_wait3A_588] : memref<1000000x32xf32, #tpu.memory_space<hbm>> -> memref<1x32xf32, #tpu.memory_space<hbm>>
    %dma_wait3A_590 = arith.constant 0 : i32
    %dma_wait3A_591 = arith.constant 0 : i32
    %dma_wait3A_592 = tpu.memref_slice %arg9[%dma_wait3A_590, %dma_wait3A_591] : memref<512x32xf32, #tpu.memory_space<vmem>> -> memref<1x32xf32, #tpu.memory_space<vmem>>
    %dma_wait3A_593 = arith.constant 0 : i32
    %dma_wait3A_594 = arith.constant 0 : i32
    %dma_wait3A_595 = tpu.memref_slice %arg4[%dma_wait3A_593, %dma_wait3A_594] : memref<1000000x32xf32, #tpu.memory_space<hbm>> -> memref<1x32xf32, #tpu.memory_space<hbm>>
    tpu.wait_dma2 semaphore(%arg10 : memref<!tpu.dma_semaphore, #tpu.memory_space<semaphore_mem>>) src(%dma_wait3A_595 : memref<1x32xf32, #tpu.memory_space<hbm>>) dst(%dma_wait3A_592 : memref<1x32xf32, #tpu.memory_space<vmem>>)
    %dma_wait3A_596 = arith.constant 0 : i32
    %dma_wait3A_597 = arith.constant 0 : i32
    %dma_wait3A_598 = tpu.memref_slice %arg9[%dma_wait3A_596, %dma_wait3A_597] : memref<512x32xf32, #tpu.memory_space<vmem>> -> memref<1x32xf32, #tpu.memory_space<vmem>>
    %dma_wait3A_599 = arith.constant 0 : i32
    %dma_wait3A_600 = arith.constant 0 : i32
    %dma_wait3A_601 = tpu.memref_slice %arg4[%dma_wait3A_599, %dma_wait3A_600] : memref<1000000x32xf32, #tpu.memory_space<hbm>> -> memref<1x32xf32, #tpu.memory_space<hbm>>
    %dma_wait3A_602 = arith.constant 0 : i32
    %dma_wait3A_603 = arith.constant 0 : i32
    %dma_wait3A_604 = tpu.memref_slice %arg9[%dma_wait3A_602, %dma_wait3A_603] : memref<512x32xf32, #tpu.memory_space<vmem>> -> memref<1x32xf32, #tpu.memory_space<vmem>>
    %dma_wait3A_605 = arith.constant 0 : i32
    %dma_wait3A_606 = arith.constant 0 : i32
    %dma_wait3A_607 = tpu.memref_slice %arg4[%dma_wait3A_605, %dma_wait3A_606] : memref<1000000x32xf32, #tpu.memory_space<hbm>> -> memref<1x32xf32, #tpu.memory_space<hbm>>
    tpu.wait_dma2 semaphore(%arg10 : memref<!tpu.dma_semaphore, #tpu.memory_space<semaphore_mem>>) src(%dma_wait3A_607 : memref<1x32xf32, #tpu.memory_space<hbm>>) dst(%dma_wait3A_604 : memref<1x32xf32, #tpu.memory_space<vmem>>)
    %dma_wait3A_608 = arith.constant 0 : i32
    %dma_wait3A_609 = arith.constant 0 : i32
    %dma_wait3A_610 = tpu.memref_slice %arg9[%dma_wait3A_608, %dma_wait3A_609] : memref<512x32xf32, #tpu.memory_space<vmem>> -> memref<1x32xf32, #tpu.memory_space<vmem>>
    %dma_wait3A_611 = arith.constant 0 : i32
    %dma_wait3A_612 = arith.constant 0 : i32
    %dma_wait3A_613 = tpu.memref_slice %arg4[%dma_wait3A_611, %dma_wait3A_612] : memref<1000000x32xf32, #tpu.memory_space<hbm>> -> memref<1x32xf32, #tpu.memory_space<hbm>>
    %dma_wait3A_614 = arith.constant 0 : i32
    %dma_wait3A_615 = arith.constant 0 : i32
    %dma_wait3A_616 = tpu.memref_slice %arg9[%dma_wait3A_614, %dma_wait3A_615] : memref<512x32xf32, #tpu.memory_space<vmem>> -> memref<1x32xf32, #tpu.memory_space<vmem>>
    %dma_wait3A_617 = arith.constant 0 : i32
    %dma_wait3A_618 = arith.constant 0 : i32
    %dma_wait3A_619 = tpu.memref_slice %arg4[%dma_wait3A_617, %dma_wait3A_618] : memref<1000000x32xf32, #tpu.memory_space<hbm>> -> memref<1x32xf32, #tpu.memory_space<hbm>>
    tpu.wait_dma2 semaphore(%arg10 : memref<!tpu.dma_semaphore, #tpu.memory_space<semaphore_mem>>) src(%dma_wait3A_619 : memref<1x32xf32, #tpu.memory_space<hbm>>) dst(%dma_wait3A_616 : memref<1x32xf32, #tpu.memory_space<vmem>>)
    %dma_wait3A_620 = arith.constant 0 : i32
    %dma_wait3A_621 = arith.constant 0 : i32
    %dma_wait3A_622 = tpu.memref_slice %arg9[%dma_wait3A_620, %dma_wait3A_621] : memref<512x32xf32, #tpu.memory_space<vmem>> -> memref<1x32xf32, #tpu.memory_space<vmem>>
    %dma_wait3A_623 = arith.constant 0 : i32
    %dma_wait3A_624 = arith.constant 0 : i32
    %dma_wait3A_625 = tpu.memref_slice %arg4[%dma_wait3A_623, %dma_wait3A_624] : memref<1000000x32xf32, #tpu.memory_space<hbm>> -> memref<1x32xf32, #tpu.memory_space<hbm>>
    %dma_wait3A_626 = arith.constant 0 : i32
    %dma_wait3A_627 = arith.constant 0 : i32
    %dma_wait3A_628 = tpu.memref_slice %arg9[%dma_wait3A_626, %dma_wait3A_627] : memref<512x32xf32, #tpu.memory_space<vmem>> -> memref<1x32xf32, #tpu.memory_space<vmem>>
    %dma_wait3A_629 = arith.constant 0 : i32
    %dma_wait3A_630 = arith.constant 0 : i32
    %dma_wait3A_631 = tpu.memref_slice %arg4[%dma_wait3A_629, %dma_wait3A_630] : memref<1000000x32xf32, #tpu.memory_space<hbm>> -> memref<1x32xf32, #tpu.memory_space<hbm>>
    tpu.wait_dma2 semaphore(%arg10 : memref<!tpu.dma_semaphore, #tpu.memory_space<semaphore_mem>>) src(%dma_wait3A_631 : memref<1x32xf32, #tpu.memory_space<hbm>>) dst(%dma_wait3A_628 : memref<1x32xf32, #tpu.memory_space<vmem>>)
    %dma_wait3A_632 = arith.constant 0 : i32
    %dma_wait3A_633 = arith.constant 0 : i32
    %dma_wait3A_634 = tpu.memref_slice %arg9[%dma_wait3A_632, %dma_wait3A_633] : memref<512x32xf32, #tpu.memory_space<vmem>> -> memref<1x32xf32, #tpu.memory_space<vmem>>
    %dma_wait3A_635 = arith.constant 0 : i32
    %dma_wait3A_636 = arith.constant 0 : i32
    %dma_wait3A_637 = tpu.memref_slice %arg4[%dma_wait3A_635, %dma_wait3A_636] : memref<1000000x32xf32, #tpu.memory_space<hbm>> -> memref<1x32xf32, #tpu.memory_space<hbm>>
    %dma_wait3A_638 = arith.constant 0 : i32
    %dma_wait3A_639 = arith.constant 0 : i32
    %dma_wait3A_640 = tpu.memref_slice %arg9[%dma_wait3A_638, %dma_wait3A_639] : memref<512x32xf32, #tpu.memory_space<vmem>> -> memref<1x32xf32, #tpu.memory_space<vmem>>
    %dma_wait3A_641 = arith.constant 0 : i32
    %dma_wait3A_642 = arith.constant 0 : i32
    %dma_wait3A_643 = tpu.memref_slice %arg4[%dma_wait3A_641, %dma_wait3A_642] : memref<1000000x32xf32, #tpu.memory_space<hbm>> -> memref<1x32xf32, #tpu.memory_space<hbm>>
    tpu.wait_dma2 semaphore(%arg10 : memref<!tpu.dma_semaphore, #tpu.memory_space<semaphore_mem>>) src(%dma_wait3A_643 : memref<1x32xf32, #tpu.memory_space<hbm>>) dst(%dma_wait3A_640 : memref<1x32xf32, #tpu.memory_space<vmem>>)
    %dma_wait3A_644 = arith.constant 0 : i32
    %dma_wait3A_645 = arith.constant 0 : i32
    %dma_wait3A_646 = tpu.memref_slice %arg9[%dma_wait3A_644, %dma_wait3A_645] : memref<512x32xf32, #tpu.memory_space<vmem>> -> memref<1x32xf32, #tpu.memory_space<vmem>>
    %dma_wait3A_647 = arith.constant 0 : i32
    %dma_wait3A_648 = arith.constant 0 : i32
    %dma_wait3A_649 = tpu.memref_slice %arg4[%dma_wait3A_647, %dma_wait3A_648] : memref<1000000x32xf32, #tpu.memory_space<hbm>> -> memref<1x32xf32, #tpu.memory_space<hbm>>
    %dma_wait3A_650 = arith.constant 0 : i32
    %dma_wait3A_651 = arith.constant 0 : i32
    %dma_wait3A_652 = tpu.memref_slice %arg9[%dma_wait3A_650, %dma_wait3A_651] : memref<512x32xf32, #tpu.memory_space<vmem>> -> memref<1x32xf32, #tpu.memory_space<vmem>>
    %dma_wait3A_653 = arith.constant 0 : i32
    %dma_wait3A_654 = arith.constant 0 : i32
    %dma_wait3A_655 = tpu.memref_slice %arg4[%dma_wait3A_653, %dma_wait3A_654] : memref<1000000x32xf32, #tpu.memory_space<hbm>> -> memref<1x32xf32, #tpu.memory_space<hbm>>
    tpu.wait_dma2 semaphore(%arg10 : memref<!tpu.dma_semaphore, #tpu.memory_space<semaphore_mem>>) src(%dma_wait3A_655 : memref<1x32xf32, #tpu.memory_space<hbm>>) dst(%dma_wait3A_652 : memref<1x32xf32, #tpu.memory_space<vmem>>)
    %dma_wait3A_656 = arith.constant 0 : i32
    %dma_wait3A_657 = arith.constant 0 : i32
    %dma_wait3A_658 = tpu.memref_slice %arg9[%dma_wait3A_656, %dma_wait3A_657] : memref<512x32xf32, #tpu.memory_space<vmem>> -> memref<1x32xf32, #tpu.memory_space<vmem>>
    %dma_wait3A_659 = arith.constant 0 : i32
    %dma_wait3A_660 = arith.constant 0 : i32
    %dma_wait3A_661 = tpu.memref_slice %arg4[%dma_wait3A_659, %dma_wait3A_660] : memref<1000000x32xf32, #tpu.memory_space<hbm>> -> memref<1x32xf32, #tpu.memory_space<hbm>>
    %dma_wait3A_662 = arith.constant 0 : i32
    %dma_wait3A_663 = arith.constant 0 : i32
    %dma_wait3A_664 = tpu.memref_slice %arg9[%dma_wait3A_662, %dma_wait3A_663] : memref<512x32xf32, #tpu.memory_space<vmem>> -> memref<1x32xf32, #tpu.memory_space<vmem>>
    %dma_wait3A_665 = arith.constant 0 : i32
    %dma_wait3A_666 = arith.constant 0 : i32
    %dma_wait3A_667 = tpu.memref_slice %arg4[%dma_wait3A_665, %dma_wait3A_666] : memref<1000000x32xf32, #tpu.memory_space<hbm>> -> memref<1x32xf32, #tpu.memory_space<hbm>>
    tpu.wait_dma2 semaphore(%arg10 : memref<!tpu.dma_semaphore, #tpu.memory_space<semaphore_mem>>) src(%dma_wait3A_667 : memref<1x32xf32, #tpu.memory_space<hbm>>) dst(%dma_wait3A_664 : memref<1x32xf32, #tpu.memory_space<vmem>>)
    %dma_wait3A_668 = arith.constant 0 : i32
    %dma_wait3A_669 = arith.constant 0 : i32
    %dma_wait3A_670 = tpu.memref_slice %arg9[%dma_wait3A_668, %dma_wait3A_669] : memref<512x32xf32, #tpu.memory_space<vmem>> -> memref<1x32xf32, #tpu.memory_space<vmem>>
    %dma_wait3A_671 = arith.constant 0 : i32
    %dma_wait3A_672 = arith.constant 0 : i32
    %dma_wait3A_673 = tpu.memref_slice %arg4[%dma_wait3A_671, %dma_wait3A_672] : memref<1000000x32xf32, #tpu.memory_space<hbm>> -> memref<1x32xf32, #tpu.memory_space<hbm>>
    %dma_wait3A_674 = arith.constant 0 : i32
    %dma_wait3A_675 = arith.constant 0 : i32
    %dma_wait3A_676 = tpu.memref_slice %arg9[%dma_wait3A_674, %dma_wait3A_675] : memref<512x32xf32, #tpu.memory_space<vmem>> -> memref<1x32xf32, #tpu.memory_space<vmem>>
    %dma_wait3A_677 = arith.constant 0 : i32
    %dma_wait3A_678 = arith.constant 0 : i32
    %dma_wait3A_679 = tpu.memref_slice %arg4[%dma_wait3A_677, %dma_wait3A_678] : memref<1000000x32xf32, #tpu.memory_space<hbm>> -> memref<1x32xf32, #tpu.memory_space<hbm>>
    tpu.wait_dma2 semaphore(%arg10 : memref<!tpu.dma_semaphore, #tpu.memory_space<semaphore_mem>>) src(%dma_wait3A_679 : memref<1x32xf32, #tpu.memory_space<hbm>>) dst(%dma_wait3A_676 : memref<1x32xf32, #tpu.memory_space<vmem>>)
    %dma_wait3A_680 = arith.constant 0 : i32
    %dma_wait3A_681 = arith.constant 0 : i32
    %dma_wait3A_682 = tpu.memref_slice %arg9[%dma_wait3A_680, %dma_wait3A_681] : memref<512x32xf32, #tpu.memory_space<vmem>> -> memref<1x32xf32, #tpu.memory_space<vmem>>
    %dma_wait3A_683 = arith.constant 0 : i32
    %dma_wait3A_684 = arith.constant 0 : i32
    %dma_wait3A_685 = tpu.memref_slice %arg4[%dma_wait3A_683, %dma_wait3A_684] : memref<1000000x32xf32, #tpu.memory_space<hbm>> -> memref<1x32xf32, #tpu.memory_space<hbm>>
    %dma_wait3A_686 = arith.constant 0 : i32
    %dma_wait3A_687 = arith.constant 0 : i32
    %dma_wait3A_688 = tpu.memref_slice %arg9[%dma_wait3A_686, %dma_wait3A_687] : memref<512x32xf32, #tpu.memory_space<vmem>> -> memref<1x32xf32, #tpu.memory_space<vmem>>
    %dma_wait3A_689 = arith.constant 0 : i32
    %dma_wait3A_690 = arith.constant 0 : i32
    %dma_wait3A_691 = tpu.memref_slice %arg4[%dma_wait3A_689, %dma_wait3A_690] : memref<1000000x32xf32, #tpu.memory_space<hbm>> -> memref<1x32xf32, #tpu.memory_space<hbm>>
    tpu.wait_dma2 semaphore(%arg10 : memref<!tpu.dma_semaphore, #tpu.memory_space<semaphore_mem>>) src(%dma_wait3A_691 : memref<1x32xf32, #tpu.memory_space<hbm>>) dst(%dma_wait3A_688 : memref<1x32xf32, #tpu.memory_space<vmem>>)
    %dma_wait3A_692 = arith.constant 0 : i32
    %dma_wait3A_693 = arith.constant 0 : i32
    %dma_wait3A_694 = tpu.memref_slice %arg9[%dma_wait3A_692, %dma_wait3A_693] : memref<512x32xf32, #tpu.memory_space<vmem>> -> memref<1x32xf32, #tpu.memory_space<vmem>>
    %dma_wait3A_695 = arith.constant 0 : i32
    %dma_wait3A_696 = arith.constant 0 : i32
    %dma_wait3A_697 = tpu.memref_slice %arg4[%dma_wait3A_695, %dma_wait3A_696] : memref<1000000x32xf32, #tpu.memory_space<hbm>> -> memref<1x32xf32, #tpu.memory_space<hbm>>
    %dma_wait3A_698 = arith.constant 0 : i32
    %dma_wait3A_699 = arith.constant 0 : i32
    %dma_wait3A_700 = tpu.memref_slice %arg9[%dma_wait3A_698, %dma_wait3A_699] : memref<512x32xf32, #tpu.memory_space<vmem>> -> memref<1x32xf32, #tpu.memory_space<vmem>>
    %dma_wait3A_701 = arith.constant 0 : i32
    %dma_wait3A_702 = arith.constant 0 : i32
    %dma_wait3A_703 = tpu.memref_slice %arg4[%dma_wait3A_701, %dma_wait3A_702] : memref<1000000x32xf32, #tpu.memory_space<hbm>> -> memref<1x32xf32, #tpu.memory_space<hbm>>
    tpu.wait_dma2 semaphore(%arg10 : memref<!tpu.dma_semaphore, #tpu.memory_space<semaphore_mem>>) src(%dma_wait3A_703 : memref<1x32xf32, #tpu.memory_space<hbm>>) dst(%dma_wait3A_700 : memref<1x32xf32, #tpu.memory_space<vmem>>)
    %dma_wait3A_704 = arith.constant 0 : i32
    %dma_wait3A_705 = arith.constant 0 : i32
    %dma_wait3A_706 = tpu.memref_slice %arg9[%dma_wait3A_704, %dma_wait3A_705] : memref<512x32xf32, #tpu.memory_space<vmem>> -> memref<1x32xf32, #tpu.memory_space<vmem>>
    %dma_wait3A_707 = arith.constant 0 : i32
    %dma_wait3A_708 = arith.constant 0 : i32
    %dma_wait3A_709 = tpu.memref_slice %arg4[%dma_wait3A_707, %dma_wait3A_708] : memref<1000000x32xf32, #tpu.memory_space<hbm>> -> memref<1x32xf32, #tpu.memory_space<hbm>>
    %dma_wait3A_710 = arith.constant 0 : i32
    %dma_wait3A_711 = arith.constant 0 : i32
    %dma_wait3A_712 = tpu.memref_slice %arg9[%dma_wait3A_710, %dma_wait3A_711] : memref<512x32xf32, #tpu.memory_space<vmem>> -> memref<1x32xf32, #tpu.memory_space<vmem>>
    %dma_wait3A_713 = arith.constant 0 : i32
    %dma_wait3A_714 = arith.constant 0 : i32
    %dma_wait3A_715 = tpu.memref_slice %arg4[%dma_wait3A_713, %dma_wait3A_714] : memref<1000000x32xf32, #tpu.memory_space<hbm>> -> memref<1x32xf32, #tpu.memory_space<hbm>>
    tpu.wait_dma2 semaphore(%arg10 : memref<!tpu.dma_semaphore, #tpu.memory_space<semaphore_mem>>) src(%dma_wait3A_715 : memref<1x32xf32, #tpu.memory_space<hbm>>) dst(%dma_wait3A_712 : memref<1x32xf32, #tpu.memory_space<vmem>>)
    %dma_wait3A_716 = arith.constant 0 : i32
    %dma_wait3A_717 = arith.constant 0 : i32
    %dma_wait3A_718 = tpu.memref_slice %arg9[%dma_wait3A_716, %dma_wait3A_717] : memref<512x32xf32, #tpu.memory_space<vmem>> -> memref<1x32xf32, #tpu.memory_space<vmem>>
    %dma_wait3A_719 = arith.constant 0 : i32
    %dma_wait3A_720 = arith.constant 0 : i32
    %dma_wait3A_721 = tpu.memref_slice %arg4[%dma_wait3A_719, %dma_wait3A_720] : memref<1000000x32xf32, #tpu.memory_space<hbm>> -> memref<1x32xf32, #tpu.memory_space<hbm>>
    %dma_wait3A_722 = arith.constant 0 : i32
    %dma_wait3A_723 = arith.constant 0 : i32
    %dma_wait3A_724 = tpu.memref_slice %arg9[%dma_wait3A_722, %dma_wait3A_723] : memref<512x32xf32, #tpu.memory_space<vmem>> -> memref<1x32xf32, #tpu.memory_space<vmem>>
    %dma_wait3A_725 = arith.constant 0 : i32
    %dma_wait3A_726 = arith.constant 0 : i32
    %dma_wait3A_727 = tpu.memref_slice %arg4[%dma_wait3A_725, %dma_wait3A_726] : memref<1000000x32xf32, #tpu.memory_space<hbm>> -> memref<1x32xf32, #tpu.memory_space<hbm>>
    tpu.wait_dma2 semaphore(%arg10 : memref<!tpu.dma_semaphore, #tpu.memory_space<semaphore_mem>>) src(%dma_wait3A_727 : memref<1x32xf32, #tpu.memory_space<hbm>>) dst(%dma_wait3A_724 : memref<1x32xf32, #tpu.memory_space<vmem>>)
    %dma_wait3A_728 = arith.constant 0 : i32
    %dma_wait3A_729 = arith.constant 0 : i32
    %dma_wait3A_730 = tpu.memref_slice %arg9[%dma_wait3A_728, %dma_wait3A_729] : memref<512x32xf32, #tpu.memory_space<vmem>> -> memref<1x32xf32, #tpu.memory_space<vmem>>
    %dma_wait3A_731 = arith.constant 0 : i32
    %dma_wait3A_732 = arith.constant 0 : i32
    %dma_wait3A_733 = tpu.memref_slice %arg4[%dma_wait3A_731, %dma_wait3A_732] : memref<1000000x32xf32, #tpu.memory_space<hbm>> -> memref<1x32xf32, #tpu.memory_space<hbm>>
    %dma_wait3A_734 = arith.constant 0 : i32
    %dma_wait3A_735 = arith.constant 0 : i32
    %dma_wait3A_736 = tpu.memref_slice %arg9[%dma_wait3A_734, %dma_wait3A_735] : memref<512x32xf32, #tpu.memory_space<vmem>> -> memref<1x32xf32, #tpu.memory_space<vmem>>
    %dma_wait3A_737 = arith.constant 0 : i32
    %dma_wait3A_738 = arith.constant 0 : i32
    %dma_wait3A_739 = tpu.memref_slice %arg4[%dma_wait3A_737, %dma_wait3A_738] : memref<1000000x32xf32, #tpu.memory_space<hbm>> -> memref<1x32xf32, #tpu.memory_space<hbm>>
    tpu.wait_dma2 semaphore(%arg10 : memref<!tpu.dma_semaphore, #tpu.memory_space<semaphore_mem>>) src(%dma_wait3A_739 : memref<1x32xf32, #tpu.memory_space<hbm>>) dst(%dma_wait3A_736 : memref<1x32xf32, #tpu.memory_space<vmem>>)
    %dma_wait3A_740 = arith.constant 0 : i32
    %dma_wait3A_741 = arith.constant 0 : i32
    %dma_wait3A_742 = tpu.memref_slice %arg9[%dma_wait3A_740, %dma_wait3A_741] : memref<512x32xf32, #tpu.memory_space<vmem>> -> memref<1x32xf32, #tpu.memory_space<vmem>>
    %dma_wait3A_743 = arith.constant 0 : i32
    %dma_wait3A_744 = arith.constant 0 : i32
    %dma_wait3A_745 = tpu.memref_slice %arg4[%dma_wait3A_743, %dma_wait3A_744] : memref<1000000x32xf32, #tpu.memory_space<hbm>> -> memref<1x32xf32, #tpu.memory_space<hbm>>
    %dma_wait3A_746 = arith.constant 0 : i32
    %dma_wait3A_747 = arith.constant 0 : i32
    %dma_wait3A_748 = tpu.memref_slice %arg9[%dma_wait3A_746, %dma_wait3A_747] : memref<512x32xf32, #tpu.memory_space<vmem>> -> memref<1x32xf32, #tpu.memory_space<vmem>>
    %dma_wait3A_749 = arith.constant 0 : i32
    %dma_wait3A_750 = arith.constant 0 : i32
    %dma_wait3A_751 = tpu.memref_slice %arg4[%dma_wait3A_749, %dma_wait3A_750] : memref<1000000x32xf32, #tpu.memory_space<hbm>> -> memref<1x32xf32, #tpu.memory_space<hbm>>
    tpu.wait_dma2 semaphore(%arg10 : memref<!tpu.dma_semaphore, #tpu.memory_space<semaphore_mem>>) src(%dma_wait3A_751 : memref<1x32xf32, #tpu.memory_space<hbm>>) dst(%dma_wait3A_748 : memref<1x32xf32, #tpu.memory_space<vmem>>)
    %dma_wait3A_752 = arith.constant 0 : i32
    %dma_wait3A_753 = arith.constant 0 : i32
    %dma_wait3A_754 = tpu.memref_slice %arg9[%dma_wait3A_752, %dma_wait3A_753] : memref<512x32xf32, #tpu.memory_space<vmem>> -> memref<1x32xf32, #tpu.memory_space<vmem>>
    %dma_wait3A_755 = arith.constant 0 : i32
    %dma_wait3A_756 = arith.constant 0 : i32
    %dma_wait3A_757 = tpu.memref_slice %arg4[%dma_wait3A_755, %dma_wait3A_756] : memref<1000000x32xf32, #tpu.memory_space<hbm>> -> memref<1x32xf32, #tpu.memory_space<hbm>>
    %dma_wait3A_758 = arith.constant 0 : i32
    %dma_wait3A_759 = arith.constant 0 : i32
    %dma_wait3A_760 = tpu.memref_slice %arg9[%dma_wait3A_758, %dma_wait3A_759] : memref<512x32xf32, #tpu.memory_space<vmem>> -> memref<1x32xf32, #tpu.memory_space<vmem>>
    %dma_wait3A_761 = arith.constant 0 : i32
    %dma_wait3A_762 = arith.constant 0 : i32
    %dma_wait3A_763 = tpu.memref_slice %arg4[%dma_wait3A_761, %dma_wait3A_762] : memref<1000000x32xf32, #tpu.memory_space<hbm>> -> memref<1x32xf32, #tpu.memory_space<hbm>>
    tpu.wait_dma2 semaphore(%arg10 : memref<!tpu.dma_semaphore, #tpu.memory_space<semaphore_mem>>) src(%dma_wait3A_763 : memref<1x32xf32, #tpu.memory_space<hbm>>) dst(%dma_wait3A_760 : memref<1x32xf32, #tpu.memory_space<vmem>>)
    %dma_wait3A_764 = arith.constant 0 : i32
    %dma_wait3A_765 = arith.constant 0 : i32
    %dma_wait3A_766 = tpu.memref_slice %arg9[%dma_wait3A_764, %dma_wait3A_765] : memref<512x32xf32, #tpu.memory_space<vmem>> -> memref<1x32xf32, #tpu.memory_space<vmem>>
    %dma_wait3A_767 = arith.constant 0 : i32
    %dma_wait3A_768 = arith.constant 0 : i32
    %dma_wait3A_769 = tpu.memref_slice %arg4[%dma_wait3A_767, %dma_wait3A_768] : memref<1000000x32xf32, #tpu.memory_space<hbm>> -> memref<1x32xf32, #tpu.memory_space<hbm>>
    %dma_wait3A_770 = arith.constant 0 : i32
    %dma_wait3A_771 = arith.constant 0 : i32
    %dma_wait3A_772 = tpu.memref_slice %arg9[%dma_wait3A_770, %dma_wait3A_771] : memref<512x32xf32, #tpu.memory_space<vmem>> -> memref<1x32xf32, #tpu.memory_space<vmem>>
    %dma_wait3A_773 = arith.constant 0 : i32
    %dma_wait3A_774 = arith.constant 0 : i32
    %dma_wait3A_775 = tpu.memref_slice %arg4[%dma_wait3A_773, %dma_wait3A_774] : memref<1000000x32xf32, #tpu.memory_space<hbm>> -> memref<1x32xf32, #tpu.memory_space<hbm>>
    tpu.wait_dma2 semaphore(%arg10 : memref<!tpu.dma_semaphore, #tpu.memory_space<semaphore_mem>>) src(%dma_wait3A_775 : memref<1x32xf32, #tpu.memory_space<hbm>>) dst(%dma_wait3A_772 : memref<1x32xf32, #tpu.memory_space<vmem>>)
    "tpu.region"() ({
      %run_scoped3A = tpu.sem_alloc : memref<!tpu.dma_semaphore, #tpu.memory_space<semaphore_mem>>
      %dma_start3A = arith.constant 0 : i32
      %dma_start3A_1553 = tpu.memref_slice %arg6[%mul3A_2, %dma_start3A] : memref<16384x32xf32, #tpu.memory_space<hbm>> -> memref<512x32xf32, #tpu.memory_space<hbm>>
      %dma_start3A_1554 = arith.constant 0 : i32
      %dma_start3A_1555 = tpu.memref_slice %arg6[%mul3A_2, %dma_start3A_1554] : memref<16384x32xf32, #tpu.memory_space<hbm>> -> memref<512x32xf32, #tpu.memory_space<hbm>>
      tpu.enqueue_dma source(%arg9 : memref<512x32xf32, #tpu.memory_space<vmem>>) target(%dma_start3A_1555 : memref<512x32xf32, #tpu.memory_space<hbm>>) target_semaphore(%run_scoped3A : memref<!tpu.dma_semaphore, #tpu.memory_space<semaphore_mem>>)
      %dma_wait3A_1556 = arith.constant 0 : i32
      %dma_wait3A_1557 = tpu.memref_slice %arg6[%mul3A_2, %dma_wait3A_1556] : memref<16384x32xf32, #tpu.memory_space<hbm>> -> memref<512x32xf32, #tpu.memory_space<hbm>>
      %dma_wait3A_1558 = arith.constant 0 : i32
      %dma_wait3A_1559 = tpu.memref_slice %arg6[%mul3A_2, %dma_wait3A_1558] : memref<16384x32xf32, #tpu.memory_space<hbm>> -> memref<512x32xf32, #tpu.memory_space<hbm>>
      tpu.wait_dma2 semaphore(%run_scoped3A : memref<!tpu.dma_semaphore, #tpu.memory_space<semaphore_mem>>) src(%arg9 : memref<512x32xf32, #tpu.memory_space<vmem>>) dst(%dma_wait3A_1559 : memref<512x32xf32, #tpu.memory_space<hbm>>)
      tpu.yield
    }) : () -> ()
    %mul3A_776 = arith.constant 512 : i32
    %mul3A_777 = arith.muli %add3A, %mul3A_776 : i32
    "tpu.region"() ({
      %run_scoped3A = tpu.sem_alloc : memref<!tpu.dma_semaphore, #tpu.memory_space<semaphore_mem>>
      %dma_start3A = tpu.memref_slice %arg3[%mul3A_777] : memref<16384xi32, #tpu.memory_space<hbm>> -> memref<512xi32, #tpu.memory_space<hbm>>
      %dma_start3A_1553 = tpu.memref_slice %arg3[%mul3A_777] : memref<16384xi32, #tpu.memory_space<hbm>> -> memref<512xi32, #tpu.memory_space<hbm>>
      tpu.enqueue_dma source(%dma_start3A_1553 : memref<512xi32, #tpu.memory_space<hbm>>) target(%arg8 : memref<512xi32, #tpu.memory_space<vmem>>) target_semaphore(%run_scoped3A : memref<!tpu.dma_semaphore, #tpu.memory_space<semaphore_mem>>)
      %dma_wait3A_1554 = tpu.memref_slice %arg3[%mul3A_777] : memref<16384xi32, #tpu.memory_space<hbm>> -> memref<512xi32, #tpu.memory_space<hbm>>
      %dma_wait3A_1555 = tpu.memref_slice %arg3[%mul3A_777] : memref<16384xi32, #tpu.memory_space<hbm>> -> memref<512xi32, #tpu.memory_space<hbm>>
      tpu.wait_dma2 semaphore(%run_scoped3A : memref<!tpu.dma_semaphore, #tpu.memory_space<semaphore_mem>>) src(%dma_wait3A_1555 : memref<512xi32, #tpu.memory_space<hbm>>) dst(%arg8 : memref<512xi32, #tpu.memory_space<vmem>>)
      tpu.yield
    }) : () -> ()
    %scan3A_778 = arith.constant 0 : i32
    %scan3A_779 = arith.constant 0 : i32
    %scan3A_780 = arith.constant 32 : i32
    %scan3A_781 = arith.addi %scan3A_779, %scan3A_780 : i32
    %scan3A_782 = arith.constant 1 : i32
    %scan3A_783 = scf.for %scan3A_1553 = %scan3A_779 to %scan3A_781 step %scan3A_782 iter_args(%scan3A_1554 = %scan3A_778) -> (i32)  : i32 {
      %mul3A_1555 = arith.constant 16 : i32
      %mul3A_1556 = arith.muli %scan3A_1553, %mul3A_1555 : i32
      %get3A = arith.index_cast %mul3A_1556 : i32 to index
      %get3A_1557 = tpu.vector_load %arg8[%get3A] {strides = array<i32>} : memref<512xi32, #tpu.memory_space<vmem>>, vector<16xi32>,
      %slice3A = vector.extract_strided_slice %get3A_1557 {offsets = [0], sizes = [1], strides = [1]} : vector<16xi32> to vector<1xi32>
      %squeeze3A = vector.extract %slice3A[0] : i32 from vector<1xi32>
      %mul3A_1558 = arith.constant 16 : i32
      %mul3A_1559 = arith.muli %scan3A_1553, %mul3A_1558 : i32
      %add3A_1560 = arith.constant 0 : i32
      %add3A_1561 = arith.addi %mul3A_1559, %add3A_1560 : i32
      %dma_start3A = arith.constant 0 : i32
      %dma_start3A_1562 = tpu.memref_slice %arg9[%add3A_1561, %dma_start3A] : memref<512x32xf32, #tpu.memory_space<vmem>> -> memref<1x32xf32, #tpu.memory_space<vmem>>
      %dma_start3A_1563 = arith.constant 0 : i32
      %dma_start3A_1564 = tpu.memref_slice %arg5[%squeeze3A, %dma_start3A_1563] : memref<1000000x32xf32, #tpu.memory_space<hbm>> -> memref<1x32xf32, #tpu.memory_space<hbm>>
      %dma_start3A_1565 = arith.constant 0 : i32
      %dma_start3A_1566 = tpu.memref_slice %arg9[%add3A_1561, %dma_start3A_1565] : memref<512x32xf32, #tpu.memory_space<vmem>> -> memref<1x32xf32, #tpu.memory_space<vmem>>
      %dma_start3A_1567 = arith.constant 0 : i32
      %dma_start3A_1568 = tpu.memref_slice %arg5[%squeeze3A, %dma_start3A_1567] : memref<1000000x32xf32, #tpu.memory_space<hbm>> -> memref<1x32xf32, #tpu.memory_space<hbm>>
      tpu.enqueue_dma source(%dma_start3A_1568 : memref<1x32xf32, #tpu.memory_space<hbm>>) target(%dma_start3A_1566 : memref<1x32xf32, #tpu.memory_space<vmem>>) target_semaphore(%arg10 : memref<!tpu.dma_semaphore, #tpu.memory_space<semaphore_mem>>)
      %slice3A_1569 = vector.extract_strided_slice %get3A_1557 {offsets = [1], sizes = [1], strides = [1]} : vector<16xi32> to vector<1xi32>
      %squeeze3A_1570 = vector.extract %slice3A_1569[0] : i32 from vector<1xi32>
      %mul3A_1571 = arith.constant 16 : i32
      %mul3A_1572 = arith.muli %scan3A_1553, %mul3A_1571 : i32
      %add3A_1573 = arith.constant 1 : i32
      %add3A_1574 = arith.addi %mul3A_1572, %add3A_1573 : i32
      %dma_start3A_1575 = arith.constant 0 : i32
      %dma_start3A_1576 = tpu.memref_slice %arg9[%add3A_1574, %dma_start3A_1575] : memref<512x32xf32, #tpu.memory_space<vmem>> -> memref<1x32xf32, #tpu.memory_space<vmem>>
      %dma_start3A_1577 = arith.constant 0 : i32
      %dma_start3A_1578 = tpu.memref_slice %arg5[%squeeze3A_1570, %dma_start3A_1577] : memref<1000000x32xf32, #tpu.memory_space<hbm>> -> memref<1x32xf32, #tpu.memory_space<hbm>>
      %dma_start3A_1579 = arith.constant 0 : i32
      %dma_start3A_1580 = tpu.memref_slice %arg9[%add3A_1574, %dma_start3A_1579] : memref<512x32xf32, #tpu.memory_space<vmem>> -> memref<1x32xf32, #tpu.memory_space<vmem>>
      %dma_start3A_1581 = arith.constant 0 : i32
      %dma_start3A_1582 = tpu.memref_slice %arg5[%squeeze3A_1570, %dma_start3A_1581] : memref<1000000x32xf32, #tpu.memory_space<hbm>> -> memref<1x32xf32, #tpu.memory_space<hbm>>
      tpu.enqueue_dma source(%dma_start3A_1582 : memref<1x32xf32, #tpu.memory_space<hbm>>) target(%dma_start3A_1580 : memref<1x32xf32, #tpu.memory_space<vmem>>) target_semaphore(%arg10 : memref<!tpu.dma_semaphore, #tpu.memory_space<semaphore_mem>>)
      %slice3A_1583 = vector.extract_strided_slice %get3A_1557 {offsets = [2], sizes = [1], strides = [1]} : vector<16xi32> to vector<1xi32>
      %squeeze3A_1584 = vector.extract %slice3A_1583[0] : i32 from vector<1xi32>
      %mul3A_1585 = arith.constant 16 : i32
      %mul3A_1586 = arith.muli %scan3A_1553, %mul3A_1585 : i32
      %add3A_1587 = arith.constant 2 : i32
      %add3A_1588 = arith.addi %mul3A_1586, %add3A_1587 : i32
      %dma_start3A_1589 = arith.constant 0 : i32
      %dma_start3A_1590 = tpu.memref_slice %arg9[%add3A_1588, %dma_start3A_1589] : memref<512x32xf32, #tpu.memory_space<vmem>> -> memref<1x32xf32, #tpu.memory_space<vmem>>
      %dma_start3A_1591 = arith.constant 0 : i32
      %dma_start3A_1592 = tpu.memref_slice %arg5[%squeeze3A_1584, %dma_start3A_1591] : memref<1000000x32xf32, #tpu.memory_space<hbm>> -> memref<1x32xf32, #tpu.memory_space<hbm>>
      %dma_start3A_1593 = arith.constant 0 : i32
      %dma_start3A_1594 = tpu.memref_slice %arg9[%add3A_1588, %dma_start3A_1593] : memref<512x32xf32, #tpu.memory_space<vmem>> -> memref<1x32xf32, #tpu.memory_space<vmem>>
      %dma_start3A_1595 = arith.constant 0 : i32
      %dma_start3A_1596 = tpu.memref_slice %arg5[%squeeze3A_1584, %dma_start3A_1595] : memref<1000000x32xf32, #tpu.memory_space<hbm>> -> memref<1x32xf32, #tpu.memory_space<hbm>>
      tpu.enqueue_dma source(%dma_start3A_1596 : memref<1x32xf32, #tpu.memory_space<hbm>>) target(%dma_start3A_1594 : memref<1x32xf32, #tpu.memory_space<vmem>>) target_semaphore(%arg10 : memref<!tpu.dma_semaphore, #tpu.memory_space<semaphore_mem>>)
      %slice3A_1597 = vector.extract_strided_slice %get3A_1557 {offsets = [3], sizes = [1], strides = [1]} : vector<16xi32> to vector<1xi32>
      %squeeze3A_1598 = vector.extract %slice3A_1597[0] : i32 from vector<1xi32>
      %mul3A_1599 = arith.constant 16 : i32
      %mul3A_1600 = arith.muli %scan3A_1553, %mul3A_1599 : i32
      %add3A_1601 = arith.constant 3 : i32
      %add3A_1602 = arith.addi %mul3A_1600, %add3A_1601 : i32
      %dma_start3A_1603 = arith.constant 0 : i32
      %dma_start3A_1604 = tpu.memref_slice %arg9[%add3A_1602, %dma_start3A_1603] : memref<512x32xf32, #tpu.memory_space<vmem>> -> memref<1x32xf32, #tpu.memory_space<vmem>>
      %dma_start3A_1605 = arith.constant 0 : i32
      %dma_start3A_1606 = tpu.memref_slice %arg5[%squeeze3A_1598, %dma_start3A_1605] : memref<1000000x32xf32, #tpu.memory_space<hbm>> -> memref<1x32xf32, #tpu.memory_space<hbm>>
      %dma_start3A_1607 = arith.constant 0 : i32
      %dma_start3A_1608 = tpu.memref_slice %arg9[%add3A_1602, %dma_start3A_1607] : memref<512x32xf32, #tpu.memory_space<vmem>> -> memref<1x32xf32, #tpu.memory_space<vmem>>
      %dma_start3A_1609 = arith.constant 0 : i32
      %dma_start3A_1610 = tpu.memref_slice %arg5[%squeeze3A_1598, %dma_start3A_1609] : memref<1000000x32xf32, #tpu.memory_space<hbm>> -> memref<1x32xf32, #tpu.memory_space<hbm>>
      tpu.enqueue_dma source(%dma_start3A_1610 : memref<1x32xf32, #tpu.memory_space<hbm>>) target(%dma_start3A_1608 : memref<1x32xf32, #tpu.memory_space<vmem>>) target_semaphore(%arg10 : memref<!tpu.dma_semaphore, #tpu.memory_space<semaphore_mem>>)
      %slice3A_1611 = vector.extract_strided_slice %get3A_1557 {offsets = [4], sizes = [1], strides = [1]} : vector<16xi32> to vector<1xi32>
      %squeeze3A_1612 = vector.extract %slice3A_1611[0] : i32 from vector<1xi32>
      %mul3A_1613 = arith.constant 16 : i32
      %mul3A_1614 = arith.muli %scan3A_1553, %mul3A_1613 : i32
      %add3A_1615 = arith.constant 4 : i32
      %add3A_1616 = arith.addi %mul3A_1614, %add3A_1615 : i32
      %dma_start3A_1617 = arith.constant 0 : i32
      %dma_start3A_1618 = tpu.memref_slice %arg9[%add3A_1616, %dma_start3A_1617] : memref<512x32xf32, #tpu.memory_space<vmem>> -> memref<1x32xf32, #tpu.memory_space<vmem>>
      %dma_start3A_1619 = arith.constant 0 : i32
      %dma_start3A_1620 = tpu.memref_slice %arg5[%squeeze3A_1612, %dma_start3A_1619] : memref<1000000x32xf32, #tpu.memory_space<hbm>> -> memref<1x32xf32, #tpu.memory_space<hbm>>
      %dma_start3A_1621 = arith.constant 0 : i32
      %dma_start3A_1622 = tpu.memref_slice %arg9[%add3A_1616, %dma_start3A_1621] : memref<512x32xf32, #tpu.memory_space<vmem>> -> memref<1x32xf32, #tpu.memory_space<vmem>>
      %dma_start3A_1623 = arith.constant 0 : i32
      %dma_start3A_1624 = tpu.memref_slice %arg5[%squeeze3A_1612, %dma_start3A_1623] : memref<1000000x32xf32, #tpu.memory_space<hbm>> -> memref<1x32xf32, #tpu.memory_space<hbm>>
      tpu.enqueue_dma source(%dma_start3A_1624 : memref<1x32xf32, #tpu.memory_space<hbm>>) target(%dma_start3A_1622 : memref<1x32xf32, #tpu.memory_space<vmem>>) target_semaphore(%arg10 : memref<!tpu.dma_semaphore, #tpu.memory_space<semaphore_mem>>)
      %slice3A_1625 = vector.extract_strided_slice %get3A_1557 {offsets = [5], sizes = [1], strides = [1]} : vector<16xi32> to vector<1xi32>
      %squeeze3A_1626 = vector.extract %slice3A_1625[0] : i32 from vector<1xi32>
      %mul3A_1627 = arith.constant 16 : i32
      %mul3A_1628 = arith.muli %scan3A_1553, %mul3A_1627 : i32
      %add3A_1629 = arith.constant 5 : i32
      %add3A_1630 = arith.addi %mul3A_1628, %add3A_1629 : i32
      %dma_start3A_1631 = arith.constant 0 : i32
      %dma_start3A_1632 = tpu.memref_slice %arg9[%add3A_1630, %dma_start3A_1631] : memref<512x32xf32, #tpu.memory_space<vmem>> -> memref<1x32xf32, #tpu.memory_space<vmem>>
      %dma_start3A_1633 = arith.constant 0 : i32
      %dma_start3A_1634 = tpu.memref_slice %arg5[%squeeze3A_1626, %dma_start3A_1633] : memref<1000000x32xf32, #tpu.memory_space<hbm>> -> memref<1x32xf32, #tpu.memory_space<hbm>>
      %dma_start3A_1635 = arith.constant 0 : i32
      %dma_start3A_1636 = tpu.memref_slice %arg9[%add3A_1630, %dma_start3A_1635] : memref<512x32xf32, #tpu.memory_space<vmem>> -> memref<1x32xf32, #tpu.memory_space<vmem>>
      %dma_start3A_1637 = arith.constant 0 : i32
      %dma_start3A_1638 = tpu.memref_slice %arg5[%squeeze3A_1626, %dma_start3A_1637] : memref<1000000x32xf32, #tpu.memory_space<hbm>> -> memref<1x32xf32, #tpu.memory_space<hbm>>
      tpu.enqueue_dma source(%dma_start3A_1638 : memref<1x32xf32, #tpu.memory_space<hbm>>) target(%dma_start3A_1636 : memref<1x32xf32, #tpu.memory_space<vmem>>) target_semaphore(%arg10 : memref<!tpu.dma_semaphore, #tpu.memory_space<semaphore_mem>>)
      %slice3A_1639 = vector.extract_strided_slice %get3A_1557 {offsets = [6], sizes = [1], strides = [1]} : vector<16xi32> to vector<1xi32>
      %squeeze3A_1640 = vector.extract %slice3A_1639[0] : i32 from vector<1xi32>
      %mul3A_1641 = arith.constant 16 : i32
      %mul3A_1642 = arith.muli %scan3A_1553, %mul3A_1641 : i32
      %add3A_1643 = arith.constant 6 : i32
      %add3A_1644 = arith.addi %mul3A_1642, %add3A_1643 : i32
      %dma_start3A_1645 = arith.constant 0 : i32
      %dma_start3A_1646 = tpu.memref_slice %arg9[%add3A_1644, %dma_start3A_1645] : memref<512x32xf32, #tpu.memory_space<vmem>> -> memref<1x32xf32, #tpu.memory_space<vmem>>
      %dma_start3A_1647 = arith.constant 0 : i32
      %dma_start3A_1648 = tpu.memref_slice %arg5[%squeeze3A_1640, %dma_start3A_1647] : memref<1000000x32xf32, #tpu.memory_space<hbm>> -> memref<1x32xf32, #tpu.memory_space<hbm>>
      %dma_start3A_1649 = arith.constant 0 : i32
      %dma_start3A_1650 = tpu.memref_slice %arg9[%add3A_1644, %dma_start3A_1649] : memref<512x32xf32, #tpu.memory_space<vmem>> -> memref<1x32xf32, #tpu.memory_space<vmem>>
      %dma_start3A_1651 = arith.constant 0 : i32
      %dma_start3A_1652 = tpu.memref_slice %arg5[%squeeze3A_1640, %dma_start3A_1651] : memref<1000000x32xf32, #tpu.memory_space<hbm>> -> memref<1x32xf32, #tpu.memory_space<hbm>>
      tpu.enqueue_dma source(%dma_start3A_1652 : memref<1x32xf32, #tpu.memory_space<hbm>>) target(%dma_start3A_1650 : memref<1x32xf32, #tpu.memory_space<vmem>>) target_semaphore(%arg10 : memref<!tpu.dma_semaphore, #tpu.memory_space<semaphore_mem>>)
      %slice3A_1653 = vector.extract_strided_slice %get3A_1557 {offsets = [7], sizes = [1], strides = [1]} : vector<16xi32> to vector<1xi32>
      %squeeze3A_1654 = vector.extract %slice3A_1653[0] : i32 from vector<1xi32>
      %mul3A_1655 = arith.constant 16 : i32
      %mul3A_1656 = arith.muli %scan3A_1553, %mul3A_1655 : i32
      %add3A_1657 = arith.constant 7 : i32
      %add3A_1658 = arith.addi %mul3A_1656, %add3A_1657 : i32
      %dma_start3A_1659 = arith.constant 0 : i32
      %dma_start3A_1660 = tpu.memref_slice %arg9[%add3A_1658, %dma_start3A_1659] : memref<512x32xf32, #tpu.memory_space<vmem>> -> memref<1x32xf32, #tpu.memory_space<vmem>>
      %dma_start3A_1661 = arith.constant 0 : i32
      %dma_start3A_1662 = tpu.memref_slice %arg5[%squeeze3A_1654, %dma_start3A_1661] : memref<1000000x32xf32, #tpu.memory_space<hbm>> -> memref<1x32xf32, #tpu.memory_space<hbm>>
      %dma_start3A_1663 = arith.constant 0 : i32
      %dma_start3A_1664 = tpu.memref_slice %arg9[%add3A_1658, %dma_start3A_1663] : memref<512x32xf32, #tpu.memory_space<vmem>> -> memref<1x32xf32, #tpu.memory_space<vmem>>
      %dma_start3A_1665 = arith.constant 0 : i32
      %dma_start3A_1666 = tpu.memref_slice %arg5[%squeeze3A_1654, %dma_start3A_1665] : memref<1000000x32xf32, #tpu.memory_space<hbm>> -> memref<1x32xf32, #tpu.memory_space<hbm>>
      tpu.enqueue_dma source(%dma_start3A_1666 : memref<1x32xf32, #tpu.memory_space<hbm>>) target(%dma_start3A_1664 : memref<1x32xf32, #tpu.memory_space<vmem>>) target_semaphore(%arg10 : memref<!tpu.dma_semaphore, #tpu.memory_space<semaphore_mem>>)
      %slice3A_1667 = vector.extract_strided_slice %get3A_1557 {offsets = [8], sizes = [1], strides = [1]} : vector<16xi32> to vector<1xi32>
      %squeeze3A_1668 = vector.extract %slice3A_1667[0] : i32 from vector<1xi32>
      %mul3A_1669 = arith.constant 16 : i32
      %mul3A_1670 = arith.muli %scan3A_1553, %mul3A_1669 : i32
      %add3A_1671 = arith.constant 8 : i32
      %add3A_1672 = arith.addi %mul3A_1670, %add3A_1671 : i32
      %dma_start3A_1673 = arith.constant 0 : i32
      %dma_start3A_1674 = tpu.memref_slice %arg9[%add3A_1672, %dma_start3A_1673] : memref<512x32xf32, #tpu.memory_space<vmem>> -> memref<1x32xf32, #tpu.memory_space<vmem>>
      %dma_start3A_1675 = arith.constant 0 : i32
      %dma_start3A_1676 = tpu.memref_slice %arg5[%squeeze3A_1668, %dma_start3A_1675] : memref<1000000x32xf32, #tpu.memory_space<hbm>> -> memref<1x32xf32, #tpu.memory_space<hbm>>
      %dma_start3A_1677 = arith.constant 0 : i32
      %dma_start3A_1678 = tpu.memref_slice %arg9[%add3A_1672, %dma_start3A_1677] : memref<512x32xf32, #tpu.memory_space<vmem>> -> memref<1x32xf32, #tpu.memory_space<vmem>>
      %dma_start3A_1679 = arith.constant 0 : i32
      %dma_start3A_1680 = tpu.memref_slice %arg5[%squeeze3A_1668, %dma_start3A_1679] : memref<1000000x32xf32, #tpu.memory_space<hbm>> -> memref<1x32xf32, #tpu.memory_space<hbm>>
      tpu.enqueue_dma source(%dma_start3A_1680 : memref<1x32xf32, #tpu.memory_space<hbm>>) target(%dma_start3A_1678 : memref<1x32xf32, #tpu.memory_space<vmem>>) target_semaphore(%arg10 : memref<!tpu.dma_semaphore, #tpu.memory_space<semaphore_mem>>)
      %slice3A_1681 = vector.extract_strided_slice %get3A_1557 {offsets = [9], sizes = [1], strides = [1]} : vector<16xi32> to vector<1xi32>
      %squeeze3A_1682 = vector.extract %slice3A_1681[0] : i32 from vector<1xi32>
      %mul3A_1683 = arith.constant 16 : i32
      %mul3A_1684 = arith.muli %scan3A_1553, %mul3A_1683 : i32
      %add3A_1685 = arith.constant 9 : i32
      %add3A_1686 = arith.addi %mul3A_1684, %add3A_1685 : i32
      %dma_start3A_1687 = arith.constant 0 : i32
      %dma_start3A_1688 = tpu.memref_slice %arg9[%add3A_1686, %dma_start3A_1687] : memref<512x32xf32, #tpu.memory_space<vmem>> -> memref<1x32xf32, #tpu.memory_space<vmem>>
      %dma_start3A_1689 = arith.constant 0 : i32
      %dma_start3A_1690 = tpu.memref_slice %arg5[%squeeze3A_1682, %dma_start3A_1689] : memref<1000000x32xf32, #tpu.memory_space<hbm>> -> memref<1x32xf32, #tpu.memory_space<hbm>>
      %dma_start3A_1691 = arith.constant 0 : i32
      %dma_start3A_1692 = tpu.memref_slice %arg9[%add3A_1686, %dma_start3A_1691] : memref<512x32xf32, #tpu.memory_space<vmem>> -> memref<1x32xf32, #tpu.memory_space<vmem>>
      %dma_start3A_1693 = arith.constant 0 : i32
      %dma_start3A_1694 = tpu.memref_slice %arg5[%squeeze3A_1682, %dma_start3A_1693] : memref<1000000x32xf32, #tpu.memory_space<hbm>> -> memref<1x32xf32, #tpu.memory_space<hbm>>
      tpu.enqueue_dma source(%dma_start3A_1694 : memref<1x32xf32, #tpu.memory_space<hbm>>) target(%dma_start3A_1692 : memref<1x32xf32, #tpu.memory_space<vmem>>) target_semaphore(%arg10 : memref<!tpu.dma_semaphore, #tpu.memory_space<semaphore_mem>>)
      %slice3A_1695 = vector.extract_strided_slice %get3A_1557 {offsets = [10], sizes = [1], strides = [1]} : vector<16xi32> to vector<1xi32>
      %squeeze3A_1696 = vector.extract %slice3A_1695[0] : i32 from vector<1xi32>
      %mul3A_1697 = arith.constant 16 : i32
      %mul3A_1698 = arith.muli %scan3A_1553, %mul3A_1697 : i32
      %add3A_1699 = arith.constant 10 : i32
      %add3A_1700 = arith.addi %mul3A_1698, %add3A_1699 : i32
      %dma_start3A_1701 = arith.constant 0 : i32
      %dma_start3A_1702 = tpu.memref_slice %arg9[%add3A_1700, %dma_start3A_1701] : memref<512x32xf32, #tpu.memory_space<vmem>> -> memref<1x32xf32, #tpu.memory_space<vmem>>
      %dma_start3A_1703 = arith.constant 0 : i32
      %dma_start3A_1704 = tpu.memref_slice %arg5[%squeeze3A_1696, %dma_start3A_1703] : memref<1000000x32xf32, #tpu.memory_space<hbm>> -> memref<1x32xf32, #tpu.memory_space<hbm>>
      %dma_start3A_1705 = arith.constant 0 : i32
      %dma_start3A_1706 = tpu.memref_slice %arg9[%add3A_1700, %dma_start3A_1705] : memref<512x32xf32, #tpu.memory_space<vmem>> -> memref<1x32xf32, #tpu.memory_space<vmem>>
      %dma_start3A_1707 = arith.constant 0 : i32
      %dma_start3A_1708 = tpu.memref_slice %arg5[%squeeze3A_1696, %dma_start3A_1707] : memref<1000000x32xf32, #tpu.memory_space<hbm>> -> memref<1x32xf32, #tpu.memory_space<hbm>>
      tpu.enqueue_dma source(%dma_start3A_1708 : memref<1x32xf32, #tpu.memory_space<hbm>>) target(%dma_start3A_1706 : memref<1x32xf32, #tpu.memory_space<vmem>>) target_semaphore(%arg10 : memref<!tpu.dma_semaphore, #tpu.memory_space<semaphore_mem>>)
      %slice3A_1709 = vector.extract_strided_slice %get3A_1557 {offsets = [11], sizes = [1], strides = [1]} : vector<16xi32> to vector<1xi32>
      %squeeze3A_1710 = vector.extract %slice3A_1709[0] : i32 from vector<1xi32>
      %mul3A_1711 = arith.constant 16 : i32
      %mul3A_1712 = arith.muli %scan3A_1553, %mul3A_1711 : i32
      %add3A_1713 = arith.constant 11 : i32
      %add3A_1714 = arith.addi %mul3A_1712, %add3A_1713 : i32
      %dma_start3A_1715 = arith.constant 0 : i32
      %dma_start3A_1716 = tpu.memref_slice %arg9[%add3A_1714, %dma_start3A_1715] : memref<512x32xf32, #tpu.memory_space<vmem>> -> memref<1x32xf32, #tpu.memory_space<vmem>>
      %dma_start3A_1717 = arith.constant 0 : i32
      %dma_start3A_1718 = tpu.memref_slice %arg5[%squeeze3A_1710, %dma_start3A_1717] : memref<1000000x32xf32, #tpu.memory_space<hbm>> -> memref<1x32xf32, #tpu.memory_space<hbm>>
      %dma_start3A_1719 = arith.constant 0 : i32
      %dma_start3A_1720 = tpu.memref_slice %arg9[%add3A_1714, %dma_start3A_1719] : memref<512x32xf32, #tpu.memory_space<vmem>> -> memref<1x32xf32, #tpu.memory_space<vmem>>
      %dma_start3A_1721 = arith.constant 0 : i32
      %dma_start3A_1722 = tpu.memref_slice %arg5[%squeeze3A_1710, %dma_start3A_1721] : memref<1000000x32xf32, #tpu.memory_space<hbm>> -> memref<1x32xf32, #tpu.memory_space<hbm>>
      tpu.enqueue_dma source(%dma_start3A_1722 : memref<1x32xf32, #tpu.memory_space<hbm>>) target(%dma_start3A_1720 : memref<1x32xf32, #tpu.memory_space<vmem>>) target_semaphore(%arg10 : memref<!tpu.dma_semaphore, #tpu.memory_space<semaphore_mem>>)
      %slice3A_1723 = vector.extract_strided_slice %get3A_1557 {offsets = [12], sizes = [1], strides = [1]} : vector<16xi32> to vector<1xi32>
      %squeeze3A_1724 = vector.extract %slice3A_1723[0] : i32 from vector<1xi32>
      %mul3A_1725 = arith.constant 16 : i32
      %mul3A_1726 = arith.muli %scan3A_1553, %mul3A_1725 : i32
      %add3A_1727 = arith.constant 12 : i32
      %add3A_1728 = arith.addi %mul3A_1726, %add3A_1727 : i32
      %dma_start3A_1729 = arith.constant 0 : i32
      %dma_start3A_1730 = tpu.memref_slice %arg9[%add3A_1728, %dma_start3A_1729] : memref<512x32xf32, #tpu.memory_space<vmem>> -> memref<1x32xf32, #tpu.memory_space<vmem>>
      %dma_start3A_1731 = arith.constant 0 : i32
      %dma_start3A_1732 = tpu.memref_slice %arg5[%squeeze3A_1724, %dma_start3A_1731] : memref<1000000x32xf32, #tpu.memory_space<hbm>> -> memref<1x32xf32, #tpu.memory_space<hbm>>
      %dma_start3A_1733 = arith.constant 0 : i32
      %dma_start3A_1734 = tpu.memref_slice %arg9[%add3A_1728, %dma_start3A_1733] : memref<512x32xf32, #tpu.memory_space<vmem>> -> memref<1x32xf32, #tpu.memory_space<vmem>>
      %dma_start3A_1735 = arith.constant 0 : i32
      %dma_start3A_1736 = tpu.memref_slice %arg5[%squeeze3A_1724, %dma_start3A_1735] : memref<1000000x32xf32, #tpu.memory_space<hbm>> -> memref<1x32xf32, #tpu.memory_space<hbm>>
      tpu.enqueue_dma source(%dma_start3A_1736 : memref<1x32xf32, #tpu.memory_space<hbm>>) target(%dma_start3A_1734 : memref<1x32xf32, #tpu.memory_space<vmem>>) target_semaphore(%arg10 : memref<!tpu.dma_semaphore, #tpu.memory_space<semaphore_mem>>)
      %slice3A_1737 = vector.extract_strided_slice %get3A_1557 {offsets = [13], sizes = [1], strides = [1]} : vector<16xi32> to vector<1xi32>
      %squeeze3A_1738 = vector.extract %slice3A_1737[0] : i32 from vector<1xi32>
      %mul3A_1739 = arith.constant 16 : i32
      %mul3A_1740 = arith.muli %scan3A_1553, %mul3A_1739 : i32
      %add3A_1741 = arith.constant 13 : i32
      %add3A_1742 = arith.addi %mul3A_1740, %add3A_1741 : i32
      %dma_start3A_1743 = arith.constant 0 : i32
      %dma_start3A_1744 = tpu.memref_slice %arg9[%add3A_1742, %dma_start3A_1743] : memref<512x32xf32, #tpu.memory_space<vmem>> -> memref<1x32xf32, #tpu.memory_space<vmem>>
      %dma_start3A_1745 = arith.constant 0 : i32
      %dma_start3A_1746 = tpu.memref_slice %arg5[%squeeze3A_1738, %dma_start3A_1745] : memref<1000000x32xf32, #tpu.memory_space<hbm>> -> memref<1x32xf32, #tpu.memory_space<hbm>>
      %dma_start3A_1747 = arith.constant 0 : i32
      %dma_start3A_1748 = tpu.memref_slice %arg9[%add3A_1742, %dma_start3A_1747] : memref<512x32xf32, #tpu.memory_space<vmem>> -> memref<1x32xf32, #tpu.memory_space<vmem>>
      %dma_start3A_1749 = arith.constant 0 : i32
      %dma_start3A_1750 = tpu.memref_slice %arg5[%squeeze3A_1738, %dma_start3A_1749] : memref<1000000x32xf32, #tpu.memory_space<hbm>> -> memref<1x32xf32, #tpu.memory_space<hbm>>
      tpu.enqueue_dma source(%dma_start3A_1750 : memref<1x32xf32, #tpu.memory_space<hbm>>) target(%dma_start3A_1748 : memref<1x32xf32, #tpu.memory_space<vmem>>) target_semaphore(%arg10 : memref<!tpu.dma_semaphore, #tpu.memory_space<semaphore_mem>>)
      %slice3A_1751 = vector.extract_strided_slice %get3A_1557 {offsets = [14], sizes = [1], strides = [1]} : vector<16xi32> to vector<1xi32>
      %squeeze3A_1752 = vector.extract %slice3A_1751[0] : i32 from vector<1xi32>
      %mul3A_1753 = arith.constant 16 : i32
      %mul3A_1754 = arith.muli %scan3A_1553, %mul3A_1753 : i32
      %add3A_1755 = arith.constant 14 : i32
      %add3A_1756 = arith.addi %mul3A_1754, %add3A_1755 : i32
      %dma_start3A_1757 = arith.constant 0 : i32
      %dma_start3A_1758 = tpu.memref_slice %arg9[%add3A_1756, %dma_start3A_1757] : memref<512x32xf32, #tpu.memory_space<vmem>> -> memref<1x32xf32, #tpu.memory_space<vmem>>
      %dma_start3A_1759 = arith.constant 0 : i32
      %dma_start3A_1760 = tpu.memref_slice %arg5[%squeeze3A_1752, %dma_start3A_1759] : memref<1000000x32xf32, #tpu.memory_space<hbm>> -> memref<1x32xf32, #tpu.memory_space<hbm>>
      %dma_start3A_1761 = arith.constant 0 : i32
      %dma_start3A_1762 = tpu.memref_slice %arg9[%add3A_1756, %dma_start3A_1761] : memref<512x32xf32, #tpu.memory_space<vmem>> -> memref<1x32xf32, #tpu.memory_space<vmem>>
      %dma_start3A_1763 = arith.constant 0 : i32
      %dma_start3A_1764 = tpu.memref_slice %arg5[%squeeze3A_1752, %dma_start3A_1763] : memref<1000000x32xf32, #tpu.memory_space<hbm>> -> memref<1x32xf32, #tpu.memory_space<hbm>>
      tpu.enqueue_dma source(%dma_start3A_1764 : memref<1x32xf32, #tpu.memory_space<hbm>>) target(%dma_start3A_1762 : memref<1x32xf32, #tpu.memory_space<vmem>>) target_semaphore(%arg10 : memref<!tpu.dma_semaphore, #tpu.memory_space<semaphore_mem>>)
      %slice3A_1765 = vector.extract_strided_slice %get3A_1557 {offsets = [15], sizes = [1], strides = [1]} : vector<16xi32> to vector<1xi32>
      %squeeze3A_1766 = vector.extract %slice3A_1765[0] : i32 from vector<1xi32>
      %mul3A_1767 = arith.constant 16 : i32
      %mul3A_1768 = arith.muli %scan3A_1553, %mul3A_1767 : i32
      %add3A_1769 = arith.constant 15 : i32
      %add3A_1770 = arith.addi %mul3A_1768, %add3A_1769 : i32
      %dma_start3A_1771 = arith.constant 0 : i32
      %dma_start3A_1772 = tpu.memref_slice %arg9[%add3A_1770, %dma_start3A_1771] : memref<512x32xf32, #tpu.memory_space<vmem>> -> memref<1x32xf32, #tpu.memory_space<vmem>>
      %dma_start3A_1773 = arith.constant 0 : i32
      %dma_start3A_1774 = tpu.memref_slice %arg5[%squeeze3A_1766, %dma_start3A_1773] : memref<1000000x32xf32, #tpu.memory_space<hbm>> -> memref<1x32xf32, #tpu.memory_space<hbm>>
      %dma_start3A_1775 = arith.constant 0 : i32
      %dma_start3A_1776 = tpu.memref_slice %arg9[%add3A_1770, %dma_start3A_1775] : memref<512x32xf32, #tpu.memory_space<vmem>> -> memref<1x32xf32, #tpu.memory_space<vmem>>
      %dma_start3A_1777 = arith.constant 0 : i32
      %dma_start3A_1778 = tpu.memref_slice %arg5[%squeeze3A_1766, %dma_start3A_1777] : memref<1000000x32xf32, #tpu.memory_space<hbm>> -> memref<1x32xf32, #tpu.memory_space<hbm>>
      tpu.enqueue_dma source(%dma_start3A_1778 : memref<1x32xf32, #tpu.memory_space<hbm>>) target(%dma_start3A_1776 : memref<1x32xf32, #tpu.memory_space<vmem>>) target_semaphore(%arg10 : memref<!tpu.dma_semaphore, #tpu.memory_space<semaphore_mem>>)
      %ge3A = arith.constant 4 : i32
      %ge3A_1779 = arith.cmpi sge, %scan3A_1553, %ge3A : i32
      %convert_element_type3A = arith.extui %ge3A_1779 : i1 to i32
      %cond3A = arith.constant 0 : i32
      %cond3A_1780 = arith.cmpi ne, %convert_element_type3A, %cond3A : i32
      scf.if %cond3A_1780 {
        %dma_wait3A_1782 = arith.constant 0 : i32
        %dma_wait3A_1783 = arith.constant 0 : i32
        %dma_wait3A_1784 = tpu.memref_slice %arg9[%dma_wait3A_1782, %dma_wait3A_1783] : memref<512x32xf32, #tpu.memory_space<vmem>> -> memref<1x32xf32, #tpu.memory_space<vmem>>
        %dma_wait3A_1785 = arith.constant 0 : i32
        %dma_wait3A_1786 = arith.constant 0 : i32
        %dma_wait3A_1787 = tpu.memref_slice %arg5[%dma_wait3A_1785, %dma_wait3A_1786] : memref<1000000x32xf32, #tpu.memory_space<hbm>> -> memref<1x32xf32, #tpu.memory_space<hbm>>
        %dma_wait3A_1788 = arith.constant 0 : i32
        %dma_wait3A_1789 = arith.constant 0 : i32
        %dma_wait3A_1790 = tpu.memref_slice %arg9[%dma_wait3A_1788, %dma_wait3A_1789] : memref<512x32xf32, #tpu.memory_space<vmem>> -> memref<1x32xf32, #tpu.memory_space<vmem>>
        %dma_wait3A_1791 = arith.constant 0 : i32
        %dma_wait3A_1792 = arith.constant 0 : i32
        %dma_wait3A_1793 = tpu.memref_slice %arg5[%dma_wait3A_1791, %dma_wait3A_1792] : memref<1000000x32xf32, #tpu.memory_space<hbm>> -> memref<1x32xf32, #tpu.memory_space<hbm>>
        tpu.wait_dma2 semaphore(%arg10 : memref<!tpu.dma_semaphore, #tpu.memory_space<semaphore_mem>>) src(%dma_wait3A_1793 : memref<1x32xf32, #tpu.memory_space<hbm>>) dst(%dma_wait3A_1790 : memref<1x32xf32, #tpu.memory_space<vmem>>)
        %dma_wait3A_1794 = arith.constant 0 : i32
        %dma_wait3A_1795 = arith.constant 0 : i32
        %dma_wait3A_1796 = tpu.memref_slice %arg9[%dma_wait3A_1794, %dma_wait3A_1795] : memref<512x32xf32, #tpu.memory_space<vmem>> -> memref<1x32xf32, #tpu.memory_space<vmem>>
        %dma_wait3A_1797 = arith.constant 0 : i32
        %dma_wait3A_1798 = arith.constant 0 : i32
        %dma_wait3A_1799 = tpu.memref_slice %arg5[%dma_wait3A_1797, %dma_wait3A_1798] : memref<1000000x32xf32, #tpu.memory_space<hbm>> -> memref<1x32xf32, #tpu.memory_space<hbm>>
        %dma_wait3A_1800 = arith.constant 0 : i32
        %dma_wait3A_1801 = arith.constant 0 : i32
        %dma_wait3A_1802 = tpu.memref_slice %arg9[%dma_wait3A_1800, %dma_wait3A_1801] : memref<512x32xf32, #tpu.memory_space<vmem>> -> memref<1x32xf32, #tpu.memory_space<vmem>>
        %dma_wait3A_1803 = arith.constant 0 : i32
        %dma_wait3A_1804 = arith.constant 0 : i32
        %dma_wait3A_1805 = tpu.memref_slice %arg5[%dma_wait3A_1803, %dma_wait3A_1804] : memref<1000000x32xf32, #tpu.memory_space<hbm>> -> memref<1x32xf32, #tpu.memory_space<hbm>>
        tpu.wait_dma2 semaphore(%arg10 : memref<!tpu.dma_semaphore, #tpu.memory_space<semaphore_mem>>) src(%dma_wait3A_1805 : memref<1x32xf32, #tpu.memory_space<hbm>>) dst(%dma_wait3A_1802 : memref<1x32xf32, #tpu.memory_space<vmem>>)
        %dma_wait3A_1806 = arith.constant 0 : i32
        %dma_wait3A_1807 = arith.constant 0 : i32
        %dma_wait3A_1808 = tpu.memref_slice %arg9[%dma_wait3A_1806, %dma_wait3A_1807] : memref<512x32xf32, #tpu.memory_space<vmem>> -> memref<1x32xf32, #tpu.memory_space<vmem>>
        %dma_wait3A_1809 = arith.constant 0 : i32
        %dma_wait3A_1810 = arith.constant 0 : i32
        %dma_wait3A_1811 = tpu.memref_slice %arg5[%dma_wait3A_1809, %dma_wait3A_1810] : memref<1000000x32xf32, #tpu.memory_space<hbm>> -> memref<1x32xf32, #tpu.memory_space<hbm>>
        %dma_wait3A_1812 = arith.constant 0 : i32
        %dma_wait3A_1813 = arith.constant 0 : i32
        %dma_wait3A_1814 = tpu.memref_slice %arg9[%dma_wait3A_1812, %dma_wait3A_1813] : memref<512x32xf32, #tpu.memory_space<vmem>> -> memref<1x32xf32, #tpu.memory_space<vmem>>
        %dma_wait3A_1815 = arith.constant 0 : i32
        %dma_wait3A_1816 = arith.constant 0 : i32
        %dma_wait3A_1817 = tpu.memref_slice %arg5[%dma_wait3A_1815, %dma_wait3A_1816] : memref<1000000x32xf32, #tpu.memory_space<hbm>> -> memref<1x32xf32, #tpu.memory_space<hbm>>
        tpu.wait_dma2 semaphore(%arg10 : memref<!tpu.dma_semaphore, #tpu.memory_space<semaphore_mem>>) src(%dma_wait3A_1817 : memref<1x32xf32, #tpu.memory_space<hbm>>) dst(%dma_wait3A_1814 : memref<1x32xf32, #tpu.memory_space<vmem>>)
        %dma_wait3A_1818 = arith.constant 0 : i32
        %dma_wait3A_1819 = arith.constant 0 : i32
        %dma_wait3A_1820 = tpu.memref_slice %arg9[%dma_wait3A_1818, %dma_wait3A_1819] : memref<512x32xf32, #tpu.memory_space<vmem>> -> memref<1x32xf32, #tpu.memory_space<vmem>>
        %dma_wait3A_1821 = arith.constant 0 : i32
        %dma_wait3A_1822 = arith.constant 0 : i32
        %dma_wait3A_1823 = tpu.memref_slice %arg5[%dma_wait3A_1821, %dma_wait3A_1822] : memref<1000000x32xf32, #tpu.memory_space<hbm>> -> memref<1x32xf32, #tpu.memory_space<hbm>>
        %dma_wait3A_1824 = arith.constant 0 : i32
        %dma_wait3A_1825 = arith.constant 0 : i32
        %dma_wait3A_1826 = tpu.memref_slice %arg9[%dma_wait3A_1824, %dma_wait3A_1825] : memref<512x32xf32, #tpu.memory_space<vmem>> -> memref<1x32xf32, #tpu.memory_space<vmem>>
        %dma_wait3A_1827 = arith.constant 0 : i32
        %dma_wait3A_1828 = arith.constant 0 : i32
        %dma_wait3A_1829 = tpu.memref_slice %arg5[%dma_wait3A_1827, %dma_wait3A_1828] : memref<1000000x32xf32, #tpu.memory_space<hbm>> -> memref<1x32xf32, #tpu.memory_space<hbm>>
        tpu.wait_dma2 semaphore(%arg10 : memref<!tpu.dma_semaphore, #tpu.memory_space<semaphore_mem>>) src(%dma_wait3A_1829 : memref<1x32xf32, #tpu.memory_space<hbm>>) dst(%dma_wait3A_1826 : memref<1x32xf32, #tpu.memory_space<vmem>>)
        %dma_wait3A_1830 = arith.constant 0 : i32
        %dma_wait3A_1831 = arith.constant 0 : i32
        %dma_wait3A_1832 = tpu.memref_slice %arg9[%dma_wait3A_1830, %dma_wait3A_1831] : memref<512x32xf32, #tpu.memory_space<vmem>> -> memref<1x32xf32, #tpu.memory_space<vmem>>
        %dma_wait3A_1833 = arith.constant 0 : i32
        %dma_wait3A_1834 = arith.constant 0 : i32
        %dma_wait3A_1835 = tpu.memref_slice %arg5[%dma_wait3A_1833, %dma_wait3A_1834] : memref<1000000x32xf32, #tpu.memory_space<hbm>> -> memref<1x32xf32, #tpu.memory_space<hbm>>
        %dma_wait3A_1836 = arith.constant 0 : i32
        %dma_wait3A_1837 = arith.constant 0 : i32
        %dma_wait3A_1838 = tpu.memref_slice %arg9[%dma_wait3A_1836, %dma_wait3A_1837] : memref<512x32xf32, #tpu.memory_space<vmem>> -> memref<1x32xf32, #tpu.memory_space<vmem>>
        %dma_wait3A_1839 = arith.constant 0 : i32
        %dma_wait3A_1840 = arith.constant 0 : i32
        %dma_wait3A_1841 = tpu.memref_slice %arg5[%dma_wait3A_1839, %dma_wait3A_1840] : memref<1000000x32xf32, #tpu.memory_space<hbm>> -> memref<1x32xf32, #tpu.memory_space<hbm>>
        tpu.wait_dma2 semaphore(%arg10 : memref<!tpu.dma_semaphore, #tpu.memory_space<semaphore_mem>>) src(%dma_wait3A_1841 : memref<1x32xf32, #tpu.memory_space<hbm>>) dst(%dma_wait3A_1838 : memref<1x32xf32, #tpu.memory_space<vmem>>)
        %dma_wait3A_1842 = arith.constant 0 : i32
        %dma_wait3A_1843 = arith.constant 0 : i32
        %dma_wait3A_1844 = tpu.memref_slice %arg9[%dma_wait3A_1842, %dma_wait3A_1843] : memref<512x32xf32, #tpu.memory_space<vmem>> -> memref<1x32xf32, #tpu.memory_space<vmem>>
        %dma_wait3A_1845 = arith.constant 0 : i32
        %dma_wait3A_1846 = arith.constant 0 : i32
        %dma_wait3A_1847 = tpu.memref_slice %arg5[%dma_wait3A_1845, %dma_wait3A_1846] : memref<1000000x32xf32, #tpu.memory_space<hbm>> -> memref<1x32xf32, #tpu.memory_space<hbm>>
        %dma_wait3A_1848 = arith.constant 0 : i32
        %dma_wait3A_1849 = arith.constant 0 : i32
        %dma_wait3A_1850 = tpu.memref_slice %arg9[%dma_wait3A_1848, %dma_wait3A_1849] : memref<512x32xf32, #tpu.memory_space<vmem>> -> memref<1x32xf32, #tpu.memory_space<vmem>>
        %dma_wait3A_1851 = arith.constant 0 : i32
        %dma_wait3A_1852 = arith.constant 0 : i32
        %dma_wait3A_1853 = tpu.memref_slice %arg5[%dma_wait3A_1851, %dma_wait3A_1852] : memref<1000000x32xf32, #tpu.memory_space<hbm>> -> memref<1x32xf32, #tpu.memory_space<hbm>>
        tpu.wait_dma2 semaphore(%arg10 : memref<!tpu.dma_semaphore, #tpu.memory_space<semaphore_mem>>) src(%dma_wait3A_1853 : memref<1x32xf32, #tpu.memory_space<hbm>>) dst(%dma_wait3A_1850 : memref<1x32xf32, #tpu.memory_space<vmem>>)
        %dma_wait3A_1854 = arith.constant 0 : i32
        %dma_wait3A_1855 = arith.constant 0 : i32
        %dma_wait3A_1856 = tpu.memref_slice %arg9[%dma_wait3A_1854, %dma_wait3A_1855] : memref<512x32xf32, #tpu.memory_space<vmem>> -> memref<1x32xf32, #tpu.memory_space<vmem>>
        %dma_wait3A_1857 = arith.constant 0 : i32
        %dma_wait3A_1858 = arith.constant 0 : i32
        %dma_wait3A_1859 = tpu.memref_slice %arg5[%dma_wait3A_1857, %dma_wait3A_1858] : memref<1000000x32xf32, #tpu.memory_space<hbm>> -> memref<1x32xf32, #tpu.memory_space<hbm>>
        %dma_wait3A_1860 = arith.constant 0 : i32
        %dma_wait3A_1861 = arith.constant 0 : i32
        %dma_wait3A_1862 = tpu.memref_slice %arg9[%dma_wait3A_1860, %dma_wait3A_1861] : memref<512x32xf32, #tpu.memory_space<vmem>> -> memref<1x32xf32, #tpu.memory_space<vmem>>
        %dma_wait3A_1863 = arith.constant 0 : i32
        %dma_wait3A_1864 = arith.constant 0 : i32
        %dma_wait3A_1865 = tpu.memref_slice %arg5[%dma_wait3A_1863, %dma_wait3A_1864] : memref<1000000x32xf32, #tpu.memory_space<hbm>> -> memref<1x32xf32, #tpu.memory_space<hbm>>
        tpu.wait_dma2 semaphore(%arg10 : memref<!tpu.dma_semaphore, #tpu.memory_space<semaphore_mem>>) src(%dma_wait3A_1865 : memref<1x32xf32, #tpu.memory_space<hbm>>) dst(%dma_wait3A_1862 : memref<1x32xf32, #tpu.memory_space<vmem>>)
        %dma_wait3A_1866 = arith.constant 0 : i32
        %dma_wait3A_1867 = arith.constant 0 : i32
        %dma_wait3A_1868 = tpu.memref_slice %arg9[%dma_wait3A_1866, %dma_wait3A_1867] : memref<512x32xf32, #tpu.memory_space<vmem>> -> memref<1x32xf32, #tpu.memory_space<vmem>>
        %dma_wait3A_1869 = arith.constant 0 : i32
        %dma_wait3A_1870 = arith.constant 0 : i32
        %dma_wait3A_1871 = tpu.memref_slice %arg5[%dma_wait3A_1869, %dma_wait3A_1870] : memref<1000000x32xf32, #tpu.memory_space<hbm>> -> memref<1x32xf32, #tpu.memory_space<hbm>>
        %dma_wait3A_1872 = arith.constant 0 : i32
        %dma_wait3A_1873 = arith.constant 0 : i32
        %dma_wait3A_1874 = tpu.memref_slice %arg9[%dma_wait3A_1872, %dma_wait3A_1873] : memref<512x32xf32, #tpu.memory_space<vmem>> -> memref<1x32xf32, #tpu.memory_space<vmem>>
        %dma_wait3A_1875 = arith.constant 0 : i32
        %dma_wait3A_1876 = arith.constant 0 : i32
        %dma_wait3A_1877 = tpu.memref_slice %arg5[%dma_wait3A_1875, %dma_wait3A_1876] : memref<1000000x32xf32, #tpu.memory_space<hbm>> -> memref<1x32xf32, #tpu.memory_space<hbm>>
        tpu.wait_dma2 semaphore(%arg10 : memref<!tpu.dma_semaphore, #tpu.memory_space<semaphore_mem>>) src(%dma_wait3A_1877 : memref<1x32xf32, #tpu.memory_space<hbm>>) dst(%dma_wait3A_1874 : memref<1x32xf32, #tpu.memory_space<vmem>>)
        %dma_wait3A_1878 = arith.constant 0 : i32
        %dma_wait3A_1879 = arith.constant 0 : i32
        %dma_wait3A_1880 = tpu.memref_slice %arg9[%dma_wait3A_1878, %dma_wait3A_1879] : memref<512x32xf32, #tpu.memory_space<vmem>> -> memref<1x32xf32, #tpu.memory_space<vmem>>
        %dma_wait3A_1881 = arith.constant 0 : i32
        %dma_wait3A_1882 = arith.constant 0 : i32
        %dma_wait3A_1883 = tpu.memref_slice %arg5[%dma_wait3A_1881, %dma_wait3A_1882] : memref<1000000x32xf32, #tpu.memory_space<hbm>> -> memref<1x32xf32, #tpu.memory_space<hbm>>
        %dma_wait3A_1884 = arith.constant 0 : i32
        %dma_wait3A_1885 = arith.constant 0 : i32
        %dma_wait3A_1886 = tpu.memref_slice %arg9[%dma_wait3A_1884, %dma_wait3A_1885] : memref<512x32xf32, #tpu.memory_space<vmem>> -> memref<1x32xf32, #tpu.memory_space<vmem>>
        %dma_wait3A_1887 = arith.constant 0 : i32
        %dma_wait3A_1888 = arith.constant 0 : i32
        %dma_wait3A_1889 = tpu.memref_slice %arg5[%dma_wait3A_1887, %dma_wait3A_1888] : memref<1000000x32xf32, #tpu.memory_space<hbm>> -> memref<1x32xf32, #tpu.memory_space<hbm>>
        tpu.wait_dma2 semaphore(%arg10 : memref<!tpu.dma_semaphore, #tpu.memory_space<semaphore_mem>>) src(%dma_wait3A_1889 : memref<1x32xf32, #tpu.memory_space<hbm>>) dst(%dma_wait3A_1886 : memref<1x32xf32, #tpu.memory_space<vmem>>)
        %dma_wait3A_1890 = arith.constant 0 : i32
        %dma_wait3A_1891 = arith.constant 0 : i32
        %dma_wait3A_1892 = tpu.memref_slice %arg9[%dma_wait3A_1890, %dma_wait3A_1891] : memref<512x32xf32, #tpu.memory_space<vmem>> -> memref<1x32xf32, #tpu.memory_space<vmem>>
        %dma_wait3A_1893 = arith.constant 0 : i32
        %dma_wait3A_1894 = arith.constant 0 : i32
        %dma_wait3A_1895 = tpu.memref_slice %arg5[%dma_wait3A_1893, %dma_wait3A_1894] : memref<1000000x32xf32, #tpu.memory_space<hbm>> -> memref<1x32xf32, #tpu.memory_space<hbm>>
        %dma_wait3A_1896 = arith.constant 0 : i32
        %dma_wait3A_1897 = arith.constant 0 : i32
        %dma_wait3A_1898 = tpu.memref_slice %arg9[%dma_wait3A_1896, %dma_wait3A_1897] : memref<512x32xf32, #tpu.memory_space<vmem>> -> memref<1x32xf32, #tpu.memory_space<vmem>>
        %dma_wait3A_1899 = arith.constant 0 : i32
        %dma_wait3A_1900 = arith.constant 0 : i32
        %dma_wait3A_1901 = tpu.memref_slice %arg5[%dma_wait3A_1899, %dma_wait3A_1900] : memref<1000000x32xf32, #tpu.memory_space<hbm>> -> memref<1x32xf32, #tpu.memory_space<hbm>>
        tpu.wait_dma2 semaphore(%arg10 : memref<!tpu.dma_semaphore, #tpu.memory_space<semaphore_mem>>) src(%dma_wait3A_1901 : memref<1x32xf32, #tpu.memory_space<hbm>>) dst(%dma_wait3A_1898 : memref<1x32xf32, #tpu.memory_space<vmem>>)
        %dma_wait3A_1902 = arith.constant 0 : i32
        %dma_wait3A_1903 = arith.constant 0 : i32
        %dma_wait3A_1904 = tpu.memref_slice %arg9[%dma_wait3A_1902, %dma_wait3A_1903] : memref<512x32xf32, #tpu.memory_space<vmem>> -> memref<1x32xf32, #tpu.memory_space<vmem>>
        %dma_wait3A_1905 = arith.constant 0 : i32
        %dma_wait3A_1906 = arith.constant 0 : i32
        %dma_wait3A_1907 = tpu.memref_slice %arg5[%dma_wait3A_1905, %dma_wait3A_1906] : memref<1000000x32xf32, #tpu.memory_space<hbm>> -> memref<1x32xf32, #tpu.memory_space<hbm>>
        %dma_wait3A_1908 = arith.constant 0 : i32
        %dma_wait3A_1909 = arith.constant 0 : i32
        %dma_wait3A_1910 = tpu.memref_slice %arg9[%dma_wait3A_1908, %dma_wait3A_1909] : memref<512x32xf32, #tpu.memory_space<vmem>> -> memref<1x32xf32, #tpu.memory_space<vmem>>
        %dma_wait3A_1911 = arith.constant 0 : i32
        %dma_wait3A_1912 = arith.constant 0 : i32
        %dma_wait3A_1913 = tpu.memref_slice %arg5[%dma_wait3A_1911, %dma_wait3A_1912] : memref<1000000x32xf32, #tpu.memory_space<hbm>> -> memref<1x32xf32, #tpu.memory_space<hbm>>
        tpu.wait_dma2 semaphore(%arg10 : memref<!tpu.dma_semaphore, #tpu.memory_space<semaphore_mem>>) src(%dma_wait3A_1913 : memref<1x32xf32, #tpu.memory_space<hbm>>) dst(%dma_wait3A_1910 : memref<1x32xf32, #tpu.memory_space<vmem>>)
        %dma_wait3A_1914 = arith.constant 0 : i32
        %dma_wait3A_1915 = arith.constant 0 : i32
        %dma_wait3A_1916 = tpu.memref_slice %arg9[%dma_wait3A_1914, %dma_wait3A_1915] : memref<512x32xf32, #tpu.memory_space<vmem>> -> memref<1x32xf32, #tpu.memory_space<vmem>>
        %dma_wait3A_1917 = arith.constant 0 : i32
        %dma_wait3A_1918 = arith.constant 0 : i32
        %dma_wait3A_1919 = tpu.memref_slice %arg5[%dma_wait3A_1917, %dma_wait3A_1918] : memref<1000000x32xf32, #tpu.memory_space<hbm>> -> memref<1x32xf32, #tpu.memory_space<hbm>>
        %dma_wait3A_1920 = arith.constant 0 : i32
        %dma_wait3A_1921 = arith.constant 0 : i32
        %dma_wait3A_1922 = tpu.memref_slice %arg9[%dma_wait3A_1920, %dma_wait3A_1921] : memref<512x32xf32, #tpu.memory_space<vmem>> -> memref<1x32xf32, #tpu.memory_space<vmem>>
        %dma_wait3A_1923 = arith.constant 0 : i32
        %dma_wait3A_1924 = arith.constant 0 : i32
        %dma_wait3A_1925 = tpu.memref_slice %arg5[%dma_wait3A_1923, %dma_wait3A_1924] : memref<1000000x32xf32, #tpu.memory_space<hbm>> -> memref<1x32xf32, #tpu.memory_space<hbm>>
        tpu.wait_dma2 semaphore(%arg10 : memref<!tpu.dma_semaphore, #tpu.memory_space<semaphore_mem>>) src(%dma_wait3A_1925 : memref<1x32xf32, #tpu.memory_space<hbm>>) dst(%dma_wait3A_1922 : memref<1x32xf32, #tpu.memory_space<vmem>>)
        %dma_wait3A_1926 = arith.constant 0 : i32
        %dma_wait3A_1927 = arith.constant 0 : i32
        %dma_wait3A_1928 = tpu.memref_slice %arg9[%dma_wait3A_1926, %dma_wait3A_1927] : memref<512x32xf32, #tpu.memory_space<vmem>> -> memref<1x32xf32, #tpu.memory_space<vmem>>
        %dma_wait3A_1929 = arith.constant 0 : i32
        %dma_wait3A_1930 = arith.constant 0 : i32
        %dma_wait3A_1931 = tpu.memref_slice %arg5[%dma_wait3A_1929, %dma_wait3A_1930] : memref<1000000x32xf32, #tpu.memory_space<hbm>> -> memref<1x32xf32, #tpu.memory_space<hbm>>
        %dma_wait3A_1932 = arith.constant 0 : i32
        %dma_wait3A_1933 = arith.constant 0 : i32
        %dma_wait3A_1934 = tpu.memref_slice %arg9[%dma_wait3A_1932, %dma_wait3A_1933] : memref<512x32xf32, #tpu.memory_space<vmem>> -> memref<1x32xf32, #tpu.memory_space<vmem>>
        %dma_wait3A_1935 = arith.constant 0 : i32
        %dma_wait3A_1936 = arith.constant 0 : i32
        %dma_wait3A_1937 = tpu.memref_slice %arg5[%dma_wait3A_1935, %dma_wait3A_1936] : memref<1000000x32xf32, #tpu.memory_space<hbm>> -> memref<1x32xf32, #tpu.memory_space<hbm>>
        tpu.wait_dma2 semaphore(%arg10 : memref<!tpu.dma_semaphore, #tpu.memory_space<semaphore_mem>>) src(%dma_wait3A_1937 : memref<1x32xf32, #tpu.memory_space<hbm>>) dst(%dma_wait3A_1934 : memref<1x32xf32, #tpu.memory_space<vmem>>)
        %dma_wait3A_1938 = arith.constant 0 : i32
        %dma_wait3A_1939 = arith.constant 0 : i32
        %dma_wait3A_1940 = tpu.memref_slice %arg9[%dma_wait3A_1938, %dma_wait3A_1939] : memref<512x32xf32, #tpu.memory_space<vmem>> -> memref<1x32xf32, #tpu.memory_space<vmem>>
        %dma_wait3A_1941 = arith.constant 0 : i32
        %dma_wait3A_1942 = arith.constant 0 : i32
        %dma_wait3A_1943 = tpu.memref_slice %arg5[%dma_wait3A_1941, %dma_wait3A_1942] : memref<1000000x32xf32, #tpu.memory_space<hbm>> -> memref<1x32xf32, #tpu.memory_space<hbm>>
        %dma_wait3A_1944 = arith.constant 0 : i32
        %dma_wait3A_1945 = arith.constant 0 : i32
        %dma_wait3A_1946 = tpu.memref_slice %arg9[%dma_wait3A_1944, %dma_wait3A_1945] : memref<512x32xf32, #tpu.memory_space<vmem>> -> memref<1x32xf32, #tpu.memory_space<vmem>>
        %dma_wait3A_1947 = arith.constant 0 : i32
        %dma_wait3A_1948 = arith.constant 0 : i32
        %dma_wait3A_1949 = tpu.memref_slice %arg5[%dma_wait3A_1947, %dma_wait3A_1948] : memref<1000000x32xf32, #tpu.memory_space<hbm>> -> memref<1x32xf32, #tpu.memory_space<hbm>>
        tpu.wait_dma2 semaphore(%arg10 : memref<!tpu.dma_semaphore, #tpu.memory_space<semaphore_mem>>) src(%dma_wait3A_1949 : memref<1x32xf32, #tpu.memory_space<hbm>>) dst(%dma_wait3A_1946 : memref<1x32xf32, #tpu.memory_space<vmem>>)
        %dma_wait3A_1950 = arith.constant 0 : i32
        %dma_wait3A_1951 = arith.constant 0 : i32
        %dma_wait3A_1952 = tpu.memref_slice %arg9[%dma_wait3A_1950, %dma_wait3A_1951] : memref<512x32xf32, #tpu.memory_space<vmem>> -> memref<1x32xf32, #tpu.memory_space<vmem>>
        %dma_wait3A_1953 = arith.constant 0 : i32
        %dma_wait3A_1954 = arith.constant 0 : i32
        %dma_wait3A_1955 = tpu.memref_slice %arg5[%dma_wait3A_1953, %dma_wait3A_1954] : memref<1000000x32xf32, #tpu.memory_space<hbm>> -> memref<1x32xf32, #tpu.memory_space<hbm>>
        %dma_wait3A_1956 = arith.constant 0 : i32
        %dma_wait3A_1957 = arith.constant 0 : i32
        %dma_wait3A_1958 = tpu.memref_slice %arg9[%dma_wait3A_1956, %dma_wait3A_1957] : memref<512x32xf32, #tpu.memory_space<vmem>> -> memref<1x32xf32, #tpu.memory_space<vmem>>
        %dma_wait3A_1959 = arith.constant 0 : i32
        %dma_wait3A_1960 = arith.constant 0 : i32
        %dma_wait3A_1961 = tpu.memref_slice %arg5[%dma_wait3A_1959, %dma_wait3A_1960] : memref<1000000x32xf32, #tpu.memory_space<hbm>> -> memref<1x32xf32, #tpu.memory_space<hbm>>
        tpu.wait_dma2 semaphore(%arg10 : memref<!tpu.dma_semaphore, #tpu.memory_space<semaphore_mem>>) src(%dma_wait3A_1961 : memref<1x32xf32, #tpu.memory_space<hbm>>) dst(%dma_wait3A_1958 : memref<1x32xf32, #tpu.memory_space<vmem>>)
        %dma_wait3A_1962 = arith.constant 0 : i32
        %dma_wait3A_1963 = arith.constant 0 : i32
        %dma_wait3A_1964 = tpu.memref_slice %arg9[%dma_wait3A_1962, %dma_wait3A_1963] : memref<512x32xf32, #tpu.memory_space<vmem>> -> memref<1x32xf32, #tpu.memory_space<vmem>>
        %dma_wait3A_1965 = arith.constant 0 : i32
        %dma_wait3A_1966 = arith.constant 0 : i32
        %dma_wait3A_1967 = tpu.memref_slice %arg5[%dma_wait3A_1965, %dma_wait3A_1966] : memref<1000000x32xf32, #tpu.memory_space<hbm>> -> memref<1x32xf32, #tpu.memory_space<hbm>>
        %dma_wait3A_1968 = arith.constant 0 : i32
        %dma_wait3A_1969 = arith.constant 0 : i32
        %dma_wait3A_1970 = tpu.memref_slice %arg9[%dma_wait3A_1968, %dma_wait3A_1969] : memref<512x32xf32, #tpu.memory_space<vmem>> -> memref<1x32xf32, #tpu.memory_space<vmem>>
        %dma_wait3A_1971 = arith.constant 0 : i32
        %dma_wait3A_1972 = arith.constant 0 : i32
        %dma_wait3A_1973 = tpu.memref_slice %arg5[%dma_wait3A_1971, %dma_wait3A_1972] : memref<1000000x32xf32, #tpu.memory_space<hbm>> -> memref<1x32xf32, #tpu.memory_space<hbm>>
        tpu.wait_dma2 semaphore(%arg10 : memref<!tpu.dma_semaphore, #tpu.memory_space<semaphore_mem>>) src(%dma_wait3A_1973 : memref<1x32xf32, #tpu.memory_space<hbm>>) dst(%dma_wait3A_1970 : memref<1x32xf32, #tpu.memory_space<vmem>>)
      } else {
      }
      %scan3A_1781 = arith.constant 0 : i32
      scf.yield %scan3A_1781 : i32
    }
    %scan3A_784 = arith.constant 32 : i32
    %dma_wait3A_785 = arith.constant 0 : i32
    %dma_wait3A_786 = arith.constant 0 : i32
    %dma_wait3A_787 = tpu.memref_slice %arg9[%dma_wait3A_785, %dma_wait3A_786] : memref<512x32xf32, #tpu.memory_space<vmem>> -> memref<1x32xf32, #tpu.memory_space<vmem>>
    %dma_wait3A_788 = arith.constant 0 : i32
    %dma_wait3A_789 = arith.constant 0 : i32
    %dma_wait3A_790 = tpu.memref_slice %arg5[%dma_wait3A_788, %dma_wait3A_789] : memref<1000000x32xf32, #tpu.memory_space<hbm>> -> memref<1x32xf32, #tpu.memory_space<hbm>>
    %dma_wait3A_791 = arith.constant 0 : i32
    %dma_wait3A_792 = arith.constant 0 : i32
    %dma_wait3A_793 = tpu.memref_slice %arg9[%dma_wait3A_791, %dma_wait3A_792] : memref<512x32xf32, #tpu.memory_space<vmem>> -> memref<1x32xf32, #tpu.memory_space<vmem>>
    %dma_wait3A_794 = arith.constant 0 : i32
    %dma_wait3A_795 = arith.constant 0 : i32
    %dma_wait3A_796 = tpu.memref_slice %arg5[%dma_wait3A_794, %dma_wait3A_795] : memref<1000000x32xf32, #tpu.memory_space<hbm>> -> memref<1x32xf32, #tpu.memory_space<hbm>>
    tpu.wait_dma2 semaphore(%arg10 : memref<!tpu.dma_semaphore, #tpu.memory_space<semaphore_mem>>) src(%dma_wait3A_796 : memref<1x32xf32, #tpu.memory_space<hbm>>) dst(%dma_wait3A_793 : memref<1x32xf32, #tpu.memory_space<vmem>>)
    %dma_wait3A_797 = arith.constant 0 : i32
    %dma_wait3A_798 = arith.constant 0 : i32
    %dma_wait3A_799 = tpu.memref_slice %arg9[%dma_wait3A_797, %dma_wait3A_798] : memref<512x32xf32, #tpu.memory_space<vmem>> -> memref<1x32xf32, #tpu.memory_space<vmem>>
    %dma_wait3A_800 = arith.constant 0 : i32
    %dma_wait3A_801 = arith.constant 0 : i32
    %dma_wait3A_802 = tpu.memref_slice %arg5[%dma_wait3A_800, %dma_wait3A_801] : memref<1000000x32xf32, #tpu.memory_space<hbm>> -> memref<1x32xf32, #tpu.memory_space<hbm>>
    %dma_wait3A_803 = arith.constant 0 : i32
    %dma_wait3A_804 = arith.constant 0 : i32
    %dma_wait3A_805 = tpu.memref_slice %arg9[%dma_wait3A_803, %dma_wait3A_804] : memref<512x32xf32, #tpu.memory_space<vmem>> -> memref<1x32xf32, #tpu.memory_space<vmem>>
    %dma_wait3A_806 = arith.constant 0 : i32
    %dma_wait3A_807 = arith.constant 0 : i32
    %dma_wait3A_808 = tpu.memref_slice %arg5[%dma_wait3A_806, %dma_wait3A_807] : memref<1000000x32xf32, #tpu.memory_space<hbm>> -> memref<1x32xf32, #tpu.memory_space<hbm>>
    tpu.wait_dma2 semaphore(%arg10 : memref<!tpu.dma_semaphore, #tpu.memory_space<semaphore_mem>>) src(%dma_wait3A_808 : memref<1x32xf32, #tpu.memory_space<hbm>>) dst(%dma_wait3A_805 : memref<1x32xf32, #tpu.memory_space<vmem>>)
    %dma_wait3A_809 = arith.constant 0 : i32
    %dma_wait3A_810 = arith.constant 0 : i32
    %dma_wait3A_811 = tpu.memref_slice %arg9[%dma_wait3A_809, %dma_wait3A_810] : memref<512x32xf32, #tpu.memory_space<vmem>> -> memref<1x32xf32, #tpu.memory_space<vmem>>
    %dma_wait3A_812 = arith.constant 0 : i32
    %dma_wait3A_813 = arith.constant 0 : i32
    %dma_wait3A_814 = tpu.memref_slice %arg5[%dma_wait3A_812, %dma_wait3A_813] : memref<1000000x32xf32, #tpu.memory_space<hbm>> -> memref<1x32xf32, #tpu.memory_space<hbm>>
    %dma_wait3A_815 = arith.constant 0 : i32
    %dma_wait3A_816 = arith.constant 0 : i32
    %dma_wait3A_817 = tpu.memref_slice %arg9[%dma_wait3A_815, %dma_wait3A_816] : memref<512x32xf32, #tpu.memory_space<vmem>> -> memref<1x32xf32, #tpu.memory_space<vmem>>
    %dma_wait3A_818 = arith.constant 0 : i32
    %dma_wait3A_819 = arith.constant 0 : i32
    %dma_wait3A_820 = tpu.memref_slice %arg5[%dma_wait3A_818, %dma_wait3A_819] : memref<1000000x32xf32, #tpu.memory_space<hbm>> -> memref<1x32xf32, #tpu.memory_space<hbm>>
    tpu.wait_dma2 semaphore(%arg10 : memref<!tpu.dma_semaphore, #tpu.memory_space<semaphore_mem>>) src(%dma_wait3A_820 : memref<1x32xf32, #tpu.memory_space<hbm>>) dst(%dma_wait3A_817 : memref<1x32xf32, #tpu.memory_space<vmem>>)
    %dma_wait3A_821 = arith.constant 0 : i32
    %dma_wait3A_822 = arith.constant 0 : i32
    %dma_wait3A_823 = tpu.memref_slice %arg9[%dma_wait3A_821, %dma_wait3A_822] : memref<512x32xf32, #tpu.memory_space<vmem>> -> memref<1x32xf32, #tpu.memory_space<vmem>>
    %dma_wait3A_824 = arith.constant 0 : i32
    %dma_wait3A_825 = arith.constant 0 : i32
    %dma_wait3A_826 = tpu.memref_slice %arg5[%dma_wait3A_824, %dma_wait3A_825] : memref<1000000x32xf32, #tpu.memory_space<hbm>> -> memref<1x32xf32, #tpu.memory_space<hbm>>
    %dma_wait3A_827 = arith.constant 0 : i32
    %dma_wait3A_828 = arith.constant 0 : i32
    %dma_wait3A_829 = tpu.memref_slice %arg9[%dma_wait3A_827, %dma_wait3A_828] : memref<512x32xf32, #tpu.memory_space<vmem>> -> memref<1x32xf32, #tpu.memory_space<vmem>>
    %dma_wait3A_830 = arith.constant 0 : i32
    %dma_wait3A_831 = arith.constant 0 : i32
    %dma_wait3A_832 = tpu.memref_slice %arg5[%dma_wait3A_830, %dma_wait3A_831] : memref<1000000x32xf32, #tpu.memory_space<hbm>> -> memref<1x32xf32, #tpu.memory_space<hbm>>
    tpu.wait_dma2 semaphore(%arg10 : memref<!tpu.dma_semaphore, #tpu.memory_space<semaphore_mem>>) src(%dma_wait3A_832 : memref<1x32xf32, #tpu.memory_space<hbm>>) dst(%dma_wait3A_829 : memref<1x32xf32, #tpu.memory_space<vmem>>)
    %dma_wait3A_833 = arith.constant 0 : i32
    %dma_wait3A_834 = arith.constant 0 : i32
    %dma_wait3A_835 = tpu.memref_slice %arg9[%dma_wait3A_833, %dma_wait3A_834] : memref<512x32xf32, #tpu.memory_space<vmem>> -> memref<1x32xf32, #tpu.memory_space<vmem>>
    %dma_wait3A_836 = arith.constant 0 : i32
    %dma_wait3A_837 = arith.constant 0 : i32
    %dma_wait3A_838 = tpu.memref_slice %arg5[%dma_wait3A_836, %dma_wait3A_837] : memref<1000000x32xf32, #tpu.memory_space<hbm>> -> memref<1x32xf32, #tpu.memory_space<hbm>>
    %dma_wait3A_839 = arith.constant 0 : i32
    %dma_wait3A_840 = arith.constant 0 : i32
    %dma_wait3A_841 = tpu.memref_slice %arg9[%dma_wait3A_839, %dma_wait3A_840] : memref<512x32xf32, #tpu.memory_space<vmem>> -> memref<1x32xf32, #tpu.memory_space<vmem>>
    %dma_wait3A_842 = arith.constant 0 : i32
    %dma_wait3A_843 = arith.constant 0 : i32
    %dma_wait3A_844 = tpu.memref_slice %arg5[%dma_wait3A_842, %dma_wait3A_843] : memref<1000000x32xf32, #tpu.memory_space<hbm>> -> memref<1x32xf32, #tpu.memory_space<hbm>>
    tpu.wait_dma2 semaphore(%arg10 : memref<!tpu.dma_semaphore, #tpu.memory_space<semaphore_mem>>) src(%dma_wait3A_844 : memref<1x32xf32, #tpu.memory_space<hbm>>) dst(%dma_wait3A_841 : memref<1x32xf32, #tpu.memory_space<vmem>>)
    %dma_wait3A_845 = arith.constant 0 : i32
    %dma_wait3A_846 = arith.constant 0 : i32
    %dma_wait3A_847 = tpu.memref_slice %arg9[%dma_wait3A_845, %dma_wait3A_846] : memref<512x32xf32, #tpu.memory_space<vmem>> -> memref<1x32xf32, #tpu.memory_space<vmem>>
    %dma_wait3A_848 = arith.constant 0 : i32
    %dma_wait3A_849 = arith.constant 0 : i32
    %dma_wait3A_850 = tpu.memref_slice %arg5[%dma_wait3A_848, %dma_wait3A_849] : memref<1000000x32xf32, #tpu.memory_space<hbm>> -> memref<1x32xf32, #tpu.memory_space<hbm>>
    %dma_wait3A_851 = arith.constant 0 : i32
    %dma_wait3A_852 = arith.constant 0 : i32
    %dma_wait3A_853 = tpu.memref_slice %arg9[%dma_wait3A_851, %dma_wait3A_852] : memref<512x32xf32, #tpu.memory_space<vmem>> -> memref<1x32xf32, #tpu.memory_space<vmem>>
    %dma_wait3A_854 = arith.constant 0 : i32
    %dma_wait3A_855 = arith.constant 0 : i32
    %dma_wait3A_856 = tpu.memref_slice %arg5[%dma_wait3A_854, %dma_wait3A_855] : memref<1000000x32xf32, #tpu.memory_space<hbm>> -> memref<1x32xf32, #tpu.memory_space<hbm>>
    tpu.wait_dma2 semaphore(%arg10 : memref<!tpu.dma_semaphore, #tpu.memory_space<semaphore_mem>>) src(%dma_wait3A_856 : memref<1x32xf32, #tpu.memory_space<hbm>>) dst(%dma_wait3A_853 : memref<1x32xf32, #tpu.memory_space<vmem>>)
    %dma_wait3A_857 = arith.constant 0 : i32
    %dma_wait3A_858 = arith.constant 0 : i32
    %dma_wait3A_859 = tpu.memref_slice %arg9[%dma_wait3A_857, %dma_wait3A_858] : memref<512x32xf32, #tpu.memory_space<vmem>> -> memref<1x32xf32, #tpu.memory_space<vmem>>
    %dma_wait3A_860 = arith.constant 0 : i32
    %dma_wait3A_861 = arith.constant 0 : i32
    %dma_wait3A_862 = tpu.memref_slice %arg5[%dma_wait3A_860, %dma_wait3A_861] : memref<1000000x32xf32, #tpu.memory_space<hbm>> -> memref<1x32xf32, #tpu.memory_space<hbm>>
    %dma_wait3A_863 = arith.constant 0 : i32
    %dma_wait3A_864 = arith.constant 0 : i32
    %dma_wait3A_865 = tpu.memref_slice %arg9[%dma_wait3A_863, %dma_wait3A_864] : memref<512x32xf32, #tpu.memory_space<vmem>> -> memref<1x32xf32, #tpu.memory_space<vmem>>
    %dma_wait3A_866 = arith.constant 0 : i32
    %dma_wait3A_867 = arith.constant 0 : i32
    %dma_wait3A_868 = tpu.memref_slice %arg5[%dma_wait3A_866, %dma_wait3A_867] : memref<1000000x32xf32, #tpu.memory_space<hbm>> -> memref<1x32xf32, #tpu.memory_space<hbm>>
    tpu.wait_dma2 semaphore(%arg10 : memref<!tpu.dma_semaphore, #tpu.memory_space<semaphore_mem>>) src(%dma_wait3A_868 : memref<1x32xf32, #tpu.memory_space<hbm>>) dst(%dma_wait3A_865 : memref<1x32xf32, #tpu.memory_space<vmem>>)
    %dma_wait3A_869 = arith.constant 0 : i32
    %dma_wait3A_870 = arith.constant 0 : i32
    %dma_wait3A_871 = tpu.memref_slice %arg9[%dma_wait3A_869, %dma_wait3A_870] : memref<512x32xf32, #tpu.memory_space<vmem>> -> memref<1x32xf32, #tpu.memory_space<vmem>>
    %dma_wait3A_872 = arith.constant 0 : i32
    %dma_wait3A_873 = arith.constant 0 : i32
    %dma_wait3A_874 = tpu.memref_slice %arg5[%dma_wait3A_872, %dma_wait3A_873] : memref<1000000x32xf32, #tpu.memory_space<hbm>> -> memref<1x32xf32, #tpu.memory_space<hbm>>
    %dma_wait3A_875 = arith.constant 0 : i32
    %dma_wait3A_876 = arith.constant 0 : i32
    %dma_wait3A_877 = tpu.memref_slice %arg9[%dma_wait3A_875, %dma_wait3A_876] : memref<512x32xf32, #tpu.memory_space<vmem>> -> memref<1x32xf32, #tpu.memory_space<vmem>>
    %dma_wait3A_878 = arith.constant 0 : i32
    %dma_wait3A_879 = arith.constant 0 : i32
    %dma_wait3A_880 = tpu.memref_slice %arg5[%dma_wait3A_878, %dma_wait3A_879] : memref<1000000x32xf32, #tpu.memory_space<hbm>> -> memref<1x32xf32, #tpu.memory_space<hbm>>
    tpu.wait_dma2 semaphore(%arg10 : memref<!tpu.dma_semaphore, #tpu.memory_space<semaphore_mem>>) src(%dma_wait3A_880 : memref<1x32xf32, #tpu.memory_space<hbm>>) dst(%dma_wait3A_877 : memref<1x32xf32, #tpu.memory_space<vmem>>)
    %dma_wait3A_881 = arith.constant 0 : i32
    %dma_wait3A_882 = arith.constant 0 : i32
    %dma_wait3A_883 = tpu.memref_slice %arg9[%dma_wait3A_881, %dma_wait3A_882] : memref<512x32xf32, #tpu.memory_space<vmem>> -> memref<1x32xf32, #tpu.memory_space<vmem>>
    %dma_wait3A_884 = arith.constant 0 : i32
    %dma_wait3A_885 = arith.constant 0 : i32
    %dma_wait3A_886 = tpu.memref_slice %arg5[%dma_wait3A_884, %dma_wait3A_885] : memref<1000000x32xf32, #tpu.memory_space<hbm>> -> memref<1x32xf32, #tpu.memory_space<hbm>>
    %dma_wait3A_887 = arith.constant 0 : i32
    %dma_wait3A_888 = arith.constant 0 : i32
    %dma_wait3A_889 = tpu.memref_slice %arg9[%dma_wait3A_887, %dma_wait3A_888] : memref<512x32xf32, #tpu.memory_space<vmem>> -> memref<1x32xf32, #tpu.memory_space<vmem>>
    %dma_wait3A_890 = arith.constant 0 : i32
    %dma_wait3A_891 = arith.constant 0 : i32
    %dma_wait3A_892 = tpu.memref_slice %arg5[%dma_wait3A_890, %dma_wait3A_891] : memref<1000000x32xf32, #tpu.memory_space<hbm>> -> memref<1x32xf32, #tpu.memory_space<hbm>>
    tpu.wait_dma2 semaphore(%arg10 : memref<!tpu.dma_semaphore, #tpu.memory_space<semaphore_mem>>) src(%dma_wait3A_892 : memref<1x32xf32, #tpu.memory_space<hbm>>) dst(%dma_wait3A_889 : memref<1x32xf32, #tpu.memory_space<vmem>>)
    %dma_wait3A_893 = arith.constant 0 : i32
    %dma_wait3A_894 = arith.constant 0 : i32
    %dma_wait3A_895 = tpu.memref_slice %arg9[%dma_wait3A_893, %dma_wait3A_894] : memref<512x32xf32, #tpu.memory_space<vmem>> -> memref<1x32xf32, #tpu.memory_space<vmem>>
    %dma_wait3A_896 = arith.constant 0 : i32
    %dma_wait3A_897 = arith.constant 0 : i32
    %dma_wait3A_898 = tpu.memref_slice %arg5[%dma_wait3A_896, %dma_wait3A_897] : memref<1000000x32xf32, #tpu.memory_space<hbm>> -> memref<1x32xf32, #tpu.memory_space<hbm>>
    %dma_wait3A_899 = arith.constant 0 : i32
    %dma_wait3A_900 = arith.constant 0 : i32
    %dma_wait3A_901 = tpu.memref_slice %arg9[%dma_wait3A_899, %dma_wait3A_900] : memref<512x32xf32, #tpu.memory_space<vmem>> -> memref<1x32xf32, #tpu.memory_space<vmem>>
    %dma_wait3A_902 = arith.constant 0 : i32
    %dma_wait3A_903 = arith.constant 0 : i32
    %dma_wait3A_904 = tpu.memref_slice %arg5[%dma_wait3A_902, %dma_wait3A_903] : memref<1000000x32xf32, #tpu.memory_space<hbm>> -> memref<1x32xf32, #tpu.memory_space<hbm>>
    tpu.wait_dma2 semaphore(%arg10 : memref<!tpu.dma_semaphore, #tpu.memory_space<semaphore_mem>>) src(%dma_wait3A_904 : memref<1x32xf32, #tpu.memory_space<hbm>>) dst(%dma_wait3A_901 : memref<1x32xf32, #tpu.memory_space<vmem>>)
    %dma_wait3A_905 = arith.constant 0 : i32
    %dma_wait3A_906 = arith.constant 0 : i32
    %dma_wait3A_907 = tpu.memref_slice %arg9[%dma_wait3A_905, %dma_wait3A_906] : memref<512x32xf32, #tpu.memory_space<vmem>> -> memref<1x32xf32, #tpu.memory_space<vmem>>
    %dma_wait3A_908 = arith.constant 0 : i32
    %dma_wait3A_909 = arith.constant 0 : i32
    %dma_wait3A_910 = tpu.memref_slice %arg5[%dma_wait3A_908, %dma_wait3A_909] : memref<1000000x32xf32, #tpu.memory_space<hbm>> -> memref<1x32xf32, #tpu.memory_space<hbm>>
    %dma_wait3A_911 = arith.constant 0 : i32
    %dma_wait3A_912 = arith.constant 0 : i32
    %dma_wait3A_913 = tpu.memref_slice %arg9[%dma_wait3A_911, %dma_wait3A_912] : memref<512x32xf32, #tpu.memory_space<vmem>> -> memref<1x32xf32, #tpu.memory_space<vmem>>
    %dma_wait3A_914 = arith.constant 0 : i32
    %dma_wait3A_915 = arith.constant 0 : i32
    %dma_wait3A_916 = tpu.memref_slice %arg5[%dma_wait3A_914, %dma_wait3A_915] : memref<1000000x32xf32, #tpu.memory_space<hbm>> -> memref<1x32xf32, #tpu.memory_space<hbm>>
    tpu.wait_dma2 semaphore(%arg10 : memref<!tpu.dma_semaphore, #tpu.memory_space<semaphore_mem>>) src(%dma_wait3A_916 : memref<1x32xf32, #tpu.memory_space<hbm>>) dst(%dma_wait3A_913 : memref<1x32xf32, #tpu.memory_space<vmem>>)
    %dma_wait3A_917 = arith.constant 0 : i32
    %dma_wait3A_918 = arith.constant 0 : i32
    %dma_wait3A_919 = tpu.memref_slice %arg9[%dma_wait3A_917, %dma_wait3A_918] : memref<512x32xf32, #tpu.memory_space<vmem>> -> memref<1x32xf32, #tpu.memory_space<vmem>>
    %dma_wait3A_920 = arith.constant 0 : i32
    %dma_wait3A_921 = arith.constant 0 : i32
    %dma_wait3A_922 = tpu.memref_slice %arg5[%dma_wait3A_920, %dma_wait3A_921] : memref<1000000x32xf32, #tpu.memory_space<hbm>> -> memref<1x32xf32, #tpu.memory_space<hbm>>
    %dma_wait3A_923 = arith.constant 0 : i32
    %dma_wait3A_924 = arith.constant 0 : i32
    %dma_wait3A_925 = tpu.memref_slice %arg9[%dma_wait3A_923, %dma_wait3A_924] : memref<512x32xf32, #tpu.memory_space<vmem>> -> memref<1x32xf32, #tpu.memory_space<vmem>>
    %dma_wait3A_926 = arith.constant 0 : i32
    %dma_wait3A_927 = arith.constant 0 : i32
    %dma_wait3A_928 = tpu.memref_slice %arg5[%dma_wait3A_926, %dma_wait3A_927] : memref<1000000x32xf32, #tpu.memory_space<hbm>> -> memref<1x32xf32, #tpu.memory_space<hbm>>
    tpu.wait_dma2 semaphore(%arg10 : memref<!tpu.dma_semaphore, #tpu.memory_space<semaphore_mem>>) src(%dma_wait3A_928 : memref<1x32xf32, #tpu.memory_space<hbm>>) dst(%dma_wait3A_925 : memref<1x32xf32, #tpu.memory_space<vmem>>)
    %dma_wait3A_929 = arith.constant 0 : i32
    %dma_wait3A_930 = arith.constant 0 : i32
    %dma_wait3A_931 = tpu.memref_slice %arg9[%dma_wait3A_929, %dma_wait3A_930] : memref<512x32xf32, #tpu.memory_space<vmem>> -> memref<1x32xf32, #tpu.memory_space<vmem>>
    %dma_wait3A_932 = arith.constant 0 : i32
    %dma_wait3A_933 = arith.constant 0 : i32
    %dma_wait3A_934 = tpu.memref_slice %arg5[%dma_wait3A_932, %dma_wait3A_933] : memref<1000000x32xf32, #tpu.memory_space<hbm>> -> memref<1x32xf32, #tpu.memory_space<hbm>>
    %dma_wait3A_935 = arith.constant 0 : i32
    %dma_wait3A_936 = arith.constant 0 : i32
    %dma_wait3A_937 = tpu.memref_slice %arg9[%dma_wait3A_935, %dma_wait3A_936] : memref<512x32xf32, #tpu.memory_space<vmem>> -> memref<1x32xf32, #tpu.memory_space<vmem>>
    %dma_wait3A_938 = arith.constant 0 : i32
    %dma_wait3A_939 = arith.constant 0 : i32
    %dma_wait3A_940 = tpu.memref_slice %arg5[%dma_wait3A_938, %dma_wait3A_939] : memref<1000000x32xf32, #tpu.memory_space<hbm>> -> memref<1x32xf32, #tpu.memory_space<hbm>>
    tpu.wait_dma2 semaphore(%arg10 : memref<!tpu.dma_semaphore, #tpu.memory_space<semaphore_mem>>) src(%dma_wait3A_940 : memref<1x32xf32, #tpu.memory_space<hbm>>) dst(%dma_wait3A_937 : memref<1x32xf32, #tpu.memory_space<vmem>>)
    %dma_wait3A_941 = arith.constant 0 : i32
    %dma_wait3A_942 = arith.constant 0 : i32
    %dma_wait3A_943 = tpu.memref_slice %arg9[%dma_wait3A_941, %dma_wait3A_942] : memref<512x32xf32, #tpu.memory_space<vmem>> -> memref<1x32xf32, #tpu.memory_space<vmem>>
    %dma_wait3A_944 = arith.constant 0 : i32
    %dma_wait3A_945 = arith.constant 0 : i32
    %dma_wait3A_946 = tpu.memref_slice %arg5[%dma_wait3A_944, %dma_wait3A_945] : memref<1000000x32xf32, #tpu.memory_space<hbm>> -> memref<1x32xf32, #tpu.memory_space<hbm>>
    %dma_wait3A_947 = arith.constant 0 : i32
    %dma_wait3A_948 = arith.constant 0 : i32
    %dma_wait3A_949 = tpu.memref_slice %arg9[%dma_wait3A_947, %dma_wait3A_948] : memref<512x32xf32, #tpu.memory_space<vmem>> -> memref<1x32xf32, #tpu.memory_space<vmem>>
    %dma_wait3A_950 = arith.constant 0 : i32
    %dma_wait3A_951 = arith.constant 0 : i32
    %dma_wait3A_952 = tpu.memref_slice %arg5[%dma_wait3A_950, %dma_wait3A_951] : memref<1000000x32xf32, #tpu.memory_space<hbm>> -> memref<1x32xf32, #tpu.memory_space<hbm>>
    tpu.wait_dma2 semaphore(%arg10 : memref<!tpu.dma_semaphore, #tpu.memory_space<semaphore_mem>>) src(%dma_wait3A_952 : memref<1x32xf32, #tpu.memory_space<hbm>>) dst(%dma_wait3A_949 : memref<1x32xf32, #tpu.memory_space<vmem>>)
    %dma_wait3A_953 = arith.constant 0 : i32
    %dma_wait3A_954 = arith.constant 0 : i32
    %dma_wait3A_955 = tpu.memref_slice %arg9[%dma_wait3A_953, %dma_wait3A_954] : memref<512x32xf32, #tpu.memory_space<vmem>> -> memref<1x32xf32, #tpu.memory_space<vmem>>
    %dma_wait3A_956 = arith.constant 0 : i32
    %dma_wait3A_957 = arith.constant 0 : i32
    %dma_wait3A_958 = tpu.memref_slice %arg5[%dma_wait3A_956, %dma_wait3A_957] : memref<1000000x32xf32, #tpu.memory_space<hbm>> -> memref<1x32xf32, #tpu.memory_space<hbm>>
    %dma_wait3A_959 = arith.constant 0 : i32
    %dma_wait3A_960 = arith.constant 0 : i32
    %dma_wait3A_961 = tpu.memref_slice %arg9[%dma_wait3A_959, %dma_wait3A_960] : memref<512x32xf32, #tpu.memory_space<vmem>> -> memref<1x32xf32, #tpu.memory_space<vmem>>
    %dma_wait3A_962 = arith.constant 0 : i32
    %dma_wait3A_963 = arith.constant 0 : i32
    %dma_wait3A_964 = tpu.memref_slice %arg5[%dma_wait3A_962, %dma_wait3A_963] : memref<1000000x32xf32, #tpu.memory_space<hbm>> -> memref<1x32xf32, #tpu.memory_space<hbm>>
    tpu.wait_dma2 semaphore(%arg10 : memref<!tpu.dma_semaphore, #tpu.memory_space<semaphore_mem>>) src(%dma_wait3A_964 : memref<1x32xf32, #tpu.memory_space<hbm>>) dst(%dma_wait3A_961 : memref<1x32xf32, #tpu.memory_space<vmem>>)
    %dma_wait3A_965 = arith.constant 0 : i32
    %dma_wait3A_966 = arith.constant 0 : i32
    %dma_wait3A_967 = tpu.memref_slice %arg9[%dma_wait3A_965, %dma_wait3A_966] : memref<512x32xf32, #tpu.memory_space<vmem>> -> memref<1x32xf32, #tpu.memory_space<vmem>>
    %dma_wait3A_968 = arith.constant 0 : i32
    %dma_wait3A_969 = arith.constant 0 : i32
    %dma_wait3A_970 = tpu.memref_slice %arg5[%dma_wait3A_968, %dma_wait3A_969] : memref<1000000x32xf32, #tpu.memory_space<hbm>> -> memref<1x32xf32, #tpu.memory_space<hbm>>
    %dma_wait3A_971 = arith.constant 0 : i32
    %dma_wait3A_972 = arith.constant 0 : i32
    %dma_wait3A_973 = tpu.memref_slice %arg9[%dma_wait3A_971, %dma_wait3A_972] : memref<512x32xf32, #tpu.memory_space<vmem>> -> memref<1x32xf32, #tpu.memory_space<vmem>>
    %dma_wait3A_974 = arith.constant 0 : i32
    %dma_wait3A_975 = arith.constant 0 : i32
    %dma_wait3A_976 = tpu.memref_slice %arg5[%dma_wait3A_974, %dma_wait3A_975] : memref<1000000x32xf32, #tpu.memory_space<hbm>> -> memref<1x32xf32, #tpu.memory_space<hbm>>
    tpu.wait_dma2 semaphore(%arg10 : memref<!tpu.dma_semaphore, #tpu.memory_space<semaphore_mem>>) src(%dma_wait3A_976 : memref<1x32xf32, #tpu.memory_space<hbm>>) dst(%dma_wait3A_973 : memref<1x32xf32, #tpu.memory_space<vmem>>)
    %dma_wait3A_977 = arith.constant 0 : i32
    %dma_wait3A_978 = arith.constant 0 : i32
    %dma_wait3A_979 = tpu.memref_slice %arg9[%dma_wait3A_977, %dma_wait3A_978] : memref<512x32xf32, #tpu.memory_space<vmem>> -> memref<1x32xf32, #tpu.memory_space<vmem>>
    %dma_wait3A_980 = arith.constant 0 : i32
    %dma_wait3A_981 = arith.constant 0 : i32
    %dma_wait3A_982 = tpu.memref_slice %arg5[%dma_wait3A_980, %dma_wait3A_981] : memref<1000000x32xf32, #tpu.memory_space<hbm>> -> memref<1x32xf32, #tpu.memory_space<hbm>>
    %dma_wait3A_983 = arith.constant 0 : i32
    %dma_wait3A_984 = arith.constant 0 : i32
    %dma_wait3A_985 = tpu.memref_slice %arg9[%dma_wait3A_983, %dma_wait3A_984] : memref<512x32xf32, #tpu.memory_space<vmem>> -> memref<1x32xf32, #tpu.memory_space<vmem>>
    %dma_wait3A_986 = arith.constant 0 : i32
    %dma_wait3A_987 = arith.constant 0 : i32
    %dma_wait3A_988 = tpu.memref_slice %arg5[%dma_wait3A_986, %dma_wait3A_987] : memref<1000000x32xf32, #tpu.memory_space<hbm>> -> memref<1x32xf32, #tpu.memory_space<hbm>>
    tpu.wait_dma2 semaphore(%arg10 : memref<!tpu.dma_semaphore, #tpu.memory_space<semaphore_mem>>) src(%dma_wait3A_988 : memref<1x32xf32, #tpu.memory_space<hbm>>) dst(%dma_wait3A_985 : memref<1x32xf32, #tpu.memory_space<vmem>>)
    %dma_wait3A_989 = arith.constant 0 : i32
    %dma_wait3A_990 = arith.constant 0 : i32
    %dma_wait3A_991 = tpu.memref_slice %arg9[%dma_wait3A_989, %dma_wait3A_990] : memref<512x32xf32, #tpu.memory_space<vmem>> -> memref<1x32xf32, #tpu.memory_space<vmem>>
    %dma_wait3A_992 = arith.constant 0 : i32
    %dma_wait3A_993 = arith.constant 0 : i32
    %dma_wait3A_994 = tpu.memref_slice %arg5[%dma_wait3A_992, %dma_wait3A_993] : memref<1000000x32xf32, #tpu.memory_space<hbm>> -> memref<1x32xf32, #tpu.memory_space<hbm>>
    %dma_wait3A_995 = arith.constant 0 : i32
    %dma_wait3A_996 = arith.constant 0 : i32
    %dma_wait3A_997 = tpu.memref_slice %arg9[%dma_wait3A_995, %dma_wait3A_996] : memref<512x32xf32, #tpu.memory_space<vmem>> -> memref<1x32xf32, #tpu.memory_space<vmem>>
    %dma_wait3A_998 = arith.constant 0 : i32
    %dma_wait3A_999 = arith.constant 0 : i32
    %dma_wait3A_1000 = tpu.memref_slice %arg5[%dma_wait3A_998, %dma_wait3A_999] : memref<1000000x32xf32, #tpu.memory_space<hbm>> -> memref<1x32xf32, #tpu.memory_space<hbm>>
    tpu.wait_dma2 semaphore(%arg10 : memref<!tpu.dma_semaphore, #tpu.memory_space<semaphore_mem>>) src(%dma_wait3A_1000 : memref<1x32xf32, #tpu.memory_space<hbm>>) dst(%dma_wait3A_997 : memref<1x32xf32, #tpu.memory_space<vmem>>)
    %dma_wait3A_1001 = arith.constant 0 : i32
    %dma_wait3A_1002 = arith.constant 0 : i32
    %dma_wait3A_1003 = tpu.memref_slice %arg9[%dma_wait3A_1001, %dma_wait3A_1002] : memref<512x32xf32, #tpu.memory_space<vmem>> -> memref<1x32xf32, #tpu.memory_space<vmem>>
    %dma_wait3A_1004 = arith.constant 0 : i32
    %dma_wait3A_1005 = arith.constant 0 : i32
    %dma_wait3A_1006 = tpu.memref_slice %arg5[%dma_wait3A_1004, %dma_wait3A_1005] : memref<1000000x32xf32, #tpu.memory_space<hbm>> -> memref<1x32xf32, #tpu.memory_space<hbm>>
    %dma_wait3A_1007 = arith.constant 0 : i32
    %dma_wait3A_1008 = arith.constant 0 : i32
    %dma_wait3A_1009 = tpu.memref_slice %arg9[%dma_wait3A_1007, %dma_wait3A_1008] : memref<512x32xf32, #tpu.memory_space<vmem>> -> memref<1x32xf32, #tpu.memory_space<vmem>>
    %dma_wait3A_1010 = arith.constant 0 : i32
    %dma_wait3A_1011 = arith.constant 0 : i32
    %dma_wait3A_1012 = tpu.memref_slice %arg5[%dma_wait3A_1010, %dma_wait3A_1011] : memref<1000000x32xf32, #tpu.memory_space<hbm>> -> memref<1x32xf32, #tpu.memory_space<hbm>>
    tpu.wait_dma2 semaphore(%arg10 : memref<!tpu.dma_semaphore, #tpu.memory_space<semaphore_mem>>) src(%dma_wait3A_1012 : memref<1x32xf32, #tpu.memory_space<hbm>>) dst(%dma_wait3A_1009 : memref<1x32xf32, #tpu.memory_space<vmem>>)
    %dma_wait3A_1013 = arith.constant 0 : i32
    %dma_wait3A_1014 = arith.constant 0 : i32
    %dma_wait3A_1015 = tpu.memref_slice %arg9[%dma_wait3A_1013, %dma_wait3A_1014] : memref<512x32xf32, #tpu.memory_space<vmem>> -> memref<1x32xf32, #tpu.memory_space<vmem>>
    %dma_wait3A_1016 = arith.constant 0 : i32
    %dma_wait3A_1017 = arith.constant 0 : i32
    %dma_wait3A_1018 = tpu.memref_slice %arg5[%dma_wait3A_1016, %dma_wait3A_1017] : memref<1000000x32xf32, #tpu.memory_space<hbm>> -> memref<1x32xf32, #tpu.memory_space<hbm>>
    %dma_wait3A_1019 = arith.constant 0 : i32
    %dma_wait3A_1020 = arith.constant 0 : i32
    %dma_wait3A_1021 = tpu.memref_slice %arg9[%dma_wait3A_1019, %dma_wait3A_1020] : memref<512x32xf32, #tpu.memory_space<vmem>> -> memref<1x32xf32, #tpu.memory_space<vmem>>
    %dma_wait3A_1022 = arith.constant 0 : i32
    %dma_wait3A_1023 = arith.constant 0 : i32
    %dma_wait3A_1024 = tpu.memref_slice %arg5[%dma_wait3A_1022, %dma_wait3A_1023] : memref<1000000x32xf32, #tpu.memory_space<hbm>> -> memref<1x32xf32, #tpu.memory_space<hbm>>
    tpu.wait_dma2 semaphore(%arg10 : memref<!tpu.dma_semaphore, #tpu.memory_space<semaphore_mem>>) src(%dma_wait3A_1024 : memref<1x32xf32, #tpu.memory_space<hbm>>) dst(%dma_wait3A_1021 : memref<1x32xf32, #tpu.memory_space<vmem>>)
    %dma_wait3A_1025 = arith.constant 0 : i32
    %dma_wait3A_1026 = arith.constant 0 : i32
    %dma_wait3A_1027 = tpu.memref_slice %arg9[%dma_wait3A_1025, %dma_wait3A_1026] : memref<512x32xf32, #tpu.memory_space<vmem>> -> memref<1x32xf32, #tpu.memory_space<vmem>>
    %dma_wait3A_1028 = arith.constant 0 : i32
    %dma_wait3A_1029 = arith.constant 0 : i32
    %dma_wait3A_1030 = tpu.memref_slice %arg5[%dma_wait3A_1028, %dma_wait3A_1029] : memref<1000000x32xf32, #tpu.memory_space<hbm>> -> memref<1x32xf32, #tpu.memory_space<hbm>>
    %dma_wait3A_1031 = arith.constant 0 : i32
    %dma_wait3A_1032 = arith.constant 0 : i32
    %dma_wait3A_1033 = tpu.memref_slice %arg9[%dma_wait3A_1031, %dma_wait3A_1032] : memref<512x32xf32, #tpu.memory_space<vmem>> -> memref<1x32xf32, #tpu.memory_space<vmem>>
    %dma_wait3A_1034 = arith.constant 0 : i32
    %dma_wait3A_1035 = arith.constant 0 : i32
    %dma_wait3A_1036 = tpu.memref_slice %arg5[%dma_wait3A_1034, %dma_wait3A_1035] : memref<1000000x32xf32, #tpu.memory_space<hbm>> -> memref<1x32xf32, #tpu.memory_space<hbm>>
    tpu.wait_dma2 semaphore(%arg10 : memref<!tpu.dma_semaphore, #tpu.memory_space<semaphore_mem>>) src(%dma_wait3A_1036 : memref<1x32xf32, #tpu.memory_space<hbm>>) dst(%dma_wait3A_1033 : memref<1x32xf32, #tpu.memory_space<vmem>>)
    %dma_wait3A_1037 = arith.constant 0 : i32
    %dma_wait3A_1038 = arith.constant 0 : i32
    %dma_wait3A_1039 = tpu.memref_slice %arg9[%dma_wait3A_1037, %dma_wait3A_1038] : memref<512x32xf32, #tpu.memory_space<vmem>> -> memref<1x32xf32, #tpu.memory_space<vmem>>
    %dma_wait3A_1040 = arith.constant 0 : i32
    %dma_wait3A_1041 = arith.constant 0 : i32
    %dma_wait3A_1042 = tpu.memref_slice %arg5[%dma_wait3A_1040, %dma_wait3A_1041] : memref<1000000x32xf32, #tpu.memory_space<hbm>> -> memref<1x32xf32, #tpu.memory_space<hbm>>
    %dma_wait3A_1043 = arith.constant 0 : i32
    %dma_wait3A_1044 = arith.constant 0 : i32
    %dma_wait3A_1045 = tpu.memref_slice %arg9[%dma_wait3A_1043, %dma_wait3A_1044] : memref<512x32xf32, #tpu.memory_space<vmem>> -> memref<1x32xf32, #tpu.memory_space<vmem>>
    %dma_wait3A_1046 = arith.constant 0 : i32
    %dma_wait3A_1047 = arith.constant 0 : i32
    %dma_wait3A_1048 = tpu.memref_slice %arg5[%dma_wait3A_1046, %dma_wait3A_1047] : memref<1000000x32xf32, #tpu.memory_space<hbm>> -> memref<1x32xf32, #tpu.memory_space<hbm>>
    tpu.wait_dma2 semaphore(%arg10 : memref<!tpu.dma_semaphore, #tpu.memory_space<semaphore_mem>>) src(%dma_wait3A_1048 : memref<1x32xf32, #tpu.memory_space<hbm>>) dst(%dma_wait3A_1045 : memref<1x32xf32, #tpu.memory_space<vmem>>)
    %dma_wait3A_1049 = arith.constant 0 : i32
    %dma_wait3A_1050 = arith.constant 0 : i32
    %dma_wait3A_1051 = tpu.memref_slice %arg9[%dma_wait3A_1049, %dma_wait3A_1050] : memref<512x32xf32, #tpu.memory_space<vmem>> -> memref<1x32xf32, #tpu.memory_space<vmem>>
    %dma_wait3A_1052 = arith.constant 0 : i32
    %dma_wait3A_1053 = arith.constant 0 : i32
    %dma_wait3A_1054 = tpu.memref_slice %arg5[%dma_wait3A_1052, %dma_wait3A_1053] : memref<1000000x32xf32, #tpu.memory_space<hbm>> -> memref<1x32xf32, #tpu.memory_space<hbm>>
    %dma_wait3A_1055 = arith.constant 0 : i32
    %dma_wait3A_1056 = arith.constant 0 : i32
    %dma_wait3A_1057 = tpu.memref_slice %arg9[%dma_wait3A_1055, %dma_wait3A_1056] : memref<512x32xf32, #tpu.memory_space<vmem>> -> memref<1x32xf32, #tpu.memory_space<vmem>>
    %dma_wait3A_1058 = arith.constant 0 : i32
    %dma_wait3A_1059 = arith.constant 0 : i32
    %dma_wait3A_1060 = tpu.memref_slice %arg5[%dma_wait3A_1058, %dma_wait3A_1059] : memref<1000000x32xf32, #tpu.memory_space<hbm>> -> memref<1x32xf32, #tpu.memory_space<hbm>>
    tpu.wait_dma2 semaphore(%arg10 : memref<!tpu.dma_semaphore, #tpu.memory_space<semaphore_mem>>) src(%dma_wait3A_1060 : memref<1x32xf32, #tpu.memory_space<hbm>>) dst(%dma_wait3A_1057 : memref<1x32xf32, #tpu.memory_space<vmem>>)
    %dma_wait3A_1061 = arith.constant 0 : i32
    %dma_wait3A_1062 = arith.constant 0 : i32
    %dma_wait3A_1063 = tpu.memref_slice %arg9[%dma_wait3A_1061, %dma_wait3A_1062] : memref<512x32xf32, #tpu.memory_space<vmem>> -> memref<1x32xf32, #tpu.memory_space<vmem>>
    %dma_wait3A_1064 = arith.constant 0 : i32
    %dma_wait3A_1065 = arith.constant 0 : i32
    %dma_wait3A_1066 = tpu.memref_slice %arg5[%dma_wait3A_1064, %dma_wait3A_1065] : memref<1000000x32xf32, #tpu.memory_space<hbm>> -> memref<1x32xf32, #tpu.memory_space<hbm>>
    %dma_wait3A_1067 = arith.constant 0 : i32
    %dma_wait3A_1068 = arith.constant 0 : i32
    %dma_wait3A_1069 = tpu.memref_slice %arg9[%dma_wait3A_1067, %dma_wait3A_1068] : memref<512x32xf32, #tpu.memory_space<vmem>> -> memref<1x32xf32, #tpu.memory_space<vmem>>
    %dma_wait3A_1070 = arith.constant 0 : i32
    %dma_wait3A_1071 = arith.constant 0 : i32
    %dma_wait3A_1072 = tpu.memref_slice %arg5[%dma_wait3A_1070, %dma_wait3A_1071] : memref<1000000x32xf32, #tpu.memory_space<hbm>> -> memref<1x32xf32, #tpu.memory_space<hbm>>
    tpu.wait_dma2 semaphore(%arg10 : memref<!tpu.dma_semaphore, #tpu.memory_space<semaphore_mem>>) src(%dma_wait3A_1072 : memref<1x32xf32, #tpu.memory_space<hbm>>) dst(%dma_wait3A_1069 : memref<1x32xf32, #tpu.memory_space<vmem>>)
    %dma_wait3A_1073 = arith.constant 0 : i32
    %dma_wait3A_1074 = arith.constant 0 : i32
    %dma_wait3A_1075 = tpu.memref_slice %arg9[%dma_wait3A_1073, %dma_wait3A_1074] : memref<512x32xf32, #tpu.memory_space<vmem>> -> memref<1x32xf32, #tpu.memory_space<vmem>>
    %dma_wait3A_1076 = arith.constant 0 : i32
    %dma_wait3A_1077 = arith.constant 0 : i32
    %dma_wait3A_1078 = tpu.memref_slice %arg5[%dma_wait3A_1076, %dma_wait3A_1077] : memref<1000000x32xf32, #tpu.memory_space<hbm>> -> memref<1x32xf32, #tpu.memory_space<hbm>>
    %dma_wait3A_1079 = arith.constant 0 : i32
    %dma_wait3A_1080 = arith.constant 0 : i32
    %dma_wait3A_1081 = tpu.memref_slice %arg9[%dma_wait3A_1079, %dma_wait3A_1080] : memref<512x32xf32, #tpu.memory_space<vmem>> -> memref<1x32xf32, #tpu.memory_space<vmem>>
    %dma_wait3A_1082 = arith.constant 0 : i32
    %dma_wait3A_1083 = arith.constant 0 : i32
    %dma_wait3A_1084 = tpu.memref_slice %arg5[%dma_wait3A_1082, %dma_wait3A_1083] : memref<1000000x32xf32, #tpu.memory_space<hbm>> -> memref<1x32xf32, #tpu.memory_space<hbm>>
    tpu.wait_dma2 semaphore(%arg10 : memref<!tpu.dma_semaphore, #tpu.memory_space<semaphore_mem>>) src(%dma_wait3A_1084 : memref<1x32xf32, #tpu.memory_space<hbm>>) dst(%dma_wait3A_1081 : memref<1x32xf32, #tpu.memory_space<vmem>>)
    %dma_wait3A_1085 = arith.constant 0 : i32
    %dma_wait3A_1086 = arith.constant 0 : i32
    %dma_wait3A_1087 = tpu.memref_slice %arg9[%dma_wait3A_1085, %dma_wait3A_1086] : memref<512x32xf32, #tpu.memory_space<vmem>> -> memref<1x32xf32, #tpu.memory_space<vmem>>
    %dma_wait3A_1088 = arith.constant 0 : i32
    %dma_wait3A_1089 = arith.constant 0 : i32
    %dma_wait3A_1090 = tpu.memref_slice %arg5[%dma_wait3A_1088, %dma_wait3A_1089] : memref<1000000x32xf32, #tpu.memory_space<hbm>> -> memref<1x32xf32, #tpu.memory_space<hbm>>
    %dma_wait3A_1091 = arith.constant 0 : i32
    %dma_wait3A_1092 = arith.constant 0 : i32
    %dma_wait3A_1093 = tpu.memref_slice %arg9[%dma_wait3A_1091, %dma_wait3A_1092] : memref<512x32xf32, #tpu.memory_space<vmem>> -> memref<1x32xf32, #tpu.memory_space<vmem>>
    %dma_wait3A_1094 = arith.constant 0 : i32
    %dma_wait3A_1095 = arith.constant 0 : i32
    %dma_wait3A_1096 = tpu.memref_slice %arg5[%dma_wait3A_1094, %dma_wait3A_1095] : memref<1000000x32xf32, #tpu.memory_space<hbm>> -> memref<1x32xf32, #tpu.memory_space<hbm>>
    tpu.wait_dma2 semaphore(%arg10 : memref<!tpu.dma_semaphore, #tpu.memory_space<semaphore_mem>>) src(%dma_wait3A_1096 : memref<1x32xf32, #tpu.memory_space<hbm>>) dst(%dma_wait3A_1093 : memref<1x32xf32, #tpu.memory_space<vmem>>)
    %dma_wait3A_1097 = arith.constant 0 : i32
    %dma_wait3A_1098 = arith.constant 0 : i32
    %dma_wait3A_1099 = tpu.memref_slice %arg9[%dma_wait3A_1097, %dma_wait3A_1098] : memref<512x32xf32, #tpu.memory_space<vmem>> -> memref<1x32xf32, #tpu.memory_space<vmem>>
    %dma_wait3A_1100 = arith.constant 0 : i32
    %dma_wait3A_1101 = arith.constant 0 : i32
    %dma_wait3A_1102 = tpu.memref_slice %arg5[%dma_wait3A_1100, %dma_wait3A_1101] : memref<1000000x32xf32, #tpu.memory_space<hbm>> -> memref<1x32xf32, #tpu.memory_space<hbm>>
    %dma_wait3A_1103 = arith.constant 0 : i32
    %dma_wait3A_1104 = arith.constant 0 : i32
    %dma_wait3A_1105 = tpu.memref_slice %arg9[%dma_wait3A_1103, %dma_wait3A_1104] : memref<512x32xf32, #tpu.memory_space<vmem>> -> memref<1x32xf32, #tpu.memory_space<vmem>>
    %dma_wait3A_1106 = arith.constant 0 : i32
    %dma_wait3A_1107 = arith.constant 0 : i32
    %dma_wait3A_1108 = tpu.memref_slice %arg5[%dma_wait3A_1106, %dma_wait3A_1107] : memref<1000000x32xf32, #tpu.memory_space<hbm>> -> memref<1x32xf32, #tpu.memory_space<hbm>>
    tpu.wait_dma2 semaphore(%arg10 : memref<!tpu.dma_semaphore, #tpu.memory_space<semaphore_mem>>) src(%dma_wait3A_1108 : memref<1x32xf32, #tpu.memory_space<hbm>>) dst(%dma_wait3A_1105 : memref<1x32xf32, #tpu.memory_space<vmem>>)
    %dma_wait3A_1109 = arith.constant 0 : i32
    %dma_wait3A_1110 = arith.constant 0 : i32
    %dma_wait3A_1111 = tpu.memref_slice %arg9[%dma_wait3A_1109, %dma_wait3A_1110] : memref<512x32xf32, #tpu.memory_space<vmem>> -> memref<1x32xf32, #tpu.memory_space<vmem>>
    %dma_wait3A_1112 = arith.constant 0 : i32
    %dma_wait3A_1113 = arith.constant 0 : i32
    %dma_wait3A_1114 = tpu.memref_slice %arg5[%dma_wait3A_1112, %dma_wait3A_1113] : memref<1000000x32xf32, #tpu.memory_space<hbm>> -> memref<1x32xf32, #tpu.memory_space<hbm>>
    %dma_wait3A_1115 = arith.constant 0 : i32
    %dma_wait3A_1116 = arith.constant 0 : i32
    %dma_wait3A_1117 = tpu.memref_slice %arg9[%dma_wait3A_1115, %dma_wait3A_1116] : memref<512x32xf32, #tpu.memory_space<vmem>> -> memref<1x32xf32, #tpu.memory_space<vmem>>
    %dma_wait3A_1118 = arith.constant 0 : i32
    %dma_wait3A_1119 = arith.constant 0 : i32
    %dma_wait3A_1120 = tpu.memref_slice %arg5[%dma_wait3A_1118, %dma_wait3A_1119] : memref<1000000x32xf32, #tpu.memory_space<hbm>> -> memref<1x32xf32, #tpu.memory_space<hbm>>
    tpu.wait_dma2 semaphore(%arg10 : memref<!tpu.dma_semaphore, #tpu.memory_space<semaphore_mem>>) src(%dma_wait3A_1120 : memref<1x32xf32, #tpu.memory_space<hbm>>) dst(%dma_wait3A_1117 : memref<1x32xf32, #tpu.memory_space<vmem>>)
    %dma_wait3A_1121 = arith.constant 0 : i32
    %dma_wait3A_1122 = arith.constant 0 : i32
    %dma_wait3A_1123 = tpu.memref_slice %arg9[%dma_wait3A_1121, %dma_wait3A_1122] : memref<512x32xf32, #tpu.memory_space<vmem>> -> memref<1x32xf32, #tpu.memory_space<vmem>>
    %dma_wait3A_1124 = arith.constant 0 : i32
    %dma_wait3A_1125 = arith.constant 0 : i32
    %dma_wait3A_1126 = tpu.memref_slice %arg5[%dma_wait3A_1124, %dma_wait3A_1125] : memref<1000000x32xf32, #tpu.memory_space<hbm>> -> memref<1x32xf32, #tpu.memory_space<hbm>>
    %dma_wait3A_1127 = arith.constant 0 : i32
    %dma_wait3A_1128 = arith.constant 0 : i32
    %dma_wait3A_1129 = tpu.memref_slice %arg9[%dma_wait3A_1127, %dma_wait3A_1128] : memref<512x32xf32, #tpu.memory_space<vmem>> -> memref<1x32xf32, #tpu.memory_space<vmem>>
    %dma_wait3A_1130 = arith.constant 0 : i32
    %dma_wait3A_1131 = arith.constant 0 : i32
    %dma_wait3A_1132 = tpu.memref_slice %arg5[%dma_wait3A_1130, %dma_wait3A_1131] : memref<1000000x32xf32, #tpu.memory_space<hbm>> -> memref<1x32xf32, #tpu.memory_space<hbm>>
    tpu.wait_dma2 semaphore(%arg10 : memref<!tpu.dma_semaphore, #tpu.memory_space<semaphore_mem>>) src(%dma_wait3A_1132 : memref<1x32xf32, #tpu.memory_space<hbm>>) dst(%dma_wait3A_1129 : memref<1x32xf32, #tpu.memory_space<vmem>>)
    %dma_wait3A_1133 = arith.constant 0 : i32
    %dma_wait3A_1134 = arith.constant 0 : i32
    %dma_wait3A_1135 = tpu.memref_slice %arg9[%dma_wait3A_1133, %dma_wait3A_1134] : memref<512x32xf32, #tpu.memory_space<vmem>> -> memref<1x32xf32, #tpu.memory_space<vmem>>
    %dma_wait3A_1136 = arith.constant 0 : i32
    %dma_wait3A_1137 = arith.constant 0 : i32
    %dma_wait3A_1138 = tpu.memref_slice %arg5[%dma_wait3A_1136, %dma_wait3A_1137] : memref<1000000x32xf32, #tpu.memory_space<hbm>> -> memref<1x32xf32, #tpu.memory_space<hbm>>
    %dma_wait3A_1139 = arith.constant 0 : i32
    %dma_wait3A_1140 = arith.constant 0 : i32
    %dma_wait3A_1141 = tpu.memref_slice %arg9[%dma_wait3A_1139, %dma_wait3A_1140] : memref<512x32xf32, #tpu.memory_space<vmem>> -> memref<1x32xf32, #tpu.memory_space<vmem>>
    %dma_wait3A_1142 = arith.constant 0 : i32
    %dma_wait3A_1143 = arith.constant 0 : i32
    %dma_wait3A_1144 = tpu.memref_slice %arg5[%dma_wait3A_1142, %dma_wait3A_1143] : memref<1000000x32xf32, #tpu.memory_space<hbm>> -> memref<1x32xf32, #tpu.memory_space<hbm>>
    tpu.wait_dma2 semaphore(%arg10 : memref<!tpu.dma_semaphore, #tpu.memory_space<semaphore_mem>>) src(%dma_wait3A_1144 : memref<1x32xf32, #tpu.memory_space<hbm>>) dst(%dma_wait3A_1141 : memref<1x32xf32, #tpu.memory_space<vmem>>)
    %dma_wait3A_1145 = arith.constant 0 : i32
    %dma_wait3A_1146 = arith.constant 0 : i32
    %dma_wait3A_1147 = tpu.memref_slice %arg9[%dma_wait3A_1145, %dma_wait3A_1146] : memref<512x32xf32, #tpu.memory_space<vmem>> -> memref<1x32xf32, #tpu.memory_space<vmem>>
    %dma_wait3A_1148 = arith.constant 0 : i32
    %dma_wait3A_1149 = arith.constant 0 : i32
    %dma_wait3A_1150 = tpu.memref_slice %arg5[%dma_wait3A_1148, %dma_wait3A_1149] : memref<1000000x32xf32, #tpu.memory_space<hbm>> -> memref<1x32xf32, #tpu.memory_space<hbm>>
    %dma_wait3A_1151 = arith.constant 0 : i32
    %dma_wait3A_1152 = arith.constant 0 : i32
    %dma_wait3A_1153 = tpu.memref_slice %arg9[%dma_wait3A_1151, %dma_wait3A_1152] : memref<512x32xf32, #tpu.memory_space<vmem>> -> memref<1x32xf32, #tpu.memory_space<vmem>>
    %dma_wait3A_1154 = arith.constant 0 : i32
    %dma_wait3A_1155 = arith.constant 0 : i32
    %dma_wait3A_1156 = tpu.memref_slice %arg5[%dma_wait3A_1154, %dma_wait3A_1155] : memref<1000000x32xf32, #tpu.memory_space<hbm>> -> memref<1x32xf32, #tpu.memory_space<hbm>>
    tpu.wait_dma2 semaphore(%arg10 : memref<!tpu.dma_semaphore, #tpu.memory_space<semaphore_mem>>) src(%dma_wait3A_1156 : memref<1x32xf32, #tpu.memory_space<hbm>>) dst(%dma_wait3A_1153 : memref<1x32xf32, #tpu.memory_space<vmem>>)
    %dma_wait3A_1157 = arith.constant 0 : i32
    %dma_wait3A_1158 = arith.constant 0 : i32
    %dma_wait3A_1159 = tpu.memref_slice %arg9[%dma_wait3A_1157, %dma_wait3A_1158] : memref<512x32xf32, #tpu.memory_space<vmem>> -> memref<1x32xf32, #tpu.memory_space<vmem>>
    %dma_wait3A_1160 = arith.constant 0 : i32
    %dma_wait3A_1161 = arith.constant 0 : i32
    %dma_wait3A_1162 = tpu.memref_slice %arg5[%dma_wait3A_1160, %dma_wait3A_1161] : memref<1000000x32xf32, #tpu.memory_space<hbm>> -> memref<1x32xf32, #tpu.memory_space<hbm>>
    %dma_wait3A_1163 = arith.constant 0 : i32
    %dma_wait3A_1164 = arith.constant 0 : i32
    %dma_wait3A_1165 = tpu.memref_slice %arg9[%dma_wait3A_1163, %dma_wait3A_1164] : memref<512x32xf32, #tpu.memory_space<vmem>> -> memref<1x32xf32, #tpu.memory_space<vmem>>
    %dma_wait3A_1166 = arith.constant 0 : i32
    %dma_wait3A_1167 = arith.constant 0 : i32
    %dma_wait3A_1168 = tpu.memref_slice %arg5[%dma_wait3A_1166, %dma_wait3A_1167] : memref<1000000x32xf32, #tpu.memory_space<hbm>> -> memref<1x32xf32, #tpu.memory_space<hbm>>
    tpu.wait_dma2 semaphore(%arg10 : memref<!tpu.dma_semaphore, #tpu.memory_space<semaphore_mem>>) src(%dma_wait3A_1168 : memref<1x32xf32, #tpu.memory_space<hbm>>) dst(%dma_wait3A_1165 : memref<1x32xf32, #tpu.memory_space<vmem>>)
    %dma_wait3A_1169 = arith.constant 0 : i32
    %dma_wait3A_1170 = arith.constant 0 : i32
    %dma_wait3A_1171 = tpu.memref_slice %arg9[%dma_wait3A_1169, %dma_wait3A_1170] : memref<512x32xf32, #tpu.memory_space<vmem>> -> memref<1x32xf32, #tpu.memory_space<vmem>>
    %dma_wait3A_1172 = arith.constant 0 : i32
    %dma_wait3A_1173 = arith.constant 0 : i32
    %dma_wait3A_1174 = tpu.memref_slice %arg5[%dma_wait3A_1172, %dma_wait3A_1173] : memref<1000000x32xf32, #tpu.memory_space<hbm>> -> memref<1x32xf32, #tpu.memory_space<hbm>>
    %dma_wait3A_1175 = arith.constant 0 : i32
    %dma_wait3A_1176 = arith.constant 0 : i32
    %dma_wait3A_1177 = tpu.memref_slice %arg9[%dma_wait3A_1175, %dma_wait3A_1176] : memref<512x32xf32, #tpu.memory_space<vmem>> -> memref<1x32xf32, #tpu.memory_space<vmem>>
    %dma_wait3A_1178 = arith.constant 0 : i32
    %dma_wait3A_1179 = arith.constant 0 : i32
    %dma_wait3A_1180 = tpu.memref_slice %arg5[%dma_wait3A_1178, %dma_wait3A_1179] : memref<1000000x32xf32, #tpu.memory_space<hbm>> -> memref<1x32xf32, #tpu.memory_space<hbm>>
    tpu.wait_dma2 semaphore(%arg10 : memref<!tpu.dma_semaphore, #tpu.memory_space<semaphore_mem>>) src(%dma_wait3A_1180 : memref<1x32xf32, #tpu.memory_space<hbm>>) dst(%dma_wait3A_1177 : memref<1x32xf32, #tpu.memory_space<vmem>>)
    %dma_wait3A_1181 = arith.constant 0 : i32
    %dma_wait3A_1182 = arith.constant 0 : i32
    %dma_wait3A_1183 = tpu.memref_slice %arg9[%dma_wait3A_1181, %dma_wait3A_1182] : memref<512x32xf32, #tpu.memory_space<vmem>> -> memref<1x32xf32, #tpu.memory_space<vmem>>
    %dma_wait3A_1184 = arith.constant 0 : i32
    %dma_wait3A_1185 = arith.constant 0 : i32
    %dma_wait3A_1186 = tpu.memref_slice %arg5[%dma_wait3A_1184, %dma_wait3A_1185] : memref<1000000x32xf32, #tpu.memory_space<hbm>> -> memref<1x32xf32, #tpu.memory_space<hbm>>
    %dma_wait3A_1187 = arith.constant 0 : i32
    %dma_wait3A_1188 = arith.constant 0 : i32
    %dma_wait3A_1189 = tpu.memref_slice %arg9[%dma_wait3A_1187, %dma_wait3A_1188] : memref<512x32xf32, #tpu.memory_space<vmem>> -> memref<1x32xf32, #tpu.memory_space<vmem>>
    %dma_wait3A_1190 = arith.constant 0 : i32
    %dma_wait3A_1191 = arith.constant 0 : i32
    %dma_wait3A_1192 = tpu.memref_slice %arg5[%dma_wait3A_1190, %dma_wait3A_1191] : memref<1000000x32xf32, #tpu.memory_space<hbm>> -> memref<1x32xf32, #tpu.memory_space<hbm>>
    tpu.wait_dma2 semaphore(%arg10 : memref<!tpu.dma_semaphore, #tpu.memory_space<semaphore_mem>>) src(%dma_wait3A_1192 : memref<1x32xf32, #tpu.memory_space<hbm>>) dst(%dma_wait3A_1189 : memref<1x32xf32, #tpu.memory_space<vmem>>)
    %dma_wait3A_1193 = arith.constant 0 : i32
    %dma_wait3A_1194 = arith.constant 0 : i32
    %dma_wait3A_1195 = tpu.memref_slice %arg9[%dma_wait3A_1193, %dma_wait3A_1194] : memref<512x32xf32, #tpu.memory_space<vmem>> -> memref<1x32xf32, #tpu.memory_space<vmem>>
    %dma_wait3A_1196 = arith.constant 0 : i32
    %dma_wait3A_1197 = arith.constant 0 : i32
    %dma_wait3A_1198 = tpu.memref_slice %arg5[%dma_wait3A_1196, %dma_wait3A_1197] : memref<1000000x32xf32, #tpu.memory_space<hbm>> -> memref<1x32xf32, #tpu.memory_space<hbm>>
    %dma_wait3A_1199 = arith.constant 0 : i32
    %dma_wait3A_1200 = arith.constant 0 : i32
    %dma_wait3A_1201 = tpu.memref_slice %arg9[%dma_wait3A_1199, %dma_wait3A_1200] : memref<512x32xf32, #tpu.memory_space<vmem>> -> memref<1x32xf32, #tpu.memory_space<vmem>>
    %dma_wait3A_1202 = arith.constant 0 : i32
    %dma_wait3A_1203 = arith.constant 0 : i32
    %dma_wait3A_1204 = tpu.memref_slice %arg5[%dma_wait3A_1202, %dma_wait3A_1203] : memref<1000000x32xf32, #tpu.memory_space<hbm>> -> memref<1x32xf32, #tpu.memory_space<hbm>>
    tpu.wait_dma2 semaphore(%arg10 : memref<!tpu.dma_semaphore, #tpu.memory_space<semaphore_mem>>) src(%dma_wait3A_1204 : memref<1x32xf32, #tpu.memory_space<hbm>>) dst(%dma_wait3A_1201 : memref<1x32xf32, #tpu.memory_space<vmem>>)
    %dma_wait3A_1205 = arith.constant 0 : i32
    %dma_wait3A_1206 = arith.constant 0 : i32
    %dma_wait3A_1207 = tpu.memref_slice %arg9[%dma_wait3A_1205, %dma_wait3A_1206] : memref<512x32xf32, #tpu.memory_space<vmem>> -> memref<1x32xf32, #tpu.memory_space<vmem>>
    %dma_wait3A_1208 = arith.constant 0 : i32
    %dma_wait3A_1209 = arith.constant 0 : i32
    %dma_wait3A_1210 = tpu.memref_slice %arg5[%dma_wait3A_1208, %dma_wait3A_1209] : memref<1000000x32xf32, #tpu.memory_space<hbm>> -> memref<1x32xf32, #tpu.memory_space<hbm>>
    %dma_wait3A_1211 = arith.constant 0 : i32
    %dma_wait3A_1212 = arith.constant 0 : i32
    %dma_wait3A_1213 = tpu.memref_slice %arg9[%dma_wait3A_1211, %dma_wait3A_1212] : memref<512x32xf32, #tpu.memory_space<vmem>> -> memref<1x32xf32, #tpu.memory_space<vmem>>
    %dma_wait3A_1214 = arith.constant 0 : i32
    %dma_wait3A_1215 = arith.constant 0 : i32
    %dma_wait3A_1216 = tpu.memref_slice %arg5[%dma_wait3A_1214, %dma_wait3A_1215] : memref<1000000x32xf32, #tpu.memory_space<hbm>> -> memref<1x32xf32, #tpu.memory_space<hbm>>
    tpu.wait_dma2 semaphore(%arg10 : memref<!tpu.dma_semaphore, #tpu.memory_space<semaphore_mem>>) src(%dma_wait3A_1216 : memref<1x32xf32, #tpu.memory_space<hbm>>) dst(%dma_wait3A_1213 : memref<1x32xf32, #tpu.memory_space<vmem>>)
    %dma_wait3A_1217 = arith.constant 0 : i32
    %dma_wait3A_1218 = arith.constant 0 : i32
    %dma_wait3A_1219 = tpu.memref_slice %arg9[%dma_wait3A_1217, %dma_wait3A_1218] : memref<512x32xf32, #tpu.memory_space<vmem>> -> memref<1x32xf32, #tpu.memory_space<vmem>>
    %dma_wait3A_1220 = arith.constant 0 : i32
    %dma_wait3A_1221 = arith.constant 0 : i32
    %dma_wait3A_1222 = tpu.memref_slice %arg5[%dma_wait3A_1220, %dma_wait3A_1221] : memref<1000000x32xf32, #tpu.memory_space<hbm>> -> memref<1x32xf32, #tpu.memory_space<hbm>>
    %dma_wait3A_1223 = arith.constant 0 : i32
    %dma_wait3A_1224 = arith.constant 0 : i32
    %dma_wait3A_1225 = tpu.memref_slice %arg9[%dma_wait3A_1223, %dma_wait3A_1224] : memref<512x32xf32, #tpu.memory_space<vmem>> -> memref<1x32xf32, #tpu.memory_space<vmem>>
    %dma_wait3A_1226 = arith.constant 0 : i32
    %dma_wait3A_1227 = arith.constant 0 : i32
    %dma_wait3A_1228 = tpu.memref_slice %arg5[%dma_wait3A_1226, %dma_wait3A_1227] : memref<1000000x32xf32, #tpu.memory_space<hbm>> -> memref<1x32xf32, #tpu.memory_space<hbm>>
    tpu.wait_dma2 semaphore(%arg10 : memref<!tpu.dma_semaphore, #tpu.memory_space<semaphore_mem>>) src(%dma_wait3A_1228 : memref<1x32xf32, #tpu.memory_space<hbm>>) dst(%dma_wait3A_1225 : memref<1x32xf32, #tpu.memory_space<vmem>>)
    %dma_wait3A_1229 = arith.constant 0 : i32
    %dma_wait3A_1230 = arith.constant 0 : i32
    %dma_wait3A_1231 = tpu.memref_slice %arg9[%dma_wait3A_1229, %dma_wait3A_1230] : memref<512x32xf32, #tpu.memory_space<vmem>> -> memref<1x32xf32, #tpu.memory_space<vmem>>
    %dma_wait3A_1232 = arith.constant 0 : i32
    %dma_wait3A_1233 = arith.constant 0 : i32
    %dma_wait3A_1234 = tpu.memref_slice %arg5[%dma_wait3A_1232, %dma_wait3A_1233] : memref<1000000x32xf32, #tpu.memory_space<hbm>> -> memref<1x32xf32, #tpu.memory_space<hbm>>
    %dma_wait3A_1235 = arith.constant 0 : i32
    %dma_wait3A_1236 = arith.constant 0 : i32
    %dma_wait3A_1237 = tpu.memref_slice %arg9[%dma_wait3A_1235, %dma_wait3A_1236] : memref<512x32xf32, #tpu.memory_space<vmem>> -> memref<1x32xf32, #tpu.memory_space<vmem>>
    %dma_wait3A_1238 = arith.constant 0 : i32
    %dma_wait3A_1239 = arith.constant 0 : i32
    %dma_wait3A_1240 = tpu.memref_slice %arg5[%dma_wait3A_1238, %dma_wait3A_1239] : memref<1000000x32xf32, #tpu.memory_space<hbm>> -> memref<1x32xf32, #tpu.memory_space<hbm>>
    tpu.wait_dma2 semaphore(%arg10 : memref<!tpu.dma_semaphore, #tpu.memory_space<semaphore_mem>>) src(%dma_wait3A_1240 : memref<1x32xf32, #tpu.memory_space<hbm>>) dst(%dma_wait3A_1237 : memref<1x32xf32, #tpu.memory_space<vmem>>)
    %dma_wait3A_1241 = arith.constant 0 : i32
    %dma_wait3A_1242 = arith.constant 0 : i32
    %dma_wait3A_1243 = tpu.memref_slice %arg9[%dma_wait3A_1241, %dma_wait3A_1242] : memref<512x32xf32, #tpu.memory_space<vmem>> -> memref<1x32xf32, #tpu.memory_space<vmem>>
    %dma_wait3A_1244 = arith.constant 0 : i32
    %dma_wait3A_1245 = arith.constant 0 : i32
    %dma_wait3A_1246 = tpu.memref_slice %arg5[%dma_wait3A_1244, %dma_wait3A_1245] : memref<1000000x32xf32, #tpu.memory_space<hbm>> -> memref<1x32xf32, #tpu.memory_space<hbm>>
    %dma_wait3A_1247 = arith.constant 0 : i32
    %dma_wait3A_1248 = arith.constant 0 : i32
    %dma_wait3A_1249 = tpu.memref_slice %arg9[%dma_wait3A_1247, %dma_wait3A_1248] : memref<512x32xf32, #tpu.memory_space<vmem>> -> memref<1x32xf32, #tpu.memory_space<vmem>>
    %dma_wait3A_1250 = arith.constant 0 : i32
    %dma_wait3A_1251 = arith.constant 0 : i32
    %dma_wait3A_1252 = tpu.memref_slice %arg5[%dma_wait3A_1250, %dma_wait3A_1251] : memref<1000000x32xf32, #tpu.memory_space<hbm>> -> memref<1x32xf32, #tpu.memory_space<hbm>>
    tpu.wait_dma2 semaphore(%arg10 : memref<!tpu.dma_semaphore, #tpu.memory_space<semaphore_mem>>) src(%dma_wait3A_1252 : memref<1x32xf32, #tpu.memory_space<hbm>>) dst(%dma_wait3A_1249 : memref<1x32xf32, #tpu.memory_space<vmem>>)
    %dma_wait3A_1253 = arith.constant 0 : i32
    %dma_wait3A_1254 = arith.constant 0 : i32
    %dma_wait3A_1255 = tpu.memref_slice %arg9[%dma_wait3A_1253, %dma_wait3A_1254] : memref<512x32xf32, #tpu.memory_space<vmem>> -> memref<1x32xf32, #tpu.memory_space<vmem>>
    %dma_wait3A_1256 = arith.constant 0 : i32
    %dma_wait3A_1257 = arith.constant 0 : i32
    %dma_wait3A_1258 = tpu.memref_slice %arg5[%dma_wait3A_1256, %dma_wait3A_1257] : memref<1000000x32xf32, #tpu.memory_space<hbm>> -> memref<1x32xf32, #tpu.memory_space<hbm>>
    %dma_wait3A_1259 = arith.constant 0 : i32
    %dma_wait3A_1260 = arith.constant 0 : i32
    %dma_wait3A_1261 = tpu.memref_slice %arg9[%dma_wait3A_1259, %dma_wait3A_1260] : memref<512x32xf32, #tpu.memory_space<vmem>> -> memref<1x32xf32, #tpu.memory_space<vmem>>
    %dma_wait3A_1262 = arith.constant 0 : i32
    %dma_wait3A_1263 = arith.constant 0 : i32
    %dma_wait3A_1264 = tpu.memref_slice %arg5[%dma_wait3A_1262, %dma_wait3A_1263] : memref<1000000x32xf32, #tpu.memory_space<hbm>> -> memref<1x32xf32, #tpu.memory_space<hbm>>
    tpu.wait_dma2 semaphore(%arg10 : memref<!tpu.dma_semaphore, #tpu.memory_space<semaphore_mem>>) src(%dma_wait3A_1264 : memref<1x32xf32, #tpu.memory_space<hbm>>) dst(%dma_wait3A_1261 : memref<1x32xf32, #tpu.memory_space<vmem>>)
    %dma_wait3A_1265 = arith.constant 0 : i32
    %dma_wait3A_1266 = arith.constant 0 : i32
    %dma_wait3A_1267 = tpu.memref_slice %arg9[%dma_wait3A_1265, %dma_wait3A_1266] : memref<512x32xf32, #tpu.memory_space<vmem>> -> memref<1x32xf32, #tpu.memory_space<vmem>>
    %dma_wait3A_1268 = arith.constant 0 : i32
    %dma_wait3A_1269 = arith.constant 0 : i32
    %dma_wait3A_1270 = tpu.memref_slice %arg5[%dma_wait3A_1268, %dma_wait3A_1269] : memref<1000000x32xf32, #tpu.memory_space<hbm>> -> memref<1x32xf32, #tpu.memory_space<hbm>>
    %dma_wait3A_1271 = arith.constant 0 : i32
    %dma_wait3A_1272 = arith.constant 0 : i32
    %dma_wait3A_1273 = tpu.memref_slice %arg9[%dma_wait3A_1271, %dma_wait3A_1272] : memref<512x32xf32, #tpu.memory_space<vmem>> -> memref<1x32xf32, #tpu.memory_space<vmem>>
    %dma_wait3A_1274 = arith.constant 0 : i32
    %dma_wait3A_1275 = arith.constant 0 : i32
    %dma_wait3A_1276 = tpu.memref_slice %arg5[%dma_wait3A_1274, %dma_wait3A_1275] : memref<1000000x32xf32, #tpu.memory_space<hbm>> -> memref<1x32xf32, #tpu.memory_space<hbm>>
    tpu.wait_dma2 semaphore(%arg10 : memref<!tpu.dma_semaphore, #tpu.memory_space<semaphore_mem>>) src(%dma_wait3A_1276 : memref<1x32xf32, #tpu.memory_space<hbm>>) dst(%dma_wait3A_1273 : memref<1x32xf32, #tpu.memory_space<vmem>>)
    %dma_wait3A_1277 = arith.constant 0 : i32
    %dma_wait3A_1278 = arith.constant 0 : i32
    %dma_wait3A_1279 = tpu.memref_slice %arg9[%dma_wait3A_1277, %dma_wait3A_1278] : memref<512x32xf32, #tpu.memory_space<vmem>> -> memref<1x32xf32, #tpu.memory_space<vmem>>
    %dma_wait3A_1280 = arith.constant 0 : i32
    %dma_wait3A_1281 = arith.constant 0 : i32
    %dma_wait3A_1282 = tpu.memref_slice %arg5[%dma_wait3A_1280, %dma_wait3A_1281] : memref<1000000x32xf32, #tpu.memory_space<hbm>> -> memref<1x32xf32, #tpu.memory_space<hbm>>
    %dma_wait3A_1283 = arith.constant 0 : i32
    %dma_wait3A_1284 = arith.constant 0 : i32
    %dma_wait3A_1285 = tpu.memref_slice %arg9[%dma_wait3A_1283, %dma_wait3A_1284] : memref<512x32xf32, #tpu.memory_space<vmem>> -> memref<1x32xf32, #tpu.memory_space<vmem>>
    %dma_wait3A_1286 = arith.constant 0 : i32
    %dma_wait3A_1287 = arith.constant 0 : i32
    %dma_wait3A_1288 = tpu.memref_slice %arg5[%dma_wait3A_1286, %dma_wait3A_1287] : memref<1000000x32xf32, #tpu.memory_space<hbm>> -> memref<1x32xf32, #tpu.memory_space<hbm>>
    tpu.wait_dma2 semaphore(%arg10 : memref<!tpu.dma_semaphore, #tpu.memory_space<semaphore_mem>>) src(%dma_wait3A_1288 : memref<1x32xf32, #tpu.memory_space<hbm>>) dst(%dma_wait3A_1285 : memref<1x32xf32, #tpu.memory_space<vmem>>)
    %dma_wait3A_1289 = arith.constant 0 : i32
    %dma_wait3A_1290 = arith.constant 0 : i32
    %dma_wait3A_1291 = tpu.memref_slice %arg9[%dma_wait3A_1289, %dma_wait3A_1290] : memref<512x32xf32, #tpu.memory_space<vmem>> -> memref<1x32xf32, #tpu.memory_space<vmem>>
    %dma_wait3A_1292 = arith.constant 0 : i32
    %dma_wait3A_1293 = arith.constant 0 : i32
    %dma_wait3A_1294 = tpu.memref_slice %arg5[%dma_wait3A_1292, %dma_wait3A_1293] : memref<1000000x32xf32, #tpu.memory_space<hbm>> -> memref<1x32xf32, #tpu.memory_space<hbm>>
    %dma_wait3A_1295 = arith.constant 0 : i32
    %dma_wait3A_1296 = arith.constant 0 : i32
    %dma_wait3A_1297 = tpu.memref_slice %arg9[%dma_wait3A_1295, %dma_wait3A_1296] : memref<512x32xf32, #tpu.memory_space<vmem>> -> memref<1x32xf32, #tpu.memory_space<vmem>>
    %dma_wait3A_1298 = arith.constant 0 : i32
    %dma_wait3A_1299 = arith.constant 0 : i32
    %dma_wait3A_1300 = tpu.memref_slice %arg5[%dma_wait3A_1298, %dma_wait3A_1299] : memref<1000000x32xf32, #tpu.memory_space<hbm>> -> memref<1x32xf32, #tpu.memory_space<hbm>>
    tpu.wait_dma2 semaphore(%arg10 : memref<!tpu.dma_semaphore, #tpu.memory_space<semaphore_mem>>) src(%dma_wait3A_1300 : memref<1x32xf32, #tpu.memory_space<hbm>>) dst(%dma_wait3A_1297 : memref<1x32xf32, #tpu.memory_space<vmem>>)
    %dma_wait3A_1301 = arith.constant 0 : i32
    %dma_wait3A_1302 = arith.constant 0 : i32
    %dma_wait3A_1303 = tpu.memref_slice %arg9[%dma_wait3A_1301, %dma_wait3A_1302] : memref<512x32xf32, #tpu.memory_space<vmem>> -> memref<1x32xf32, #tpu.memory_space<vmem>>
    %dma_wait3A_1304 = arith.constant 0 : i32
    %dma_wait3A_1305 = arith.constant 0 : i32
    %dma_wait3A_1306 = tpu.memref_slice %arg5[%dma_wait3A_1304, %dma_wait3A_1305] : memref<1000000x32xf32, #tpu.memory_space<hbm>> -> memref<1x32xf32, #tpu.memory_space<hbm>>
    %dma_wait3A_1307 = arith.constant 0 : i32
    %dma_wait3A_1308 = arith.constant 0 : i32
    %dma_wait3A_1309 = tpu.memref_slice %arg9[%dma_wait3A_1307, %dma_wait3A_1308] : memref<512x32xf32, #tpu.memory_space<vmem>> -> memref<1x32xf32, #tpu.memory_space<vmem>>
    %dma_wait3A_1310 = arith.constant 0 : i32
    %dma_wait3A_1311 = arith.constant 0 : i32
    %dma_wait3A_1312 = tpu.memref_slice %arg5[%dma_wait3A_1310, %dma_wait3A_1311] : memref<1000000x32xf32, #tpu.memory_space<hbm>> -> memref<1x32xf32, #tpu.memory_space<hbm>>
    tpu.wait_dma2 semaphore(%arg10 : memref<!tpu.dma_semaphore, #tpu.memory_space<semaphore_mem>>) src(%dma_wait3A_1312 : memref<1x32xf32, #tpu.memory_space<hbm>>) dst(%dma_wait3A_1309 : memref<1x32xf32, #tpu.memory_space<vmem>>)
    %dma_wait3A_1313 = arith.constant 0 : i32
    %dma_wait3A_1314 = arith.constant 0 : i32
    %dma_wait3A_1315 = tpu.memref_slice %arg9[%dma_wait3A_1313, %dma_wait3A_1314] : memref<512x32xf32, #tpu.memory_space<vmem>> -> memref<1x32xf32, #tpu.memory_space<vmem>>
    %dma_wait3A_1316 = arith.constant 0 : i32
    %dma_wait3A_1317 = arith.constant 0 : i32
    %dma_wait3A_1318 = tpu.memref_slice %arg5[%dma_wait3A_1316, %dma_wait3A_1317] : memref<1000000x32xf32, #tpu.memory_space<hbm>> -> memref<1x32xf32, #tpu.memory_space<hbm>>
    %dma_wait3A_1319 = arith.constant 0 : i32
    %dma_wait3A_1320 = arith.constant 0 : i32
    %dma_wait3A_1321 = tpu.memref_slice %arg9[%dma_wait3A_1319, %dma_wait3A_1320] : memref<512x32xf32, #tpu.memory_space<vmem>> -> memref<1x32xf32, #tpu.memory_space<vmem>>
    %dma_wait3A_1322 = arith.constant 0 : i32
    %dma_wait3A_1323 = arith.constant 0 : i32
    %dma_wait3A_1324 = tpu.memref_slice %arg5[%dma_wait3A_1322, %dma_wait3A_1323] : memref<1000000x32xf32, #tpu.memory_space<hbm>> -> memref<1x32xf32, #tpu.memory_space<hbm>>
    tpu.wait_dma2 semaphore(%arg10 : memref<!tpu.dma_semaphore, #tpu.memory_space<semaphore_mem>>) src(%dma_wait3A_1324 : memref<1x32xf32, #tpu.memory_space<hbm>>) dst(%dma_wait3A_1321 : memref<1x32xf32, #tpu.memory_space<vmem>>)
    %dma_wait3A_1325 = arith.constant 0 : i32
    %dma_wait3A_1326 = arith.constant 0 : i32
    %dma_wait3A_1327 = tpu.memref_slice %arg9[%dma_wait3A_1325, %dma_wait3A_1326] : memref<512x32xf32, #tpu.memory_space<vmem>> -> memref<1x32xf32, #tpu.memory_space<vmem>>
    %dma_wait3A_1328 = arith.constant 0 : i32
    %dma_wait3A_1329 = arith.constant 0 : i32
    %dma_wait3A_1330 = tpu.memref_slice %arg5[%dma_wait3A_1328, %dma_wait3A_1329] : memref<1000000x32xf32, #tpu.memory_space<hbm>> -> memref<1x32xf32, #tpu.memory_space<hbm>>
    %dma_wait3A_1331 = arith.constant 0 : i32
    %dma_wait3A_1332 = arith.constant 0 : i32
    %dma_wait3A_1333 = tpu.memref_slice %arg9[%dma_wait3A_1331, %dma_wait3A_1332] : memref<512x32xf32, #tpu.memory_space<vmem>> -> memref<1x32xf32, #tpu.memory_space<vmem>>
    %dma_wait3A_1334 = arith.constant 0 : i32
    %dma_wait3A_1335 = arith.constant 0 : i32
    %dma_wait3A_1336 = tpu.memref_slice %arg5[%dma_wait3A_1334, %dma_wait3A_1335] : memref<1000000x32xf32, #tpu.memory_space<hbm>> -> memref<1x32xf32, #tpu.memory_space<hbm>>
    tpu.wait_dma2 semaphore(%arg10 : memref<!tpu.dma_semaphore, #tpu.memory_space<semaphore_mem>>) src(%dma_wait3A_1336 : memref<1x32xf32, #tpu.memory_space<hbm>>) dst(%dma_wait3A_1333 : memref<1x32xf32, #tpu.memory_space<vmem>>)
    %dma_wait3A_1337 = arith.constant 0 : i32
    %dma_wait3A_1338 = arith.constant 0 : i32
    %dma_wait3A_1339 = tpu.memref_slice %arg9[%dma_wait3A_1337, %dma_wait3A_1338] : memref<512x32xf32, #tpu.memory_space<vmem>> -> memref<1x32xf32, #tpu.memory_space<vmem>>
    %dma_wait3A_1340 = arith.constant 0 : i32
    %dma_wait3A_1341 = arith.constant 0 : i32
    %dma_wait3A_1342 = tpu.memref_slice %arg5[%dma_wait3A_1340, %dma_wait3A_1341] : memref<1000000x32xf32, #tpu.memory_space<hbm>> -> memref<1x32xf32, #tpu.memory_space<hbm>>
    %dma_wait3A_1343 = arith.constant 0 : i32
    %dma_wait3A_1344 = arith.constant 0 : i32
    %dma_wait3A_1345 = tpu.memref_slice %arg9[%dma_wait3A_1343, %dma_wait3A_1344] : memref<512x32xf32, #tpu.memory_space<vmem>> -> memref<1x32xf32, #tpu.memory_space<vmem>>
    %dma_wait3A_1346 = arith.constant 0 : i32
    %dma_wait3A_1347 = arith.constant 0 : i32
    %dma_wait3A_1348 = tpu.memref_slice %arg5[%dma_wait3A_1346, %dma_wait3A_1347] : memref<1000000x32xf32, #tpu.memory_space<hbm>> -> memref<1x32xf32, #tpu.memory_space<hbm>>
    tpu.wait_dma2 semaphore(%arg10 : memref<!tpu.dma_semaphore, #tpu.memory_space<semaphore_mem>>) src(%dma_wait3A_1348 : memref<1x32xf32, #tpu.memory_space<hbm>>) dst(%dma_wait3A_1345 : memref<1x32xf32, #tpu.memory_space<vmem>>)
    %dma_wait3A_1349 = arith.constant 0 : i32
    %dma_wait3A_1350 = arith.constant 0 : i32
    %dma_wait3A_1351 = tpu.memref_slice %arg9[%dma_wait3A_1349, %dma_wait3A_1350] : memref<512x32xf32, #tpu.memory_space<vmem>> -> memref<1x32xf32, #tpu.memory_space<vmem>>
    %dma_wait3A_1352 = arith.constant 0 : i32
    %dma_wait3A_1353 = arith.constant 0 : i32
    %dma_wait3A_1354 = tpu.memref_slice %arg5[%dma_wait3A_1352, %dma_wait3A_1353] : memref<1000000x32xf32, #tpu.memory_space<hbm>> -> memref<1x32xf32, #tpu.memory_space<hbm>>
    %dma_wait3A_1355 = arith.constant 0 : i32
    %dma_wait3A_1356 = arith.constant 0 : i32
    %dma_wait3A_1357 = tpu.memref_slice %arg9[%dma_wait3A_1355, %dma_wait3A_1356] : memref<512x32xf32, #tpu.memory_space<vmem>> -> memref<1x32xf32, #tpu.memory_space<vmem>>
    %dma_wait3A_1358 = arith.constant 0 : i32
    %dma_wait3A_1359 = arith.constant 0 : i32
    %dma_wait3A_1360 = tpu.memref_slice %arg5[%dma_wait3A_1358, %dma_wait3A_1359] : memref<1000000x32xf32, #tpu.memory_space<hbm>> -> memref<1x32xf32, #tpu.memory_space<hbm>>
    tpu.wait_dma2 semaphore(%arg10 : memref<!tpu.dma_semaphore, #tpu.memory_space<semaphore_mem>>) src(%dma_wait3A_1360 : memref<1x32xf32, #tpu.memory_space<hbm>>) dst(%dma_wait3A_1357 : memref<1x32xf32, #tpu.memory_space<vmem>>)
    %dma_wait3A_1361 = arith.constant 0 : i32
    %dma_wait3A_1362 = arith.constant 0 : i32
    %dma_wait3A_1363 = tpu.memref_slice %arg9[%dma_wait3A_1361, %dma_wait3A_1362] : memref<512x32xf32, #tpu.memory_space<vmem>> -> memref<1x32xf32, #tpu.memory_space<vmem>>
    %dma_wait3A_1364 = arith.constant 0 : i32
    %dma_wait3A_1365 = arith.constant 0 : i32
    %dma_wait3A_1366 = tpu.memref_slice %arg5[%dma_wait3A_1364, %dma_wait3A_1365] : memref<1000000x32xf32, #tpu.memory_space<hbm>> -> memref<1x32xf32, #tpu.memory_space<hbm>>
    %dma_wait3A_1367 = arith.constant 0 : i32
    %dma_wait3A_1368 = arith.constant 0 : i32
    %dma_wait3A_1369 = tpu.memref_slice %arg9[%dma_wait3A_1367, %dma_wait3A_1368] : memref<512x32xf32, #tpu.memory_space<vmem>> -> memref<1x32xf32, #tpu.memory_space<vmem>>
    %dma_wait3A_1370 = arith.constant 0 : i32
    %dma_wait3A_1371 = arith.constant 0 : i32
    %dma_wait3A_1372 = tpu.memref_slice %arg5[%dma_wait3A_1370, %dma_wait3A_1371] : memref<1000000x32xf32, #tpu.memory_space<hbm>> -> memref<1x32xf32, #tpu.memory_space<hbm>>
    tpu.wait_dma2 semaphore(%arg10 : memref<!tpu.dma_semaphore, #tpu.memory_space<semaphore_mem>>) src(%dma_wait3A_1372 : memref<1x32xf32, #tpu.memory_space<hbm>>) dst(%dma_wait3A_1369 : memref<1x32xf32, #tpu.memory_space<vmem>>)
    %dma_wait3A_1373 = arith.constant 0 : i32
    %dma_wait3A_1374 = arith.constant 0 : i32
    %dma_wait3A_1375 = tpu.memref_slice %arg9[%dma_wait3A_1373, %dma_wait3A_1374] : memref<512x32xf32, #tpu.memory_space<vmem>> -> memref<1x32xf32, #tpu.memory_space<vmem>>
    %dma_wait3A_1376 = arith.constant 0 : i32
    %dma_wait3A_1377 = arith.constant 0 : i32
    %dma_wait3A_1378 = tpu.memref_slice %arg5[%dma_wait3A_1376, %dma_wait3A_1377] : memref<1000000x32xf32, #tpu.memory_space<hbm>> -> memref<1x32xf32, #tpu.memory_space<hbm>>
    %dma_wait3A_1379 = arith.constant 0 : i32
    %dma_wait3A_1380 = arith.constant 0 : i32
    %dma_wait3A_1381 = tpu.memref_slice %arg9[%dma_wait3A_1379, %dma_wait3A_1380] : memref<512x32xf32, #tpu.memory_space<vmem>> -> memref<1x32xf32, #tpu.memory_space<vmem>>
    %dma_wait3A_1382 = arith.constant 0 : i32
    %dma_wait3A_1383 = arith.constant 0 : i32
    %dma_wait3A_1384 = tpu.memref_slice %arg5[%dma_wait3A_1382, %dma_wait3A_1383] : memref<1000000x32xf32, #tpu.memory_space<hbm>> -> memref<1x32xf32, #tpu.memory_space<hbm>>
    tpu.wait_dma2 semaphore(%arg10 : memref<!tpu.dma_semaphore, #tpu.memory_space<semaphore_mem>>) src(%dma_wait3A_1384 : memref<1x32xf32, #tpu.memory_space<hbm>>) dst(%dma_wait3A_1381 : memref<1x32xf32, #tpu.memory_space<vmem>>)
    %dma_wait3A_1385 = arith.constant 0 : i32
    %dma_wait3A_1386 = arith.constant 0 : i32
    %dma_wait3A_1387 = tpu.memref_slice %arg9[%dma_wait3A_1385, %dma_wait3A_1386] : memref<512x32xf32, #tpu.memory_space<vmem>> -> memref<1x32xf32, #tpu.memory_space<vmem>>
    %dma_wait3A_1388 = arith.constant 0 : i32
    %dma_wait3A_1389 = arith.constant 0 : i32
    %dma_wait3A_1390 = tpu.memref_slice %arg5[%dma_wait3A_1388, %dma_wait3A_1389] : memref<1000000x32xf32, #tpu.memory_space<hbm>> -> memref<1x32xf32, #tpu.memory_space<hbm>>
    %dma_wait3A_1391 = arith.constant 0 : i32
    %dma_wait3A_1392 = arith.constant 0 : i32
    %dma_wait3A_1393 = tpu.memref_slice %arg9[%dma_wait3A_1391, %dma_wait3A_1392] : memref<512x32xf32, #tpu.memory_space<vmem>> -> memref<1x32xf32, #tpu.memory_space<vmem>>
    %dma_wait3A_1394 = arith.constant 0 : i32
    %dma_wait3A_1395 = arith.constant 0 : i32
    %dma_wait3A_1396 = tpu.memref_slice %arg5[%dma_wait3A_1394, %dma_wait3A_1395] : memref<1000000x32xf32, #tpu.memory_space<hbm>> -> memref<1x32xf32, #tpu.memory_space<hbm>>
    tpu.wait_dma2 semaphore(%arg10 : memref<!tpu.dma_semaphore, #tpu.memory_space<semaphore_mem>>) src(%dma_wait3A_1396 : memref<1x32xf32, #tpu.memory_space<hbm>>) dst(%dma_wait3A_1393 : memref<1x32xf32, #tpu.memory_space<vmem>>)
    %dma_wait3A_1397 = arith.constant 0 : i32
    %dma_wait3A_1398 = arith.constant 0 : i32
    %dma_wait3A_1399 = tpu.memref_slice %arg9[%dma_wait3A_1397, %dma_wait3A_1398] : memref<512x32xf32, #tpu.memory_space<vmem>> -> memref<1x32xf32, #tpu.memory_space<vmem>>
    %dma_wait3A_1400 = arith.constant 0 : i32
    %dma_wait3A_1401 = arith.constant 0 : i32
    %dma_wait3A_1402 = tpu.memref_slice %arg5[%dma_wait3A_1400, %dma_wait3A_1401] : memref<1000000x32xf32, #tpu.memory_space<hbm>> -> memref<1x32xf32, #tpu.memory_space<hbm>>
    %dma_wait3A_1403 = arith.constant 0 : i32
    %dma_wait3A_1404 = arith.constant 0 : i32
    %dma_wait3A_1405 = tpu.memref_slice %arg9[%dma_wait3A_1403, %dma_wait3A_1404] : memref<512x32xf32, #tpu.memory_space<vmem>> -> memref<1x32xf32, #tpu.memory_space<vmem>>
    %dma_wait3A_1406 = arith.constant 0 : i32
    %dma_wait3A_1407 = arith.constant 0 : i32
    %dma_wait3A_1408 = tpu.memref_slice %arg5[%dma_wait3A_1406, %dma_wait3A_1407] : memref<1000000x32xf32, #tpu.memory_space<hbm>> -> memref<1x32xf32, #tpu.memory_space<hbm>>
    tpu.wait_dma2 semaphore(%arg10 : memref<!tpu.dma_semaphore, #tpu.memory_space<semaphore_mem>>) src(%dma_wait3A_1408 : memref<1x32xf32, #tpu.memory_space<hbm>>) dst(%dma_wait3A_1405 : memref<1x32xf32, #tpu.memory_space<vmem>>)
    %dma_wait3A_1409 = arith.constant 0 : i32
    %dma_wait3A_1410 = arith.constant 0 : i32
    %dma_wait3A_1411 = tpu.memref_slice %arg9[%dma_wait3A_1409, %dma_wait3A_1410] : memref<512x32xf32, #tpu.memory_space<vmem>> -> memref<1x32xf32, #tpu.memory_space<vmem>>
    %dma_wait3A_1412 = arith.constant 0 : i32
    %dma_wait3A_1413 = arith.constant 0 : i32
    %dma_wait3A_1414 = tpu.memref_slice %arg5[%dma_wait3A_1412, %dma_wait3A_1413] : memref<1000000x32xf32, #tpu.memory_space<hbm>> -> memref<1x32xf32, #tpu.memory_space<hbm>>
    %dma_wait3A_1415 = arith.constant 0 : i32
    %dma_wait3A_1416 = arith.constant 0 : i32
    %dma_wait3A_1417 = tpu.memref_slice %arg9[%dma_wait3A_1415, %dma_wait3A_1416] : memref<512x32xf32, #tpu.memory_space<vmem>> -> memref<1x32xf32, #tpu.memory_space<vmem>>
    %dma_wait3A_1418 = arith.constant 0 : i32
    %dma_wait3A_1419 = arith.constant 0 : i32
    %dma_wait3A_1420 = tpu.memref_slice %arg5[%dma_wait3A_1418, %dma_wait3A_1419] : memref<1000000x32xf32, #tpu.memory_space<hbm>> -> memref<1x32xf32, #tpu.memory_space<hbm>>
    tpu.wait_dma2 semaphore(%arg10 : memref<!tpu.dma_semaphore, #tpu.memory_space<semaphore_mem>>) src(%dma_wait3A_1420 : memref<1x32xf32, #tpu.memory_space<hbm>>) dst(%dma_wait3A_1417 : memref<1x32xf32, #tpu.memory_space<vmem>>)
    %dma_wait3A_1421 = arith.constant 0 : i32
    %dma_wait3A_1422 = arith.constant 0 : i32
    %dma_wait3A_1423 = tpu.memref_slice %arg9[%dma_wait3A_1421, %dma_wait3A_1422] : memref<512x32xf32, #tpu.memory_space<vmem>> -> memref<1x32xf32, #tpu.memory_space<vmem>>
    %dma_wait3A_1424 = arith.constant 0 : i32
    %dma_wait3A_1425 = arith.constant 0 : i32
    %dma_wait3A_1426 = tpu.memref_slice %arg5[%dma_wait3A_1424, %dma_wait3A_1425] : memref<1000000x32xf32, #tpu.memory_space<hbm>> -> memref<1x32xf32, #tpu.memory_space<hbm>>
    %dma_wait3A_1427 = arith.constant 0 : i32
    %dma_wait3A_1428 = arith.constant 0 : i32
    %dma_wait3A_1429 = tpu.memref_slice %arg9[%dma_wait3A_1427, %dma_wait3A_1428] : memref<512x32xf32, #tpu.memory_space<vmem>> -> memref<1x32xf32, #tpu.memory_space<vmem>>
    %dma_wait3A_1430 = arith.constant 0 : i32
    %dma_wait3A_1431 = arith.constant 0 : i32
    %dma_wait3A_1432 = tpu.memref_slice %arg5[%dma_wait3A_1430, %dma_wait3A_1431] : memref<1000000x32xf32, #tpu.memory_space<hbm>> -> memref<1x32xf32, #tpu.memory_space<hbm>>
    tpu.wait_dma2 semaphore(%arg10 : memref<!tpu.dma_semaphore, #tpu.memory_space<semaphore_mem>>) src(%dma_wait3A_1432 : memref<1x32xf32, #tpu.memory_space<hbm>>) dst(%dma_wait3A_1429 : memref<1x32xf32, #tpu.memory_space<vmem>>)
    %dma_wait3A_1433 = arith.constant 0 : i32
    %dma_wait3A_1434 = arith.constant 0 : i32
    %dma_wait3A_1435 = tpu.memref_slice %arg9[%dma_wait3A_1433, %dma_wait3A_1434] : memref<512x32xf32, #tpu.memory_space<vmem>> -> memref<1x32xf32, #tpu.memory_space<vmem>>
    %dma_wait3A_1436 = arith.constant 0 : i32
    %dma_wait3A_1437 = arith.constant 0 : i32
    %dma_wait3A_1438 = tpu.memref_slice %arg5[%dma_wait3A_1436, %dma_wait3A_1437] : memref<1000000x32xf32, #tpu.memory_space<hbm>> -> memref<1x32xf32, #tpu.memory_space<hbm>>
    %dma_wait3A_1439 = arith.constant 0 : i32
    %dma_wait3A_1440 = arith.constant 0 : i32
    %dma_wait3A_1441 = tpu.memref_slice %arg9[%dma_wait3A_1439, %dma_wait3A_1440] : memref<512x32xf32, #tpu.memory_space<vmem>> -> memref<1x32xf32, #tpu.memory_space<vmem>>
    %dma_wait3A_1442 = arith.constant 0 : i32
    %dma_wait3A_1443 = arith.constant 0 : i32
    %dma_wait3A_1444 = tpu.memref_slice %arg5[%dma_wait3A_1442, %dma_wait3A_1443] : memref<1000000x32xf32, #tpu.memory_space<hbm>> -> memref<1x32xf32, #tpu.memory_space<hbm>>
    tpu.wait_dma2 semaphore(%arg10 : memref<!tpu.dma_semaphore, #tpu.memory_space<semaphore_mem>>) src(%dma_wait3A_1444 : memref<1x32xf32, #tpu.memory_space<hbm>>) dst(%dma_wait3A_1441 : memref<1x32xf32, #tpu.memory_space<vmem>>)
    %dma_wait3A_1445 = arith.constant 0 : i32
    %dma_wait3A_1446 = arith.constant 0 : i32
    %dma_wait3A_1447 = tpu.memref_slice %arg9[%dma_wait3A_1445, %dma_wait3A_1446] : memref<512x32xf32, #tpu.memory_space<vmem>> -> memref<1x32xf32, #tpu.memory_space<vmem>>
    %dma_wait3A_1448 = arith.constant 0 : i32
    %dma_wait3A_1449 = arith.constant 0 : i32
    %dma_wait3A_1450 = tpu.memref_slice %arg5[%dma_wait3A_1448, %dma_wait3A_1449] : memref<1000000x32xf32, #tpu.memory_space<hbm>> -> memref<1x32xf32, #tpu.memory_space<hbm>>
    %dma_wait3A_1451 = arith.constant 0 : i32
    %dma_wait3A_1452 = arith.constant 0 : i32
    %dma_wait3A_1453 = tpu.memref_slice %arg9[%dma_wait3A_1451, %dma_wait3A_1452] : memref<512x32xf32, #tpu.memory_space<vmem>> -> memref<1x32xf32, #tpu.memory_space<vmem>>
    %dma_wait3A_1454 = arith.constant 0 : i32
    %dma_wait3A_1455 = arith.constant 0 : i32
    %dma_wait3A_1456 = tpu.memref_slice %arg5[%dma_wait3A_1454, %dma_wait3A_1455] : memref<1000000x32xf32, #tpu.memory_space<hbm>> -> memref<1x32xf32, #tpu.memory_space<hbm>>
    tpu.wait_dma2 semaphore(%arg10 : memref<!tpu.dma_semaphore, #tpu.memory_space<semaphore_mem>>) src(%dma_wait3A_1456 : memref<1x32xf32, #tpu.memory_space<hbm>>) dst(%dma_wait3A_1453 : memref<1x32xf32, #tpu.memory_space<vmem>>)
    %dma_wait3A_1457 = arith.constant 0 : i32
    %dma_wait3A_1458 = arith.constant 0 : i32
    %dma_wait3A_1459 = tpu.memref_slice %arg9[%dma_wait3A_1457, %dma_wait3A_1458] : memref<512x32xf32, #tpu.memory_space<vmem>> -> memref<1x32xf32, #tpu.memory_space<vmem>>
    %dma_wait3A_1460 = arith.constant 0 : i32
    %dma_wait3A_1461 = arith.constant 0 : i32
    %dma_wait3A_1462 = tpu.memref_slice %arg5[%dma_wait3A_1460, %dma_wait3A_1461] : memref<1000000x32xf32, #tpu.memory_space<hbm>> -> memref<1x32xf32, #tpu.memory_space<hbm>>
    %dma_wait3A_1463 = arith.constant 0 : i32
    %dma_wait3A_1464 = arith.constant 0 : i32
    %dma_wait3A_1465 = tpu.memref_slice %arg9[%dma_wait3A_1463, %dma_wait3A_1464] : memref<512x32xf32, #tpu.memory_space<vmem>> -> memref<1x32xf32, #tpu.memory_space<vmem>>
    %dma_wait3A_1466 = arith.constant 0 : i32
    %dma_wait3A_1467 = arith.constant 0 : i32
    %dma_wait3A_1468 = tpu.memref_slice %arg5[%dma_wait3A_1466, %dma_wait3A_1467] : memref<1000000x32xf32, #tpu.memory_space<hbm>> -> memref<1x32xf32, #tpu.memory_space<hbm>>
    tpu.wait_dma2 semaphore(%arg10 : memref<!tpu.dma_semaphore, #tpu.memory_space<semaphore_mem>>) src(%dma_wait3A_1468 : memref<1x32xf32, #tpu.memory_space<hbm>>) dst(%dma_wait3A_1465 : memref<1x32xf32, #tpu.memory_space<vmem>>)
    %dma_wait3A_1469 = arith.constant 0 : i32
    %dma_wait3A_1470 = arith.constant 0 : i32
    %dma_wait3A_1471 = tpu.memref_slice %arg9[%dma_wait3A_1469, %dma_wait3A_1470] : memref<512x32xf32, #tpu.memory_space<vmem>> -> memref<1x32xf32, #tpu.memory_space<vmem>>
    %dma_wait3A_1472 = arith.constant 0 : i32
    %dma_wait3A_1473 = arith.constant 0 : i32
    %dma_wait3A_1474 = tpu.memref_slice %arg5[%dma_wait3A_1472, %dma_wait3A_1473] : memref<1000000x32xf32, #tpu.memory_space<hbm>> -> memref<1x32xf32, #tpu.memory_space<hbm>>
    %dma_wait3A_1475 = arith.constant 0 : i32
    %dma_wait3A_1476 = arith.constant 0 : i32
    %dma_wait3A_1477 = tpu.memref_slice %arg9[%dma_wait3A_1475, %dma_wait3A_1476] : memref<512x32xf32, #tpu.memory_space<vmem>> -> memref<1x32xf32, #tpu.memory_space<vmem>>
    %dma_wait3A_1478 = arith.constant 0 : i32
    %dma_wait3A_1479 = arith.constant 0 : i32
    %dma_wait3A_1480 = tpu.memref_slice %arg5[%dma_wait3A_1478, %dma_wait3A_1479] : memref<1000000x32xf32, #tpu.memory_space<hbm>> -> memref<1x32xf32, #tpu.memory_space<hbm>>
    tpu.wait_dma2 semaphore(%arg10 : memref<!tpu.dma_semaphore, #tpu.memory_space<semaphore_mem>>) src(%dma_wait3A_1480 : memref<1x32xf32, #tpu.memory_space<hbm>>) dst(%dma_wait3A_1477 : memref<1x32xf32, #tpu.memory_space<vmem>>)
    %dma_wait3A_1481 = arith.constant 0 : i32
    %dma_wait3A_1482 = arith.constant 0 : i32
    %dma_wait3A_1483 = tpu.memref_slice %arg9[%dma_wait3A_1481, %dma_wait3A_1482] : memref<512x32xf32, #tpu.memory_space<vmem>> -> memref<1x32xf32, #tpu.memory_space<vmem>>
    %dma_wait3A_1484 = arith.constant 0 : i32
    %dma_wait3A_1485 = arith.constant 0 : i32
    %dma_wait3A_1486 = tpu.memref_slice %arg5[%dma_wait3A_1484, %dma_wait3A_1485] : memref<1000000x32xf32, #tpu.memory_space<hbm>> -> memref<1x32xf32, #tpu.memory_space<hbm>>
    %dma_wait3A_1487 = arith.constant 0 : i32
    %dma_wait3A_1488 = arith.constant 0 : i32
    %dma_wait3A_1489 = tpu.memref_slice %arg9[%dma_wait3A_1487, %dma_wait3A_1488] : memref<512x32xf32, #tpu.memory_space<vmem>> -> memref<1x32xf32, #tpu.memory_space<vmem>>
    %dma_wait3A_1490 = arith.constant 0 : i32
    %dma_wait3A_1491 = arith.constant 0 : i32
    %dma_wait3A_1492 = tpu.memref_slice %arg5[%dma_wait3A_1490, %dma_wait3A_1491] : memref<1000000x32xf32, #tpu.memory_space<hbm>> -> memref<1x32xf32, #tpu.memory_space<hbm>>
    tpu.wait_dma2 semaphore(%arg10 : memref<!tpu.dma_semaphore, #tpu.memory_space<semaphore_mem>>) src(%dma_wait3A_1492 : memref<1x32xf32, #tpu.memory_space<hbm>>) dst(%dma_wait3A_1489 : memref<1x32xf32, #tpu.memory_space<vmem>>)
    %dma_wait3A_1493 = arith.constant 0 : i32
    %dma_wait3A_1494 = arith.constant 0 : i32
    %dma_wait3A_1495 = tpu.memref_slice %arg9[%dma_wait3A_1493, %dma_wait3A_1494] : memref<512x32xf32, #tpu.memory_space<vmem>> -> memref<1x32xf32, #tpu.memory_space<vmem>>
    %dma_wait3A_1496 = arith.constant 0 : i32
    %dma_wait3A_1497 = arith.constant 0 : i32
    %dma_wait3A_1498 = tpu.memref_slice %arg5[%dma_wait3A_1496, %dma_wait3A_1497] : memref<1000000x32xf32, #tpu.memory_space<hbm>> -> memref<1x32xf32, #tpu.memory_space<hbm>>
    %dma_wait3A_1499 = arith.constant 0 : i32
    %dma_wait3A_1500 = arith.constant 0 : i32
    %dma_wait3A_1501 = tpu.memref_slice %arg9[%dma_wait3A_1499, %dma_wait3A_1500] : memref<512x32xf32, #tpu.memory_space<vmem>> -> memref<1x32xf32, #tpu.memory_space<vmem>>
    %dma_wait3A_1502 = arith.constant 0 : i32
    %dma_wait3A_1503 = arith.constant 0 : i32
    %dma_wait3A_1504 = tpu.memref_slice %arg5[%dma_wait3A_1502, %dma_wait3A_1503] : memref<1000000x32xf32, #tpu.memory_space<hbm>> -> memref<1x32xf32, #tpu.memory_space<hbm>>
    tpu.wait_dma2 semaphore(%arg10 : memref<!tpu.dma_semaphore, #tpu.memory_space<semaphore_mem>>) src(%dma_wait3A_1504 : memref<1x32xf32, #tpu.memory_space<hbm>>) dst(%dma_wait3A_1501 : memref<1x32xf32, #tpu.memory_space<vmem>>)
    %dma_wait3A_1505 = arith.constant 0 : i32
    %dma_wait3A_1506 = arith.constant 0 : i32
    %dma_wait3A_1507 = tpu.memref_slice %arg9[%dma_wait3A_1505, %dma_wait3A_1506] : memref<512x32xf32, #tpu.memory_space<vmem>> -> memref<1x32xf32, #tpu.memory_space<vmem>>
    %dma_wait3A_1508 = arith.constant 0 : i32
    %dma_wait3A_1509 = arith.constant 0 : i32
    %dma_wait3A_1510 = tpu.memref_slice %arg5[%dma_wait3A_1508, %dma_wait3A_1509] : memref<1000000x32xf32, #tpu.memory_space<hbm>> -> memref<1x32xf32, #tpu.memory_space<hbm>>
    %dma_wait3A_1511 = arith.constant 0 : i32
    %dma_wait3A_1512 = arith.constant 0 : i32
    %dma_wait3A_1513 = tpu.memref_slice %arg9[%dma_wait3A_1511, %dma_wait3A_1512] : memref<512x32xf32, #tpu.memory_space<vmem>> -> memref<1x32xf32, #tpu.memory_space<vmem>>
    %dma_wait3A_1514 = arith.constant 0 : i32
    %dma_wait3A_1515 = arith.constant 0 : i32
    %dma_wait3A_1516 = tpu.memref_slice %arg5[%dma_wait3A_1514, %dma_wait3A_1515] : memref<1000000x32xf32, #tpu.memory_space<hbm>> -> memref<1x32xf32, #tpu.memory_space<hbm>>
    tpu.wait_dma2 semaphore(%arg10 : memref<!tpu.dma_semaphore, #tpu.memory_space<semaphore_mem>>) src(%dma_wait3A_1516 : memref<1x32xf32, #tpu.memory_space<hbm>>) dst(%dma_wait3A_1513 : memref<1x32xf32, #tpu.memory_space<vmem>>)
    %dma_wait3A_1517 = arith.constant 0 : i32
    %dma_wait3A_1518 = arith.constant 0 : i32
    %dma_wait3A_1519 = tpu.memref_slice %arg9[%dma_wait3A_1517, %dma_wait3A_1518] : memref<512x32xf32, #tpu.memory_space<vmem>> -> memref<1x32xf32, #tpu.memory_space<vmem>>
    %dma_wait3A_1520 = arith.constant 0 : i32
    %dma_wait3A_1521 = arith.constant 0 : i32
    %dma_wait3A_1522 = tpu.memref_slice %arg5[%dma_wait3A_1520, %dma_wait3A_1521] : memref<1000000x32xf32, #tpu.memory_space<hbm>> -> memref<1x32xf32, #tpu.memory_space<hbm>>
    %dma_wait3A_1523 = arith.constant 0 : i32
    %dma_wait3A_1524 = arith.constant 0 : i32
    %dma_wait3A_1525 = tpu.memref_slice %arg9[%dma_wait3A_1523, %dma_wait3A_1524] : memref<512x32xf32, #tpu.memory_space<vmem>> -> memref<1x32xf32, #tpu.memory_space<vmem>>
    %dma_wait3A_1526 = arith.constant 0 : i32
    %dma_wait3A_1527 = arith.constant 0 : i32
    %dma_wait3A_1528 = tpu.memref_slice %arg5[%dma_wait3A_1526, %dma_wait3A_1527] : memref<1000000x32xf32, #tpu.memory_space<hbm>> -> memref<1x32xf32, #tpu.memory_space<hbm>>
    tpu.wait_dma2 semaphore(%arg10 : memref<!tpu.dma_semaphore, #tpu.memory_space<semaphore_mem>>) src(%dma_wait3A_1528 : memref<1x32xf32, #tpu.memory_space<hbm>>) dst(%dma_wait3A_1525 : memref<1x32xf32, #tpu.memory_space<vmem>>)
    %dma_wait3A_1529 = arith.constant 0 : i32
    %dma_wait3A_1530 = arith.constant 0 : i32
    %dma_wait3A_1531 = tpu.memref_slice %arg9[%dma_wait3A_1529, %dma_wait3A_1530] : memref<512x32xf32, #tpu.memory_space<vmem>> -> memref<1x32xf32, #tpu.memory_space<vmem>>
    %dma_wait3A_1532 = arith.constant 0 : i32
    %dma_wait3A_1533 = arith.constant 0 : i32
    %dma_wait3A_1534 = tpu.memref_slice %arg5[%dma_wait3A_1532, %dma_wait3A_1533] : memref<1000000x32xf32, #tpu.memory_space<hbm>> -> memref<1x32xf32, #tpu.memory_space<hbm>>
    %dma_wait3A_1535 = arith.constant 0 : i32
    %dma_wait3A_1536 = arith.constant 0 : i32
    %dma_wait3A_1537 = tpu.memref_slice %arg9[%dma_wait3A_1535, %dma_wait3A_1536] : memref<512x32xf32, #tpu.memory_space<vmem>> -> memref<1x32xf32, #tpu.memory_space<vmem>>
    %dma_wait3A_1538 = arith.constant 0 : i32
    %dma_wait3A_1539 = arith.constant 0 : i32
    %dma_wait3A_1540 = tpu.memref_slice %arg5[%dma_wait3A_1538, %dma_wait3A_1539] : memref<1000000x32xf32, #tpu.memory_space<hbm>> -> memref<1x32xf32, #tpu.memory_space<hbm>>
    tpu.wait_dma2 semaphore(%arg10 : memref<!tpu.dma_semaphore, #tpu.memory_space<semaphore_mem>>) src(%dma_wait3A_1540 : memref<1x32xf32, #tpu.memory_space<hbm>>) dst(%dma_wait3A_1537 : memref<1x32xf32, #tpu.memory_space<vmem>>)
    %dma_wait3A_1541 = arith.constant 0 : i32
    %dma_wait3A_1542 = arith.constant 0 : i32
    %dma_wait3A_1543 = tpu.memref_slice %arg9[%dma_wait3A_1541, %dma_wait3A_1542] : memref<512x32xf32, #tpu.memory_space<vmem>> -> memref<1x32xf32, #tpu.memory_space<vmem>>
    %dma_wait3A_1544 = arith.constant 0 : i32
    %dma_wait3A_1545 = arith.constant 0 : i32
    %dma_wait3A_1546 = tpu.memref_slice %arg5[%dma_wait3A_1544, %dma_wait3A_1545] : memref<1000000x32xf32, #tpu.memory_space<hbm>> -> memref<1x32xf32, #tpu.memory_space<hbm>>
    %dma_wait3A_1547 = arith.constant 0 : i32
    %dma_wait3A_1548 = arith.constant 0 : i32
    %dma_wait3A_1549 = tpu.memref_slice %arg9[%dma_wait3A_1547, %dma_wait3A_1548] : memref<512x32xf32, #tpu.memory_space<vmem>> -> memref<1x32xf32, #tpu.memory_space<vmem>>
    %dma_wait3A_1550 = arith.constant 0 : i32
    %dma_wait3A_1551 = arith.constant 0 : i32
    %dma_wait3A_1552 = tpu.memref_slice %arg5[%dma_wait3A_1550, %dma_wait3A_1551] : memref<1000000x32xf32, #tpu.memory_space<hbm>> -> memref<1x32xf32, #tpu.memory_space<hbm>>
    tpu.wait_dma2 semaphore(%arg10 : memref<!tpu.dma_semaphore, #tpu.memory_space<semaphore_mem>>) src(%dma_wait3A_1552 : memref<1x32xf32, #tpu.memory_space<hbm>>) dst(%dma_wait3A_1549 : memref<1x32xf32, #tpu.memory_space<vmem>>)
    "tpu.region"() ({
      %run_scoped3A = tpu.sem_alloc : memref<!tpu.dma_semaphore, #tpu.memory_space<semaphore_mem>>
      %dma_start3A = arith.constant 0 : i32
      %dma_start3A_1553 = tpu.memref_slice %arg7[%mul3A_777, %dma_start3A] : memref<16384x32xf32, #tpu.memory_space<hbm>> -> memref<512x32xf32, #tpu.memory_space<hbm>>
      %dma_start3A_1554 = arith.constant 0 : i32
      %dma_start3A_1555 = tpu.memref_slice %arg7[%mul3A_777, %dma_start3A_1554] : memref<16384x32xf32, #tpu.memory_space<hbm>> -> memref<512x32xf32, #tpu.memory_space<hbm>>
      tpu.enqueue_dma source(%arg9 : memref<512x32xf32, #tpu.memory_space<vmem>>) target(%dma_start3A_1555 : memref<512x32xf32, #tpu.memory_space<hbm>>) target_semaphore(%run_scoped3A : memref<!tpu.dma_semaphore, #tpu.memory_space<semaphore_mem>>)
      %dma_wait3A_1556 = arith.constant 0 : i32
      %dma_wait3A_1557 = tpu.memref_slice %arg7[%mul3A_777, %dma_wait3A_1556] : memref<16384x32xf32, #tpu.memory_space<hbm>> -> memref<512x32xf32, #tpu.memory_space<hbm>>
      %dma_wait3A_1558 = arith.constant 0 : i32
      %dma_wait3A_1559 = tpu.memref_slice %arg7[%mul3A_777, %dma_wait3A_1558] : memref<16384x32xf32, #tpu.memory_space<hbm>> -> memref<512x32xf32, #tpu.memory_space<hbm>>
      tpu.wait_dma2 semaphore(%run_scoped3A : memref<!tpu.dma_semaphore, #tpu.memory_space<semaphore_mem>>) src(%arg9 : memref<512x32xf32, #tpu.memory_space<vmem>>) dst(%dma_wait3A_1559 : memref<512x32xf32, #tpu.memory_space<hbm>>)
      tpu.yield
    }) : () -> ()
    return
  }
}

module attributes {stable_mosaic.version = 14 : i64} {
  func.func @_mlp_body(%arg0: i32, %arg1: memref<2048x32xf32, #tpu.memory_space<vmem>>, %arg2: memref<2048x32xf32, #tpu.memory_space<vmem>>, %arg3: memref<32x64xf32, #tpu.memory_space<vmem>>, %arg4: memref<32x64xf32, #tpu.memory_space<vmem>>, %arg5: memref<1x64xf32, #tpu.memory_space<vmem>>, %arg6: memref<1x64xf32, #tpu.memory_space<vmem>>, %arg7: memref<1x1xf32, #tpu.memory_space<vmem>>, %arg8: memref<2048xf32, #tpu.memory_space<vmem>>) attributes {dimension_semantics = [#tpu.dimension_semantics<arbitrary>], iteration_bounds = array<i64: 8>, scalar_prefetch = 0 : i64, scratch_operands = 0 : i64, tpu.core_type = #tpu.core_type<tc>, window_params = [{transform_indices = @transform_0, window_bounds = array<i64: 2048, 32>}, {transform_indices = @transform_1, window_bounds = array<i64: 2048, 32>}, {pipeline_mode = #tpu.pipeline_mode<synchronous>, transform_indices = @transform_2, window_bounds = array<i64: 32, 64>}, {pipeline_mode = #tpu.pipeline_mode<synchronous>, transform_indices = @transform_3, window_bounds = array<i64: 32, 64>}, {pipeline_mode = #tpu.pipeline_mode<synchronous>, transform_indices = @transform_4, window_bounds = array<i64: 1, 64>}, {pipeline_mode = #tpu.pipeline_mode<synchronous>, transform_indices = @transform_5, window_bounds = array<i64: 1, 64>}, {pipeline_mode = #tpu.pipeline_mode<synchronous>, transform_indices = @transform_6, window_bounds = array<i64: 1, 1>}, {transform_indices = @transform_7, window_bounds = array<i64: 2048>}]} {
    %get3A = arith.constant 0 : index
    %get3A_0 = arith.constant 0 : index
    %get3A_1 = vector.load %arg1[%get3A, %get3A_0] : memref<2048x32xf32, #tpu.memory_space<vmem>>, vector<2048x32xf32>
    %get3A_2 = arith.constant 0 : index
    %get3A_3 = arith.constant 0 : index
    %get3A_4 = vector.load %arg3[%get3A_2, %get3A_3] : memref<32x64xf32, #tpu.memory_space<vmem>>, vector<32x64xf32>
    %dot_general3A = arith.constant dense<0.000000e+00> : vector<2048x64xf32>
    %dot_general3A_5 = tpu.matmul %get3A_1, %get3A_4, %dot_general3A {dimension_numbers = #tpu.dot_dimension_numbers<[1], [0], [0], [1], [0, 0, 1, 1], [], []>, transpose_lhs_hint = false} : vector<2048x32xf32>, vector<32x64xf32>, vector<2048x64xf32> -> vector<2048x64xf32>
    %get3A_6 = arith.constant 0 : index
    %get3A_7 = arith.constant 0 : index
    %get3A_8 = vector.load %arg2[%get3A_6, %get3A_7] : memref<2048x32xf32, #tpu.memory_space<vmem>>, vector<2048x32xf32>
    %get3A_9 = arith.constant 0 : index
    %get3A_10 = arith.constant 0 : index
    %get3A_11 = vector.load %arg4[%get3A_9, %get3A_10] : memref<32x64xf32, #tpu.memory_space<vmem>>, vector<32x64xf32>
    %dot_general3A_12 = arith.constant dense<0.000000e+00> : vector<2048x64xf32>
    %dot_general3A_13 = tpu.matmul %get3A_8, %get3A_11, %dot_general3A_12 {dimension_numbers = #tpu.dot_dimension_numbers<[1], [0], [0], [1], [0, 0, 1, 1], [], []>, transpose_lhs_hint = false} : vector<2048x32xf32>, vector<32x64xf32>, vector<2048x64xf32> -> vector<2048x64xf32>
    %add3A = arith.addf %dot_general3A_5, %dot_general3A_13 : vector<2048x64xf32>
    %get3A_14 = arith.constant 0 : index
    %get3A_15 = arith.constant 0 : index
    %get3A_16 = vector.load %arg5[%get3A_14, %get3A_15] : memref<1x64xf32, #tpu.memory_space<vmem>>, vector<1x64xf32>
    %add3A_17 = vector.broadcast %get3A_16 : vector<1x64xf32> to vector<2048x64xf32>
    %add3A_18 = arith.addf %add3A, %add3A_17 : vector<2048x64xf32>
    %tanh3A = math.tanh %add3A_18 : vector<2048x64xf32>
    %get3A_19 = arith.constant 0 : index
    %get3A_20 = arith.constant 0 : index
    %get3A_21 = vector.load %arg6[%get3A_19, %get3A_20] : memref<1x64xf32, #tpu.memory_space<vmem>>, vector<1x64xf32>
    %mul3A = vector.broadcast %get3A_21 : vector<1x64xf32> to vector<2048x64xf32>
    %mul3A_22 = arith.mulf %tanh3A, %mul3A : vector<2048x64xf32>
    %reduce_sum3A = arith.constant dense<0.000000e+00> : vector<2048xf32>
    %reduce_sum3A_23 = vector.multi_reduction <add>, %mul3A_22, %reduce_sum3A [1] : vector<2048x64xf32> to vector<2048xf32>
    %get3A_24 = arith.constant 0 : index
    %get3A_25 = arith.constant 0 : index
    %get3A_26 = vector.load %arg7[%get3A_24, %get3A_25] : memref<1x1xf32, #tpu.memory_space<vmem>>, vector<1x1xf32>
    %get3A_27 = vector.extract %get3A_26[0, 0] : f32 from vector<1x1xf32>
    %add3A_28 = vector.broadcast %get3A_27 : f32 to vector<2048xf32>
    %add3A_29 = arith.addf %reduce_sum3A_23, %add3A_28 : vector<2048xf32>
    %logistic3A = arith.negf %add3A_29 : vector<2048xf32>
    %logistic3A_30 = math.exp %logistic3A : vector<2048xf32>
    %logistic3A_31 = arith.constant 1.000000e+00 : f32
    %logistic3A_32 = vector.broadcast %logistic3A_31 : f32 to vector<2048xf32>
    %logistic3A_33 = arith.addf %logistic3A_32, %logistic3A_30 : vector<2048xf32>
    %logistic3A_34 = arith.divf %logistic3A_32, %logistic3A_33 : vector<2048xf32>
    %swap3A = arith.constant 0 : index
    %swap3A_35 = vector.load %arg8[%swap3A] : memref<2048xf32, #tpu.memory_space<vmem>>, vector<2048xf32>
    tpu.vector_store %arg8[%swap3A], %logistic3A_34 {strides = array<i32>} : memref<2048xf32, #tpu.memory_space<vmem>>, vector<2048xf32>,
    return
  }
  func.func @transform_0(%arg0: i32) -> (i32, i32) {
    %c0_i32 = arith.constant 0 : i32
    %c0_i32_0 = arith.constant 0 : i32
    return %arg0, %c0_i32 : i32, i32
  }
  func.func @transform_1(%arg0: i32) -> (i32, i32) {
    %c0_i32 = arith.constant 0 : i32
    %c0_i32_0 = arith.constant 0 : i32
    return %arg0, %c0_i32 : i32, i32
  }
  func.func @transform_2(%arg0: i32) -> (i32, i32) {
    %c0_i32 = arith.constant 0 : i32
    %c0_i32_0 = arith.constant 0 : i32
    %c0_i32_1 = arith.constant 0 : i32
    return %c0_i32, %c0_i32_0 : i32, i32
  }
  func.func @transform_3(%arg0: i32) -> (i32, i32) {
    %c0_i32 = arith.constant 0 : i32
    %c0_i32_0 = arith.constant 0 : i32
    %c0_i32_1 = arith.constant 0 : i32
    return %c0_i32, %c0_i32_0 : i32, i32
  }
  func.func @transform_4(%arg0: i32) -> (i32, i32) {
    %c0_i32 = arith.constant 0 : i32
    %c0_i32_0 = arith.constant 0 : i32
    %c0_i32_1 = arith.constant 0 : i32
    return %c0_i32, %c0_i32_0 : i32, i32
  }
  func.func @transform_5(%arg0: i32) -> (i32, i32) {
    %c0_i32 = arith.constant 0 : i32
    %c0_i32_0 = arith.constant 0 : i32
    %c0_i32_1 = arith.constant 0 : i32
    return %c0_i32, %c0_i32_0 : i32, i32
  }
  func.func @transform_6(%arg0: i32) -> (i32, i32) {
    %c0_i32 = arith.constant 0 : i32
    %c0_i32_0 = arith.constant 0 : i32
    %c0_i32_1 = arith.constant 0 : i32
    return %c0_i32, %c0_i32_0 : i32, i32
  }
  func.func @transform_7(%arg0: i32) -> i32 {
    %c0_i32 = arith.constant 0 : i32
    return %arg0 : i32
  }
}

</mosaic_0001>

<sc_bundles>
// kernel: kernel.4.cloned.1.call-start
scs
__scs_entry_jumppad:
0x0: {  	(pc) =	sbr.rel $0x88, $3  }
0x1: {  	(tag) =	ssettag $0x0;
	lr =	simm.s32 $0x1  }
0x2: {  	[smem:$0x3F99] =	sst lr;
	_ =	strace $0xD0000000  }
0x3: {  	_ = 	snop  }
0x4: {  	_ = 	snop  }
0x5: {  	_ = 	snop  }
0x6: {  	_ = 	snop  }
0x7: {  	_ = 	snop  }
__scs_overlays_trampoline_lowered:
0x8: {  	[smem:$0x3FA8] =	sst s0  }
0x9: {  	[smem:$0x3FA9] =	sst s1  }
0xa: {  	[smem:$0x3FAA] =	sst s2  }
0xb: {  	[smem:$0x3FAB] =	sst s3  }
0xc: {  	[smem:$0x3FAC] =	sst s4  }
0xd: {  	[smem:$0x3FAD] =	sst s5  }
0xe: {  	[smem:$0x3FAE] =	sst s6  }
0xf: {  	[smem:$0x3FAF] =	sst s7  }
0x10: {  	[smem:$0x3FB0] =	sst s8  }
0x11: {  	[smem:$0x3FB1] =	sst s9;
	s0 =	simm.s32 @!p0 $0x0  }
0x12: {  	s1 =	sld [smem:$0x3F97];
	s0 =	simm.s32 @p0 $0x1  }
0x13: {  	[smem:$0x3FB2] =	sst s0;
	s0 =	simm.s32 @!p1 $0x0  }
0x14: {  	s2 =	sld [smem:$0x3F96];
	s0 =	simm.s32 @p1 $0x1  }
0x15: {  	[smem:$0x3FB3] =	sst s0;
	s0 =	simm.s32 @!p2 $0x0  }
0x16: {  	s3 =	sld [smem:$0x3FDB];
	s0 =	simm.s32 @p2 $0x1  }
0x17: {  	s4 =	simm.s32 $0x1BF5;
	[smem:$0x3FB5] =	sst s0  }
0x18: {  	s0 =	sld [smem:$0x3F98];
	_ =	swait.ge [sflag:s4], $0x0  }
0x19: {  	s7 =	sld [smem:$0x3F99]  }
0x1a: {  	s8 =	sadd.s32 $0xFFFFE003, lr  }
0x1b: {  	s9 =	sadd.s32 $0xFFFFFEF7, lr;
	s5 =	simm.s32 $0xFFFFFFFF;
	p2 =	slt.u32 s8, $0xFFFFF086  }
0x1c: {  	p1 =	slt.u32 s9, $0xF7A;
	s5 =	simm.s32 @!p2 $0x0  }
0x1d: {  	s5 =	simm.s32 @p1 $0x1;
	p0 =	seq.s32 s7, s2  }
0x1e: {  	s7 =	smul.u32 @!p0 $0xF7A, s2;
	p2 =	seq.s32 @!p0 s5, $0x0  }
0x1f: {  	s9 =	smul.u32 $0xF7A, s1;
	s8 =	simm.s32 @!p0 $0x1BF5;
	p2 =	por !p2, p0  }
0x20: {  	[sflag:s8] =	ssyncset.s32 @!p0 $0xFFFFF086;
	s6 =	sadd.s32 @!p0 s3, s7;
	s7 =	simm.s32 @!p0 $0x108  }
0x21: {  	s3 =	sadd.s32 s3, s9;
	s6 =	sadd.s32 @!p0 $0x88, s6;
	s7 =	simm.s32 @p2 $0x1082  }
0x22: {  	[simem:s7], [sflag:s8] =	dma.local @!p0 [hbm:s6], $0xF7A  }
0x23: {  	s9 =	sor.u32 $0xD0000000, s2;
	s6 =	simm.s32 $0x108;
	_ =	swait.ge @!p0 [sflag:s8], $0x0  }
0x24: {  	s3 =	sadd.s32 $0x88, s3;
	s6 =	simm.s32 @!p1 $0x1082;
	[sflag:s4] =	ssyncset.s32 $0xFFFFF086  }
0x25: {  	[simem:s6], [sflag:s4] =	dma.local [hbm:s3], $0xF7A  }
0x26: {  	[smem:$0x3F99] =	sst s1;
	(tag) =	ssettag s2;
	_ =	strace s9  }
0x27: {  	s1 =	sld [smem:$0x3FA9]  }
0x28: {  	s2 =	sld [smem:$0x3FAA]  }
0x29: {  	s4 =	sld [smem:$0x3FAC]  }
0x2a: {  	p0 =	seq.s32 s5, $0x0;
	s5 =	sld [smem:$0x3FAD]  }
0x2b: {  	s6 =	sld [smem:$0x3FAE]  }
0x2c: {  	s7 =	sld [smem:$0x3FAF]  }
0x2d: {  	s3 =	simm.s32 $0x108;
	s8 =	sld [smem:$0x3FB0]  }
0x2e: {  	s3 =	simm.s32 @!p0 $0x1082;
	s9 =	sld [smem:$0x3FB1]  }
0x2f: {  	lr =	sadd.s32 s0, s3;
	s0 =	sld [smem:$0x3FA8]  }
0x30: {  	s3 =	sld [smem:$0x3FAB]  }
0x31: {  	[smem:$0x3FB4] =	sst s10  }
0x32: {  	s10 =	sld [smem:$0x3FB2];
	_ =	sdelay $0x3  }
0x33: {  	p0 =	seq.s32 s10, $0x1;
	s10 =	sld [smem:$0x3FB4];
	_ =	sdelay $0x3  }
0x34: {  	[smem:$0x3FB4] =	sst s10  }
0x35: {  	s10 =	sld [smem:$0x3FB3];
	_ =	sdelay $0x3  }
0x36: {  	p1 =	seq.s32 s10, $0x1;
	s10 =	sld [smem:$0x3FB4];
	_ =	sdelay $0x3  }
0x37: {  	[smem:$0x3FB4] =	sst s10  }
0x38: {  	s10 =	sld [smem:$0x3FB5]  }
0x39: {  	_ = 	snop;
	(pc) =	sbr.ind lr, $3  }
0x3a: {  	_ = 	snop  }
0x3b: {  	_ = 	snop  }
0x3c: {  	p2 =	seq.s32 s10, $0x1;
	s10 =	sld [smem:$0x3FB4]  }
0x3d: {  	_ =	shalt  }
0x3e: {  	_ =	shalt  }
0x3f: {  	_ =	shalt  }
0x40: {  	_ =	shalt  }
0x41: {  	_ =	shalt  }
0x42: {  	_ =	shalt  }
0x43: {  	_ =	shalt  }
0x44: {  	_ =	shalt  }
0x45: {  	_ =	shalt  }
0x46: {  	_ =	shalt  }
0x47: {  	_ =	shalt  }
0x48: {  	_ =	shalt  }
0x49: {  	_ =	shalt  }
0x4a: {  	_ =	shalt  }
0x4b: {  	_ =	shalt  }
0x4c: {  	_ =	shalt  }
0x4d: {  	_ =	shalt  }
0x4e: {  	_ =	shalt  }
0x4f: {  	_ =	shalt  }
0x50: {  	_ =	shalt  }
0x51: {  	_ =	shalt  }
0x52: {  	_ =	shalt  }
0x53: {  	_ =	shalt  }
0x54: {  	_ =	shalt  }
0x55: {  	_ =	shalt  }
0x56: {  	_ =	shalt  }
0x57: {  	_ =	shalt  }
0x58: {  	_ =	shalt  }
0x59: {  	_ =	shalt  }
0x5a: {  	_ =	shalt  }
0x5b: {  	_ =	shalt  }
0x5c: {  	_ =	shalt  }
0x5d: {  	_ =	shalt  }
0x5e: {  	_ =	shalt  }
0x5f: {  	_ =	shalt  }
0x60: {  	_ =	shalt  }
0x61: {  	_ =	shalt  }
0x62: {  	_ =	shalt  }
0x63: {  	_ =	shalt  }
0x64: {  	_ =	shalt  }
0x65: {  	_ =	shalt  }
0x66: {  	_ =	shalt  }
0x67: {  	_ =	shalt  }
0x68: {  	_ =	shalt  }
0x69: {  	_ =	shalt  }
0x6a: {  	_ =	shalt  }
0x6b: {  	_ =	shalt  }
0x6c: {  	_ =	shalt  }
0x6d: {  	_ =	shalt  }
0x6e: {  	_ =	shalt  }
0x6f: {  	_ =	shalt  }
0x70: {  	_ =	shalt  }
0x71: {  	_ =	shalt  }
0x72: {  	_ =	shalt  }
0x73: {  	_ =	shalt  }
0x74: {  	_ =	shalt  }
0x75: {  	_ =	shalt  }
0x76: {  	_ =	shalt  }
0x77: {  	_ =	shalt  }
0x78: {  	_ =	shalt  }
0x79: {  	_ =	shalt  }
0x7a: {  	_ =	shalt  }
0x7b: {  	_ =	shalt  }
0x7c: {  	_ =	shalt  }
0x7d: {  	_ =	shalt  }
0x7e: {  	_ =	shalt  }
0x7f: {  	_ =	shalt  }
0x80: {  	_ =	shalt  }
0x81: {  	_ =	shalt  }
0x82: {  	_ =	shalt  }
0x83: {  	_ =	shalt  }
0x84: {  	_ =	shalt  }
0x85: {  	_ =	shalt  }
0x86: {  	_ =	shalt  }
0x87: {  	_ =	shalt  }
.Lfunc_end0:
.L_simem_size_0:
called_computation_lowered:
.L_overlay_start_0:
0x88: {  	s2 =	sld [smem:$0x3FD9]  }
0x89: {  	s3 =	sld [smem:$0x3FFE];
	_ =	sdelay $0x1  }
0x8a: {  	s1 =	srdreg.scid  }
0x8b: {  	s0 =	sand.u32 $0x1, s1  }
0x8c: {  	s17 =	sshll.u32 s0, $0xA;
	s2 =	sadd.s32 s3, s2  }
0x8d: {  	s2 =	sadd.s32 s2, s17  }
0x8e: {  	[smem:$0x3FC0] =	sst s2  }
0x8f: {  	_ = 	snop  }
0x90: {  	s2 =	sld [smem:$0x3FC9]  }
0x91: {  	s18 =	sld [smem:$0x3FC8];
	(tm) =	ssettm $0x1  }
0x92: {  	s4 =	sld [smem:$0x3FFB];
	_ =	sdelay $0x3  }
0x93: {  	_ =	strace s4  }
0x94: {  	s4 =	sld [smem:$0x3FFC];
	_ =	sdelay $0x3  }
0x95: {  	_ =	strace s4  }
0x96: {  	s4 =	sld [smem:$0x3FFD];
	_ =	sdelay $0x3  }
0x97: {  	_ =	strace s4  }
0x98: {  	_ =	strace $0x8FFFFFFF  }
0x99: {  	s19 =	sld [smem:$0x3FDB];
	_ =	sdelay $0x1  }
0x9a: {  	s5 =	simm.s32 $_scs_section_size  }
0x9b: {  	s6 =	simm.s32 $_size__tile_overlayer_lowered;
	s7 =	simm.s32 $_tile_overlayer_lowered  }
0x9c: {  	s22 =	simm.s32 $0x1BFF;
	s21 =	sshll.u32 s7, $0x1;
	s4 =	sadd.s32 s5, s19  }
0x9d: {  	s8 =	simm.s32 $0x0;
	s20 =	sshll.u32 s6, $0x1;
	s6 =	sadd.s32 s21, s4  }
0x9e: {  	[timem:s8], [sflag:s22] =	dma.local [hbm:s6], s20  }
0x9f: {  	_ =	swait.ge [sflag:s22], s20  }
0xa0: {  	s5 =	ssub.s32 $0x0, s20;
	[sflag:s22] =	ssyncset.done $0x0  }
0xa1: {  	[sflag:s22] =	ssyncadd.s32 s5;
	_ =	sdelay $0x1  }
0xa2: {  	s23 =	simm.s32 $0x1B8B  }
0xa3: {  	_ =	swait.ge [sflag:s23], $0x1  }
0xa4: {  	[sflag:s23] =	ssyncset.done $0x0  }
0xa5: {  	s25 =	simm.s32 $0x1B8E;
	s24 =	sld [smem:$0x3FFE];
	[sflag:s23] =	ssyncadd.s32 $0xFFFFFFFF  }
0xa6: {  	s26 =	simm.s32 $execute0_lowered;
	[smem:$0x3FD2] =	sst s25  }
0xa7: {  	s6 =	sshll.u32 s26, $0x1;
	_ =	strace $0x80000046;
	[dreg:$0x1] =	wrdreg $0xFFFFFFFF  }
0xa8: {  	s28 =	simm.s32 $_size_execute0_lowered;
	s4 =	sadd.s32 s4, s6;
	[dreg:$0x0] =	wrdreg $0x0  }
0xa9: {  	s6 =	sshll.u32 s28, $0x1;
	[dreg:$0x2] =	wrdreg s4  }
0xaa: {  	[dreg:$0x3] =	wrdreg s6  }
0xab: {  	[dreg:$0x4] =	wrdreg $0xC0  }
0xac: {  	_ =	task [dreg:s8], $0x5FFFF  }
0xad: {  	[dreg:$0x1] =	wrdreg $0xFFFFFFFF  }
0xae: {  	[dreg:$0x0] =	wrdreg $0x60  }
0xaf: {  	[dreg:$0x2] =	wrdreg s2  }
0xb0: {  	[dreg:$0x3] =	wrdreg s18  }
0xb1: {  	[dreg:$0x4] =	wrdreg s24  }
0xb2: {  	[dreg:$0x5] =	wrdreg $0x9  }
0xb3: {  	_ =	task.clear_ibuf [dreg:s8], $0x6FFFF;
	_ =	strace $0x90000046  }
0xb4: {  	s29 =	simm.s32 $0x9;
	_ =	strace $0x80000048  }
0xb5: {  	_ =	swait.ge [sflag:s29], $0x1  }
0xb6: {  	[sflag:s29] =	ssyncadd.s32 $0xFFFFFFFF  }
0xb7: {  	_ =	strace $0x90000048  }
0xb8: {  	_ =	sfence  }
0xb9: {  	s30 =	sld [smem:$0x0];
	_ =	sdelay $0x2  }
0xba: {  	s31 =	sshll.u32 s1, $0xD;
	s1 =	sshrl.u32 s1, $0x2  }
0xbb: {  	s3 =	sand.u32 $0x4000, s31;
	s1 =	sadd.s32 s1, s30  }
0xbc: {  	s0 =	sor.u32 s3, s0;
	s1 =	sshll.u32 s1, $0x11  }
0xbd: {  	s0 =	sor.u32 s1, s0  }
0xbe: {  	s0 =	sadd.s32 $0x8F2B, s0  }
0xbf: {  	[sflag:s0] =	ssyncadd.remote.s32 $0x1  }
0xc0: {  	_ =	sfence.sel $0xFFFF  }
0xc1: {  	[dreg:$0x0] =	wrdreg $0xFFFFFFFF;
	(pc) =	sbr.abs _section_cstart, $3  }
0xc2: {  	[dreg:$0x1] =	wrdreg $0xFFFFFFFF  }
0xc3: {  	_ =	task.clear_ibuf [dreg:s8], $0x2FFFF;
	_ =	strace $0x9FFFFFFF  }
0xc4: {  	(tm) =	ssettm $0x7FFFFFFF  }
0xc5: {  	_ =	shalt  }
tec
execute0_lowered:
.L_overlay_start_1:
0x0: {  	(tag) =	ssettag $0x1  }
0x1: {  	s5 =	rddreg [dreg:$0x0]  }
0x2: {  	s7 =	rddreg [dreg:$0x1]  }
0x3: {  	s6 =	rddreg [dreg:$0x2]  }
0x4: {  	s2 =	simm.s32 $0x0;
	s3 =	srdreg.scid;
	s0 =	stileid.u32  }
0x5: {  	s13 =	simm.s32 $0x0;
	[smem:$0x7FF] =	sst s2;
	s4 =	sand.u32 $0x1, s3  }
0x6: {  	s8 =	sshll.u32 s0, $0xA;
	s3 =	sadd.s32 $0x1400, s6;
	s9 =	sshll.u32 s4, $0x9  }
0x7: {  	_ =	strace $0x80000047;
	s29 =	ssub.s32 $0x2, s4;
	s8 =	sor.u32 s9, s8  }
0x8: {  	s4 =	sadd.s32 $0xF43800, s6;
	s11 =	sshrl.u32 s29, $0x1;
	s10 =	sshll.u32 s8, $0x4  }
0x9: {  	s9 =	ssub.s32 s29, s11;
	s8 =	sshrl.u32 s8, $0x3;
	s11 =	simm.s32 $0x1  }
0xa: {  	s10 =	sadd.s32 s10, s6;
	s30 =	sadd.s32 s5, s8;
	s7 =	sadd.s32 s7, s8  }
0xb: {  	s9 =	smax.u32 s9, $0x1;
	[dreg:$0x4] =	wrdreg s30;
	s31 =	sadd.s32 $0x1E85C00, s10  }
0xc: {  	s8 =	sadd.s32 $0x1EC5C00, s10;
	s10 =	simm.s32 $0x2;
	[dreg:$0x5] =	wrdreg s31  }
.LBB2_1:
0xd: {  	s0 =	rddreg [dreg:$0x4]  }
0xe: {  	[tilespmem:s2], [sflag:$0x2] =	stream.linear.gather [hbm4b:s0+s2], $0x200, $0x38;
	[tilespmem:$0x10200] =	vst v63  }
0xf: {  	_ =	swait.ge [sflag:s10], $0x200  }
0x10: {  	[sflag:s10] =	ssyncset.done $0x0  }
0x11: {  	[sflag:s10] =	ssyncadd.s32 $0xFFFFFE00  }
0x12: {  	v0 =	vld [tilespmem:s2+$0x0];
	_ =	sdelay $0x4  }
0x13: {  	v0 =	vshll.u32 v0, $0x4  }
0x14: {  	(v2sf) =	vpush v0, $0x0  }
0x15: {  	(v2sf) =	vpush v0, $0x1  }
0x16: {  	(v2sf) =	vpush v0, $0x2;
	_ =	sdelay $0x1  }
0x17: {  	(v2sf) =	vpush v0, $0x3;
	_ =	sdelay $0x1  }
0x18: {  	(v2sf) =	vpush v0, $0x4;
	_ =	sdelay $0x1  }
0x19: {  	(v2sf) =	vpush v0, $0x5;
	_ =	sdelay $0x1  }
0x1a: {  	(v2sf) =	vpush v0, $0x6  }
0x1b: {  	s16 =	simm.s32 $0x280;
	s17 =	simm.s32 $0x380;
	s18 =	simm.s32 $0x400  }
0x1c: {  	s19 =	simm.s32 $0x200;
	s20 =	simm.s32 $0x300;
	s21 =	simm.s32 $0x480;
	(v2sf) =	vpush v0, $0x7  }
0x1d: {  	p0 =	por $0x1, $0x1;
	s22 =	simm.s32 $0x680;
	s14 =	simm.s32 $0x880  }
0x1e: {  	s23 =	simm.s32 $0x500;
	s24 =	simm.s32 $0x600;
	s15 =	simm.s32 $0x800;
	(v2sf) =	vpush v0, $0x8  }
0x1f: {  	s25 =	simm.s32 $0x580;
	s26 =	simm.s32 $0x780;
	s28 =	spop (v2sf)  }
0x20: {  	s29 =	simm.s32 $0x700;
	(v2sf) =	vpush v0, $0x9;
	s28 =	sand.u32 $0x1FFFFFF0, s28;
	s30 =	spop (v2sf)  }
0x21: {  	s28 =	sadd.s32 s3, s28;
	s30 =	sand.u32 $0x1FFFFFF0, s30;
	s31 =	spop (v2sf)  }
0x22: {  	(v2sf) =	vpush v0, $0xA;
	[tilespmem:s19], [sflag:$0x1] =	stream.linear.gather [hbm4b:s28+s2], $0x80, $0x38;
	[tilespmem:$0x10200] =	vst v63  }
0x23: {  	s12 =	sadd.s32 s3, s30;
	s0 =	sand.u32 $0x1FFFFFF0, s31;
	s1 =	spop (v2sf)  }
0x24: {  	(v2sf) =	vpush v0, $0xB;
	[tilespmem:s16], [sflag:$0x1] =	stream.linear.gather [hbm4b:s12+s2], $0x80, $0x38;
	[tilespmem:$0x10200] =	vst v63  }
0x25: {  	s5 =	sadd.s32 s3, s0;
	s6 =	sand.u32 $0x1FFFFFF0, s1;
	s12 =	spop (v2sf)  }
0x26: {  	(v2sf) =	vpush v0, $0xC;
	[tilespmem:s20], [sflag:$0x1] =	stream.linear.gather [hbm4b:s5+s2], $0x80, $0x38;
	[tilespmem:$0x10200] =	vst v63  }
0x27: {  	s28 =	sand.u32 $0x1FFFFFF0, s12;
	s30 =	spop (v2sf);
	s20 =	sadd.s32 s3, s6  }
0x28: {  	(v2sf) =	vpush v0, $0xD;
	[tilespmem:s17], [sflag:$0x1] =	stream.linear.gather [hbm4b:s20+s2], $0x80, $0x38;
	[tilespmem:$0x10200] =	vst v63  }
0x29: {  	s31 =	sadd.s32 s3, s28;
	s0 =	sand.u32 $0x1FFFFFF0, s30;
	s1 =	spop (v2sf)  }
0x2a: {  	(v2sf) =	vpush v0, $0xE;
	[tilespmem:s18], [sflag:$0x1] =	stream.linear.gather [hbm4b:s31+s2], $0x80, $0x38;
	[tilespmem:$0x10200] =	vst v63  }
0x2b: {  	s5 =	sadd.s32 s3, s0;
	s6 =	sand.u32 $0x1FFFFFF0, s1;
	s12 =	spop (v2sf)  }
0x2c: {  	(v2sf) =	vpush v0, $0xF;
	[tilespmem:s21], [sflag:$0x1] =	stream.linear.gather [hbm4b:s5+s2], $0x80, $0x38;
	[tilespmem:$0x10200] =	vst v63  }
0x2d: {  	s17 =	sadd.s32 s3, s6;
	s19 =	spop (v2sf);
	s18 =	sand.u32 $0x1FFFFFF0, s12  }
0x2e: {  	[tilespmem:s23], [sflag:$0x1] =	stream.linear.gather [hbm4b:s17+s2], $0x80, $0x38;
	[tilespmem:$0x10200] =	vst v63  }
0x2f: {  	s20 =	sadd.s32 s3, s18;
	s21 =	sand.u32 $0x1FFFFFF0, s19;
	s23 =	spop (v2sf)  }
0x30: {  	[tilespmem:s25], [sflag:$0x1] =	stream.linear.gather [hbm4b:s20+s2], $0x80, $0x38;
	[tilespmem:$0x10200] =	vst v63  }
0x31: {  	s28 =	sand.u32 $0x1FFFFFF0, s23;
	s30 =	spop (v2sf);
	s25 =	sadd.s32 s3, s21  }
0x32: {  	[tilespmem:s24], [sflag:$0x1] =	stream.linear.gather [hbm4b:s25+s2], $0x80, $0x38;
	[tilespmem:$0x10200] =	vst v63  }
0x33: {  	s31 =	sadd.s32 s3, s28;
	s0 =	sand.u32 $0x1FFFFFF0, s30;
	s1 =	spop (v2sf)  }
0x34: {  	[tilespmem:s22], [sflag:$0x1] =	stream.linear.gather [hbm4b:s31+s2], $0x80, $0x38;
	[tilespmem:$0x10200] =	vst v63  }
0x35: {  	s5 =	sadd.s32 s3, s0;
	s6 =	sand.u32 $0x1FFFFFF0, s1;
	s12 =	spop (v2sf)  }
0x36: {  	[tilespmem:s29], [sflag:$0x1] =	stream.linear.gather [hbm4b:s5+s2], $0x80, $0x38;
	[tilespmem:$0x10200] =	vst v63  }
0x37: {  	s17 =	sadd.s32 s3, s6;
	s18 =	sand.u32 $0x1FFFFFF0, s12;
	s19 =	spop (v2sf)  }
0x38: {  	[tilespmem:s26], [sflag:$0x1] =	stream.linear.gather [hbm4b:s17+s2], $0x80, $0x38;
	[tilespmem:$0x10200] =	vst v63  }
0x39: {  	s20 =	sadd.s32 s3, s18;
	s21 =	sand.u32 $0x1FFFFFF0, s19;
	s22 =	spop (v2sf)  }
0x3a: {  	[tilespmem:s15], [sflag:$0x1] =	stream.linear.gather [hbm4b:s20+s2], $0x80, $0x38;
	[tilespmem:$0x10200] =	vst v63  }
0x3b: {  	s23 =	sadd.s32 s3, s21;
	s24 =	sand.u32 $0x1FFFFFF0, s22;
	s25 =	spop (v2sf)  }
0x3c: {  	[tilespmem:s14], [sflag:$0x1] =	stream.linear.gather [hbm4b:s23+s2], $0x80, $0x38;
	[tilespmem:$0x10200] =	vst v63  }
0x3d: {  	s28 =	sadd.s32 s3, s24;
	s29 =	sand.u32 $0x1FFFFFF0, s25;
	s26 =	simm.s32 $0x900  }
0x3e: {  	[tilespmem:s26], [sflag:$0x1] =	stream.linear.gather [hbm4b:s28+s2], $0x80, $0x38;
	[tilespmem:$0x10200] =	vst v63  }
0x3f: {  	s30 =	simm.s32 $0x980;
	s31 =	sadd.s32 s3, s29;
	s17 =	simm.s32 @!p0 $0x1  }
0x40: {  	[tilespmem:s30], [sflag:$0x1] =	stream.linear.gather [hbm4b:s31+s2], $0x80, $0x38;
	[tilespmem:$0x10200] =	vst v63  }
0x41: {  	_ =	swait.ge @!p0 [sflag:s17], $0x80  }
0x42: {  	[sflag:s17] =	ssyncset.done @!p0 $0x0  }
0x43: {  	[sflag:s17] =	ssyncadd.s32 @!p0 $0xFFFFFF80  }
0x44: {  	_ =	swait.ge @!p0 [sflag:s17], $0x80  }
0x45: {  	[sflag:s17] =	ssyncset.done @!p0 $0x0  }
0x46: {  	[sflag:s17] =	ssyncadd.s32 @!p0 $0xFFFFFF80  }
0x47: {  	_ =	swait.ge @!p0 [sflag:s17], $0x80  }
0x48: {  	[sflag:s17] =	ssyncset.done @!p0 $0x0  }
0x49: {  	[sflag:s17] =	ssyncadd.s32 @!p0 $0xFFFFFF80  }
0x4a: {  	_ =	swait.ge @!p0 [sflag:s17], $0x80  }
0x4b: {  	[sflag:s17] =	ssyncset.done @!p0 $0x0  }
0x4c: {  	[sflag:s17] =	ssyncadd.s32 @!p0 $0xFFFFFF80  }
0x4d: {  	_ =	swait.ge @!p0 [sflag:s17], $0x80  }
0x4e: {  	[sflag:s17] =	ssyncset.done @!p0 $0x0  }
0x4f: {  	[sflag:s17] =	ssyncadd.s32 @!p0 $0xFFFFFF80  }
0x50: {  	_ =	swait.ge @!p0 [sflag:s17], $0x80  }
0x51: {  	[sflag:s17] =	ssyncset.done @!p0 $0x0  }
0x52: {  	[sflag:s17] =	ssyncadd.s32 @!p0 $0xFFFFFF80  }
0x53: {  	_ =	swait.ge @!p0 [sflag:s17], $0x80  }
0x54: {  	[sflag:s17] =	ssyncset.done @!p0 $0x0  }
0x55: {  	[sflag:s17] =	ssyncadd.s32 @!p0 $0xFFFFFF80  }
0x56: {  	_ =	swait.ge @!p0 [sflag:s17], $0x80  }
0x57: {  	[sflag:s17] =	ssyncset.done @!p0 $0x0  }
0x58: {  	[sflag:s17] =	ssyncadd.s32 @!p0 $0xFFFFFF80  }
0x59: {  	_ =	swait.ge @!p0 [sflag:s17], $0x80  }
0x5a: {  	[sflag:s17] =	ssyncset.done @!p0 $0x0  }
0x5b: {  	[sflag:s17] =	ssyncadd.s32 @!p0 $0xFFFFFF80  }
0x5c: {  	_ =	swait.ge @!p0 [sflag:s17], $0x80  }
0x5d: {  	[sflag:s17] =	ssyncset.done @!p0 $0x0  }
0x5e: {  	[sflag:s17] =	ssyncadd.s32 @!p0 $0xFFFFFF80  }
0x5f: {  	_ =	swait.ge @!p0 [sflag:s17], $0x80  }
0x60: {  	[sflag:s17] =	ssyncset.done @!p0 $0x0  }
0x61: {  	[sflag:s17] =	ssyncadd.s32 @!p0 $0xFFFFFF80  }
0x62: {  	_ =	swait.ge @!p0 [sflag:s17], $0x80  }
0x63: {  	[sflag:s17] =	ssyncset.done @!p0 $0x0  }
0x64: {  	[sflag:s17] =	ssyncadd.s32 @!p0 $0xFFFFFF80  }
0x65: {  	_ =	swait.ge @!p0 [sflag:s17], $0x80  }
0x66: {  	[sflag:s17] =	ssyncset.done @!p0 $0x0  }
0x67: {  	s16 =	simm.s32 $0x0;
	[sflag:s17] =	ssyncadd.s32 @!p0 $0xFFFFFF80  }
0x68: {  	s15 =	simm.s32 $0x10;
	s14 =	simm.s32 $0x2000;
	_ =	swait.ge @!p0 [sflag:s17], $0x80  }
.LBB2_2:
0x69: {  	[sflag:s17] =	ssyncset.done @!p0 $0x0  }
0x6a: {  	s16 =	sadd.s32 $0x1, s16;
	s18 =	smov.u32 s14;
	s14 =	sadd.s32 $0x2000, s14  }
0x6b: {  	p1 =	sne.s32 s14, $0x40000;
	[sflag:s17] =	ssyncadd.s32 @!p0 $0xFFFFFF80  }
0x6c: {  	_ =	swait.ge @!p0 [sflag:s17], $0x80  }
0x6d: {  	[sflag:s17] =	ssyncset.done @!p0 $0x0  }
0x6e: {  	[sflag:s17] =	ssyncadd.s32 @!p0 $0xFFFFFF80  }
0x6f: {  	_ =	swait.ge @!p0 [sflag:s17], $0x80  }
0x70: {  	[sflag:s17] =	ssyncset.done @!p0 $0x0  }
0x71: {  	[sflag:s17] =	ssyncadd.s32 @!p0 $0xFFFFFF80  }
0x72: {  	v0 =	vld [tilespmem:s15+$0x0];
	_ =	sdelay $0x4  }
0x73: {  	v0 =	vshll.u32 v0, $0x4  }
0x74: {  	(v2sf) =	vpush v0, $0x0  }
0x75: {  	(v2sf) =	vpush v0, $0x1  }
0x76: {  	(v2sf) =	vpush v0, $0x2;
	_ =	sdelay $0x1  }
0x77: {  	(v2sf) =	vpush v0, $0x3;
	_ =	sdelay $0x1  }
0x78: {  	(v2sf) =	vpush v0, $0x4;
	_ =	sdelay $0x1  }
0x79: {  	(v2sf) =	vpush v0, $0x5  }
0x7a: {  	s17 =	sshra.s32 s18, $0x2  }
0x7b: {  	s25 =	sadd.s32 $0x280, s17;
	s26 =	sadd.s32 $0x380, s17;
	s28 =	sadd.s32 $0x400, s17;
	(v2sf) =	vpush v0, $0x6  }
0x7c: {  	s29 =	sadd.s32 $0x200, s17;
	s30 =	sadd.s32 $0x300, s17  }
0x7d: {  	p0 =	slt.u32 s16, $0x4;
	s31 =	sadd.s32 $0x480, s17;
	(v2sf) =	vpush v0, $0x7  }
0x7e: {  	s22 =	sadd.s32 $0x680, s17;
	s19 =	sadd.s32 $0x880, s17;
	s18 =	sadd.s32 $0x980, s17  }
0x7f: {  	s0 =	sadd.s32 $0x500, s17;
	s24 =	sadd.s32 $0x600, s17;
	s20 =	sadd.s32 $0x800, s17;
	(v2sf) =	vpush v0, $0x8  }
0x80: {  	s1 =	sadd.s32 $0x580, s17;
	s21 =	sadd.s32 $0x780, s17;
	s23 =	spop (v2sf)  }
0x81: {  	s12 =	sand.u32 $0x1FFFFFF0, s23;
	s23 =	sadd.s32 $0x700, s17;
	s5 =	spop (v2sf);
	(v2sf) =	vpush v0, $0x9  }
0x82: {  	s12 =	sadd.s32 s3, s12;
	s5 =	sand.u32 $0x1FFFFFF0, s5;
	s6 =	spop (v2sf)  }
0x83: {  	[tilespmem:s29], [sflag:$0x1] =	stream.linear.gather [hbm4b:s12+s2], $0x80, $0x38;
	(v2sf) =	vpush v0, $0xA;
	[tilespmem:$0x10200] =	vst v63  }
0x84: {  	s5 =	sadd.s32 s3, s5;
	s6 =	sand.u32 $0x1FFFFFF0, s6;
	s12 =	spop (v2sf)  }
0x85: {  	[tilespmem:s25], [sflag:$0x1] =	stream.linear.gather [hbm4b:s5+s2], $0x80, $0x38;
	(v2sf) =	vpush v0, $0xB;
	[tilespmem:$0x10200] =	vst v63  }
0x86: {  	s5 =	sadd.s32 s3, s6;
	s6 =	sand.u32 $0x1FFFFFF0, s12;
	s12 =	spop (v2sf)  }
0x87: {  	[tilespmem:s30], [sflag:$0x1] =	stream.linear.gather [hbm4b:s5+s2], $0x80, $0x38;
	(v2sf) =	vpush v0, $0xC;
	[tilespmem:$0x10200] =	vst v63  }
0x88: {  	s5 =	sadd.s32 s3, s6;
	s6 =	sand.u32 $0x1FFFFFF0, s12;
	s12 =	spop (v2sf)  }
0x89: {  	[tilespmem:s26], [sflag:$0x1] =	stream.linear.gather [hbm4b:s5+s2], $0x80, $0x38;
	(v2sf) =	vpush v0, $0xD;
	[tilespmem:$0x10200] =	vst v63  }
0x8a: {  	s5 =	sadd.s32 s3, s6;
	s6 =	sand.u32 $0x1FFFFFF0, s12;
	s12 =	spop (v2sf)  }
0x8b: {  	[tilespmem:s28], [sflag:$0x1] =	stream.linear.gather [hbm4b:s5+s2], $0x80, $0x38;
	(v2sf) =	vpush v0, $0xE;
	[tilespmem:$0x10200] =	vst v63  }
0x8c: {  	s5 =	sadd.s32 s3, s6;
	s6 =	sand.u32 $0x1FFFFFF0, s12;
	s12 =	spop (v2sf)  }
0x8d: {  	[tilespmem:s31], [sflag:$0x1] =	stream.linear.gather [hbm4b:s5+s2], $0x80, $0x38;
	(v2sf) =	vpush v0, $0xF;
	[tilespmem:$0x10200] =	vst v63  }
0x8e: {  	s5 =	sadd.s32 s3, s6;
	s6 =	sand.u32 $0x1FFFFFF0, s12;
	s12 =	spop (v2sf)  }
0x8f: {  	[tilespmem:s0], [sflag:$0x1] =	stream.linear.gather [hbm4b:s5+s2], $0x80, $0x38;
	[tilespmem:$0x10200] =	vst v63  }
0x90: {  	s0 =	sadd.s32 s3, s6;
	s5 =	sand.u32 $0x1FFFFFF0, s12;
	s6 =	spop (v2sf)  }
0x91: {  	[tilespmem:s1], [sflag:$0x1] =	stream.linear.gather [hbm4b:s0+s2], $0x80, $0x38;
	[tilespmem:$0x10200] =	vst v63  }
0x92: {  	s0 =	sadd.s32 s3, s5;
	s1 =	sand.u32 $0x1FFFFFF0, s6;
	s5 =	spop (v2sf)  }
0x93: {  	[tilespmem:s24], [sflag:$0x1] =	stream.linear.gather [hbm4b:s0+s2], $0x80, $0x38;
	[tilespmem:$0x10200] =	vst v63  }
0x94: {  	s0 =	sadd.s32 s3, s1;
	s1 =	sand.u32 $0x1FFFFFF0, s5;
	s5 =	spop (v2sf)  }
0x95: {  	[tilespmem:s22], [sflag:$0x1] =	stream.linear.gather [hbm4b:s0+s2], $0x80, $0x38;
	[tilespmem:$0x10200] =	vst v63  }
0x96: {  	s0 =	sadd.s32 s3, s1;
	s1 =	sand.u32 $0x1FFFFFF0, s5;
	s5 =	spop (v2sf)  }
0x97: {  	[tilespmem:s23], [sflag:$0x1] =	stream.linear.gather [hbm4b:s0+s2], $0x80, $0x38;
	[tilespmem:$0x10200] =	vst v63  }
0x98: {  	s0 =	sadd.s32 s3, s1;
	s1 =	sand.u32 $0x1FFFFFF0, s5;
	s5 =	spop (v2sf)  }
0x99: {  	[tilespmem:s21], [sflag:$0x1] =	stream.linear.gather [hbm4b:s0+s2], $0x80, $0x38;
	[tilespmem:$0x10200] =	vst v63  }
0x9a: {  	s0 =	sadd.s32 s3, s1;
	s1 =	sand.u32 $0x1FFFFFF0, s5;
	s5 =	spop (v2sf)  }
0x9b: {  	[tilespmem:s20], [sflag:$0x1] =	stream.linear.gather [hbm4b:s0+s2], $0x80, $0x38;
	[tilespmem:$0x10200] =	vst v63  }
0x9c: {  	s0 =	sadd.s32 s3, s1;
	s1 =	sand.u32 $0x1FFFFFF0, s5;
	s5 =	spop (v2sf)  }
0x9d: {  	[tilespmem:s19], [sflag:$0x1] =	stream.linear.gather [hbm4b:s0+s2], $0x80, $0x38;
	[tilespmem:$0x10200] =	vst v63  }
0x9e: {  	s1 =	sadd.s32 s3, s1;
	s0 =	sadd.s32 $0x900, s17;
	s5 =	sand.u32 $0x1FFFFFF0, s5  }
0x9f: {  	[tilespmem:s0], [sflag:$0x1] =	stream.linear.gather [hbm4b:s1+s2], $0x80, $0x38;
	[tilespmem:$0x10200] =	vst v63  }
0xa0: {  	s17 =	simm.s32 @!p0 $0x1;
	s0 =	sadd.s32 s3, s5  }
0xa1: {  	[tilespmem:s18], [sflag:$0x1] =	stream.linear.gather [hbm4b:s0+s2], $0x80, $0x38;
	[tilespmem:$0x10200] =	vst v63  }
0xa2: {  	_ =	swait.ge @!p0 [sflag:s17], $0x80  }
0xa3: {  	[sflag:s17] =	ssyncset.done @!p0 $0x0  }
0xa4: {  	[sflag:s17] =	ssyncadd.s32 @!p0 $0xFFFFFF80  }
0xa5: {  	_ =	swait.ge @!p0 [sflag:s17], $0x80  }
0xa6: {  	[sflag:s17] =	ssyncset.done @!p0 $0x0  }
0xa7: {  	[sflag:s17] =	ssyncadd.s32 @!p0 $0xFFFFFF80  }
0xa8: {  	_ =	swait.ge @!p0 [sflag:s17], $0x80  }
0xa9: {  	[sflag:s17] =	ssyncset.done @!p0 $0x0  }
0xaa: {  	[sflag:s17] =	ssyncadd.s32 @!p0 $0xFFFFFF80  }
0xab: {  	_ =	swait.ge @!p0 [sflag:s17], $0x80  }
0xac: {  	[sflag:s17] =	ssyncset.done @!p0 $0x0  }
0xad: {  	[sflag:s17] =	ssyncadd.s32 @!p0 $0xFFFFFF80  }
0xae: {  	_ =	swait.ge @!p0 [sflag:s17], $0x80  }
0xaf: {  	[sflag:s17] =	ssyncset.done @!p0 $0x0  }
0xb0: {  	[sflag:s17] =	ssyncadd.s32 @!p0 $0xFFFFFF80  }
0xb1: {  	_ =	swait.ge @!p0 [sflag:s17], $0x80  }
0xb2: {  	[sflag:s17] =	ssyncset.done @!p0 $0x0  }
0xb3: {  	[sflag:s17] =	ssyncadd.s32 @!p0 $0xFFFFFF80  }
0xb4: {  	_ =	swait.ge @!p0 [sflag:s17], $0x80  }
0xb5: {  	[sflag:s17] =	ssyncset.done @!p0 $0x0  }
0xb6: {  	[sflag:s17] =	ssyncadd.s32 @!p0 $0xFFFFFF80  }
0xb7: {  	_ =	swait.ge @!p0 [sflag:s17], $0x80  }
0xb8: {  	[sflag:s17] =	ssyncset.done @!p0 $0x0  }
0xb9: {  	[sflag:s17] =	ssyncadd.s32 @!p0 $0xFFFFFF80  }
0xba: {  	_ =	swait.ge @!p0 [sflag:s17], $0x80  }
0xbb: {  	[sflag:s17] =	ssyncset.done @!p0 $0x0  }
0xbc: {  	[sflag:s17] =	ssyncadd.s32 @!p0 $0xFFFFFF80  }
0xbd: {  	_ =	swait.ge @!p0 [sflag:s17], $0x80  }
0xbe: {  	[sflag:s17] =	ssyncset.done @!p0 $0x0  }
0xbf: {  	[sflag:s17] =	ssyncadd.s32 @!p0 $0xFFFFFF80  }
0xc0: {  	_ =	swait.ge @!p0 [sflag:s17], $0x80  }
0xc1: {  	[sflag:s17] =	ssyncset.done @!p0 $0x0  }
0xc2: {  	[sflag:s17] =	ssyncadd.s32 @!p0 $0xFFFFFF80  }
0xc3: {  	_ =	swait.ge @!p0 [sflag:s17], $0x80  }
0xc4: {  	[sflag:s17] =	ssyncset.done @!p0 $0x0  }
.Ltmp0:
0xc5: {  	[sflag:s17] =	ssyncadd.s32 @!p0 $0xFFFFFF80;
	(pc) =	sbr.rel @p1 .LBB2_2-.Ltmp0, $4  }
0xc6: {  	_ =	swait.ge @!p0 [sflag:s17], $0x80  }
0xc7: {  	[sflag:s17] =	ssyncset.done @!p0 $0x0  }
0xc8: {  	[sflag:s17] =	ssyncadd.s32 @!p0 $0xFFFFFF80  }
0xc9: {  	s15 =	sadd.s32 $0x10, s15;
	_ =	swait.ge @!p0 [sflag:s17], $0x80  }
0xca: {  	[sflag:s17] =	ssyncset.done @!p0 $0x0  }
0xcb: {  	[sflag:s17] =	ssyncadd.s32 @!p0 $0xFFFFFF80  }
0xcc: {  	_ =	swait.ge @!p0 [sflag:s17], $0x80  }
0xcd: {  	[sflag:s17] =	ssyncset.done @!p0 $0x0  }
0xce: {  	[sflag:s17] =	ssyncadd.s32 @!p0 $0xFFFFFF80  }
0xcf: {  	_ =	swait.ge @!p0 [sflag:s17], $0x80  }
0xd0: {  	[sflag:s17] =	ssyncset.done @!p0 $0x0  }
0xd1: {  	[sflag:s17] =	ssyncadd.s32 @!p0 $0xFFFFFF80  }
0xd2: {  	_ =	swait.ge [sflag:s11], $0x80  }
0xd3: {  	[sflag:s11] =	ssyncset.done $0x0  }
0xd4: {  	[sflag:s11] =	ssyncadd.s32 $0xFFFFFF80  }
0xd5: {  	_ =	swait.ge [sflag:s11], $0x80  }
0xd6: {  	[sflag:s11] =	ssyncset.done $0x0  }
0xd7: {  	[sflag:s11] =	ssyncadd.s32 $0xFFFFFF80  }
0xd8: {  	_ =	swait.ge [sflag:s11], $0x80  }
0xd9: {  	[sflag:s11] =	ssyncset.done $0x0  }
0xda: {  	[sflag:s11] =	ssyncadd.s32 $0xFFFFFF80  }
0xdb: {  	_ =	swait.ge [sflag:s11], $0x80  }
0xdc: {  	[sflag:s11] =	ssyncset.done $0x0  }
0xdd: {  	[sflag:s11] =	ssyncadd.s32 $0xFFFFFF80  }
0xde: {  	_ =	swait.ge [sflag:s11], $0x80  }
0xdf: {  	[sflag:s11] =	ssyncset.done $0x0  }
0xe0: {  	[sflag:s11] =	ssyncadd.s32 $0xFFFFFF80  }
0xe1: {  	_ =	swait.ge [sflag:s11], $0x80  }
0xe2: {  	[sflag:s11] =	ssyncset.done $0x0  }
0xe3: {  	[sflag:s11] =	ssyncadd.s32 $0xFFFFFF80  }
0xe4: {  	_ =	swait.ge [sflag:s11], $0x80  }
0xe5: {  	[sflag:s11] =	ssyncset.done $0x0  }
0xe6: {  	[sflag:s11] =	ssyncadd.s32 $0xFFFFFF80  }
0xe7: {  	_ =	swait.ge [sflag:s11], $0x80  }
0xe8: {  	[sflag:s11] =	ssyncset.done $0x0  }
0xe9: {  	[sflag:s11] =	ssyncadd.s32 $0xFFFFFF80  }
0xea: {  	_ =	swait.ge [sflag:s11], $0x80  }
0xeb: {  	[sflag:s11] =	ssyncset.done $0x0  }
0xec: {  	[sflag:s11] =	ssyncadd.s32 $0xFFFFFF80  }
0xed: {  	_ =	swait.ge [sflag:s11], $0x80  }
0xee: {  	[sflag:s11] =	ssyncset.done $0x0  }
0xef: {  	[sflag:s11] =	ssyncadd.s32 $0xFFFFFF80  }
0xf0: {  	_ =	swait.ge [sflag:s11], $0x80  }
0xf1: {  	[sflag:s11] =	ssyncset.done $0x0  }
0xf2: {  	[sflag:s11] =	ssyncadd.s32 $0xFFFFFF80  }
0xf3: {  	_ =	swait.ge [sflag:s11], $0x80  }
0xf4: {  	[sflag:s11] =	ssyncset.done $0x0  }
0xf5: {  	[sflag:s11] =	ssyncadd.s32 $0xFFFFFF80  }
0xf6: {  	_ =	swait.ge [sflag:s11], $0x80  }
0xf7: {  	[sflag:s11] =	ssyncset.done $0x0  }
0xf8: {  	[sflag:s11] =	ssyncadd.s32 $0xFFFFFF80  }
0xf9: {  	_ =	swait.ge [sflag:s11], $0x80  }
0xfa: {  	[sflag:s11] =	ssyncset.done $0x0  }
0xfb: {  	[sflag:s11] =	ssyncadd.s32 $0xFFFFFF80  }
0xfc: {  	_ =	swait.ge [sflag:s11], $0x80  }
0xfd: {  	[sflag:s11] =	ssyncset.done $0x0  }
0xfe: {  	[sflag:s11] =	ssyncadd.s32 $0xFFFFFF80  }
0xff: {  	_ =	swait.ge [sflag:s11], $0x80  }
0x100: {  	[sflag:s11] =	ssyncset.done $0x0  }
0x101: {  	[sflag:s11] =	ssyncadd.s32 $0xFFFFFF80  }
0x102: {  	_ =	swait.ge [sflag:s11], $0x80  }
0x103: {  	[sflag:s11] =	ssyncset.done $0x0  }
0x104: {  	[sflag:s11] =	ssyncadd.s32 $0xFFFFFF80  }
0x105: {  	_ =	swait.ge [sflag:s11], $0x80  }
0x106: {  	[sflag:s11] =	ssyncset.done $0x0  }
0x107: {  	[sflag:s11] =	ssyncadd.s32 $0xFFFFFF80  }
0x108: {  	_ =	swait.ge [sflag:s11], $0x80  }
0x109: {  	[sflag:s11] =	ssyncset.done $0x0  }
0x10a: {  	[sflag:s11] =	ssyncadd.s32 $0xFFFFFF80  }
0x10b: {  	_ =	swait.ge [sflag:s11], $0x80  }
0x10c: {  	[sflag:s11] =	ssyncset.done $0x0  }
0x10d: {  	[sflag:s11] =	ssyncadd.s32 $0xFFFFFF80  }
0x10e: {  	_ =	swait.ge [sflag:s11], $0x80  }
0x10f: {  	[sflag:s11] =	ssyncset.done $0x0  }
0x110: {  	[sflag:s11] =	ssyncadd.s32 $0xFFFFFF80  }
0x111: {  	_ =	swait.ge [sflag:s11], $0x80  }
0x112: {  	[sflag:s11] =	ssyncset.done $0x0  }
0x113: {  	[sflag:s11] =	ssyncadd.s32 $0xFFFFFF80  }
0x114: {  	_ =	swait.ge [sflag:s11], $0x80  }
0x115: {  	[sflag:s11] =	ssyncset.done $0x0  }
0x116: {  	[sflag:s11] =	ssyncadd.s32 $0xFFFFFF80  }
0x117: {  	_ =	swait.ge [sflag:s11], $0x80  }
0x118: {  	[sflag:s11] =	ssyncset.done $0x0  }
0x119: {  	[sflag:s11] =	ssyncadd.s32 $0xFFFFFF80  }
0x11a: {  	_ =	swait.ge [sflag:s11], $0x80  }
0x11b: {  	[sflag:s11] =	ssyncset.done $0x0  }
0x11c: {  	[sflag:s11] =	ssyncadd.s32 $0xFFFFFF80  }
0x11d: {  	_ =	swait.ge [sflag:s11], $0x80  }
0x11e: {  	[sflag:s11] =	ssyncset.done $0x0  }
0x11f: {  	[sflag:s11] =	ssyncadd.s32 $0xFFFFFF80  }
0x120: {  	_ =	swait.ge [sflag:s11], $0x80  }
0x121: {  	[sflag:s11] =	ssyncset.done $0x0  }
0x122: {  	[sflag:s11] =	ssyncadd.s32 $0xFFFFFF80  }
0x123: {  	_ =	swait.ge [sflag:s11], $0x80  }
0x124: {  	[sflag:s11] =	ssyncset.done $0x0  }
0x125: {  	[sflag:s11] =	ssyncadd.s32 $0xFFFFFF80  }
0x126: {  	_ =	swait.ge [sflag:s11], $0x80  }
0x127: {  	[sflag:s11] =	ssyncset.done $0x0  }
0x128: {  	[sflag:s11] =	ssyncadd.s32 $0xFFFFFF80  }
0x129: {  	_ =	swait.ge [sflag:s11], $0x80  }
0x12a: {  	[sflag:s11] =	ssyncset.done $0x0  }
0x12b: {  	[sflag:s11] =	ssyncadd.s32 $0xFFFFFF80  }
0x12c: {  	_ =	swait.ge [sflag:s11], $0x80  }
0x12d: {  	[sflag:s11] =	ssyncset.done $0x0  }
0x12e: {  	[sflag:s11] =	ssyncadd.s32 $0xFFFFFF80  }
0x12f: {  	_ =	swait.ge [sflag:s11], $0x80  }
0x130: {  	[sflag:s11] =	ssyncset.done $0x0  }
0x131: {  	[sflag:s11] =	ssyncadd.s32 $0xFFFFFF80  }
0x132: {  	_ =	swait.ge [sflag:s11], $0x80  }
0x133: {  	[sflag:s11] =	ssyncset.done $0x0  }
0x134: {  	[sflag:s11] =	ssyncadd.s32 $0xFFFFFF80  }
0x135: {  	_ =	swait.ge [sflag:s11], $0x80  }
0x136: {  	[sflag:s11] =	ssyncset.done $0x0  }
0x137: {  	[sflag:s11] =	ssyncadd.s32 $0xFFFFFF80  }
0x138: {  	_ =	swait.ge [sflag:s11], $0x80  }
0x139: {  	[sflag:s11] =	ssyncset.done $0x0  }
0x13a: {  	[sflag:s11] =	ssyncadd.s32 $0xFFFFFF80  }
0x13b: {  	_ =	swait.ge [sflag:s11], $0x80  }
0x13c: {  	[sflag:s11] =	ssyncset.done $0x0  }
0x13d: {  	[sflag:s11] =	ssyncadd.s32 $0xFFFFFF80  }
0x13e: {  	_ =	swait.ge [sflag:s11], $0x80  }
0x13f: {  	[sflag:s11] =	ssyncset.done $0x0  }
0x140: {  	[sflag:s11] =	ssyncadd.s32 $0xFFFFFF80  }
0x141: {  	_ =	swait.ge [sflag:s11], $0x80  }
0x142: {  	[sflag:s11] =	ssyncset.done $0x0  }
0x143: {  	[sflag:s11] =	ssyncadd.s32 $0xFFFFFF80  }
0x144: {  	_ =	swait.ge [sflag:s11], $0x80  }
0x145: {  	[sflag:s11] =	ssyncset.done $0x0  }
0x146: {  	[sflag:s11] =	ssyncadd.s32 $0xFFFFFF80  }
0x147: {  	_ =	swait.ge [sflag:s11], $0x80  }
0x148: {  	[sflag:s11] =	ssyncset.done $0x0  }
0x149: {  	[sflag:s11] =	ssyncadd.s32 $0xFFFFFF80  }
0x14a: {  	_ =	swait.ge [sflag:s11], $0x80  }
0x14b: {  	[sflag:s11] =	ssyncset.done $0x0  }
0x14c: {  	[sflag:s11] =	ssyncadd.s32 $0xFFFFFF80  }
0x14d: {  	_ =	swait.ge [sflag:s11], $0x80  }
0x14e: {  	[sflag:s11] =	ssyncset.done $0x0  }
0x14f: {  	[sflag:s11] =	ssyncadd.s32 $0xFFFFFF80  }
0x150: {  	_ =	swait.ge [sflag:s11], $0x80  }
0x151: {  	[sflag:s11] =	ssyncset.done $0x0  }
0x152: {  	[sflag:s11] =	ssyncadd.s32 $0xFFFFFF80  }
0x153: {  	_ =	swait.ge [sflag:s11], $0x80  }
0x154: {  	[sflag:s11] =	ssyncset.done $0x0  }
0x155: {  	[sflag:s11] =	ssyncadd.s32 $0xFFFFFF80  }
0x156: {  	_ =	swait.ge [sflag:s11], $0x80  }
0x157: {  	[sflag:s11] =	ssyncset.done $0x0  }
0x158: {  	[sflag:s11] =	ssyncadd.s32 $0xFFFFFF80  }
0x159: {  	_ =	swait.ge [sflag:s11], $0x80  }
0x15a: {  	[sflag:s11] =	ssyncset.done $0x0  }
0x15b: {  	[sflag:s11] =	ssyncadd.s32 $0xFFFFFF80  }
0x15c: {  	_ =	swait.ge [sflag:s11], $0x80  }
0x15d: {  	[sflag:s11] =	ssyncset.done $0x0  }
0x15e: {  	[sflag:s11] =	ssyncadd.s32 $0xFFFFFF80  }
0x15f: {  	_ =	swait.ge [sflag:s11], $0x80  }
0x160: {  	[sflag:s11] =	ssyncset.done $0x0  }
0x161: {  	[sflag:s11] =	ssyncadd.s32 $0xFFFFFF80  }
0x162: {  	_ =	swait.ge [sflag:s11], $0x80  }
0x163: {  	[sflag:s11] =	ssyncset.done $0x0  }
0x164: {  	[sflag:s11] =	ssyncadd.s32 $0xFFFFFF80  }
0x165: {  	_ =	swait.ge [sflag:s11], $0x80  }
0x166: {  	[sflag:s11] =	ssyncset.done $0x0  }
0x167: {  	[sflag:s11] =	ssyncadd.s32 $0xFFFFFF80  }
0x168: {  	_ =	swait.ge [sflag:s11], $0x80  }
0x169: {  	[sflag:s11] =	ssyncset.done $0x0  }
0x16a: {  	[sflag:s11] =	ssyncadd.s32 $0xFFFFFF80  }
0x16b: {  	_ =	swait.ge [sflag:s11], $0x80  }
0x16c: {  	[sflag:s11] =	ssyncset.done $0x0  }
0x16d: {  	[sflag:s11] =	ssyncadd.s32 $0xFFFFFF80  }
0x16e: {  	_ =	swait.ge [sflag:s11], $0x80  }
0x16f: {  	[sflag:s11] =	ssyncset.done $0x0  }
0x170: {  	[sflag:s11] =	ssyncadd.s32 $0xFFFFFF80  }
0x171: {  	_ =	swait.ge [sflag:s11], $0x80  }
0x172: {  	[sflag:s11] =	ssyncset.done $0x0  }
0x173: {  	[sflag:s11] =	ssyncadd.s32 $0xFFFFFF80  }
0x174: {  	_ =	swait.ge [sflag:s11], $0x80  }
0x175: {  	[sflag:s11] =	ssyncset.done $0x0  }
0x176: {  	[sflag:s11] =	ssyncadd.s32 $0xFFFFFF80  }
0x177: {  	_ =	swait.ge [sflag:s11], $0x80  }
0x178: {  	[sflag:s11] =	ssyncset.done $0x0  }
0x179: {  	[sflag:s11] =	ssyncadd.s32 $0xFFFFFF80  }
0x17a: {  	_ =	swait.ge [sflag:s11], $0x80  }
0x17b: {  	[sflag:s11] =	ssyncset.done $0x0  }
0x17c: {  	[sflag:s11] =	ssyncadd.s32 $0xFFFFFF80  }
0x17d: {  	_ =	swait.ge [sflag:s11], $0x80  }
0x17e: {  	[sflag:s11] =	ssyncset.done $0x0  }
0x17f: {  	[sflag:s11] =	ssyncadd.s32 $0xFFFFFF80  }
0x180: {  	_ =	swait.ge [sflag:s11], $0x80  }
0x181: {  	[sflag:s11] =	ssyncset.done $0x0  }
0x182: {  	[sflag:s11] =	ssyncadd.s32 $0xFFFFFF80  }
0x183: {  	_ =	swait.ge [sflag:s11], $0x80  }
0x184: {  	[sflag:s11] =	ssyncset.done $0x0  }
0x185: {  	[sflag:s11] =	ssyncadd.s32 $0xFFFFFF80  }
0x186: {  	_ =	swait.ge [sflag:s11], $0x80  }
0x187: {  	[sflag:s11] =	ssyncset.done $0x0  }
0x188: {  	[sflag:s11] =	ssyncadd.s32 $0xFFFFFF80  }
0x189: {  	_ =	swait.ge [sflag:s11], $0x80  }
0x18a: {  	[sflag:s11] =	ssyncset.done $0x0  }
0x18b: {  	[sflag:s11] =	ssyncadd.s32 $0xFFFFFF80  }
0x18c: {  	_ =	swait.ge [sflag:s11], $0x80  }
0x18d: {  	[sflag:s11] =	ssyncset.done $0x0  }
0x18e: {  	[sflag:s11] =	ssyncadd.s32 $0xFFFFFF80  }
0x18f: {  	_ =	swait.ge [sflag:s11], $0x80  }
0x190: {  	s14 =	simm.s32 $0x0;
	[sflag:s11] =	ssyncset.done $0x0  }
0x191: {  	s1 =	simm.s32 $0x200;
	s0 =	rddreg [dreg:$0x5];
	[sflag:s11] =	ssyncadd.s32 $0xFFFFFF80  }
0x192: {  	[hbm4b:s0+s14] =	stream.linear.scatter [tilespmem:s1], [sflag:$0x2], $0x10000, $0x38;
	[tilespmem:$0x10200] =	vst v63  }
0x193: {  	_ =	swait.ge [sflag:s10], $0x10000  }
0x194: {  	[sflag:s10] =	ssyncset.done $0x0  }
0x195: {  	[sflag:s10] =	ssyncadd.s32 $0xFFFF0000  }
0x196: {  	[tilespmem:s14], [sflag:$0x2] =	stream.linear.gather [hbm4b:s7+s14], $0x200, $0x38;
	[tilespmem:$0x10200] =	vst v63  }
0x197: {  	_ =	swait.ge [sflag:s10], $0x200  }
0x198: {  	[sflag:s10] =	ssyncset.done $0x0  }
0x199: {  	[sflag:s10] =	ssyncadd.s32 $0xFFFFFE00  }
0x19a: {  	v0 =	vld [tilespmem:s14+$0x0];
	_ =	sdelay $0x4  }
0x19b: {  	v0 =	vshll.u32 v0, $0x4  }
0x19c: {  	(v2sf) =	vpush v0, $0x0  }
0x19d: {  	(v2sf) =	vpush v0, $0x1  }
0x19e: {  	(v2sf) =	vpush v0, $0x2;
	_ =	sdelay $0x2  }
0x19f: {  	(v2sf) =	vpush v0, $0x3;
	_ =	sdelay $0x1  }
0x1a0: {  	(v2sf) =	vpush v0, $0x4;
	_ =	sdelay $0x1  }
0x1a1: {  	(v2sf) =	vpush v0, $0x5;
	_ =	sdelay $0x1  }
0x1a2: {  	(v2sf) =	vpush v0, $0x6;
	_ =	sdelay $0x2  }
0x1a3: {  	s12 =	simm.s32 $0x280;
	s18 =	simm.s32 $0x300;
	s19 =	simm.s32 $0x380  }
0x1a4: {  	s23 =	simm.s32 $0x400;
	s24 =	simm.s32 $0x480;
	s5 =	spop (v2sf);
	(v2sf) =	vpush v0, $0x7  }
0x1a5: {  	s0 =	sand.u32 $0x1FFFFFF0, s5;
	s6 =	spop (v2sf);
	s5 =	simm.s32 $0x200  }
0x1a6: {  	(v2sf) =	vpush v0, $0x8;
	s0 =	sadd.s32 s4, s0;
	s1 =	sand.u32 $0x1FFFFFF0, s6;
	s15 =	spop (v2sf)  }
0x1a7: {  	(v2sf) =	vpush v0, $0x9;
	[tilespmem:s5], [sflag:$0x1] =	stream.linear.gather [hbm4b:s0+s2], $0x80, $0x38;
	[tilespmem:$0x10200] =	vst v63  }
0x1a8: {  	s29 =	simm.s32 $0x500;
	s30 =	simm.s32 $0x580;
	s1 =	sadd.s32 s4, s1  }
0x1a9: {  	s16 =	sand.u32 $0x1FFFFFF0, s15;
	s17 =	spop (v2sf);
	(v2sf) =	vpush v0, $0xA;
	s15 =	simm.s32 $0x680  }
0x1aa: {  	[tilespmem:s12], [sflag:$0x1] =	stream.linear.gather [hbm4b:s1+s2], $0x80, $0x38;
	[tilespmem:$0x10200] =	vst v63  }
0x1ab: {  	s0 =	sadd.s32 s4, s16;
	s20 =	spop (v2sf);
	(v2sf) =	vpush v0, $0xB;
	s1 =	sand.u32 $0x1FFFFFF0, s17  }
0x1ac: {  	[tilespmem:s18], [sflag:$0x1] =	stream.linear.gather [hbm4b:s0+s2], $0x80, $0x38;
	[tilespmem:$0x10200] =	vst v63  }
0x1ad: {  	s21 =	sand.u32 $0x1FFFFFF0, s20;
	s22 =	spop (v2sf);
	(v2sf) =	vpush v0, $0xC;
	s1 =	sadd.s32 s4, s1  }
0x1ae: {  	[tilespmem:s19], [sflag:$0x1] =	stream.linear.gather [hbm4b:s1+s2], $0x80, $0x38;
	[tilespmem:$0x10200] =	vst v63  }
0x1af: {  	s25 =	spop (v2sf);
	(v2sf) =	vpush v0, $0xD;
	s0 =	sadd.s32 s4, s21;
	s1 =	sand.u32 $0x1FFFFFF0, s22  }
0x1b0: {  	[tilespmem:s23], [sflag:$0x1] =	stream.linear.gather [hbm4b:s0+s2], $0x80, $0x38;
	[tilespmem:$0x10200] =	vst v63  }
0x1b1: {  	s12 =	simm.s32 $0x600;
	s26 =	sand.u32 $0x1FFFFFF0, s25;
	s1 =	sadd.s32 s4, s1  }
0x1b2: {  	[tilespmem:s24], [sflag:$0x1] =	stream.linear.gather [hbm4b:s1+s2], $0x80, $0x38;
	[tilespmem:$0x10200] =	vst v63  }
0x1b3: {  	s20 =	simm.s32 $0x780;
	s0 =	sadd.s32 s4, s26;
	s28 =	spop (v2sf);
	(v2sf) =	vpush v0, $0xE  }
0x1b4: {  	[tilespmem:s29], [sflag:$0x1] =	stream.linear.gather [hbm4b:s0+s2], $0x80, $0x38;
	[tilespmem:$0x10200] =	vst v63  }
0x1b5: {  	s19 =	simm.s32 $0x700;
	s1 =	sand.u32 $0x1FFFFFF0, s28;
	s31 =	spop (v2sf);
	(v2sf) =	vpush v0, $0xF  }
0x1b6: {  	s1 =	sadd.s32 s4, s1;
	s5 =	sand.u32 $0x1FFFFFF0, s31;
	s6 =	spop (v2sf)  }
0x1b7: {  	[tilespmem:s30], [sflag:$0x1] =	stream.linear.gather [hbm4b:s1+s2], $0x80, $0x38;
	[tilespmem:$0x10200] =	vst v63  }
0x1b8: {  	s0 =	sadd.s32 s4, s5;
	s1 =	sand.u32 $0x1FFFFFF0, s6;
	s16 =	spop (v2sf)  }
0x1b9: {  	[tilespmem:s12], [sflag:$0x1] =	stream.linear.gather [hbm4b:s0+s2], $0x80, $0x38;
	[tilespmem:$0x10200] =	vst v63  }
0x1ba: {  	s1 =	sadd.s32 s4, s1;
	s17 =	sand.u32 $0x1FFFFFF0, s16;
	s18 =	spop (v2sf)  }
0x1bb: {  	[tilespmem:s15], [sflag:$0x1] =	stream.linear.gather [hbm4b:s1+s2], $0x80, $0x38;
	[tilespmem:$0x10200] =	vst v63  }
0x1bc: {  	s0 =	sadd.s32 s4, s17;
	s21 =	spop (v2sf);
	s1 =	sand.u32 $0x1FFFFFF0, s18  }
0x1bd: {  	[tilespmem:s19], [sflag:$0x1] =	stream.linear.gather [hbm4b:s0+s2], $0x80, $0x38;
	[tilespmem:$0x10200] =	vst v63  }
0x1be: {  	s22 =	sand.u32 $0x1FFFFFF0, s21;
	s23 =	spop (v2sf);
	s1 =	sadd.s32 s4, s1  }
0x1bf: {  	[tilespmem:s20], [sflag:$0x1] =	stream.linear.gather [hbm4b:s1+s2], $0x80, $0x38;
	[tilespmem:$0x10200] =	vst v63  }
0x1c0: {  	s24 =	simm.s32 $0x800;
	s0 =	sadd.s32 s4, s22;
	s1 =	sand.u32 $0x1FFFFFF0, s23  }
0x1c1: {  	[tilespmem:s24], [sflag:$0x1] =	stream.linear.gather [hbm4b:s0+s2], $0x80, $0x38;
	[tilespmem:$0x10200] =	vst v63  }
0x1c2: {  	s25 =	simm.s32 $0x880;
	s1 =	sadd.s32 s4, s1;
	s26 =	spop (v2sf)  }
0x1c3: {  	[tilespmem:s25], [sflag:$0x1] =	stream.linear.gather [hbm4b:s1+s2], $0x80, $0x38;
	[tilespmem:$0x10200] =	vst v63  }
0x1c4: {  	p0 =	por $0x1, $0x1;
	s28 =	sand.u32 $0x1FFFFFF0, s26;
	s29 =	spop (v2sf)  }
0x1c5: {  	s30 =	simm.s32 $0x900;
	s0 =	sadd.s32 s4, s28;
	s1 =	sand.u32 $0x1FFFFFF0, s29  }
0x1c6: {  	[tilespmem:s30], [sflag:$0x1] =	stream.linear.gather [hbm4b:s0+s2], $0x80, $0x38;
	[tilespmem:$0x10200] =	vst v63  }
0x1c7: {  	s31 =	simm.s32 $0x980;
	s17 =	simm.s32 @!p0 $0x1;
	s1 =	sadd.s32 s4, s1  }
0x1c8: {  	[tilespmem:s31], [sflag:$0x1] =	stream.linear.gather [hbm4b:s1+s2], $0x80, $0x38;
	[tilespmem:$0x10200] =	vst v63  }
0x1c9: {  	_ =	swait.ge @!p0 [sflag:s17], $0x80  }
0x1ca: {  	[sflag:s17] =	ssyncset.done @!p0 $0x0  }
0x1cb: {  	[sflag:s17] =	ssyncadd.s32 @!p0 $0xFFFFFF80  }
0x1cc: {  	_ =	swait.ge @!p0 [sflag:s17], $0x80  }
0x1cd: {  	[sflag:s17] =	ssyncset.done @!p0 $0x0  }
0x1ce: {  	[sflag:s17] =	ssyncadd.s32 @!p0 $0xFFFFFF80  }
0x1cf: {  	_ =	swait.ge @!p0 [sflag:s17], $0x80  }
0x1d0: {  	[sflag:s17] =	ssyncset.done @!p0 $0x0  }
0x1d1: {  	[sflag:s17] =	ssyncadd.s32 @!p0 $0xFFFFFF80  }
0x1d2: {  	_ =	swait.ge @!p0 [sflag:s17], $0x80  }
0x1d3: {  	[sflag:s17] =	ssyncset.done @!p0 $0x0  }
0x1d4: {  	[sflag:s17] =	ssyncadd.s32 @!p0 $0xFFFFFF80  }
0x1d5: {  	_ =	swait.ge @!p0 [sflag:s17], $0x80  }
0x1d6: {  	[sflag:s17] =	ssyncset.done @!p0 $0x0  }
0x1d7: {  	[sflag:s17] =	ssyncadd.s32 @!p0 $0xFFFFFF80  }
0x1d8: {  	_ =	swait.ge @!p0 [sflag:s17], $0x80  }
0x1d9: {  	[sflag:s17] =	ssyncset.done @!p0 $0x0  }
0x1da: {  	[sflag:s17] =	ssyncadd.s32 @!p0 $0xFFFFFF80  }
0x1db: {  	_ =	swait.ge @!p0 [sflag:s17], $0x80  }
0x1dc: {  	[sflag:s17] =	ssyncset.done @!p0 $0x0  }
0x1dd: {  	[sflag:s17] =	ssyncadd.s32 @!p0 $0xFFFFFF80  }
0x1de: {  	_ =	swait.ge @!p0 [sflag:s17], $0x80  }
0x1df: {  	[sflag:s17] =	ssyncset.done @!p0 $0x0  }
0x1e0: {  	[sflag:s17] =	ssyncadd.s32 @!p0 $0xFFFFFF80  }
0x1e1: {  	_ =	swait.ge @!p0 [sflag:s17], $0x80  }
0x1e2: {  	[sflag:s17] =	ssyncset.done @!p0 $0x0  }
0x1e3: {  	[sflag:s17] =	ssyncadd.s32 @!p0 $0xFFFFFF80  }
0x1e4: {  	_ =	swait.ge @!p0 [sflag:s17], $0x80  }
0x1e5: {  	[sflag:s17] =	ssyncset.done @!p0 $0x0  }
0x1e6: {  	[sflag:s17] =	ssyncadd.s32 @!p0 $0xFFFFFF80  }
0x1e7: {  	_ =	swait.ge @!p0 [sflag:s17], $0x80  }
0x1e8: {  	[sflag:s17] =	ssyncset.done @!p0 $0x0  }
0x1e9: {  	[sflag:s17] =	ssyncadd.s32 @!p0 $0xFFFFFF80  }
0x1ea: {  	_ =	swait.ge @!p0 [sflag:s17], $0x80  }
0x1eb: {  	[sflag:s17] =	ssyncset.done @!p0 $0x0  }
0x1ec: {  	[sflag:s17] =	ssyncadd.s32 @!p0 $0xFFFFFF80  }
0x1ed: {  	_ =	swait.ge @!p0 [sflag:s17], $0x80  }
0x1ee: {  	[sflag:s17] =	ssyncset.done @!p0 $0x0  }
0x1ef: {  	[sflag:s17] =	ssyncadd.s32 @!p0 $0xFFFFFF80  }
0x1f0: {  	s16 =	simm.s32 $0x10;
	s15 =	simm.s32 $0x2000;
	_ =	swait.ge @!p0 [sflag:s17], $0x80  }
.LBB2_4:
0x1f1: {  	[sflag:s17] =	ssyncset.done @!p0 $0x0  }
0x1f2: {  	s14 =	sadd.s32 $0x1, s14;
	s0 =	smov.u32 s15;
	s15 =	sadd.s32 $0x2000, s15  }
0x1f3: {  	p1 =	sne.s32 s15, $0x40000;
	[sflag:s17] =	ssyncadd.s32 @!p0 $0xFFFFFF80  }
0x1f4: {  	_ =	swait.ge @!p0 [sflag:s17], $0x80  }
0x1f5: {  	[sflag:s17] =	ssyncset.done @!p0 $0x0  }
0x1f6: {  	[sflag:s17] =	ssyncadd.s32 @!p0 $0xFFFFFF80  }
0x1f7: {  	_ =	swait.ge @!p0 [sflag:s17], $0x80  }
0x1f8: {  	[sflag:s17] =	ssyncset.done @!p0 $0x0  }
0x1f9: {  	[sflag:s17] =	ssyncadd.s32 @!p0 $0xFFFFFF80  }
0x1fa: {  	v0 =	vld [tilespmem:s16+$0x0];
	_ =	sdelay $0x4  }
0x1fb: {  	v0 =	vshll.u32 v0, $0x4  }
0x1fc: {  	(v2sf) =	vpush v0, $0x0  }
0x1fd: {  	(v2sf) =	vpush v0, $0x1  }
0x1fe: {  	(v2sf) =	vpush v0, $0x2;
	_ =	sdelay $0x1  }
0x1ff: {  	(v2sf) =	vpush v0, $0x3;
	_ =	sdelay $0x1  }
0x200: {  	(v2sf) =	vpush v0, $0x4;
	_ =	sdelay $0x1  }
0x201: {  	(v2sf) =	vpush v0, $0x5  }
0x202: {  	s17 =	sshra.s32 s0, $0x2  }
0x203: {  	s0 =	sadd.s32 $0x280, s17;
	s1 =	sadd.s32 $0x380, s17;
	s5 =	sadd.s32 $0x400, s17;
	(v2sf) =	vpush v0, $0x6  }
0x204: {  	s6 =	sadd.s32 $0x200, s17;
	s12 =	sadd.s32 $0x300, s17  }
0x205: {  	p0 =	slt.u32 s14, $0x4;
	s25 =	sadd.s32 $0x480, s17;
	(v2sf) =	vpush v0, $0x7  }
0x206: {  	s22 =	sadd.s32 $0x680, s17;
	s19 =	sadd.s32 $0x880, s17;
	s18 =	sadd.s32 $0x980, s17  }
0x207: {  	s26 =	sadd.s32 $0x500, s17;
	s24 =	sadd.s32 $0x600, s17;
	s20 =	sadd.s32 $0x800, s17;
	(v2sf) =	vpush v0, $0x8  }
0x208: {  	s28 =	sadd.s32 $0x580, s17;
	s21 =	sadd.s32 $0x780, s17;
	s23 =	spop (v2sf)  }
0x209: {  	s29 =	sand.u32 $0x1FFFFFF0, s23;
	s23 =	sadd.s32 $0x700, s17;
	s30 =	spop (v2sf);
	(v2sf) =	vpush v0, $0x9  }
0x20a: {  	s29 =	sadd.s32 s4, s29;
	s30 =	sand.u32 $0x1FFFFFF0, s30;
	s31 =	spop (v2sf)  }
0x20b: {  	[tilespmem:s6], [sflag:$0x1] =	stream.linear.gather [hbm4b:s29+s2], $0x80, $0x38;
	(v2sf) =	vpush v0, $0xA;
	[tilespmem:$0x10200] =	vst v63  }
0x20c: {  	s6 =	sadd.s32 s4, s30;
	s29 =	sand.u32 $0x1FFFFFF0, s31;
	s30 =	spop (v2sf)  }
0x20d: {  	[tilespmem:s0], [sflag:$0x1] =	stream.linear.gather [hbm4b:s6+s2], $0x80, $0x38;
	(v2sf) =	vpush v0, $0xB;
	[tilespmem:$0x10200] =	vst v63  }
0x20e: {  	s0 =	sadd.s32 s4, s29;
	s6 =	sand.u32 $0x1FFFFFF0, s30;
	s29 =	spop (v2sf)  }
0x20f: {  	[tilespmem:s12], [sflag:$0x1] =	stream.linear.gather [hbm4b:s0+s2], $0x80, $0x38;
	(v2sf) =	vpush v0, $0xC;
	[tilespmem:$0x10200] =	vst v63  }
0x210: {  	s0 =	sadd.s32 s4, s6;
	s6 =	sand.u32 $0x1FFFFFF0, s29;
	s12 =	spop (v2sf)  }
0x211: {  	[tilespmem:s1], [sflag:$0x1] =	stream.linear.gather [hbm4b:s0+s2], $0x80, $0x38;
	(v2sf) =	vpush v0, $0xD;
	[tilespmem:$0x10200] =	vst v63  }
0x212: {  	s0 =	sadd.s32 s4, s6;
	s1 =	sand.u32 $0x1FFFFFF0, s12;
	s6 =	spop (v2sf)  }
0x213: {  	[tilespmem:s5], [sflag:$0x1] =	stream.linear.gather [hbm4b:s0+s2], $0x80, $0x38;
	(v2sf) =	vpush v0, $0xE;
	[tilespmem:$0x10200] =	vst v63  }
0x214: {  	s0 =	sadd.s32 s4, s1;
	s1 =	sand.u32 $0x1FFFFFF0, s6;
	s5 =	spop (v2sf)  }
0x215: {  	[tilespmem:s25], [sflag:$0x1] =	stream.linear.gather [hbm4b:s0+s2], $0x80, $0x38;
	(v2sf) =	vpush v0, $0xF;
	[tilespmem:$0x10200] =	vst v63  }
0x216: {  	s0 =	sadd.s32 s4, s1;
	s1 =	sand.u32 $0x1FFFFFF0, s5;
	s5 =	spop (v2sf)  }
0x217: {  	[tilespmem:s26], [sflag:$0x1] =	stream.linear.gather [hbm4b:s0+s2], $0x80, $0x38;
	[tilespmem:$0x10200] =	vst v63  }
0x218: {  	s0 =	sadd.s32 s4, s1;
	s1 =	sand.u32 $0x1FFFFFF0, s5;
	s5 =	spop (v2sf)  }
0x219: {  	[tilespmem:s28], [sflag:$0x1] =	stream.linear.gather [hbm4b:s0+s2], $0x80, $0x38;
	[tilespmem:$0x10200] =	vst v63  }
0x21a: {  	s0 =	sadd.s32 s4, s1;
	s1 =	sand.u32 $0x1FFFFFF0, s5;
	s5 =	spop (v2sf)  }
0x21b: {  	[tilespmem:s24], [sflag:$0x1] =	stream.linear.gather [hbm4b:s0+s2], $0x80, $0x38;
	[tilespmem:$0x10200] =	vst v63  }
0x21c: {  	s0 =	sadd.s32 s4, s1;
	s1 =	sand.u32 $0x1FFFFFF0, s5;
	s5 =	spop (v2sf)  }
0x21d: {  	[tilespmem:s22], [sflag:$0x1] =	stream.linear.gather [hbm4b:s0+s2], $0x80, $0x38;
	[tilespmem:$0x10200] =	vst v63  }
0x21e: {  	s0 =	sadd.s32 s4, s1;
	s1 =	sand.u32 $0x1FFFFFF0, s5;
	s5 =	spop (v2sf)  }
0x21f: {  	[tilespmem:s23], [sflag:$0x1] =	stream.linear.gather [hbm4b:s0+s2], $0x80, $0x38;
	[tilespmem:$0x10200] =	vst v63  }
0x220: {  	s0 =	sadd.s32 s4, s1;
	s1 =	sand.u32 $0x1FFFFFF0, s5;
	s5 =	spop (v2sf)  }
0x221: {  	[tilespmem:s21], [sflag:$0x1] =	stream.linear.gather [hbm4b:s0+s2], $0x80, $0x38;
	[tilespmem:$0x10200] =	vst v63  }
0x222: {  	s0 =	sadd.s32 s4, s1;
	s1 =	sand.u32 $0x1FFFFFF0, s5;
	s5 =	spop (v2sf)  }
0x223: {  	[tilespmem:s20], [sflag:$0x1] =	stream.linear.gather [hbm4b:s0+s2], $0x80, $0x38;
	[tilespmem:$0x10200] =	vst v63  }
0x224: {  	s0 =	sadd.s32 s4, s1;
	s1 =	sand.u32 $0x1FFFFFF0, s5;
	s5 =	spop (v2sf)  }
0x225: {  	[tilespmem:s19], [sflag:$0x1] =	stream.linear.gather [hbm4b:s0+s2], $0x80, $0x38;
	[tilespmem:$0x10200] =	vst v63  }
0x226: {  	s1 =	sadd.s32 s4, s1;
	s0 =	sadd.s32 $0x900, s17;
	s5 =	sand.u32 $0x1FFFFFF0, s5  }
0x227: {  	[tilespmem:s0], [sflag:$0x1] =	stream.linear.gather [hbm4b:s1+s2], $0x80, $0x38;
	[tilespmem:$0x10200] =	vst v63  }
0x228: {  	s17 =	simm.s32 @!p0 $0x1;
	s0 =	sadd.s32 s4, s5  }
0x229: {  	[tilespmem:s18], [sflag:$0x1] =	stream.linear.gather [hbm4b:s0+s2], $0x80, $0x38;
	[tilespmem:$0x10200] =	vst v63  }
0x22a: {  	_ =	swait.ge @!p0 [sflag:s17], $0x80  }
0x22b: {  	[sflag:s17] =	ssyncset.done @!p0 $0x0  }
0x22c: {  	[sflag:s17] =	ssyncadd.s32 @!p0 $0xFFFFFF80  }
0x22d: {  	_ =	swait.ge @!p0 [sflag:s17], $0x80  }
0x22e: {  	[sflag:s17] =	ssyncset.done @!p0 $0x0  }
0x22f: {  	[sflag:s17] =	ssyncadd.s32 @!p0 $0xFFFFFF80  }
0x230: {  	_ =	swait.ge @!p0 [sflag:s17], $0x80  }
0x231: {  	[sflag:s17] =	ssyncset.done @!p0 $0x0  }
0x232: {  	[sflag:s17] =	ssyncadd.s32 @!p0 $0xFFFFFF80  }
0x233: {  	_ =	swait.ge @!p0 [sflag:s17], $0x80  }
0x234: {  	[sflag:s17] =	ssyncset.done @!p0 $0x0  }
0x235: {  	[sflag:s17] =	ssyncadd.s32 @!p0 $0xFFFFFF80  }
0x236: {  	_ =	swait.ge @!p0 [sflag:s17], $0x80  }
0x237: {  	[sflag:s17] =	ssyncset.done @!p0 $0x0  }
0x238: {  	[sflag:s17] =	ssyncadd.s32 @!p0 $0xFFFFFF80  }
0x239: {  	_ =	swait.ge @!p0 [sflag:s17], $0x80  }
0x23a: {  	[sflag:s17] =	ssyncset.done @!p0 $0x0  }
0x23b: {  	[sflag:s17] =	ssyncadd.s32 @!p0 $0xFFFFFF80  }
0x23c: {  	_ =	swait.ge @!p0 [sflag:s17], $0x80  }
0x23d: {  	[sflag:s17] =	ssyncset.done @!p0 $0x0  }
0x23e: {  	[sflag:s17] =	ssyncadd.s32 @!p0 $0xFFFFFF80  }
0x23f: {  	_ =	swait.ge @!p0 [sflag:s17], $0x80  }
0x240: {  	[sflag:s17] =	ssyncset.done @!p0 $0x0  }
0x241: {  	[sflag:s17] =	ssyncadd.s32 @!p0 $0xFFFFFF80  }
0x242: {  	_ =	swait.ge @!p0 [sflag:s17], $0x80  }
0x243: {  	[sflag:s17] =	ssyncset.done @!p0 $0x0  }
0x244: {  	[sflag:s17] =	ssyncadd.s32 @!p0 $0xFFFFFF80  }
0x245: {  	_ =	swait.ge @!p0 [sflag:s17], $0x80  }
0x246: {  	[sflag:s17] =	ssyncset.done @!p0 $0x0  }
0x247: {  	[sflag:s17] =	ssyncadd.s32 @!p0 $0xFFFFFF80  }
0x248: {  	_ =	swait.ge @!p0 [sflag:s17], $0x80  }
0x249: {  	[sflag:s17] =	ssyncset.done @!p0 $0x0  }
0x24a: {  	[sflag:s17] =	ssyncadd.s32 @!p0 $0xFFFFFF80  }
0x24b: {  	_ =	swait.ge @!p0 [sflag:s17], $0x80  }
0x24c: {  	[sflag:s17] =	ssyncset.done @!p0 $0x0  }
.Ltmp1:
0x24d: {  	[sflag:s17] =	ssyncadd.s32 @!p0 $0xFFFFFF80;
	(pc) =	sbr.rel @p1 .LBB2_4-.Ltmp1, $4  }
0x24e: {  	_ =	swait.ge @!p0 [sflag:s17], $0x80  }
0x24f: {  	[sflag:s17] =	ssyncset.done @!p0 $0x0  }
0x250: {  	[sflag:s17] =	ssyncadd.s32 @!p0 $0xFFFFFF80  }
0x251: {  	s16 =	sadd.s32 $0x10, s16;
	_ =	swait.ge @!p0 [sflag:s17], $0x80  }
0x252: {  	[sflag:s17] =	ssyncset.done @!p0 $0x0  }
0x253: {  	[sflag:s17] =	ssyncadd.s32 @!p0 $0xFFFFFF80  }
0x254: {  	_ =	swait.ge @!p0 [sflag:s17], $0x80  }
0x255: {  	[sflag:s17] =	ssyncset.done @!p0 $0x0  }
0x256: {  	[sflag:s17] =	ssyncadd.s32 @!p0 $0xFFFFFF80  }
0x257: {  	_ =	swait.ge @!p0 [sflag:s17], $0x80  }
0x258: {  	[sflag:s17] =	ssyncset.done @!p0 $0x0  }
0x259: {  	[sflag:s17] =	ssyncadd.s32 @!p0 $0xFFFFFF80  }
0x25a: {  	_ =	swait.ge [sflag:s11], $0x80  }
0x25b: {  	[sflag:s11] =	ssyncset.done $0x0  }
0x25c: {  	[sflag:s11] =	ssyncadd.s32 $0xFFFFFF80  }
0x25d: {  	_ =	swait.ge [sflag:s11], $0x80  }
0x25e: {  	[sflag:s11] =	ssyncset.done $0x0  }
0x25f: {  	[sflag:s11] =	ssyncadd.s32 $0xFFFFFF80  }
0x260: {  	_ =	swait.ge [sflag:s11], $0x80  }
0x261: {  	[sflag:s11] =	ssyncset.done $0x0  }
0x262: {  	[sflag:s11] =	ssyncadd.s32 $0xFFFFFF80  }
0x263: {  	_ =	swait.ge [sflag:s11], $0x80  }
0x264: {  	[sflag:s11] =	ssyncset.done $0x0  }
0x265: {  	[sflag:s11] =	ssyncadd.s32 $0xFFFFFF80  }
0x266: {  	_ =	swait.ge [sflag:s11], $0x80  }
0x267: {  	[sflag:s11] =	ssyncset.done $0x0  }
0x268: {  	[sflag:s11] =	ssyncadd.s32 $0xFFFFFF80  }
0x269: {  	_ =	swait.ge [sflag:s11], $0x80  }
0x26a: {  	[sflag:s11] =	ssyncset.done $0x0  }
0x26b: {  	[sflag:s11] =	ssyncadd.s32 $0xFFFFFF80  }
0x26c: {  	_ =	swait.ge [sflag:s11], $0x80  }
0x26d: {  	[sflag:s11] =	ssyncset.done $0x0  }
0x26e: {  	[sflag:s11] =	ssyncadd.s32 $0xFFFFFF80  }
0x26f: {  	_ =	swait.ge [sflag:s11], $0x80  }
0x270: {  	[sflag:s11] =	ssyncset.done $0x0  }
0x271: {  	[sflag:s11] =	ssyncadd.s32 $0xFFFFFF80  }
0x272: {  	_ =	swait.ge [sflag:s11], $0x80  }
0x273: {  	[sflag:s11] =	ssyncset.done $0x0  }
0x274: {  	[sflag:s11] =	ssyncadd.s32 $0xFFFFFF80  }
0x275: {  	_ =	swait.ge [sflag:s11], $0x80  }
0x276: {  	[sflag:s11] =	ssyncset.done $0x0  }
0x277: {  	[sflag:s11] =	ssyncadd.s32 $0xFFFFFF80  }
0x278: {  	_ =	swait.ge [sflag:s11], $0x80  }
0x279: {  	[sflag:s11] =	ssyncset.done $0x0  }
0x27a: {  	[sflag:s11] =	ssyncadd.s32 $0xFFFFFF80  }
0x27b: {  	_ =	swait.ge [sflag:s11], $0x80  }
0x27c: {  	[sflag:s11] =	ssyncset.done $0x0  }
0x27d: {  	[sflag:s11] =	ssyncadd.s32 $0xFFFFFF80  }
0x27e: {  	_ =	swait.ge [sflag:s11], $0x80  }
0x27f: {  	[sflag:s11] =	ssyncset.done $0x0  }
0x280: {  	[sflag:s11] =	ssyncadd.s32 $0xFFFFFF80  }
0x281: {  	_ =	swait.ge [sflag:s11], $0x80  }
0x282: {  	[sflag:s11] =	ssyncset.done $0x0  }
0x283: {  	[sflag:s11] =	ssyncadd.s32 $0xFFFFFF80  }
0x284: {  	_ =	swait.ge [sflag:s11], $0x80  }
0x285: {  	[sflag:s11] =	ssyncset.done $0x0  }
0x286: {  	[sflag:s11] =	ssyncadd.s32 $0xFFFFFF80  }
0x287: {  	_ =	swait.ge [sflag:s11], $0x80  }
0x288: {  	[sflag:s11] =	ssyncset.done $0x0  }
0x289: {  	[sflag:s11] =	ssyncadd.s32 $0xFFFFFF80  }
0x28a: {  	_ =	swait.ge [sflag:s11], $0x80  }
0x28b: {  	[sflag:s11] =	ssyncset.done $0x0  }
0x28c: {  	[sflag:s11] =	ssyncadd.s32 $0xFFFFFF80  }
0x28d: {  	_ =	swait.ge [sflag:s11], $0x80  }
0x28e: {  	[sflag:s11] =	ssyncset.done $0x0  }
0x28f: {  	[sflag:s11] =	ssyncadd.s32 $0xFFFFFF80  }
0x290: {  	_ =	swait.ge [sflag:s11], $0x80  }
0x291: {  	[sflag:s11] =	ssyncset.done $0x0  }
0x292: {  	[sflag:s11] =	ssyncadd.s32 $0xFFFFFF80  }
0x293: {  	_ =	swait.ge [sflag:s11], $0x80  }
0x294: {  	[sflag:s11] =	ssyncset.done $0x0  }
0x295: {  	[sflag:s11] =	ssyncadd.s32 $0xFFFFFF80  }
0x296: {  	_ =	swait.ge [sflag:s11], $0x80  }
0x297: {  	[sflag:s11] =	ssyncset.done $0x0  }
0x298: {  	[sflag:s11] =	ssyncadd.s32 $0xFFFFFF80  }
0x299: {  	_ =	swait.ge [sflag:s11], $0x80  }
0x29a: {  	[sflag:s11] =	ssyncset.done $0x0  }
0x29b: {  	[sflag:s11] =	ssyncadd.s32 $0xFFFFFF80  }
0x29c: {  	_ =	swait.ge [sflag:s11], $0x80  }
0x29d: {  	[sflag:s11] =	ssyncset.done $0x0  }
0x29e: {  	[sflag:s11] =	ssyncadd.s32 $0xFFFFFF80  }
0x29f: {  	_ =	swait.ge [sflag:s11], $0x80  }
0x2a0: {  	[sflag:s11] =	ssyncset.done $0x0  }
0x2a1: {  	[sflag:s11] =	ssyncadd.s32 $0xFFFFFF80  }
0x2a2: {  	_ =	swait.ge [sflag:s11], $0x80  }
0x2a3: {  	[sflag:s11] =	ssyncset.done $0x0  }
0x2a4: {  	[sflag:s11] =	ssyncadd.s32 $0xFFFFFF80  }
0x2a5: {  	_ =	swait.ge [sflag:s11], $0x80  }
0x2a6: {  	[sflag:s11] =	ssyncset.done $0x0  }
0x2a7: {  	[sflag:s11] =	ssyncadd.s32 $0xFFFFFF80  }
0x2a8: {  	_ =	swait.ge [sflag:s11], $0x80  }
0x2a9: {  	[sflag:s11] =	ssyncset.done $0x0  }
0x2aa: {  	[sflag:s11] =	ssyncadd.s32 $0xFFFFFF80  }
0x2ab: {  	_ =	swait.ge [sflag:s11], $0x80  }
0x2ac: {  	[sflag:s11] =	ssyncset.done $0x0  }
0x2ad: {  	[sflag:s11] =	ssyncadd.s32 $0xFFFFFF80  }
0x2ae: {  	_ =	swait.ge [sflag:s11], $0x80  }
0x2af: {  	[sflag:s11] =	ssyncset.done $0x0  }
0x2b0: {  	[sflag:s11] =	ssyncadd.s32 $0xFFFFFF80  }
0x2b1: {  	_ =	swait.ge [sflag:s11], $0x80  }
0x2b2: {  	[sflag:s11] =	ssyncset.done $0x0  }
0x2b3: {  	[sflag:s11] =	ssyncadd.s32 $0xFFFFFF80  }
0x2b4: {  	_ =	swait.ge [sflag:s11], $0x80  }
0x2b5: {  	[sflag:s11] =	ssyncset.done $0x0  }
0x2b6: {  	[sflag:s11] =	ssyncadd.s32 $0xFFFFFF80  }
0x2b7: {  	_ =	swait.ge [sflag:s11], $0x80  }
0x2b8: {  	[sflag:s11] =	ssyncset.done $0x0  }
0x2b9: {  	[sflag:s11] =	ssyncadd.s32 $0xFFFFFF80  }
0x2ba: {  	_ =	swait.ge [sflag:s11], $0x80  }
0x2bb: {  	[sflag:s11] =	ssyncset.done $0x0  }
0x2bc: {  	[sflag:s11] =	ssyncadd.s32 $0xFFFFFF80  }
0x2bd: {  	_ =	swait.ge [sflag:s11], $0x80  }
0x2be: {  	[sflag:s11] =	ssyncset.done $0x0  }
0x2bf: {  	[sflag:s11] =	ssyncadd.s32 $0xFFFFFF80  }
0x2c0: {  	_ =	swait.ge [sflag:s11], $0x80  }
0x2c1: {  	[sflag:s11] =	ssyncset.done $0x0  }
0x2c2: {  	[sflag:s11] =	ssyncadd.s32 $0xFFFFFF80  }
0x2c3: {  	_ =	swait.ge [sflag:s11], $0x80  }
0x2c4: {  	[sflag:s11] =	ssyncset.done $0x0  }
0x2c5: {  	[sflag:s11] =	ssyncadd.s32 $0xFFFFFF80  }
0x2c6: {  	_ =	swait.ge [sflag:s11], $0x80  }
0x2c7: {  	[sflag:s11] =	ssyncset.done $0x0  }
0x2c8: {  	[sflag:s11] =	ssyncadd.s32 $0xFFFFFF80  }
0x2c9: {  	_ =	swait.ge [sflag:s11], $0x80  }
0x2ca: {  	[sflag:s11] =	ssyncset.done $0x0  }
0x2cb: {  	[sflag:s11] =	ssyncadd.s32 $0xFFFFFF80  }
0x2cc: {  	_ =	swait.ge [sflag:s11], $0x80  }
0x2cd: {  	[sflag:s11] =	ssyncset.done $0x0  }
0x2ce: {  	[sflag:s11] =	ssyncadd.s32 $0xFFFFFF80  }
0x2cf: {  	_ =	swait.ge [sflag:s11], $0x80  }
0x2d0: {  	[sflag:s11] =	ssyncset.done $0x0  }
0x2d1: {  	[sflag:s11] =	ssyncadd.s32 $0xFFFFFF80  }
0x2d2: {  	_ =	swait.ge [sflag:s11], $0x80  }
0x2d3: {  	[sflag:s11] =	ssyncset.done $0x0  }
0x2d4: {  	[sflag:s11] =	ssyncadd.s32 $0xFFFFFF80  }
0x2d5: {  	_ =	swait.ge [sflag:s11], $0x80  }
0x2d6: {  	[sflag:s11] =	ssyncset.done $0x0  }
0x2d7: {  	[sflag:s11] =	ssyncadd.s32 $0xFFFFFF80  }
0x2d8: {  	_ =	swait.ge [sflag:s11], $0x80  }
0x2d9: {  	[sflag:s11] =	ssyncset.done $0x0  }
0x2da: {  	[sflag:s11] =	ssyncadd.s32 $0xFFFFFF80  }
0x2db: {  	_ =	swait.ge [sflag:s11], $0x80  }
0x2dc: {  	[sflag:s11] =	ssyncset.done $0x0  }
0x2dd: {  	[sflag:s11] =	ssyncadd.s32 $0xFFFFFF80  }
0x2de: {  	_ =	swait.ge [sflag:s11], $0x80  }
0x2df: {  	[sflag:s11] =	ssyncset.done $0x0  }
0x2e0: {  	[sflag:s11] =	ssyncadd.s32 $0xFFFFFF80  }
0x2e1: {  	_ =	swait.ge [sflag:s11], $0x80  }
0x2e2: {  	[sflag:s11] =	ssyncset.done $0x0  }
0x2e3: {  	[sflag:s11] =	ssyncadd.s32 $0xFFFFFF80  }
0x2e4: {  	_ =	swait.ge [sflag:s11], $0x80  }
0x2e5: {  	[sflag:s11] =	ssyncset.done $0x0  }
0x2e6: {  	[sflag:s11] =	ssyncadd.s32 $0xFFFFFF80  }
0x2e7: {  	_ =	swait.ge [sflag:s11], $0x80  }
0x2e8: {  	[sflag:s11] =	ssyncset.done $0x0  }
0x2e9: {  	[sflag:s11] =	ssyncadd.s32 $0xFFFFFF80  }
0x2ea: {  	_ =	swait.ge [sflag:s11], $0x80  }
0x2eb: {  	[sflag:s11] =	ssyncset.done $0x0  }
0x2ec: {  	[sflag:s11] =	ssyncadd.s32 $0xFFFFFF80  }
0x2ed: {  	_ =	swait.ge [sflag:s11], $0x80  }
0x2ee: {  	[sflag:s11] =	ssyncset.done $0x0  }
0x2ef: {  	[sflag:s11] =	ssyncadd.s32 $0xFFFFFF80  }
0x2f0: {  	_ =	swait.ge [sflag:s11], $0x80  }
0x2f1: {  	[sflag:s11] =	ssyncset.done $0x0  }
0x2f2: {  	[sflag:s11] =	ssyncadd.s32 $0xFFFFFF80  }
0x2f3: {  	_ =	swait.ge [sflag:s11], $0x80  }
0x2f4: {  	[sflag:s11] =	ssyncset.done $0x0  }
0x2f5: {  	[sflag:s11] =	ssyncadd.s32 $0xFFFFFF80  }
0x2f6: {  	_ =	swait.ge [sflag:s11], $0x80  }
0x2f7: {  	[sflag:s11] =	ssyncset.done $0x0  }
0x2f8: {  	[sflag:s11] =	ssyncadd.s32 $0xFFFFFF80  }
0x2f9: {  	_ =	swait.ge [sflag:s11], $0x80  }
0x2fa: {  	[sflag:s11] =	ssyncset.done $0x0  }
0x2fb: {  	[sflag:s11] =	ssyncadd.s32 $0xFFFFFF80  }
0x2fc: {  	_ =	swait.ge [sflag:s11], $0x80  }
0x2fd: {  	[sflag:s11] =	ssyncset.done $0x0  }
0x2fe: {  	[sflag:s11] =	ssyncadd.s32 $0xFFFFFF80  }
0x2ff: {  	_ =	swait.ge [sflag:s11], $0x80  }
0x300: {  	[sflag:s11] =	ssyncset.done $0x0  }
0x301: {  	[sflag:s11] =	ssyncadd.s32 $0xFFFFFF80  }
0x302: {  	_ =	swait.ge [sflag:s11], $0x80  }
0x303: {  	[sflag:s11] =	ssyncset.done $0x0  }
0x304: {  	[sflag:s11] =	ssyncadd.s32 $0xFFFFFF80  }
0x305: {  	_ =	swait.ge [sflag:s11], $0x80  }
0x306: {  	[sflag:s11] =	ssyncset.done $0x0  }
0x307: {  	[sflag:s11] =	ssyncadd.s32 $0xFFFFFF80  }
0x308: {  	_ =	swait.ge [sflag:s11], $0x80  }
0x309: {  	[sflag:s11] =	ssyncset.done $0x0  }
0x30a: {  	[sflag:s11] =	ssyncadd.s32 $0xFFFFFF80  }
0x30b: {  	_ =	swait.ge [sflag:s11], $0x80  }
0x30c: {  	[sflag:s11] =	ssyncset.done $0x0  }
0x30d: {  	[sflag:s11] =	ssyncadd.s32 $0xFFFFFF80  }
0x30e: {  	_ =	swait.ge [sflag:s11], $0x80  }
0x30f: {  	[sflag:s11] =	ssyncset.done $0x0  }
0x310: {  	[sflag:s11] =	ssyncadd.s32 $0xFFFFFF80  }
0x311: {  	_ =	swait.ge [sflag:s11], $0x80  }
0x312: {  	[sflag:s11] =	ssyncset.done $0x0  }
0x313: {  	[sflag:s11] =	ssyncadd.s32 $0xFFFFFF80  }
0x314: {  	_ =	swait.ge [sflag:s11], $0x80  }
0x315: {  	[sflag:s11] =	ssyncset.done $0x0  }
0x316: {  	[sflag:s11] =	ssyncadd.s32 $0xFFFFFF80  }
0x317: {  	s13 =	sadd.s32 $0x1, s13;
	_ =	swait.ge [sflag:s11], $0x80  }
0x318: {  	p0 =	sne.s32 s13, s9;
	[sflag:s11] =	ssyncset.done $0x0  }
.Ltmp2:
0x319: {  	s0 =	simm.s32 $0x200;
	[sflag:s11] =	ssyncadd.s32 $0xFFFFFF80;
	(pc) =	sbr.rel @p0 .LBB2_1-.Ltmp2, $4  }
0x31a: {  	[hbm4b:s8+s2] =	stream.linear.scatter [tilespmem:s0], [sflag:$0x2], $0x10000, $0x38;
	[tilespmem:$0x10200] =	vst v63  }
0x31b: {  	_ =	swait.ge [sflag:s10], $0x10000  }
0x31c: {  	[sflag:s10] =	ssyncset.done $0x0  }
0x31d: {  	[sflag:s10] =	ssyncadd.s32 $0xFFFF0000  }
0x31e: {  	_ =	sfence.sel $0x180000  }
0x31f: {  	[bflag:$0x0] =	sbarrier.arrive $0xFFFF  }
0x320: {  	_ =	strace $0x90000047  }
0x321: {  	s0 =	stileid.u32;
	[bflag:$0x2] =	sbarrier.arrive $0xFFFF  }
0x322: {  	p0 =	sne.s32 s0, $0x0;
	s0 =	rddreg [dreg:$0x3]  }
0x323: {  	s0 =	sadd.s32 @!p0 $0x100000, s0  }
0x324: {  	[sflag:s0] =	ssyncadd.tile.s32 @!p0 $0x1;
	_ =	shalt  }
.Lfunc_end2:
_tile_overlayer_lowered:
.L_overlay_start_2:
0x325: {  	(tag) =	ssettag $0x2  }
0x326: {  	s0 =	rddreg [dreg:$0x0];
	s2 =	stileid.u32  }
0x327: {  	s1 =	rddreg [dreg:$0x1];
	p0 =	sne.s32 s2, $0x0  }
0x328: {  	s3 =	rddreg [dreg:$0x2];
	[bflag:$0x3] =	sbarrier.arrive $0xFFFF;
	s2 =	simm.s32 @!p0 $0x1C02  }
0x329: {  	[timem:s3], [sflag:s2] =	dma.local @!p0 [hbm:s0], s1  }
0x32a: {  	s0 =	simm.s32 @!p0 $0x2  }
0x32b: {  	_ =	swait.ge @!p0 [sflag:s0], s1  }
0x32c: {  	s1 =	ssub.s32 @!p0 $0x0, s1;
	[sflag:s0] =	ssyncset.done @!p0 $0x0  }
0x32d: {  	[sflag:s0] =	ssyncadd.s32 @!p0 s1  }
0x32e: {  	[bflag:$0x3] =	sbarrier.arrive $0xFFFF  }
0x32f: {  	_ =	shalt  }

</sc_bundles>
